<compile_context>
chip_gen: v7x
topology: tpu7x:2x2x1
jax: 0.10.2.dev20260603
libtpu: 0.0.44.dev20260713+nightly
codegen_flags: <defaults>
</compile_context>

<pallas_src>
import functools

import jax
import jax.numpy as jnp
from jax import lax
from jax.experimental import pallas as pl
from jax.experimental.pallas import tpu as pltpu
from jax.experimental.pallas import tpu_sc as plsc

DIM = 32
L = 16
NC, NS = 2, 16
NW = NC * NS
CHUNK = 128
NB = 4
SCALE = 32.0 ** 0.5


def kernel(tokens, table):
    n_seq, n_batch = tokens.shape[1], tokens.shape[0]
    n_tok = n_seq * n_batch
    b_per_w = n_tok // NW
    chunks = b_per_w // CHUNK
    t_bits = 14

    idx = tokens.T.reshape(NW, chunks, CHUNK).astype(jnp.int32)
    mesh = plsc.VectorSubcoreMesh(core_axis_name="c", subcore_axis_name="s")

    @functools.partial(
        pl.kernel,
        out_type=jax.ShapeDtypeStruct((n_seq, DIM, n_batch), jnp.float32),
        mesh=mesh,
        scratch_types=[
            pltpu.VMEM((chunks, CHUNK), jnp.int32),
            [pltpu.VMEM((CHUNK, DIM), jnp.float32) for _ in range(NB)],
            [pltpu.VMEM((DIM, CHUNK), jnp.float32) for _ in range(NB)],
            [pltpu.SemaphoreType.DMA for _ in range(NB)],
            [pltpu.SemaphoreType.DMA for _ in range(NB)],
        ],
        compiler_params=pltpu.CompilerParams(
            use_tc_tiling_on_sc=False, needs_layout_passes=False),
    )
    def emb(table_hbm, idx_hbm, out_hbm, idx_v, g, o, gsem, ssem):
        wid = lax.axis_index("s") * NC + lax.axis_index("c")
        base = wid * b_per_w
        pltpu.sync_copy(idx_hbm.at[wid], idx_v)

        def gather(j, b):
            return pltpu.make_async_copy(
                table_hbm.at[idx_v.at[j]], g[b], gsem[b])

        def store(j, b):
            i0 = base + j * CHUNK
            s = i0 >> t_bits
            t0 = pl.multiple_of(i0 & (n_batch - 1), CHUNK)
            return pltpu.make_async_copy(
                o[b], out_hbm.at[s, :, pl.ds(t0, CHUNK)], ssem[b])

        def extract(b):
            @plsc.parallel_loop(0, DIM, unroll=4)
            def _(f):
                cf = jnp.full((L,), f, jnp.int32)
                for k in range(CHUNK // L):
                    rk = lax.iota(jnp.int32, L) + k * L
                    v = plsc.load_gather(g[b], [rk, cf])
                    o[b][f, pl.ds(k * L, L)] = v * SCALE

        def process(j, b):
            gather(j, b).wait()
            extract(b)
            store(j, b).start()

        gather(0, 0).start()
        gather(1, 1).start()
        for j in (0, 1):
            gather(j + 2, (j + 2) % NB).start()
            process(j, j % NB)

        @pl.loop(0, (chunks - NB) // NB)
        def _(p):
            for b in range(NB):
                jj = 2 + p * NB + b
                bufB = b
                store(jj - 2, bufB).wait()
                gather(jj + 2, bufB).start()
                process(jj, (2 + b) % NB)

        for j in (chunks - 2, chunks - 1):
            process(j, j % NB)
        for b in range(NB):
            store(chunks - NB + b, b).wait()

    return emb(table, idx).transpose(2, 0, 1)

# --- scband reference (transcript-rebuilt; emitter-appended) ---
"""Pipeline reference for scband-token-embedding-2937757630840 (READ-ONLY COPY).

The authoritative reference and input builder live on the scoring server;
editing this copy changes nothing except your own understanding.
"""

import jax, jax.numpy as jnp
import numpy as np

VOCAB = 1000000
DIM = 32

def setup_inputs(seed: int = 0) -> dict:
    key = jax.random.key(seed)
    k1, k2 = jax.random.split(key)
    tokens = jax.random.randint(k1, (16384, 50), 0, VOCAB, dtype=jnp.int64 if jax.config.jax_enable_x64 else jnp.int32)
    table = jax.random.normal(k2, (VOCAB, DIM), dtype=jnp.float32)
    return {"tokens": tokens, "table": table}

def reference(tokens, table):
    scale = jnp.sqrt(jnp.asarray(DIM, dtype=jnp.float32))
    emb = jnp.take(table, tokens, axis=0)
    return emb * scale

if __name__ == "__main__":
    import jax
    _d = setup_inputs()
    print(jax.jit(kernel)(*tuple(_d.values())))

</pallas_src>

<mosaic_0001>
#map = affine_map<(d0, d1) -> (0, 0)>
#map1 = affine_map<(d0, d1) -> (0, 0, 0)>
module attributes {stable_mosaic.version = 14 : i64} {
  func.func @emb(%arg0: i32, %arg1: i32, %arg2: memref<1000000x32xf32, #tpu.memory_space<hbm>>, %arg3: memref<32x200x128xi32, #tpu.memory_space<hbm>>, %arg4: memref<50x32x16384xf32, #tpu.memory_space<hbm>>, %arg5: memref<200x128xi32, #tpu.memory_space<vmem>>, %arg6: memref<128x32xf32, #tpu.memory_space<vmem>>, %arg7: memref<128x32xf32, #tpu.memory_space<vmem>>, %arg8: memref<128x32xf32, #tpu.memory_space<vmem>>, %arg9: memref<128x32xf32, #tpu.memory_space<vmem>>, %arg10: memref<32x128xf32, #tpu.memory_space<vmem>>, %arg11: memref<32x128xf32, #tpu.memory_space<vmem>>, %arg12: memref<32x128xf32, #tpu.memory_space<vmem>>, %arg13: memref<32x128xf32, #tpu.memory_space<vmem>>, %arg14: memref<!tpu.dma_semaphore, #tpu.memory_space<semaphore_mem>>, %arg15: memref<!tpu.dma_semaphore, #tpu.memory_space<semaphore_mem>>, %arg16: memref<!tpu.dma_semaphore, #tpu.memory_space<semaphore_mem>>, %arg17: memref<!tpu.dma_semaphore, #tpu.memory_space<semaphore_mem>>, %arg18: memref<!tpu.dma_semaphore, #tpu.memory_space<semaphore_mem>>, %arg19: memref<!tpu.dma_semaphore, #tpu.memory_space<semaphore_mem>>, %arg20: memref<!tpu.dma_semaphore, #tpu.memory_space<semaphore_mem>>, %arg21: memref<!tpu.dma_semaphore, #tpu.memory_space<semaphore_mem>>) attributes {dimension_semantics = [#tpu.dimension_semantics<core_parallel>, #tpu.dimension_semantics<subcore_parallel>], iteration_bounds = array<i64: 2, 16>, scalar_prefetch = 0 : i64, scratch_operands = 17 : i64, tpu.core_type = #tpu.core_type<sc_vector_subcore>, window_params = [{transform_indices = #map}, {transform_indices = #map1}, {transform_indices = #map1}]} {
    %mul3A = arith.constant 2 : i32
    %mul3A_0 = arith.muli %arg1, %mul3A : i32
    %add3A = arith.addi %mul3A_0, %arg0 : i32
    %mul3A_1 = arith.constant 25600 : i32
    %mul3A_2 = arith.muli %add3A, %mul3A_1 : i32
    "tpu.region"() ({
      %run_scoped3A = tpu.sem_alloc : memref<!tpu.dma_semaphore, #tpu.memory_space<semaphore_mem>>
      %dma_start3A_173 = arith.constant 0 : i32
      %dma_start3A_174 = arith.constant 0 : i32
      %dma_start3A_175 = tpu.memref_slice %arg3[%add3A, %dma_start3A_173, %dma_start3A_174] : memref<32x200x128xi32, #tpu.memory_space<hbm>> -> memref<1x200x128xi32, #tpu.memory_space<hbm>>
      %dma_start3A_176 = tpu.memref_squeeze %dma_start3A_175 : memref<1x200x128xi32, #tpu.memory_space<hbm>> -> memref<200x128xi32, #tpu.memory_space<hbm>>
      %dma_start3A_177 = arith.constant 0 : i32
      %dma_start3A_178 = arith.constant 0 : i32
      %dma_start3A_179 = tpu.memref_slice %arg3[%add3A, %dma_start3A_177, %dma_start3A_178] : memref<32x200x128xi32, #tpu.memory_space<hbm>> -> memref<1x200x128xi32, #tpu.memory_space<hbm>>
      %dma_start3A_180 = tpu.memref_squeeze %dma_start3A_179 : memref<1x200x128xi32, #tpu.memory_space<hbm>> -> memref<200x128xi32, #tpu.memory_space<hbm>>
      tpu.enqueue_dma source(%dma_start3A_180 : memref<200x128xi32, #tpu.memory_space<hbm>>) target(%arg5 : memref<200x128xi32, #tpu.memory_space<vmem>>) target_semaphore(%run_scoped3A : memref<!tpu.dma_semaphore, #tpu.memory_space<semaphore_mem>>)
      %dma_wait3A_181 = arith.constant 0 : i32
      %dma_wait3A_182 = arith.constant 0 : i32
      %dma_wait3A_183 = tpu.memref_slice %arg3[%add3A, %dma_wait3A_181, %dma_wait3A_182] : memref<32x200x128xi32, #tpu.memory_space<hbm>> -> memref<1x200x128xi32, #tpu.memory_space<hbm>>
      %dma_wait3A_184 = tpu.memref_squeeze %dma_wait3A_183 : memref<1x200x128xi32, #tpu.memory_space<hbm>> -> memref<200x128xi32, #tpu.memory_space<hbm>>
      %dma_wait3A_185 = arith.constant 0 : i32
      %dma_wait3A_186 = arith.constant 0 : i32
      %dma_wait3A_187 = tpu.memref_slice %arg3[%add3A, %dma_wait3A_185, %dma_wait3A_186] : memref<32x200x128xi32, #tpu.memory_space<hbm>> -> memref<1x200x128xi32, #tpu.memory_space<hbm>>
      %dma_wait3A_188 = tpu.memref_squeeze %dma_wait3A_187 : memref<1x200x128xi32, #tpu.memory_space<hbm>> -> memref<200x128xi32, #tpu.memory_space<hbm>>
      tpu.wait_dma2 semaphore(%run_scoped3A : memref<!tpu.dma_semaphore, #tpu.memory_space<semaphore_mem>>) src(%dma_wait3A_188 : memref<200x128xi32, #tpu.memory_space<hbm>>) dst(%arg5 : memref<200x128xi32, #tpu.memory_space<vmem>>)
      tpu.yield
    }) : () -> ()
    %dma_start3A = arith.constant 0 : i32
    %dma_start3A_3 = arith.constant 0 : i32
    %dma_start3A_4 = tpu.memref_slice %arg5[%dma_start3A, %dma_start3A_3] : memref<200x128xi32, #tpu.memory_space<vmem>> -> memref<1x128xi32, #tpu.memory_space<vmem>>
    %dma_start3A_5 = tpu.memref_squeeze %dma_start3A_4 : memref<1x128xi32, #tpu.memory_space<vmem>> -> memref<128xi32, #tpu.memory_space<vmem>>
    %dma_start3A_6 = arith.constant 0 : i32
    %dma_start3A_7 = arith.constant 0 : i32
    %dma_start3A_8 = tpu.memref_slice %arg2[%dma_start3A_6, %dma_start3A_7] : memref<1000000x32xf32, #tpu.memory_space<hbm>> -> memref<1000000x32xf32, #tpu.memory_space<hbm>>
    tpu.enqueue_indirect_dma source(%dma_start3A_8 : memref<1000000x32xf32, #tpu.memory_space<hbm>>) target(%arg6 : memref<128x32xf32, #tpu.memory_space<vmem>>) offsets(%dma_start3A_5 : memref<128xi32, #tpu.memory_space<vmem>>) semaphore(%arg14 : memref<!tpu.dma_semaphore, #tpu.memory_space<semaphore_mem>>)
    %dma_start3A_9 = arith.constant 1 : i32
    %dma_start3A_10 = arith.constant 0 : i32
    %dma_start3A_11 = tpu.memref_slice %arg5[%dma_start3A_9, %dma_start3A_10] : memref<200x128xi32, #tpu.memory_space<vmem>> -> memref<1x128xi32, #tpu.memory_space<vmem>>
    %dma_start3A_12 = tpu.memref_squeeze %dma_start3A_11 : memref<1x128xi32, #tpu.memory_space<vmem>> -> memref<128xi32, #tpu.memory_space<vmem>>
    %dma_start3A_13 = arith.constant 0 : i32
    %dma_start3A_14 = arith.constant 0 : i32
    %dma_start3A_15 = tpu.memref_slice %arg2[%dma_start3A_13, %dma_start3A_14] : memref<1000000x32xf32, #tpu.memory_space<hbm>> -> memref<1000000x32xf32, #tpu.memory_space<hbm>>
    tpu.enqueue_indirect_dma source(%dma_start3A_15 : memref<1000000x32xf32, #tpu.memory_space<hbm>>) target(%arg7 : memref<128x32xf32, #tpu.memory_space<vmem>>) offsets(%dma_start3A_12 : memref<128xi32, #tpu.memory_space<vmem>>) semaphore(%arg15 : memref<!tpu.dma_semaphore, #tpu.memory_space<semaphore_mem>>)
    %dma_start3A_16 = arith.constant 2 : i32
    %dma_start3A_17 = arith.constant 0 : i32
    %dma_start3A_18 = tpu.memref_slice %arg5[%dma_start3A_16, %dma_start3A_17] : memref<200x128xi32, #tpu.memory_space<vmem>> -> memref<1x128xi32, #tpu.memory_space<vmem>>
    %dma_start3A_19 = tpu.memref_squeeze %dma_start3A_18 : memref<1x128xi32, #tpu.memory_space<vmem>> -> memref<128xi32, #tpu.memory_space<vmem>>
    %dma_start3A_20 = arith.constant 0 : i32
    %dma_start3A_21 = arith.constant 0 : i32
    %dma_start3A_22 = tpu.memref_slice %arg2[%dma_start3A_20, %dma_start3A_21] : memref<1000000x32xf32, #tpu.memory_space<hbm>> -> memref<1000000x32xf32, #tpu.memory_space<hbm>>
    tpu.enqueue_indirect_dma source(%dma_start3A_22 : memref<1000000x32xf32, #tpu.memory_space<hbm>>) target(%arg8 : memref<128x32xf32, #tpu.memory_space<vmem>>) offsets(%dma_start3A_19 : memref<128xi32, #tpu.memory_space<vmem>>) semaphore(%arg16 : memref<!tpu.dma_semaphore, #tpu.memory_space<semaphore_mem>>)
    %dma_wait3A = arith.constant 0 : i32
    %dma_wait3A_23 = arith.constant 0 : i32
    %dma_wait3A_24 = tpu.memref_slice %arg5[%dma_wait3A, %dma_wait3A_23] : memref<200x128xi32, #tpu.memory_space<vmem>> -> memref<1x128xi32, #tpu.memory_space<vmem>>
    %dma_wait3A_25 = tpu.memref_squeeze %dma_wait3A_24 : memref<1x128xi32, #tpu.memory_space<vmem>> -> memref<128xi32, #tpu.memory_space<vmem>>
    %dma_wait3A_26 = arith.constant 0 : i32
    %dma_wait3A_27 = arith.constant 0 : i32
    %dma_wait3A_28 = tpu.memref_slice %arg2[%dma_wait3A_26, %dma_wait3A_27] : memref<1000000x32xf32, #tpu.memory_space<hbm>> -> memref<1000000x32xf32, #tpu.memory_space<hbm>>
    tpu.wait_indirect_dma semaphore(%arg14 : memref<!tpu.dma_semaphore, #tpu.memory_space<semaphore_mem>>) src(%dma_wait3A_28 : memref<1000000x32xf32, #tpu.memory_space<hbm>>) dst(%arg6 : memref<128x32xf32, #tpu.memory_space<vmem>>)
    %parallel_loop3A = arith.constant 0 : i32
    %parallel_loop3A_29 = arith.constant 32 : i32
    %parallel_loop3A_30 = arith.constant 1 : i32
    scf.for %parallel_loop3A_173 = %parallel_loop3A to %parallel_loop3A_29 step %parallel_loop3A_30  : i32 {
      %parallel_loop3A_174 = vector.broadcast %parallel_loop3A_173 : i32 to vector<16xi32>
      %parallel_loop3A_175 = tpu.iota {dimensions = array<i32: 0>} : vector<16xi32>
      %parallel_loop3A_176 = arith.constant 0 : i32
      %parallel_loop3A_177 = vector.broadcast %parallel_loop3A_176 : i32 to vector<16xi32>
      %parallel_loop3A_178 = arith.addi %parallel_loop3A_175, %parallel_loop3A_177 : vector<16xi32>
      %parallel_loop3A_179 = tpu.vector_load_idx %arg6[%parallel_loop3A_178, %parallel_loop3A_174] : memref<128x32xf32, #tpu.memory_space<vmem>>[vector<16xi32>, vector<16xi32>], vector<16xf32>,
      %parallel_loop3A_180 = arith.constant 5.65685415 : f32
      %parallel_loop3A_181 = vector.broadcast %parallel_loop3A_180 : f32 to vector<16xf32>
      %parallel_loop3A_182 = arith.mulf %parallel_loop3A_179, %parallel_loop3A_181 : vector<16xf32>
      %parallel_loop3A_183 = arith.index_cast %parallel_loop3A_173 : i32 to index
      %parallel_loop3A_184 = arith.constant 0 : index
      %parallel_loop3A_185 = tpu.vector_load %arg10[%parallel_loop3A_183, %parallel_loop3A_184] {strides = array<i32>} : memref<32x128xf32, #tpu.memory_space<vmem>>, vector<16xf32>,
      tpu.vector_store %arg10[%parallel_loop3A_183, %parallel_loop3A_184], %parallel_loop3A_182 {strides = array<i32>} : memref<32x128xf32, #tpu.memory_space<vmem>>, vector<16xf32>,
      %parallel_loop3A_186 = tpu.iota {dimensions = array<i32: 0>} : vector<16xi32>
      %parallel_loop3A_187 = arith.constant 16 : i32
      %parallel_loop3A_188 = vector.broadcast %parallel_loop3A_187 : i32 to vector<16xi32>
      %parallel_loop3A_189 = arith.addi %parallel_loop3A_186, %parallel_loop3A_188 : vector<16xi32>
      %parallel_loop3A_190 = tpu.vector_load_idx %arg6[%parallel_loop3A_189, %parallel_loop3A_174] : memref<128x32xf32, #tpu.memory_space<vmem>>[vector<16xi32>, vector<16xi32>], vector<16xf32>,
      %parallel_loop3A_191 = arith.constant 5.65685415 : f32
      %parallel_loop3A_192 = vector.broadcast %parallel_loop3A_191 : f32 to vector<16xf32>
      %parallel_loop3A_193 = arith.mulf %parallel_loop3A_190, %parallel_loop3A_192 : vector<16xf32>
      %parallel_loop3A_194 = arith.index_cast %parallel_loop3A_173 : i32 to index
      %parallel_loop3A_195 = arith.constant 16 : index
      %parallel_loop3A_196 = tpu.vector_load %arg10[%parallel_loop3A_194, %parallel_loop3A_195] {strides = array<i32>} : memref<32x128xf32, #tpu.memory_space<vmem>>, vector<16xf32>,
      tpu.vector_store %arg10[%parallel_loop3A_194, %parallel_loop3A_195], %parallel_loop3A_193 {strides = array<i32>} : memref<32x128xf32, #tpu.memory_space<vmem>>, vector<16xf32>,
      %parallel_loop3A_197 = tpu.iota {dimensions = array<i32: 0>} : vector<16xi32>
      %parallel_loop3A_198 = arith.constant 32 : i32
      %parallel_loop3A_199 = vector.broadcast %parallel_loop3A_198 : i32 to vector<16xi32>
      %parallel_loop3A_200 = arith.addi %parallel_loop3A_197, %parallel_loop3A_199 : vector<16xi32>
      %parallel_loop3A_201 = tpu.vector_load_idx %arg6[%parallel_loop3A_200, %parallel_loop3A_174] : memref<128x32xf32, #tpu.memory_space<vmem>>[vector<16xi32>, vector<16xi32>], vector<16xf32>,
      %parallel_loop3A_202 = arith.constant 5.65685415 : f32
      %parallel_loop3A_203 = vector.broadcast %parallel_loop3A_202 : f32 to vector<16xf32>
      %parallel_loop3A_204 = arith.mulf %parallel_loop3A_201, %parallel_loop3A_203 : vector<16xf32>
      %parallel_loop3A_205 = arith.index_cast %parallel_loop3A_173 : i32 to index
      %parallel_loop3A_206 = arith.constant 32 : index
      %parallel_loop3A_207 = tpu.vector_load %arg10[%parallel_loop3A_205, %parallel_loop3A_206] {strides = array<i32>} : memref<32x128xf32, #tpu.memory_space<vmem>>, vector<16xf32>,
      tpu.vector_store %arg10[%parallel_loop3A_205, %parallel_loop3A_206], %parallel_loop3A_204 {strides = array<i32>} : memref<32x128xf32, #tpu.memory_space<vmem>>, vector<16xf32>,
      %parallel_loop3A_208 = tpu.iota {dimensions = array<i32: 0>} : vector<16xi32>
      %parallel_loop3A_209 = arith.constant 48 : i32
      %parallel_loop3A_210 = vector.broadcast %parallel_loop3A_209 : i32 to vector<16xi32>
      %parallel_loop3A_211 = arith.addi %parallel_loop3A_208, %parallel_loop3A_210 : vector<16xi32>
      %parallel_loop3A_212 = tpu.vector_load_idx %arg6[%parallel_loop3A_211, %parallel_loop3A_174] : memref<128x32xf32, #tpu.memory_space<vmem>>[vector<16xi32>, vector<16xi32>], vector<16xf32>,
      %parallel_loop3A_213 = arith.constant 5.65685415 : f32
      %parallel_loop3A_214 = vector.broadcast %parallel_loop3A_213 : f32 to vector<16xf32>
      %parallel_loop3A_215 = arith.mulf %parallel_loop3A_212, %parallel_loop3A_214 : vector<16xf32>
      %parallel_loop3A_216 = arith.index_cast %parallel_loop3A_173 : i32 to index
      %parallel_loop3A_217 = arith.constant 48 : index
      %parallel_loop3A_218 = tpu.vector_load %arg10[%parallel_loop3A_216, %parallel_loop3A_217] {strides = array<i32>} : memref<32x128xf32, #tpu.memory_space<vmem>>, vector<16xf32>,
      tpu.vector_store %arg10[%parallel_loop3A_216, %parallel_loop3A_217], %parallel_loop3A_215 {strides = array<i32>} : memref<32x128xf32, #tpu.memory_space<vmem>>, vector<16xf32>,
      %parallel_loop3A_219 = tpu.iota {dimensions = array<i32: 0>} : vector<16xi32>
      %parallel_loop3A_220 = arith.constant 64 : i32
      %parallel_loop3A_221 = vector.broadcast %parallel_loop3A_220 : i32 to vector<16xi32>
      %parallel_loop3A_222 = arith.addi %parallel_loop3A_219, %parallel_loop3A_221 : vector<16xi32>
      %parallel_loop3A_223 = tpu.vector_load_idx %arg6[%parallel_loop3A_222, %parallel_loop3A_174] : memref<128x32xf32, #tpu.memory_space<vmem>>[vector<16xi32>, vector<16xi32>], vector<16xf32>,
      %parallel_loop3A_224 = arith.constant 5.65685415 : f32
      %parallel_loop3A_225 = vector.broadcast %parallel_loop3A_224 : f32 to vector<16xf32>
      %parallel_loop3A_226 = arith.mulf %parallel_loop3A_223, %parallel_loop3A_225 : vector<16xf32>
      %parallel_loop3A_227 = arith.index_cast %parallel_loop3A_173 : i32 to index
      %parallel_loop3A_228 = arith.constant 64 : index
      %parallel_loop3A_229 = tpu.vector_load %arg10[%parallel_loop3A_227, %parallel_loop3A_228] {strides = array<i32>} : memref<32x128xf32, #tpu.memory_space<vmem>>, vector<16xf32>,
      tpu.vector_store %arg10[%parallel_loop3A_227, %parallel_loop3A_228], %parallel_loop3A_226 {strides = array<i32>} : memref<32x128xf32, #tpu.memory_space<vmem>>, vector<16xf32>,
      %parallel_loop3A_230 = tpu.iota {dimensions = array<i32: 0>} : vector<16xi32>
      %parallel_loop3A_231 = arith.constant 80 : i32
      %parallel_loop3A_232 = vector.broadcast %parallel_loop3A_231 : i32 to vector<16xi32>
      %parallel_loop3A_233 = arith.addi %parallel_loop3A_230, %parallel_loop3A_232 : vector<16xi32>
      %parallel_loop3A_234 = tpu.vector_load_idx %arg6[%parallel_loop3A_233, %parallel_loop3A_174] : memref<128x32xf32, #tpu.memory_space<vmem>>[vector<16xi32>, vector<16xi32>], vector<16xf32>,
      %parallel_loop3A_235 = arith.constant 5.65685415 : f32
      %parallel_loop3A_236 = vector.broadcast %parallel_loop3A_235 : f32 to vector<16xf32>
      %parallel_loop3A_237 = arith.mulf %parallel_loop3A_234, %parallel_loop3A_236 : vector<16xf32>
      %parallel_loop3A_238 = arith.index_cast %parallel_loop3A_173 : i32 to index
      %parallel_loop3A_239 = arith.constant 80 : index
      %parallel_loop3A_240 = tpu.vector_load %arg10[%parallel_loop3A_238, %parallel_loop3A_239] {strides = array<i32>} : memref<32x128xf32, #tpu.memory_space<vmem>>, vector<16xf32>,
      tpu.vector_store %arg10[%parallel_loop3A_238, %parallel_loop3A_239], %parallel_loop3A_237 {strides = array<i32>} : memref<32x128xf32, #tpu.memory_space<vmem>>, vector<16xf32>,
      %parallel_loop3A_241 = tpu.iota {dimensions = array<i32: 0>} : vector<16xi32>
      %parallel_loop3A_242 = arith.constant 96 : i32
      %parallel_loop3A_243 = vector.broadcast %parallel_loop3A_242 : i32 to vector<16xi32>
      %parallel_loop3A_244 = arith.addi %parallel_loop3A_241, %parallel_loop3A_243 : vector<16xi32>
      %parallel_loop3A_245 = tpu.vector_load_idx %arg6[%parallel_loop3A_244, %parallel_loop3A_174] : memref<128x32xf32, #tpu.memory_space<vmem>>[vector<16xi32>, vector<16xi32>], vector<16xf32>,
      %parallel_loop3A_246 = arith.constant 5.65685415 : f32
      %parallel_loop3A_247 = vector.broadcast %parallel_loop3A_246 : f32 to vector<16xf32>
      %parallel_loop3A_248 = arith.mulf %parallel_loop3A_245, %parallel_loop3A_247 : vector<16xf32>
      %parallel_loop3A_249 = arith.index_cast %parallel_loop3A_173 : i32 to index
      %parallel_loop3A_250 = arith.constant 96 : index
      %parallel_loop3A_251 = tpu.vector_load %arg10[%parallel_loop3A_249, %parallel_loop3A_250] {strides = array<i32>} : memref<32x128xf32, #tpu.memory_space<vmem>>, vector<16xf32>,
      tpu.vector_store %arg10[%parallel_loop3A_249, %parallel_loop3A_250], %parallel_loop3A_248 {strides = array<i32>} : memref<32x128xf32, #tpu.memory_space<vmem>>, vector<16xf32>,
      %parallel_loop3A_252 = tpu.iota {dimensions = array<i32: 0>} : vector<16xi32>
      %parallel_loop3A_253 = arith.constant 112 : i32
      %parallel_loop3A_254 = vector.broadcast %parallel_loop3A_253 : i32 to vector<16xi32>
      %parallel_loop3A_255 = arith.addi %parallel_loop3A_252, %parallel_loop3A_254 : vector<16xi32>
      %parallel_loop3A_256 = tpu.vector_load_idx %arg6[%parallel_loop3A_255, %parallel_loop3A_174] : memref<128x32xf32, #tpu.memory_space<vmem>>[vector<16xi32>, vector<16xi32>], vector<16xf32>,
      %parallel_loop3A_257 = arith.constant 5.65685415 : f32
      %parallel_loop3A_258 = vector.broadcast %parallel_loop3A_257 : f32 to vector<16xf32>
      %parallel_loop3A_259 = arith.mulf %parallel_loop3A_256, %parallel_loop3A_258 : vector<16xf32>
      %parallel_loop3A_260 = arith.index_cast %parallel_loop3A_173 : i32 to index
      %parallel_loop3A_261 = arith.constant 112 : index
      %parallel_loop3A_262 = tpu.vector_load %arg10[%parallel_loop3A_260, %parallel_loop3A_261] {strides = array<i32>} : memref<32x128xf32, #tpu.memory_space<vmem>>, vector<16xf32>,
      tpu.vector_store %arg10[%parallel_loop3A_260, %parallel_loop3A_261], %parallel_loop3A_259 {strides = array<i32>} : memref<32x128xf32, #tpu.memory_space<vmem>>, vector<16xf32>,
    } {sc.loop_unroll_factor = 4 : i64, sc.parallel_access}
    %add3A_31 = arith.constant 0 : i32
    %add3A_32 = arith.addi %mul3A_2, %add3A_31 : i32
    %shift_right_arithmetic3A = arith.constant 14 : i32
    %shift_right_arithmetic3A_33 = arith.shrsi %add3A_32, %shift_right_arithmetic3A : i32
    %and3A = arith.constant 16383 : i32
    %and3A_34 = arith.andi %add3A_32, %and3A : i32
    %multiple_of3A = tpu.assume_multiple %and3A_34, 128 : i32
    %dma_start3A_35 = arith.constant 0 : i32
    %dma_start3A_36 = tpu.memref_slice %arg4[%shift_right_arithmetic3A_33, %dma_start3A_35, %multiple_of3A] : memref<50x32x16384xf32, #tpu.memory_space<hbm>> -> memref<1x32x128xf32, #tpu.memory_space<hbm>>
    %dma_start3A_37 = tpu.memref_squeeze %dma_start3A_36 : memref<1x32x128xf32, #tpu.memory_space<hbm>> -> memref<32x128xf32, #tpu.memory_space<hbm>>
    %dma_start3A_38 = arith.constant 0 : i32
    %dma_start3A_39 = tpu.memref_slice %arg4[%shift_right_arithmetic3A_33, %dma_start3A_38, %multiple_of3A] : memref<50x32x16384xf32, #tpu.memory_space<hbm>> -> memref<1x32x128xf32, #tpu.memory_space<hbm>>
    %dma_start3A_40 = tpu.memref_squeeze %dma_start3A_39 : memref<1x32x128xf32, #tpu.memory_space<hbm>> -> memref<32x128xf32, #tpu.memory_space<hbm>>
    tpu.enqueue_dma source(%arg10 : memref<32x128xf32, #tpu.memory_space<vmem>>) target(%dma_start3A_40 : memref<32x128xf32, #tpu.memory_space<hbm>>) target_semaphore(%arg18 : memref<!tpu.dma_semaphore, #tpu.memory_space<semaphore_mem>>)
    %dma_start3A_41 = arith.constant 3 : i32
    %dma_start3A_42 = arith.constant 0 : i32
    %dma_start3A_43 = tpu.memref_slice %arg5[%dma_start3A_41, %dma_start3A_42] : memref<200x128xi32, #tpu.memory_space<vmem>> -> memref<1x128xi32, #tpu.memory_space<vmem>>
    %dma_start3A_44 = tpu.memref_squeeze %dma_start3A_43 : memref<1x128xi32, #tpu.memory_space<vmem>> -> memref<128xi32, #tpu.memory_space<vmem>>
    %dma_start3A_45 = arith.constant 0 : i32
    %dma_start3A_46 = arith.constant 0 : i32
    %dma_start3A_47 = tpu.memref_slice %arg2[%dma_start3A_45, %dma_start3A_46] : memref<1000000x32xf32, #tpu.memory_space<hbm>> -> memref<1000000x32xf32, #tpu.memory_space<hbm>>
    tpu.enqueue_indirect_dma source(%dma_start3A_47 : memref<1000000x32xf32, #tpu.memory_space<hbm>>) target(%arg9 : memref<128x32xf32, #tpu.memory_space<vmem>>) offsets(%dma_start3A_44 : memref<128xi32, #tpu.memory_space<vmem>>) semaphore(%arg17 : memref<!tpu.dma_semaphore, #tpu.memory_space<semaphore_mem>>)
    %dma_wait3A_48 = arith.constant 1 : i32
    %dma_wait3A_49 = arith.constant 0 : i32
    %dma_wait3A_50 = tpu.memref_slice %arg5[%dma_wait3A_48, %dma_wait3A_49] : memref<200x128xi32, #tpu.memory_space<vmem>> -> memref<1x128xi32, #tpu.memory_space<vmem>>
    %dma_wait3A_51 = tpu.memref_squeeze %dma_wait3A_50 : memref<1x128xi32, #tpu.memory_space<vmem>> -> memref<128xi32, #tpu.memory_space<vmem>>
    %dma_wait3A_52 = arith.constant 0 : i32
    %dma_wait3A_53 = arith.constant 0 : i32
    %dma_wait3A_54 = tpu.memref_slice %arg2[%dma_wait3A_52, %dma_wait3A_53] : memref<1000000x32xf32, #tpu.memory_space<hbm>> -> memref<1000000x32xf32, #tpu.memory_space<hbm>>
    tpu.wait_indirect_dma semaphore(%arg15 : memref<!tpu.dma_semaphore, #tpu.memory_space<semaphore_mem>>) src(%dma_wait3A_54 : memref<1000000x32xf32, #tpu.memory_space<hbm>>) dst(%arg7 : memref<128x32xf32, #tpu.memory_space<vmem>>)
    %parallel_loop3A_55 = arith.constant 0 : i32
    %parallel_loop3A_56 = arith.constant 32 : i32
    %parallel_loop3A_57 = arith.constant 1 : i32
    scf.for %parallel_loop3A_173 = %parallel_loop3A_55 to %parallel_loop3A_56 step %parallel_loop3A_57  : i32 {
      %parallel_loop3A_174 = vector.broadcast %parallel_loop3A_173 : i32 to vector<16xi32>
      %parallel_loop3A_175 = tpu.iota {dimensions = array<i32: 0>} : vector<16xi32>
      %parallel_loop3A_176 = arith.constant 0 : i32
      %parallel_loop3A_177 = vector.broadcast %parallel_loop3A_176 : i32 to vector<16xi32>
      %parallel_loop3A_178 = arith.addi %parallel_loop3A_175, %parallel_loop3A_177 : vector<16xi32>
      %parallel_loop3A_179 = tpu.vector_load_idx %arg7[%parallel_loop3A_178, %parallel_loop3A_174] : memref<128x32xf32, #tpu.memory_space<vmem>>[vector<16xi32>, vector<16xi32>], vector<16xf32>,
      %parallel_loop3A_180 = arith.constant 5.65685415 : f32
      %parallel_loop3A_181 = vector.broadcast %parallel_loop3A_180 : f32 to vector<16xf32>
      %parallel_loop3A_182 = arith.mulf %parallel_loop3A_179, %parallel_loop3A_181 : vector<16xf32>
      %parallel_loop3A_183 = arith.index_cast %parallel_loop3A_173 : i32 to index
      %parallel_loop3A_184 = arith.constant 0 : index
      %parallel_loop3A_185 = tpu.vector_load %arg11[%parallel_loop3A_183, %parallel_loop3A_184] {strides = array<i32>} : memref<32x128xf32, #tpu.memory_space<vmem>>, vector<16xf32>,
      tpu.vector_store %arg11[%parallel_loop3A_183, %parallel_loop3A_184], %parallel_loop3A_182 {strides = array<i32>} : memref<32x128xf32, #tpu.memory_space<vmem>>, vector<16xf32>,
      %parallel_loop3A_186 = tpu.iota {dimensions = array<i32: 0>} : vector<16xi32>
      %parallel_loop3A_187 = arith.constant 16 : i32
      %parallel_loop3A_188 = vector.broadcast %parallel_loop3A_187 : i32 to vector<16xi32>
      %parallel_loop3A_189 = arith.addi %parallel_loop3A_186, %parallel_loop3A_188 : vector<16xi32>
      %parallel_loop3A_190 = tpu.vector_load_idx %arg7[%parallel_loop3A_189, %parallel_loop3A_174] : memref<128x32xf32, #tpu.memory_space<vmem>>[vector<16xi32>, vector<16xi32>], vector<16xf32>,
      %parallel_loop3A_191 = arith.constant 5.65685415 : f32
      %parallel_loop3A_192 = vector.broadcast %parallel_loop3A_191 : f32 to vector<16xf32>
      %parallel_loop3A_193 = arith.mulf %parallel_loop3A_190, %parallel_loop3A_192 : vector<16xf32>
      %parallel_loop3A_194 = arith.index_cast %parallel_loop3A_173 : i32 to index
      %parallel_loop3A_195 = arith.constant 16 : index
      %parallel_loop3A_196 = tpu.vector_load %arg11[%parallel_loop3A_194, %parallel_loop3A_195] {strides = array<i32>} : memref<32x128xf32, #tpu.memory_space<vmem>>, vector<16xf32>,
      tpu.vector_store %arg11[%parallel_loop3A_194, %parallel_loop3A_195], %parallel_loop3A_193 {strides = array<i32>} : memref<32x128xf32, #tpu.memory_space<vmem>>, vector<16xf32>,
      %parallel_loop3A_197 = tpu.iota {dimensions = array<i32: 0>} : vector<16xi32>
      %parallel_loop3A_198 = arith.constant 32 : i32
      %parallel_loop3A_199 = vector.broadcast %parallel_loop3A_198 : i32 to vector<16xi32>
      %parallel_loop3A_200 = arith.addi %parallel_loop3A_197, %parallel_loop3A_199 : vector<16xi32>
      %parallel_loop3A_201 = tpu.vector_load_idx %arg7[%parallel_loop3A_200, %parallel_loop3A_174] : memref<128x32xf32, #tpu.memory_space<vmem>>[vector<16xi32>, vector<16xi32>], vector<16xf32>,
      %parallel_loop3A_202 = arith.constant 5.65685415 : f32
      %parallel_loop3A_203 = vector.broadcast %parallel_loop3A_202 : f32 to vector<16xf32>
      %parallel_loop3A_204 = arith.mulf %parallel_loop3A_201, %parallel_loop3A_203 : vector<16xf32>
      %parallel_loop3A_205 = arith.index_cast %parallel_loop3A_173 : i32 to index
      %parallel_loop3A_206 = arith.constant 32 : index
      %parallel_loop3A_207 = tpu.vector_load %arg11[%parallel_loop3A_205, %parallel_loop3A_206] {strides = array<i32>} : memref<32x128xf32, #tpu.memory_space<vmem>>, vector<16xf32>,
      tpu.vector_store %arg11[%parallel_loop3A_205, %parallel_loop3A_206], %parallel_loop3A_204 {strides = array<i32>} : memref<32x128xf32, #tpu.memory_space<vmem>>, vector<16xf32>,
      %parallel_loop3A_208 = tpu.iota {dimensions = array<i32: 0>} : vector<16xi32>
      %parallel_loop3A_209 = arith.constant 48 : i32
      %parallel_loop3A_210 = vector.broadcast %parallel_loop3A_209 : i32 to vector<16xi32>
      %parallel_loop3A_211 = arith.addi %parallel_loop3A_208, %parallel_loop3A_210 : vector<16xi32>
      %parallel_loop3A_212 = tpu.vector_load_idx %arg7[%parallel_loop3A_211, %parallel_loop3A_174] : memref<128x32xf32, #tpu.memory_space<vmem>>[vector<16xi32>, vector<16xi32>], vector<16xf32>,
      %parallel_loop3A_213 = arith.constant 5.65685415 : f32
      %parallel_loop3A_214 = vector.broadcast %parallel_loop3A_213 : f32 to vector<16xf32>
      %parallel_loop3A_215 = arith.mulf %parallel_loop3A_212, %parallel_loop3A_214 : vector<16xf32>
      %parallel_loop3A_216 = arith.index_cast %parallel_loop3A_173 : i32 to index
      %parallel_loop3A_217 = arith.constant 48 : index
      %parallel_loop3A_218 = tpu.vector_load %arg11[%parallel_loop3A_216, %parallel_loop3A_217] {strides = array<i32>} : memref<32x128xf32, #tpu.memory_space<vmem>>, vector<16xf32>,
      tpu.vector_store %arg11[%parallel_loop3A_216, %parallel_loop3A_217], %parallel_loop3A_215 {strides = array<i32>} : memref<32x128xf32, #tpu.memory_space<vmem>>, vector<16xf32>,
      %parallel_loop3A_219 = tpu.iota {dimensions = array<i32: 0>} : vector<16xi32>
      %parallel_loop3A_220 = arith.constant 64 : i32
      %parallel_loop3A_221 = vector.broadcast %parallel_loop3A_220 : i32 to vector<16xi32>
      %parallel_loop3A_222 = arith.addi %parallel_loop3A_219, %parallel_loop3A_221 : vector<16xi32>
      %parallel_loop3A_223 = tpu.vector_load_idx %arg7[%parallel_loop3A_222, %parallel_loop3A_174] : memref<128x32xf32, #tpu.memory_space<vmem>>[vector<16xi32>, vector<16xi32>], vector<16xf32>,
      %parallel_loop3A_224 = arith.constant 5.65685415 : f32
      %parallel_loop3A_225 = vector.broadcast %parallel_loop3A_224 : f32 to vector<16xf32>
      %parallel_loop3A_226 = arith.mulf %parallel_loop3A_223, %parallel_loop3A_225 : vector<16xf32>
      %parallel_loop3A_227 = arith.index_cast %parallel_loop3A_173 : i32 to index
      %parallel_loop3A_228 = arith.constant 64 : index
      %parallel_loop3A_229 = tpu.vector_load %arg11[%parallel_loop3A_227, %parallel_loop3A_228] {strides = array<i32>} : memref<32x128xf32, #tpu.memory_space<vmem>>, vector<16xf32>,
      tpu.vector_store %arg11[%parallel_loop3A_227, %parallel_loop3A_228], %parallel_loop3A_226 {strides = array<i32>} : memref<32x128xf32, #tpu.memory_space<vmem>>, vector<16xf32>,
      %parallel_loop3A_230 = tpu.iota {dimensions = array<i32: 0>} : vector<16xi32>
      %parallel_loop3A_231 = arith.constant 80 : i32
      %parallel_loop3A_232 = vector.broadcast %parallel_loop3A_231 : i32 to vector<16xi32>
      %parallel_loop3A_233 = arith.addi %parallel_loop3A_230, %parallel_loop3A_232 : vector<16xi32>
      %parallel_loop3A_234 = tpu.vector_load_idx %arg7[%parallel_loop3A_233, %parallel_loop3A_174] : memref<128x32xf32, #tpu.memory_space<vmem>>[vector<16xi32>, vector<16xi32>], vector<16xf32>,
      %parallel_loop3A_235 = arith.constant 5.65685415 : f32
      %parallel_loop3A_236 = vector.broadcast %parallel_loop3A_235 : f32 to vector<16xf32>
      %parallel_loop3A_237 = arith.mulf %parallel_loop3A_234, %parallel_loop3A_236 : vector<16xf32>
      %parallel_loop3A_238 = arith.index_cast %parallel_loop3A_173 : i32 to index
      %parallel_loop3A_239 = arith.constant 80 : index
      %parallel_loop3A_240 = tpu.vector_load %arg11[%parallel_loop3A_238, %parallel_loop3A_239] {strides = array<i32>} : memref<32x128xf32, #tpu.memory_space<vmem>>, vector<16xf32>,
      tpu.vector_store %arg11[%parallel_loop3A_238, %parallel_loop3A_239], %parallel_loop3A_237 {strides = array<i32>} : memref<32x128xf32, #tpu.memory_space<vmem>>, vector<16xf32>,
      %parallel_loop3A_241 = tpu.iota {dimensions = array<i32: 0>} : vector<16xi32>
      %parallel_loop3A_242 = arith.constant 96 : i32
      %parallel_loop3A_243 = vector.broadcast %parallel_loop3A_242 : i32 to vector<16xi32>
      %parallel_loop3A_244 = arith.addi %parallel_loop3A_241, %parallel_loop3A_243 : vector<16xi32>
      %parallel_loop3A_245 = tpu.vector_load_idx %arg7[%parallel_loop3A_244, %parallel_loop3A_174] : memref<128x32xf32, #tpu.memory_space<vmem>>[vector<16xi32>, vector<16xi32>], vector<16xf32>,
      %parallel_loop3A_246 = arith.constant 5.65685415 : f32
      %parallel_loop3A_247 = vector.broadcast %parallel_loop3A_246 : f32 to vector<16xf32>
      %parallel_loop3A_248 = arith.mulf %parallel_loop3A_245, %parallel_loop3A_247 : vector<16xf32>
      %parallel_loop3A_249 = arith.index_cast %parallel_loop3A_173 : i32 to index
      %parallel_loop3A_250 = arith.constant 96 : index
      %parallel_loop3A_251 = tpu.vector_load %arg11[%parallel_loop3A_249, %parallel_loop3A_250] {strides = array<i32>} : memref<32x128xf32, #tpu.memory_space<vmem>>, vector<16xf32>,
      tpu.vector_store %arg11[%parallel_loop3A_249, %parallel_loop3A_250], %parallel_loop3A_248 {strides = array<i32>} : memref<32x128xf32, #tpu.memory_space<vmem>>, vector<16xf32>,
      %parallel_loop3A_252 = tpu.iota {dimensions = array<i32: 0>} : vector<16xi32>
      %parallel_loop3A_253 = arith.constant 112 : i32
      %parallel_loop3A_254 = vector.broadcast %parallel_loop3A_253 : i32 to vector<16xi32>
      %parallel_loop3A_255 = arith.addi %parallel_loop3A_252, %parallel_loop3A_254 : vector<16xi32>
      %parallel_loop3A_256 = tpu.vector_load_idx %arg7[%parallel_loop3A_255, %parallel_loop3A_174] : memref<128x32xf32, #tpu.memory_space<vmem>>[vector<16xi32>, vector<16xi32>], vector<16xf32>,
      %parallel_loop3A_257 = arith.constant 5.65685415 : f32
      %parallel_loop3A_258 = vector.broadcast %parallel_loop3A_257 : f32 to vector<16xf32>
      %parallel_loop3A_259 = arith.mulf %parallel_loop3A_256, %parallel_loop3A_258 : vector<16xf32>
      %parallel_loop3A_260 = arith.index_cast %parallel_loop3A_173 : i32 to index
      %parallel_loop3A_261 = arith.constant 112 : index
      %parallel_loop3A_262 = tpu.vector_load %arg11[%parallel_loop3A_260, %parallel_loop3A_261] {strides = array<i32>} : memref<32x128xf32, #tpu.memory_space<vmem>>, vector<16xf32>,
      tpu.vector_store %arg11[%parallel_loop3A_260, %parallel_loop3A_261], %parallel_loop3A_259 {strides = array<i32>} : memref<32x128xf32, #tpu.memory_space<vmem>>, vector<16xf32>,
    } {sc.loop_unroll_factor = 4 : i64, sc.parallel_access}
    %add3A_58 = arith.constant 128 : i32
    %add3A_59 = arith.addi %mul3A_2, %add3A_58 : i32
    %shift_right_arithmetic3A_60 = arith.constant 14 : i32
    %shift_right_arithmetic3A_61 = arith.shrsi %add3A_59, %shift_right_arithmetic3A_60 : i32
    %and3A_62 = arith.constant 16383 : i32
    %and3A_63 = arith.andi %add3A_59, %and3A_62 : i32
    %multiple_of3A_64 = tpu.assume_multiple %and3A_63, 128 : i32
    %dma_start3A_65 = arith.constant 0 : i32
    %dma_start3A_66 = tpu.memref_slice %arg4[%shift_right_arithmetic3A_61, %dma_start3A_65, %multiple_of3A_64] : memref<50x32x16384xf32, #tpu.memory_space<hbm>> -> memref<1x32x128xf32, #tpu.memory_space<hbm>>
    %dma_start3A_67 = tpu.memref_squeeze %dma_start3A_66 : memref<1x32x128xf32, #tpu.memory_space<hbm>> -> memref<32x128xf32, #tpu.memory_space<hbm>>
    %dma_start3A_68 = arith.constant 0 : i32
    %dma_start3A_69 = tpu.memref_slice %arg4[%shift_right_arithmetic3A_61, %dma_start3A_68, %multiple_of3A_64] : memref<50x32x16384xf32, #tpu.memory_space<hbm>> -> memref<1x32x128xf32, #tpu.memory_space<hbm>>
    %dma_start3A_70 = tpu.memref_squeeze %dma_start3A_69 : memref<1x32x128xf32, #tpu.memory_space<hbm>> -> memref<32x128xf32, #tpu.memory_space<hbm>>
    tpu.enqueue_dma source(%arg11 : memref<32x128xf32, #tpu.memory_space<vmem>>) target(%dma_start3A_70 : memref<32x128xf32, #tpu.memory_space<hbm>>) target_semaphore(%arg19 : memref<!tpu.dma_semaphore, #tpu.memory_space<semaphore_mem>>)
    %scan3A = arith.constant 0 : i32
    %scan3A_71 = arith.constant 49 : i32
    %scan3A_72 = arith.addi %scan3A, %scan3A_71 : i32
    %scan3A_73 = arith.constant 1 : i32
    scf.for %scan3A_173 = %scan3A to %scan3A_72 step %scan3A_73  : i32 {
      %mul3A_174 = arith.constant 1 : i32
      %mul3A_175 = arith.muli %scan3A_173, %mul3A_174 : i32
      %add3A_176 = arith.constant 0 : i32
      %add3A_177 = arith.addi %add3A_176, %mul3A_175 : i32
      %mul3A_178 = arith.constant 4 : i32
      %mul3A_179 = arith.muli %add3A_177, %mul3A_178 : i32
      %add3A_180 = arith.constant 2 : i32
      %add3A_181 = arith.addi %add3A_180, %mul3A_179 : i32
      %add3A_182 = arith.constant 0 : i32
      %add3A_183 = arith.addi %add3A_181, %add3A_182 : i32
      %sub3A = arith.constant 2 : i32
      %sub3A_184 = arith.subi %add3A_183, %sub3A : i32
      %mul3A_185 = arith.constant 128 : i32
      %mul3A_186 = arith.muli %sub3A_184, %mul3A_185 : i32
      %add3A_187 = arith.addi %mul3A_2, %mul3A_186 : i32
      %shift_right_arithmetic3A_188 = arith.constant 14 : i32
      %shift_right_arithmetic3A_189 = arith.shrsi %add3A_187, %shift_right_arithmetic3A_188 : i32
      %and3A_190 = arith.constant 16383 : i32
      %and3A_191 = arith.andi %add3A_187, %and3A_190 : i32
      %multiple_of3A_192 = tpu.assume_multiple %and3A_191, 128 : i32
      %dma_wait3A_193 = arith.constant 0 : i32
      %dma_wait3A_194 = tpu.memref_slice %arg4[%shift_right_arithmetic3A_189, %dma_wait3A_193, %multiple_of3A_192] : memref<50x32x16384xf32, #tpu.memory_space<hbm>> -> memref<1x32x128xf32, #tpu.memory_space<hbm>>
      %dma_wait3A_195 = tpu.memref_squeeze %dma_wait3A_194 : memref<1x32x128xf32, #tpu.memory_space<hbm>> -> memref<32x128xf32, #tpu.memory_space<hbm>>
      %dma_wait3A_196 = arith.constant 0 : i32
      %dma_wait3A_197 = tpu.memref_slice %arg4[%shift_right_arithmetic3A_189, %dma_wait3A_196, %multiple_of3A_192] : memref<50x32x16384xf32, #tpu.memory_space<hbm>> -> memref<1x32x128xf32, #tpu.memory_space<hbm>>
      %dma_wait3A_198 = tpu.memref_squeeze %dma_wait3A_197 : memref<1x32x128xf32, #tpu.memory_space<hbm>> -> memref<32x128xf32, #tpu.memory_space<hbm>>
      tpu.wait_dma2 semaphore(%arg18 : memref<!tpu.dma_semaphore, #tpu.memory_space<semaphore_mem>>) src(%arg10 : memref<32x128xf32, #tpu.memory_space<vmem>>) dst(%dma_wait3A_198 : memref<32x128xf32, #tpu.memory_space<hbm>>)
      %add3A_199 = arith.constant 2 : i32
      %add3A_200 = arith.addi %add3A_183, %add3A_199 : i32
      %dma_start3A_201 = arith.constant 0 : i32
      %dma_start3A_202 = tpu.memref_slice %arg5[%add3A_200, %dma_start3A_201] : memref<200x128xi32, #tpu.memory_space<vmem>> -> memref<1x128xi32, #tpu.memory_space<vmem>>
      %dma_start3A_203 = tpu.memref_squeeze %dma_start3A_202 : memref<1x128xi32, #tpu.memory_space<vmem>> -> memref<128xi32, #tpu.memory_space<vmem>>
      %dma_start3A_204 = arith.constant 0 : i32
      %dma_start3A_205 = arith.constant 0 : i32
      %dma_start3A_206 = tpu.memref_slice %arg2[%dma_start3A_204, %dma_start3A_205] : memref<1000000x32xf32, #tpu.memory_space<hbm>> -> memref<1000000x32xf32, #tpu.memory_space<hbm>>
      tpu.enqueue_indirect_dma source(%dma_start3A_206 : memref<1000000x32xf32, #tpu.memory_space<hbm>>) target(%arg6 : memref<128x32xf32, #tpu.memory_space<vmem>>) offsets(%dma_start3A_203 : memref<128xi32, #tpu.memory_space<vmem>>) semaphore(%arg14 : memref<!tpu.dma_semaphore, #tpu.memory_space<semaphore_mem>>)
      %dma_wait3A_207 = arith.constant 0 : i32
      %dma_wait3A_208 = tpu.memref_slice %arg5[%add3A_183, %dma_wait3A_207] : memref<200x128xi32, #tpu.memory_space<vmem>> -> memref<1x128xi32, #tpu.memory_space<vmem>>
      %dma_wait3A_209 = tpu.memref_squeeze %dma_wait3A_208 : memref<1x128xi32, #tpu.memory_space<vmem>> -> memref<128xi32, #tpu.memory_space<vmem>>
      %dma_wait3A_210 = arith.constant 0 : i32
      %dma_wait3A_211 = arith.constant 0 : i32
      %dma_wait3A_212 = tpu.memref_slice %arg2[%dma_wait3A_210, %dma_wait3A_211] : memref<1000000x32xf32, #tpu.memory_space<hbm>> -> memref<1000000x32xf32, #tpu.memory_space<hbm>>
      tpu.wait_indirect_dma semaphore(%arg16 : memref<!tpu.dma_semaphore, #tpu.memory_space<semaphore_mem>>) src(%dma_wait3A_212 : memref<1000000x32xf32, #tpu.memory_space<hbm>>) dst(%arg8 : memref<128x32xf32, #tpu.memory_space<vmem>>)
      %parallel_loop3A_213 = arith.constant 0 : i32
      %parallel_loop3A_214 = arith.constant 32 : i32
      %parallel_loop3A_215 = arith.constant 1 : i32
      scf.for %parallel_loop3A_389 = %parallel_loop3A_213 to %parallel_loop3A_214 step %parallel_loop3A_215  : i32 {
        %parallel_loop3A_390 = vector.broadcast %parallel_loop3A_389 : i32 to vector<16xi32>
        %parallel_loop3A_391 = tpu.iota {dimensions = array<i32: 0>} : vector<16xi32>
        %parallel_loop3A_392 = arith.constant 0 : i32
        %parallel_loop3A_393 = vector.broadcast %parallel_loop3A_392 : i32 to vector<16xi32>
        %parallel_loop3A_394 = arith.addi %parallel_loop3A_391, %parallel_loop3A_393 : vector<16xi32>
        %parallel_loop3A_395 = tpu.vector_load_idx %arg8[%parallel_loop3A_394, %parallel_loop3A_390] : memref<128x32xf32, #tpu.memory_space<vmem>>[vector<16xi32>, vector<16xi32>], vector<16xf32>,
        %parallel_loop3A_396 = arith.constant 5.65685415 : f32
        %parallel_loop3A_397 = vector.broadcast %parallel_loop3A_396 : f32 to vector<16xf32>
        %parallel_loop3A_398 = arith.mulf %parallel_loop3A_395, %parallel_loop3A_397 : vector<16xf32>
        %parallel_loop3A_399 = arith.index_cast %parallel_loop3A_389 : i32 to index
        %parallel_loop3A_400 = arith.constant 0 : index
        %parallel_loop3A_401 = tpu.vector_load %arg12[%parallel_loop3A_399, %parallel_loop3A_400] {strides = array<i32>} : memref<32x128xf32, #tpu.memory_space<vmem>>, vector<16xf32>,
        tpu.vector_store %arg12[%parallel_loop3A_399, %parallel_loop3A_400], %parallel_loop3A_398 {strides = array<i32>} : memref<32x128xf32, #tpu.memory_space<vmem>>, vector<16xf32>,
        %parallel_loop3A_402 = tpu.iota {dimensions = array<i32: 0>} : vector<16xi32>
        %parallel_loop3A_403 = arith.constant 16 : i32
        %parallel_loop3A_404 = vector.broadcast %parallel_loop3A_403 : i32 to vector<16xi32>
        %parallel_loop3A_405 = arith.addi %parallel_loop3A_402, %parallel_loop3A_404 : vector<16xi32>
        %parallel_loop3A_406 = tpu.vector_load_idx %arg8[%parallel_loop3A_405, %parallel_loop3A_390] : memref<128x32xf32, #tpu.memory_space<vmem>>[vector<16xi32>, vector<16xi32>], vector<16xf32>,
        %parallel_loop3A_407 = arith.constant 5.65685415 : f32
        %parallel_loop3A_408 = vector.broadcast %parallel_loop3A_407 : f32 to vector<16xf32>
        %parallel_loop3A_409 = arith.mulf %parallel_loop3A_406, %parallel_loop3A_408 : vector<16xf32>
        %parallel_loop3A_410 = arith.index_cast %parallel_loop3A_389 : i32 to index
        %parallel_loop3A_411 = arith.constant 16 : index
        %parallel_loop3A_412 = tpu.vector_load %arg12[%parallel_loop3A_410, %parallel_loop3A_411] {strides = array<i32>} : memref<32x128xf32, #tpu.memory_space<vmem>>, vector<16xf32>,
        tpu.vector_store %arg12[%parallel_loop3A_410, %parallel_loop3A_411], %parallel_loop3A_409 {strides = array<i32>} : memref<32x128xf32, #tpu.memory_space<vmem>>, vector<16xf32>,
        %parallel_loop3A_413 = tpu.iota {dimensions = array<i32: 0>} : vector<16xi32>
        %parallel_loop3A_414 = arith.constant 32 : i32
        %parallel_loop3A_415 = vector.broadcast %parallel_loop3A_414 : i32 to vector<16xi32>
        %parallel_loop3A_416 = arith.addi %parallel_loop3A_413, %parallel_loop3A_415 : vector<16xi32>
        %parallel_loop3A_417 = tpu.vector_load_idx %arg8[%parallel_loop3A_416, %parallel_loop3A_390] : memref<128x32xf32, #tpu.memory_space<vmem>>[vector<16xi32>, vector<16xi32>], vector<16xf32>,
        %parallel_loop3A_418 = arith.constant 5.65685415 : f32
        %parallel_loop3A_419 = vector.broadcast %parallel_loop3A_418 : f32 to vector<16xf32>
        %parallel_loop3A_420 = arith.mulf %parallel_loop3A_417, %parallel_loop3A_419 : vector<16xf32>
        %parallel_loop3A_421 = arith.index_cast %parallel_loop3A_389 : i32 to index
        %parallel_loop3A_422 = arith.constant 32 : index
        %parallel_loop3A_423 = tpu.vector_load %arg12[%parallel_loop3A_421, %parallel_loop3A_422] {strides = array<i32>} : memref<32x128xf32, #tpu.memory_space<vmem>>, vector<16xf32>,
        tpu.vector_store %arg12[%parallel_loop3A_421, %parallel_loop3A_422], %parallel_loop3A_420 {strides = array<i32>} : memref<32x128xf32, #tpu.memory_space<vmem>>, vector<16xf32>,
        %parallel_loop3A_424 = tpu.iota {dimensions = array<i32: 0>} : vector<16xi32>
        %parallel_loop3A_425 = arith.constant 48 : i32
        %parallel_loop3A_426 = vector.broadcast %parallel_loop3A_425 : i32 to vector<16xi32>
        %parallel_loop3A_427 = arith.addi %parallel_loop3A_424, %parallel_loop3A_426 : vector<16xi32>
        %parallel_loop3A_428 = tpu.vector_load_idx %arg8[%parallel_loop3A_427, %parallel_loop3A_390] : memref<128x32xf32, #tpu.memory_space<vmem>>[vector<16xi32>, vector<16xi32>], vector<16xf32>,
        %parallel_loop3A_429 = arith.constant 5.65685415 : f32
        %parallel_loop3A_430 = vector.broadcast %parallel_loop3A_429 : f32 to vector<16xf32>
        %parallel_loop3A_431 = arith.mulf %parallel_loop3A_428, %parallel_loop3A_430 : vector<16xf32>
        %parallel_loop3A_432 = arith.index_cast %parallel_loop3A_389 : i32 to index
        %parallel_loop3A_433 = arith.constant 48 : index
        %parallel_loop3A_434 = tpu.vector_load %arg12[%parallel_loop3A_432, %parallel_loop3A_433] {strides = array<i32>} : memref<32x128xf32, #tpu.memory_space<vmem>>, vector<16xf32>,
        tpu.vector_store %arg12[%parallel_loop3A_432, %parallel_loop3A_433], %parallel_loop3A_431 {strides = array<i32>} : memref<32x128xf32, #tpu.memory_space<vmem>>, vector<16xf32>,
        %parallel_loop3A_435 = tpu.iota {dimensions = array<i32: 0>} : vector<16xi32>
        %parallel_loop3A_436 = arith.constant 64 : i32
        %parallel_loop3A_437 = vector.broadcast %parallel_loop3A_436 : i32 to vector<16xi32>
        %parallel_loop3A_438 = arith.addi %parallel_loop3A_435, %parallel_loop3A_437 : vector<16xi32>
        %parallel_loop3A_439 = tpu.vector_load_idx %arg8[%parallel_loop3A_438, %parallel_loop3A_390] : memref<128x32xf32, #tpu.memory_space<vmem>>[vector<16xi32>, vector<16xi32>], vector<16xf32>,
        %parallel_loop3A_440 = arith.constant 5.65685415 : f32
        %parallel_loop3A_441 = vector.broadcast %parallel_loop3A_440 : f32 to vector<16xf32>
        %parallel_loop3A_442 = arith.mulf %parallel_loop3A_439, %parallel_loop3A_441 : vector<16xf32>
        %parallel_loop3A_443 = arith.index_cast %parallel_loop3A_389 : i32 to index
        %parallel_loop3A_444 = arith.constant 64 : index
        %parallel_loop3A_445 = tpu.vector_load %arg12[%parallel_loop3A_443, %parallel_loop3A_444] {strides = array<i32>} : memref<32x128xf32, #tpu.memory_space<vmem>>, vector<16xf32>,
        tpu.vector_store %arg12[%parallel_loop3A_443, %parallel_loop3A_444], %parallel_loop3A_442 {strides = array<i32>} : memref<32x128xf32, #tpu.memory_space<vmem>>, vector<16xf32>,
        %parallel_loop3A_446 = tpu.iota {dimensions = array<i32: 0>} : vector<16xi32>
        %parallel_loop3A_447 = arith.constant 80 : i32
        %parallel_loop3A_448 = vector.broadcast %parallel_loop3A_447 : i32 to vector<16xi32>
        %parallel_loop3A_449 = arith.addi %parallel_loop3A_446, %parallel_loop3A_448 : vector<16xi32>
        %parallel_loop3A_450 = tpu.vector_load_idx %arg8[%parallel_loop3A_449, %parallel_loop3A_390] : memref<128x32xf32, #tpu.memory_space<vmem>>[vector<16xi32>, vector<16xi32>], vector<16xf32>,
        %parallel_loop3A_451 = arith.constant 5.65685415 : f32
        %parallel_loop3A_452 = vector.broadcast %parallel_loop3A_451 : f32 to vector<16xf32>
        %parallel_loop3A_453 = arith.mulf %parallel_loop3A_450, %parallel_loop3A_452 : vector<16xf32>
        %parallel_loop3A_454 = arith.index_cast %parallel_loop3A_389 : i32 to index
        %parallel_loop3A_455 = arith.constant 80 : index
        %parallel_loop3A_456 = tpu.vector_load %arg12[%parallel_loop3A_454, %parallel_loop3A_455] {strides = array<i32>} : memref<32x128xf32, #tpu.memory_space<vmem>>, vector<16xf32>,
        tpu.vector_store %arg12[%parallel_loop3A_454, %parallel_loop3A_455], %parallel_loop3A_453 {strides = array<i32>} : memref<32x128xf32, #tpu.memory_space<vmem>>, vector<16xf32>,
        %parallel_loop3A_457 = tpu.iota {dimensions = array<i32: 0>} : vector<16xi32>
        %parallel_loop3A_458 = arith.constant 96 : i32
        %parallel_loop3A_459 = vector.broadcast %parallel_loop3A_458 : i32 to vector<16xi32>
        %parallel_loop3A_460 = arith.addi %parallel_loop3A_457, %parallel_loop3A_459 : vector<16xi32>
        %parallel_loop3A_461 = tpu.vector_load_idx %arg8[%parallel_loop3A_460, %parallel_loop3A_390] : memref<128x32xf32, #tpu.memory_space<vmem>>[vector<16xi32>, vector<16xi32>], vector<16xf32>,
        %parallel_loop3A_462 = arith.constant 5.65685415 : f32
        %parallel_loop3A_463 = vector.broadcast %parallel_loop3A_462 : f32 to vector<16xf32>
        %parallel_loop3A_464 = arith.mulf %parallel_loop3A_461, %parallel_loop3A_463 : vector<16xf32>
        %parallel_loop3A_465 = arith.index_cast %parallel_loop3A_389 : i32 to index
        %parallel_loop3A_466 = arith.constant 96 : index
        %parallel_loop3A_467 = tpu.vector_load %arg12[%parallel_loop3A_465, %parallel_loop3A_466] {strides = array<i32>} : memref<32x128xf32, #tpu.memory_space<vmem>>, vector<16xf32>,
        tpu.vector_store %arg12[%parallel_loop3A_465, %parallel_loop3A_466], %parallel_loop3A_464 {strides = array<i32>} : memref<32x128xf32, #tpu.memory_space<vmem>>, vector<16xf32>,
        %parallel_loop3A_468 = tpu.iota {dimensions = array<i32: 0>} : vector<16xi32>
        %parallel_loop3A_469 = arith.constant 112 : i32
        %parallel_loop3A_470 = vector.broadcast %parallel_loop3A_469 : i32 to vector<16xi32>
        %parallel_loop3A_471 = arith.addi %parallel_loop3A_468, %parallel_loop3A_470 : vector<16xi32>
        %parallel_loop3A_472 = tpu.vector_load_idx %arg8[%parallel_loop3A_471, %parallel_loop3A_390] : memref<128x32xf32, #tpu.memory_space<vmem>>[vector<16xi32>, vector<16xi32>], vector<16xf32>,
        %parallel_loop3A_473 = arith.constant 5.65685415 : f32
        %parallel_loop3A_474 = vector.broadcast %parallel_loop3A_473 : f32 to vector<16xf32>
        %parallel_loop3A_475 = arith.mulf %parallel_loop3A_472, %parallel_loop3A_474 : vector<16xf32>
        %parallel_loop3A_476 = arith.index_cast %parallel_loop3A_389 : i32 to index
        %parallel_loop3A_477 = arith.constant 112 : index
        %parallel_loop3A_478 = tpu.vector_load %arg12[%parallel_loop3A_476, %parallel_loop3A_477] {strides = array<i32>} : memref<32x128xf32, #tpu.memory_space<vmem>>, vector<16xf32>,
        tpu.vector_store %arg12[%parallel_loop3A_476, %parallel_loop3A_477], %parallel_loop3A_475 {strides = array<i32>} : memref<32x128xf32, #tpu.memory_space<vmem>>, vector<16xf32>,
      } {sc.loop_unroll_factor = 4 : i64, sc.parallel_access}
      %mul3A_216 = arith.constant 128 : i32
      %mul3A_217 = arith.muli %add3A_183, %mul3A_216 : i32
      %add3A_218 = arith.addi %mul3A_2, %mul3A_217 : i32
      %shift_right_arithmetic3A_219 = arith.constant 14 : i32
      %shift_right_arithmetic3A_220 = arith.shrsi %add3A_218, %shift_right_arithmetic3A_219 : i32
      %and3A_221 = arith.constant 16383 : i32
      %and3A_222 = arith.andi %add3A_218, %and3A_221 : i32
      %multiple_of3A_223 = tpu.assume_multiple %and3A_222, 128 : i32
      %dma_start3A_224 = arith.constant 0 : i32
      %dma_start3A_225 = tpu.memref_slice %arg4[%shift_right_arithmetic3A_220, %dma_start3A_224, %multiple_of3A_223] : memref<50x32x16384xf32, #tpu.memory_space<hbm>> -> memref<1x32x128xf32, #tpu.memory_space<hbm>>
      %dma_start3A_226 = tpu.memref_squeeze %dma_start3A_225 : memref<1x32x128xf32, #tpu.memory_space<hbm>> -> memref<32x128xf32, #tpu.memory_space<hbm>>
      %dma_start3A_227 = arith.constant 0 : i32
      %dma_start3A_228 = tpu.memref_slice %arg4[%shift_right_arithmetic3A_220, %dma_start3A_227, %multiple_of3A_223] : memref<50x32x16384xf32, #tpu.memory_space<hbm>> -> memref<1x32x128xf32, #tpu.memory_space<hbm>>
      %dma_start3A_229 = tpu.memref_squeeze %dma_start3A_228 : memref<1x32x128xf32, #tpu.memory_space<hbm>> -> memref<32x128xf32, #tpu.memory_space<hbm>>
      tpu.enqueue_dma source(%arg12 : memref<32x128xf32, #tpu.memory_space<vmem>>) target(%dma_start3A_229 : memref<32x128xf32, #tpu.memory_space<hbm>>) target_semaphore(%arg20 : memref<!tpu.dma_semaphore, #tpu.memory_space<semaphore_mem>>)
      %mul3A_230 = arith.constant 4 : i32
      %mul3A_231 = arith.muli %add3A_177, %mul3A_230 : i32
      %add3A_232 = arith.constant 2 : i32
      %add3A_233 = arith.addi %add3A_232, %mul3A_231 : i32
      %add3A_234 = arith.constant 1 : i32
      %add3A_235 = arith.addi %add3A_233, %add3A_234 : i32
      %sub3A_236 = arith.constant 2 : i32
      %sub3A_237 = arith.subi %add3A_235, %sub3A_236 : i32
      %mul3A_238 = arith.constant 128 : i32
      %mul3A_239 = arith.muli %sub3A_237, %mul3A_238 : i32
      %add3A_240 = arith.addi %mul3A_2, %mul3A_239 : i32
      %shift_right_arithmetic3A_241 = arith.constant 14 : i32
      %shift_right_arithmetic3A_242 = arith.shrsi %add3A_240, %shift_right_arithmetic3A_241 : i32
      %and3A_243 = arith.constant 16383 : i32
      %and3A_244 = arith.andi %add3A_240, %and3A_243 : i32
      %multiple_of3A_245 = tpu.assume_multiple %and3A_244, 128 : i32
      %dma_wait3A_246 = arith.constant 0 : i32
      %dma_wait3A_247 = tpu.memref_slice %arg4[%shift_right_arithmetic3A_242, %dma_wait3A_246, %multiple_of3A_245] : memref<50x32x16384xf32, #tpu.memory_space<hbm>> -> memref<1x32x128xf32, #tpu.memory_space<hbm>>
      %dma_wait3A_248 = tpu.memref_squeeze %dma_wait3A_247 : memref<1x32x128xf32, #tpu.memory_space<hbm>> -> memref<32x128xf32, #tpu.memory_space<hbm>>
      %dma_wait3A_249 = arith.constant 0 : i32
      %dma_wait3A_250 = tpu.memref_slice %arg4[%shift_right_arithmetic3A_242, %dma_wait3A_249, %multiple_of3A_245] : memref<50x32x16384xf32, #tpu.memory_space<hbm>> -> memref<1x32x128xf32, #tpu.memory_space<hbm>>
      %dma_wait3A_251 = tpu.memref_squeeze %dma_wait3A_250 : memref<1x32x128xf32, #tpu.memory_space<hbm>> -> memref<32x128xf32, #tpu.memory_space<hbm>>
      tpu.wait_dma2 semaphore(%arg19 : memref<!tpu.dma_semaphore, #tpu.memory_space<semaphore_mem>>) src(%arg11 : memref<32x128xf32, #tpu.memory_space<vmem>>) dst(%dma_wait3A_251 : memref<32x128xf32, #tpu.memory_space<hbm>>)
      %add3A_252 = arith.constant 2 : i32
      %add3A_253 = arith.addi %add3A_235, %add3A_252 : i32
      %dma_start3A_254 = arith.constant 0 : i32
      %dma_start3A_255 = tpu.memref_slice %arg5[%add3A_253, %dma_start3A_254] : memref<200x128xi32, #tpu.memory_space<vmem>> -> memref<1x128xi32, #tpu.memory_space<vmem>>
      %dma_start3A_256 = tpu.memref_squeeze %dma_start3A_255 : memref<1x128xi32, #tpu.memory_space<vmem>> -> memref<128xi32, #tpu.memory_space<vmem>>
      %dma_start3A_257 = arith.constant 0 : i32
      %dma_start3A_258 = arith.constant 0 : i32
      %dma_start3A_259 = tpu.memref_slice %arg2[%dma_start3A_257, %dma_start3A_258] : memref<1000000x32xf32, #tpu.memory_space<hbm>> -> memref<1000000x32xf32, #tpu.memory_space<hbm>>
      tpu.enqueue_indirect_dma source(%dma_start3A_259 : memref<1000000x32xf32, #tpu.memory_space<hbm>>) target(%arg7 : memref<128x32xf32, #tpu.memory_space<vmem>>) offsets(%dma_start3A_256 : memref<128xi32, #tpu.memory_space<vmem>>) semaphore(%arg15 : memref<!tpu.dma_semaphore, #tpu.memory_space<semaphore_mem>>)
      %dma_wait3A_260 = arith.constant 0 : i32
      %dma_wait3A_261 = tpu.memref_slice %arg5[%add3A_235, %dma_wait3A_260] : memref<200x128xi32, #tpu.memory_space<vmem>> -> memref<1x128xi32, #tpu.memory_space<vmem>>
      %dma_wait3A_262 = tpu.memref_squeeze %dma_wait3A_261 : memref<1x128xi32, #tpu.memory_space<vmem>> -> memref<128xi32, #tpu.memory_space<vmem>>
      %dma_wait3A_263 = arith.constant 0 : i32
      %dma_wait3A_264 = arith.constant 0 : i32
      %dma_wait3A_265 = tpu.memref_slice %arg2[%dma_wait3A_263, %dma_wait3A_264] : memref<1000000x32xf32, #tpu.memory_space<hbm>> -> memref<1000000x32xf32, #tpu.memory_space<hbm>>
      tpu.wait_indirect_dma semaphore(%arg17 : memref<!tpu.dma_semaphore, #tpu.memory_space<semaphore_mem>>) src(%dma_wait3A_265 : memref<1000000x32xf32, #tpu.memory_space<hbm>>) dst(%arg9 : memref<128x32xf32, #tpu.memory_space<vmem>>)
      %parallel_loop3A_266 = arith.constant 0 : i32
      %parallel_loop3A_267 = arith.constant 32 : i32
      %parallel_loop3A_268 = arith.constant 1 : i32
      scf.for %parallel_loop3A_389 = %parallel_loop3A_266 to %parallel_loop3A_267 step %parallel_loop3A_268  : i32 {
        %parallel_loop3A_390 = vector.broadcast %parallel_loop3A_389 : i32 to vector<16xi32>
        %parallel_loop3A_391 = tpu.iota {dimensions = array<i32: 0>} : vector<16xi32>
        %parallel_loop3A_392 = arith.constant 0 : i32
        %parallel_loop3A_393 = vector.broadcast %parallel_loop3A_392 : i32 to vector<16xi32>
        %parallel_loop3A_394 = arith.addi %parallel_loop3A_391, %parallel_loop3A_393 : vector<16xi32>
        %parallel_loop3A_395 = tpu.vector_load_idx %arg9[%parallel_loop3A_394, %parallel_loop3A_390] : memref<128x32xf32, #tpu.memory_space<vmem>>[vector<16xi32>, vector<16xi32>], vector<16xf32>,
        %parallel_loop3A_396 = arith.constant 5.65685415 : f32
        %parallel_loop3A_397 = vector.broadcast %parallel_loop3A_396 : f32 to vector<16xf32>
        %parallel_loop3A_398 = arith.mulf %parallel_loop3A_395, %parallel_loop3A_397 : vector<16xf32>
        %parallel_loop3A_399 = arith.index_cast %parallel_loop3A_389 : i32 to index
        %parallel_loop3A_400 = arith.constant 0 : index
        %parallel_loop3A_401 = tpu.vector_load %arg13[%parallel_loop3A_399, %parallel_loop3A_400] {strides = array<i32>} : memref<32x128xf32, #tpu.memory_space<vmem>>, vector<16xf32>,
        tpu.vector_store %arg13[%parallel_loop3A_399, %parallel_loop3A_400], %parallel_loop3A_398 {strides = array<i32>} : memref<32x128xf32, #tpu.memory_space<vmem>>, vector<16xf32>,
        %parallel_loop3A_402 = tpu.iota {dimensions = array<i32: 0>} : vector<16xi32>
        %parallel_loop3A_403 = arith.constant 16 : i32
        %parallel_loop3A_404 = vector.broadcast %parallel_loop3A_403 : i32 to vector<16xi32>
        %parallel_loop3A_405 = arith.addi %parallel_loop3A_402, %parallel_loop3A_404 : vector<16xi32>
        %parallel_loop3A_406 = tpu.vector_load_idx %arg9[%parallel_loop3A_405, %parallel_loop3A_390] : memref<128x32xf32, #tpu.memory_space<vmem>>[vector<16xi32>, vector<16xi32>], vector<16xf32>,
        %parallel_loop3A_407 = arith.constant 5.65685415 : f32
        %parallel_loop3A_408 = vector.broadcast %parallel_loop3A_407 : f32 to vector<16xf32>
        %parallel_loop3A_409 = arith.mulf %parallel_loop3A_406, %parallel_loop3A_408 : vector<16xf32>
        %parallel_loop3A_410 = arith.index_cast %parallel_loop3A_389 : i32 to index
        %parallel_loop3A_411 = arith.constant 16 : index
        %parallel_loop3A_412 = tpu.vector_load %arg13[%parallel_loop3A_410, %parallel_loop3A_411] {strides = array<i32>} : memref<32x128xf32, #tpu.memory_space<vmem>>, vector<16xf32>,
        tpu.vector_store %arg13[%parallel_loop3A_410, %parallel_loop3A_411], %parallel_loop3A_409 {strides = array<i32>} : memref<32x128xf32, #tpu.memory_space<vmem>>, vector<16xf32>,
        %parallel_loop3A_413 = tpu.iota {dimensions = array<i32: 0>} : vector<16xi32>
        %parallel_loop3A_414 = arith.constant 32 : i32
        %parallel_loop3A_415 = vector.broadcast %parallel_loop3A_414 : i32 to vector<16xi32>
        %parallel_loop3A_416 = arith.addi %parallel_loop3A_413, %parallel_loop3A_415 : vector<16xi32>
        %parallel_loop3A_417 = tpu.vector_load_idx %arg9[%parallel_loop3A_416, %parallel_loop3A_390] : memref<128x32xf32, #tpu.memory_space<vmem>>[vector<16xi32>, vector<16xi32>], vector<16xf32>,
        %parallel_loop3A_418 = arith.constant 5.65685415 : f32
        %parallel_loop3A_419 = vector.broadcast %parallel_loop3A_418 : f32 to vector<16xf32>
        %parallel_loop3A_420 = arith.mulf %parallel_loop3A_417, %parallel_loop3A_419 : vector<16xf32>
        %parallel_loop3A_421 = arith.index_cast %parallel_loop3A_389 : i32 to index
        %parallel_loop3A_422 = arith.constant 32 : index
        %parallel_loop3A_423 = tpu.vector_load %arg13[%parallel_loop3A_421, %parallel_loop3A_422] {strides = array<i32>} : memref<32x128xf32, #tpu.memory_space<vmem>>, vector<16xf32>,
        tpu.vector_store %arg13[%parallel_loop3A_421, %parallel_loop3A_422], %parallel_loop3A_420 {strides = array<i32>} : memref<32x128xf32, #tpu.memory_space<vmem>>, vector<16xf32>,
        %parallel_loop3A_424 = tpu.iota {dimensions = array<i32: 0>} : vector<16xi32>
        %parallel_loop3A_425 = arith.constant 48 : i32
        %parallel_loop3A_426 = vector.broadcast %parallel_loop3A_425 : i32 to vector<16xi32>
        %parallel_loop3A_427 = arith.addi %parallel_loop3A_424, %parallel_loop3A_426 : vector<16xi32>
        %parallel_loop3A_428 = tpu.vector_load_idx %arg9[%parallel_loop3A_427, %parallel_loop3A_390] : memref<128x32xf32, #tpu.memory_space<vmem>>[vector<16xi32>, vector<16xi32>], vector<16xf32>,
        %parallel_loop3A_429 = arith.constant 5.65685415 : f32
        %parallel_loop3A_430 = vector.broadcast %parallel_loop3A_429 : f32 to vector<16xf32>
        %parallel_loop3A_431 = arith.mulf %parallel_loop3A_428, %parallel_loop3A_430 : vector<16xf32>
        %parallel_loop3A_432 = arith.index_cast %parallel_loop3A_389 : i32 to index
        %parallel_loop3A_433 = arith.constant 48 : index
        %parallel_loop3A_434 = tpu.vector_load %arg13[%parallel_loop3A_432, %parallel_loop3A_433] {strides = array<i32>} : memref<32x128xf32, #tpu.memory_space<vmem>>, vector<16xf32>,
        tpu.vector_store %arg13[%parallel_loop3A_432, %parallel_loop3A_433], %parallel_loop3A_431 {strides = array<i32>} : memref<32x128xf32, #tpu.memory_space<vmem>>, vector<16xf32>,
        %parallel_loop3A_435 = tpu.iota {dimensions = array<i32: 0>} : vector<16xi32>
        %parallel_loop3A_436 = arith.constant 64 : i32
        %parallel_loop3A_437 = vector.broadcast %parallel_loop3A_436 : i32 to vector<16xi32>
        %parallel_loop3A_438 = arith.addi %parallel_loop3A_435, %parallel_loop3A_437 : vector<16xi32>
        %parallel_loop3A_439 = tpu.vector_load_idx %arg9[%parallel_loop3A_438, %parallel_loop3A_390] : memref<128x32xf32, #tpu.memory_space<vmem>>[vector<16xi32>, vector<16xi32>], vector<16xf32>,
        %parallel_loop3A_440 = arith.constant 5.65685415 : f32
        %parallel_loop3A_441 = vector.broadcast %parallel_loop3A_440 : f32 to vector<16xf32>
        %parallel_loop3A_442 = arith.mulf %parallel_loop3A_439, %parallel_loop3A_441 : vector<16xf32>
        %parallel_loop3A_443 = arith.index_cast %parallel_loop3A_389 : i32 to index
        %parallel_loop3A_444 = arith.constant 64 : index
        %parallel_loop3A_445 = tpu.vector_load %arg13[%parallel_loop3A_443, %parallel_loop3A_444] {strides = array<i32>} : memref<32x128xf32, #tpu.memory_space<vmem>>, vector<16xf32>,
        tpu.vector_store %arg13[%parallel_loop3A_443, %parallel_loop3A_444], %parallel_loop3A_442 {strides = array<i32>} : memref<32x128xf32, #tpu.memory_space<vmem>>, vector<16xf32>,
        %parallel_loop3A_446 = tpu.iota {dimensions = array<i32: 0>} : vector<16xi32>
        %parallel_loop3A_447 = arith.constant 80 : i32
        %parallel_loop3A_448 = vector.broadcast %parallel_loop3A_447 : i32 to vector<16xi32>
        %parallel_loop3A_449 = arith.addi %parallel_loop3A_446, %parallel_loop3A_448 : vector<16xi32>
        %parallel_loop3A_450 = tpu.vector_load_idx %arg9[%parallel_loop3A_449, %parallel_loop3A_390] : memref<128x32xf32, #tpu.memory_space<vmem>>[vector<16xi32>, vector<16xi32>], vector<16xf32>,
        %parallel_loop3A_451 = arith.constant 5.65685415 : f32
        %parallel_loop3A_452 = vector.broadcast %parallel_loop3A_451 : f32 to vector<16xf32>
        %parallel_loop3A_453 = arith.mulf %parallel_loop3A_450, %parallel_loop3A_452 : vector<16xf32>
        %parallel_loop3A_454 = arith.index_cast %parallel_loop3A_389 : i32 to index
        %parallel_loop3A_455 = arith.constant 80 : index
        %parallel_loop3A_456 = tpu.vector_load %arg13[%parallel_loop3A_454, %parallel_loop3A_455] {strides = array<i32>} : memref<32x128xf32, #tpu.memory_space<vmem>>, vector<16xf32>,
        tpu.vector_store %arg13[%parallel_loop3A_454, %parallel_loop3A_455], %parallel_loop3A_453 {strides = array<i32>} : memref<32x128xf32, #tpu.memory_space<vmem>>, vector<16xf32>,
        %parallel_loop3A_457 = tpu.iota {dimensions = array<i32: 0>} : vector<16xi32>
        %parallel_loop3A_458 = arith.constant 96 : i32
        %parallel_loop3A_459 = vector.broadcast %parallel_loop3A_458 : i32 to vector<16xi32>
        %parallel_loop3A_460 = arith.addi %parallel_loop3A_457, %parallel_loop3A_459 : vector<16xi32>
        %parallel_loop3A_461 = tpu.vector_load_idx %arg9[%parallel_loop3A_460, %parallel_loop3A_390] : memref<128x32xf32, #tpu.memory_space<vmem>>[vector<16xi32>, vector<16xi32>], vector<16xf32>,
        %parallel_loop3A_462 = arith.constant 5.65685415 : f32
        %parallel_loop3A_463 = vector.broadcast %parallel_loop3A_462 : f32 to vector<16xf32>
        %parallel_loop3A_464 = arith.mulf %parallel_loop3A_461, %parallel_loop3A_463 : vector<16xf32>
        %parallel_loop3A_465 = arith.index_cast %parallel_loop3A_389 : i32 to index
        %parallel_loop3A_466 = arith.constant 96 : index
        %parallel_loop3A_467 = tpu.vector_load %arg13[%parallel_loop3A_465, %parallel_loop3A_466] {strides = array<i32>} : memref<32x128xf32, #tpu.memory_space<vmem>>, vector<16xf32>,
        tpu.vector_store %arg13[%parallel_loop3A_465, %parallel_loop3A_466], %parallel_loop3A_464 {strides = array<i32>} : memref<32x128xf32, #tpu.memory_space<vmem>>, vector<16xf32>,
        %parallel_loop3A_468 = tpu.iota {dimensions = array<i32: 0>} : vector<16xi32>
        %parallel_loop3A_469 = arith.constant 112 : i32
        %parallel_loop3A_470 = vector.broadcast %parallel_loop3A_469 : i32 to vector<16xi32>
        %parallel_loop3A_471 = arith.addi %parallel_loop3A_468, %parallel_loop3A_470 : vector<16xi32>
        %parallel_loop3A_472 = tpu.vector_load_idx %arg9[%parallel_loop3A_471, %parallel_loop3A_390] : memref<128x32xf32, #tpu.memory_space<vmem>>[vector<16xi32>, vector<16xi32>], vector<16xf32>,
        %parallel_loop3A_473 = arith.constant 5.65685415 : f32
        %parallel_loop3A_474 = vector.broadcast %parallel_loop3A_473 : f32 to vector<16xf32>
        %parallel_loop3A_475 = arith.mulf %parallel_loop3A_472, %parallel_loop3A_474 : vector<16xf32>
        %parallel_loop3A_476 = arith.index_cast %parallel_loop3A_389 : i32 to index
        %parallel_loop3A_477 = arith.constant 112 : index
        %parallel_loop3A_478 = tpu.vector_load %arg13[%parallel_loop3A_476, %parallel_loop3A_477] {strides = array<i32>} : memref<32x128xf32, #tpu.memory_space<vmem>>, vector<16xf32>,
        tpu.vector_store %arg13[%parallel_loop3A_476, %parallel_loop3A_477], %parallel_loop3A_475 {strides = array<i32>} : memref<32x128xf32, #tpu.memory_space<vmem>>, vector<16xf32>,
      } {sc.loop_unroll_factor = 4 : i64, sc.parallel_access}
      %mul3A_269 = arith.constant 128 : i32
      %mul3A_270 = arith.muli %add3A_235, %mul3A_269 : i32
      %add3A_271 = arith.addi %mul3A_2, %mul3A_270 : i32
      %shift_right_arithmetic3A_272 = arith.constant 14 : i32
      %shift_right_arithmetic3A_273 = arith.shrsi %add3A_271, %shift_right_arithmetic3A_272 : i32
      %and3A_274 = arith.constant 16383 : i32
      %and3A_275 = arith.andi %add3A_271, %and3A_274 : i32
      %multiple_of3A_276 = tpu.assume_multiple %and3A_275, 128 : i32
      %dma_start3A_277 = arith.constant 0 : i32
      %dma_start3A_278 = tpu.memref_slice %arg4[%shift_right_arithmetic3A_273, %dma_start3A_277, %multiple_of3A_276] : memref<50x32x16384xf32, #tpu.memory_space<hbm>> -> memref<1x32x128xf32, #tpu.memory_space<hbm>>
      %dma_start3A_279 = tpu.memref_squeeze %dma_start3A_278 : memref<1x32x128xf32, #tpu.memory_space<hbm>> -> memref<32x128xf32, #tpu.memory_space<hbm>>
      %dma_start3A_280 = arith.constant 0 : i32
      %dma_start3A_281 = tpu.memref_slice %arg4[%shift_right_arithmetic3A_273, %dma_start3A_280, %multiple_of3A_276] : memref<50x32x16384xf32, #tpu.memory_space<hbm>> -> memref<1x32x128xf32, #tpu.memory_space<hbm>>
      %dma_start3A_282 = tpu.memref_squeeze %dma_start3A_281 : memref<1x32x128xf32, #tpu.memory_space<hbm>> -> memref<32x128xf32, #tpu.memory_space<hbm>>
      tpu.enqueue_dma source(%arg13 : memref<32x128xf32, #tpu.memory_space<vmem>>) target(%dma_start3A_282 : memref<32x128xf32, #tpu.memory_space<hbm>>) target_semaphore(%arg21 : memref<!tpu.dma_semaphore, #tpu.memory_space<semaphore_mem>>)
      %mul3A_283 = arith.constant 4 : i32
      %mul3A_284 = arith.muli %add3A_177, %mul3A_283 : i32
      %add3A_285 = arith.constant 2 : i32
      %add3A_286 = arith.addi %add3A_285, %mul3A_284 : i32
      %add3A_287 = arith.constant 2 : i32
      %add3A_288 = arith.addi %add3A_286, %add3A_287 : i32
      %sub3A_289 = arith.constant 2 : i32
      %sub3A_290 = arith.subi %add3A_288, %sub3A_289 : i32
      %mul3A_291 = arith.constant 128 : i32
      %mul3A_292 = arith.muli %sub3A_290, %mul3A_291 : i32
      %add3A_293 = arith.addi %mul3A_2, %mul3A_292 : i32
      %shift_right_arithmetic3A_294 = arith.constant 14 : i32
      %shift_right_arithmetic3A_295 = arith.shrsi %add3A_293, %shift_right_arithmetic3A_294 : i32
      %and3A_296 = arith.constant 16383 : i32
      %and3A_297 = arith.andi %add3A_293, %and3A_296 : i32
      %multiple_of3A_298 = tpu.assume_multiple %and3A_297, 128 : i32
      %dma_wait3A_299 = arith.constant 0 : i32
      %dma_wait3A_300 = tpu.memref_slice %arg4[%shift_right_arithmetic3A_295, %dma_wait3A_299, %multiple_of3A_298] : memref<50x32x16384xf32, #tpu.memory_space<hbm>> -> memref<1x32x128xf32, #tpu.memory_space<hbm>>
      %dma_wait3A_301 = tpu.memref_squeeze %dma_wait3A_300 : memref<1x32x128xf32, #tpu.memory_space<hbm>> -> memref<32x128xf32, #tpu.memory_space<hbm>>
      %dma_wait3A_302 = arith.constant 0 : i32
      %dma_wait3A_303 = tpu.memref_slice %arg4[%shift_right_arithmetic3A_295, %dma_wait3A_302, %multiple_of3A_298] : memref<50x32x16384xf32, #tpu.memory_space<hbm>> -> memref<1x32x128xf32, #tpu.memory_space<hbm>>
      %dma_wait3A_304 = tpu.memref_squeeze %dma_wait3A_303 : memref<1x32x128xf32, #tpu.memory_space<hbm>> -> memref<32x128xf32, #tpu.memory_space<hbm>>
      tpu.wait_dma2 semaphore(%arg20 : memref<!tpu.dma_semaphore, #tpu.memory_space<semaphore_mem>>) src(%arg12 : memref<32x128xf32, #tpu.memory_space<vmem>>) dst(%dma_wait3A_304 : memref<32x128xf32, #tpu.memory_space<hbm>>)
      %add3A_305 = arith.constant 2 : i32
      %add3A_306 = arith.addi %add3A_288, %add3A_305 : i32
      %dma_start3A_307 = arith.constant 0 : i32
      %dma_start3A_308 = tpu.memref_slice %arg5[%add3A_306, %dma_start3A_307] : memref<200x128xi32, #tpu.memory_space<vmem>> -> memref<1x128xi32, #tpu.memory_space<vmem>>
      %dma_start3A_309 = tpu.memref_squeeze %dma_start3A_308 : memref<1x128xi32, #tpu.memory_space<vmem>> -> memref<128xi32, #tpu.memory_space<vmem>>
      %dma_start3A_310 = arith.constant 0 : i32
      %dma_start3A_311 = arith.constant 0 : i32
      %dma_start3A_312 = tpu.memref_slice %arg2[%dma_start3A_310, %dma_start3A_311] : memref<1000000x32xf32, #tpu.memory_space<hbm>> -> memref<1000000x32xf32, #tpu.memory_space<hbm>>
      tpu.enqueue_indirect_dma source(%dma_start3A_312 : memref<1000000x32xf32, #tpu.memory_space<hbm>>) target(%arg8 : memref<128x32xf32, #tpu.memory_space<vmem>>) offsets(%dma_start3A_309 : memref<128xi32, #tpu.memory_space<vmem>>) semaphore(%arg16 : memref<!tpu.dma_semaphore, #tpu.memory_space<semaphore_mem>>)
      %dma_wait3A_313 = arith.constant 0 : i32
      %dma_wait3A_314 = tpu.memref_slice %arg5[%add3A_288, %dma_wait3A_313] : memref<200x128xi32, #tpu.memory_space<vmem>> -> memref<1x128xi32, #tpu.memory_space<vmem>>
      %dma_wait3A_315 = tpu.memref_squeeze %dma_wait3A_314 : memref<1x128xi32, #tpu.memory_space<vmem>> -> memref<128xi32, #tpu.memory_space<vmem>>
      %dma_wait3A_316 = arith.constant 0 : i32
      %dma_wait3A_317 = arith.constant 0 : i32
      %dma_wait3A_318 = tpu.memref_slice %arg2[%dma_wait3A_316, %dma_wait3A_317] : memref<1000000x32xf32, #tpu.memory_space<hbm>> -> memref<1000000x32xf32, #tpu.memory_space<hbm>>
      tpu.wait_indirect_dma semaphore(%arg14 : memref<!tpu.dma_semaphore, #tpu.memory_space<semaphore_mem>>) src(%dma_wait3A_318 : memref<1000000x32xf32, #tpu.memory_space<hbm>>) dst(%arg6 : memref<128x32xf32, #tpu.memory_space<vmem>>)
      %parallel_loop3A_319 = arith.constant 0 : i32
      %parallel_loop3A_320 = arith.constant 32 : i32
      %parallel_loop3A_321 = arith.constant 1 : i32
      scf.for %parallel_loop3A_389 = %parallel_loop3A_319 to %parallel_loop3A_320 step %parallel_loop3A_321  : i32 {
        %parallel_loop3A_390 = vector.broadcast %parallel_loop3A_389 : i32 to vector<16xi32>
        %parallel_loop3A_391 = tpu.iota {dimensions = array<i32: 0>} : vector<16xi32>
        %parallel_loop3A_392 = arith.constant 0 : i32
        %parallel_loop3A_393 = vector.broadcast %parallel_loop3A_392 : i32 to vector<16xi32>
        %parallel_loop3A_394 = arith.addi %parallel_loop3A_391, %parallel_loop3A_393 : vector<16xi32>
        %parallel_loop3A_395 = tpu.vector_load_idx %arg6[%parallel_loop3A_394, %parallel_loop3A_390] : memref<128x32xf32, #tpu.memory_space<vmem>>[vector<16xi32>, vector<16xi32>], vector<16xf32>,
        %parallel_loop3A_396 = arith.constant 5.65685415 : f32
        %parallel_loop3A_397 = vector.broadcast %parallel_loop3A_396 : f32 to vector<16xf32>
        %parallel_loop3A_398 = arith.mulf %parallel_loop3A_395, %parallel_loop3A_397 : vector<16xf32>
        %parallel_loop3A_399 = arith.index_cast %parallel_loop3A_389 : i32 to index
        %parallel_loop3A_400 = arith.constant 0 : index
        %parallel_loop3A_401 = tpu.vector_load %arg10[%parallel_loop3A_399, %parallel_loop3A_400] {strides = array<i32>} : memref<32x128xf32, #tpu.memory_space<vmem>>, vector<16xf32>,
        tpu.vector_store %arg10[%parallel_loop3A_399, %parallel_loop3A_400], %parallel_loop3A_398 {strides = array<i32>} : memref<32x128xf32, #tpu.memory_space<vmem>>, vector<16xf32>,
        %parallel_loop3A_402 = tpu.iota {dimensions = array<i32: 0>} : vector<16xi32>
        %parallel_loop3A_403 = arith.constant 16 : i32
        %parallel_loop3A_404 = vector.broadcast %parallel_loop3A_403 : i32 to vector<16xi32>
        %parallel_loop3A_405 = arith.addi %parallel_loop3A_402, %parallel_loop3A_404 : vector<16xi32>
        %parallel_loop3A_406 = tpu.vector_load_idx %arg6[%parallel_loop3A_405, %parallel_loop3A_390] : memref<128x32xf32, #tpu.memory_space<vmem>>[vector<16xi32>, vector<16xi32>], vector<16xf32>,
        %parallel_loop3A_407 = arith.constant 5.65685415 : f32
        %parallel_loop3A_408 = vector.broadcast %parallel_loop3A_407 : f32 to vector<16xf32>
        %parallel_loop3A_409 = arith.mulf %parallel_loop3A_406, %parallel_loop3A_408 : vector<16xf32>
        %parallel_loop3A_410 = arith.index_cast %parallel_loop3A_389 : i32 to index
        %parallel_loop3A_411 = arith.constant 16 : index
        %parallel_loop3A_412 = tpu.vector_load %arg10[%parallel_loop3A_410, %parallel_loop3A_411] {strides = array<i32>} : memref<32x128xf32, #tpu.memory_space<vmem>>, vector<16xf32>,
        tpu.vector_store %arg10[%parallel_loop3A_410, %parallel_loop3A_411], %parallel_loop3A_409 {strides = array<i32>} : memref<32x128xf32, #tpu.memory_space<vmem>>, vector<16xf32>,
        %parallel_loop3A_413 = tpu.iota {dimensions = array<i32: 0>} : vector<16xi32>
        %parallel_loop3A_414 = arith.constant 32 : i32
        %parallel_loop3A_415 = vector.broadcast %parallel_loop3A_414 : i32 to vector<16xi32>
        %parallel_loop3A_416 = arith.addi %parallel_loop3A_413, %parallel_loop3A_415 : vector<16xi32>
        %parallel_loop3A_417 = tpu.vector_load_idx %arg6[%parallel_loop3A_416, %parallel_loop3A_390] : memref<128x32xf32, #tpu.memory_space<vmem>>[vector<16xi32>, vector<16xi32>], vector<16xf32>,
        %parallel_loop3A_418 = arith.constant 5.65685415 : f32
        %parallel_loop3A_419 = vector.broadcast %parallel_loop3A_418 : f32 to vector<16xf32>
        %parallel_loop3A_420 = arith.mulf %parallel_loop3A_417, %parallel_loop3A_419 : vector<16xf32>
        %parallel_loop3A_421 = arith.index_cast %parallel_loop3A_389 : i32 to index
        %parallel_loop3A_422 = arith.constant 32 : index
        %parallel_loop3A_423 = tpu.vector_load %arg10[%parallel_loop3A_421, %parallel_loop3A_422] {strides = array<i32>} : memref<32x128xf32, #tpu.memory_space<vmem>>, vector<16xf32>,
        tpu.vector_store %arg10[%parallel_loop3A_421, %parallel_loop3A_422], %parallel_loop3A_420 {strides = array<i32>} : memref<32x128xf32, #tpu.memory_space<vmem>>, vector<16xf32>,
        %parallel_loop3A_424 = tpu.iota {dimensions = array<i32: 0>} : vector<16xi32>
        %parallel_loop3A_425 = arith.constant 48 : i32
        %parallel_loop3A_426 = vector.broadcast %parallel_loop3A_425 : i32 to vector<16xi32>
        %parallel_loop3A_427 = arith.addi %parallel_loop3A_424, %parallel_loop3A_426 : vector<16xi32>
        %parallel_loop3A_428 = tpu.vector_load_idx %arg6[%parallel_loop3A_427, %parallel_loop3A_390] : memref<128x32xf32, #tpu.memory_space<vmem>>[vector<16xi32>, vector<16xi32>], vector<16xf32>,
        %parallel_loop3A_429 = arith.constant 5.65685415 : f32
        %parallel_loop3A_430 = vector.broadcast %parallel_loop3A_429 : f32 to vector<16xf32>
        %parallel_loop3A_431 = arith.mulf %parallel_loop3A_428, %parallel_loop3A_430 : vector<16xf32>
        %parallel_loop3A_432 = arith.index_cast %parallel_loop3A_389 : i32 to index
        %parallel_loop3A_433 = arith.constant 48 : index
        %parallel_loop3A_434 = tpu.vector_load %arg10[%parallel_loop3A_432, %parallel_loop3A_433] {strides = array<i32>} : memref<32x128xf32, #tpu.memory_space<vmem>>, vector<16xf32>,
        tpu.vector_store %arg10[%parallel_loop3A_432, %parallel_loop3A_433], %parallel_loop3A_431 {strides = array<i32>} : memref<32x128xf32, #tpu.memory_space<vmem>>, vector<16xf32>,
        %parallel_loop3A_435 = tpu.iota {dimensions = array<i32: 0>} : vector<16xi32>
        %parallel_loop3A_436 = arith.constant 64 : i32
        %parallel_loop3A_437 = vector.broadcast %parallel_loop3A_436 : i32 to vector<16xi32>
        %parallel_loop3A_438 = arith.addi %parallel_loop3A_435, %parallel_loop3A_437 : vector<16xi32>
        %parallel_loop3A_439 = tpu.vector_load_idx %arg6[%parallel_loop3A_438, %parallel_loop3A_390] : memref<128x32xf32, #tpu.memory_space<vmem>>[vector<16xi32>, vector<16xi32>], vector<16xf32>,
        %parallel_loop3A_440 = arith.constant 5.65685415 : f32
        %parallel_loop3A_441 = vector.broadcast %parallel_loop3A_440 : f32 to vector<16xf32>
        %parallel_loop3A_442 = arith.mulf %parallel_loop3A_439, %parallel_loop3A_441 : vector<16xf32>
        %parallel_loop3A_443 = arith.index_cast %parallel_loop3A_389 : i32 to index
        %parallel_loop3A_444 = arith.constant 64 : index
        %parallel_loop3A_445 = tpu.vector_load %arg10[%parallel_loop3A_443, %parallel_loop3A_444] {strides = array<i32>} : memref<32x128xf32, #tpu.memory_space<vmem>>, vector<16xf32>,
        tpu.vector_store %arg10[%parallel_loop3A_443, %parallel_loop3A_444], %parallel_loop3A_442 {strides = array<i32>} : memref<32x128xf32, #tpu.memory_space<vmem>>, vector<16xf32>,
        %parallel_loop3A_446 = tpu.iota {dimensions = array<i32: 0>} : vector<16xi32>
        %parallel_loop3A_447 = arith.constant 80 : i32
        %parallel_loop3A_448 = vector.broadcast %parallel_loop3A_447 : i32 to vector<16xi32>
        %parallel_loop3A_449 = arith.addi %parallel_loop3A_446, %parallel_loop3A_448 : vector<16xi32>
        %parallel_loop3A_450 = tpu.vector_load_idx %arg6[%parallel_loop3A_449, %parallel_loop3A_390] : memref<128x32xf32, #tpu.memory_space<vmem>>[vector<16xi32>, vector<16xi32>], vector<16xf32>,
        %parallel_loop3A_451 = arith.constant 5.65685415 : f32
        %parallel_loop3A_452 = vector.broadcast %parallel_loop3A_451 : f32 to vector<16xf32>
        %parallel_loop3A_453 = arith.mulf %parallel_loop3A_450, %parallel_loop3A_452 : vector<16xf32>
        %parallel_loop3A_454 = arith.index_cast %parallel_loop3A_389 : i32 to index
        %parallel_loop3A_455 = arith.constant 80 : index
        %parallel_loop3A_456 = tpu.vector_load %arg10[%parallel_loop3A_454, %parallel_loop3A_455] {strides = array<i32>} : memref<32x128xf32, #tpu.memory_space<vmem>>, vector<16xf32>,
        tpu.vector_store %arg10[%parallel_loop3A_454, %parallel_loop3A_455], %parallel_loop3A_453 {strides = array<i32>} : memref<32x128xf32, #tpu.memory_space<vmem>>, vector<16xf32>,
        %parallel_loop3A_457 = tpu.iota {dimensions = array<i32: 0>} : vector<16xi32>
        %parallel_loop3A_458 = arith.constant 96 : i32
        %parallel_loop3A_459 = vector.broadcast %parallel_loop3A_458 : i32 to vector<16xi32>
        %parallel_loop3A_460 = arith.addi %parallel_loop3A_457, %parallel_loop3A_459 : vector<16xi32>
        %parallel_loop3A_461 = tpu.vector_load_idx %arg6[%parallel_loop3A_460, %parallel_loop3A_390] : memref<128x32xf32, #tpu.memory_space<vmem>>[vector<16xi32>, vector<16xi32>], vector<16xf32>,
        %parallel_loop3A_462 = arith.constant 5.65685415 : f32
        %parallel_loop3A_463 = vector.broadcast %parallel_loop3A_462 : f32 to vector<16xf32>
        %parallel_loop3A_464 = arith.mulf %parallel_loop3A_461, %parallel_loop3A_463 : vector<16xf32>
        %parallel_loop3A_465 = arith.index_cast %parallel_loop3A_389 : i32 to index
        %parallel_loop3A_466 = arith.constant 96 : index
        %parallel_loop3A_467 = tpu.vector_load %arg10[%parallel_loop3A_465, %parallel_loop3A_466] {strides = array<i32>} : memref<32x128xf32, #tpu.memory_space<vmem>>, vector<16xf32>,
        tpu.vector_store %arg10[%parallel_loop3A_465, %parallel_loop3A_466], %parallel_loop3A_464 {strides = array<i32>} : memref<32x128xf32, #tpu.memory_space<vmem>>, vector<16xf32>,
        %parallel_loop3A_468 = tpu.iota {dimensions = array<i32: 0>} : vector<16xi32>
        %parallel_loop3A_469 = arith.constant 112 : i32
        %parallel_loop3A_470 = vector.broadcast %parallel_loop3A_469 : i32 to vector<16xi32>
        %parallel_loop3A_471 = arith.addi %parallel_loop3A_468, %parallel_loop3A_470 : vector<16xi32>
        %parallel_loop3A_472 = tpu.vector_load_idx %arg6[%parallel_loop3A_471, %parallel_loop3A_390] : memref<128x32xf32, #tpu.memory_space<vmem>>[vector<16xi32>, vector<16xi32>], vector<16xf32>,
        %parallel_loop3A_473 = arith.constant 5.65685415 : f32
        %parallel_loop3A_474 = vector.broadcast %parallel_loop3A_473 : f32 to vector<16xf32>
        %parallel_loop3A_475 = arith.mulf %parallel_loop3A_472, %parallel_loop3A_474 : vector<16xf32>
        %parallel_loop3A_476 = arith.index_cast %parallel_loop3A_389 : i32 to index
        %parallel_loop3A_477 = arith.constant 112 : index
        %parallel_loop3A_478 = tpu.vector_load %arg10[%parallel_loop3A_476, %parallel_loop3A_477] {strides = array<i32>} : memref<32x128xf32, #tpu.memory_space<vmem>>, vector<16xf32>,
        tpu.vector_store %arg10[%parallel_loop3A_476, %parallel_loop3A_477], %parallel_loop3A_475 {strides = array<i32>} : memref<32x128xf32, #tpu.memory_space<vmem>>, vector<16xf32>,
      } {sc.loop_unroll_factor = 4 : i64, sc.parallel_access}
      %mul3A_322 = arith.constant 128 : i32
      %mul3A_323 = arith.muli %add3A_288, %mul3A_322 : i32
      %add3A_324 = arith.addi %mul3A_2, %mul3A_323 : i32
      %shift_right_arithmetic3A_325 = arith.constant 14 : i32
      %shift_right_arithmetic3A_326 = arith.shrsi %add3A_324, %shift_right_arithmetic3A_325 : i32
      %and3A_327 = arith.constant 16383 : i32
      %and3A_328 = arith.andi %add3A_324, %and3A_327 : i32
      %multiple_of3A_329 = tpu.assume_multiple %and3A_328, 128 : i32
      %dma_start3A_330 = arith.constant 0 : i32
      %dma_start3A_331 = tpu.memref_slice %arg4[%shift_right_arithmetic3A_326, %dma_start3A_330, %multiple_of3A_329] : memref<50x32x16384xf32, #tpu.memory_space<hbm>> -> memref<1x32x128xf32, #tpu.memory_space<hbm>>
      %dma_start3A_332 = tpu.memref_squeeze %dma_start3A_331 : memref<1x32x128xf32, #tpu.memory_space<hbm>> -> memref<32x128xf32, #tpu.memory_space<hbm>>
      %dma_start3A_333 = arith.constant 0 : i32
      %dma_start3A_334 = tpu.memref_slice %arg4[%shift_right_arithmetic3A_326, %dma_start3A_333, %multiple_of3A_329] : memref<50x32x16384xf32, #tpu.memory_space<hbm>> -> memref<1x32x128xf32, #tpu.memory_space<hbm>>
      %dma_start3A_335 = tpu.memref_squeeze %dma_start3A_334 : memref<1x32x128xf32, #tpu.memory_space<hbm>> -> memref<32x128xf32, #tpu.memory_space<hbm>>
      tpu.enqueue_dma source(%arg10 : memref<32x128xf32, #tpu.memory_space<vmem>>) target(%dma_start3A_335 : memref<32x128xf32, #tpu.memory_space<hbm>>) target_semaphore(%arg18 : memref<!tpu.dma_semaphore, #tpu.memory_space<semaphore_mem>>)
      %mul3A_336 = arith.constant 4 : i32
      %mul3A_337 = arith.muli %add3A_177, %mul3A_336 : i32
      %add3A_338 = arith.constant 2 : i32
      %add3A_339 = arith.addi %add3A_338, %mul3A_337 : i32
      %add3A_340 = arith.constant 3 : i32
      %add3A_341 = arith.addi %add3A_339, %add3A_340 : i32
      %sub3A_342 = arith.constant 2 : i32
      %sub3A_343 = arith.subi %add3A_341, %sub3A_342 : i32
      %mul3A_344 = arith.constant 128 : i32
      %mul3A_345 = arith.muli %sub3A_343, %mul3A_344 : i32
      %add3A_346 = arith.addi %mul3A_2, %mul3A_345 : i32
      %shift_right_arithmetic3A_347 = arith.constant 14 : i32
      %shift_right_arithmetic3A_348 = arith.shrsi %add3A_346, %shift_right_arithmetic3A_347 : i32
      %and3A_349 = arith.constant 16383 : i32
      %and3A_350 = arith.andi %add3A_346, %and3A_349 : i32
      %multiple_of3A_351 = tpu.assume_multiple %and3A_350, 128 : i32
      %dma_wait3A_352 = arith.constant 0 : i32
      %dma_wait3A_353 = tpu.memref_slice %arg4[%shift_right_arithmetic3A_348, %dma_wait3A_352, %multiple_of3A_351] : memref<50x32x16384xf32, #tpu.memory_space<hbm>> -> memref<1x32x128xf32, #tpu.memory_space<hbm>>
      %dma_wait3A_354 = tpu.memref_squeeze %dma_wait3A_353 : memref<1x32x128xf32, #tpu.memory_space<hbm>> -> memref<32x128xf32, #tpu.memory_space<hbm>>
      %dma_wait3A_355 = arith.constant 0 : i32
      %dma_wait3A_356 = tpu.memref_slice %arg4[%shift_right_arithmetic3A_348, %dma_wait3A_355, %multiple_of3A_351] : memref<50x32x16384xf32, #tpu.memory_space<hbm>> -> memref<1x32x128xf32, #tpu.memory_space<hbm>>
      %dma_wait3A_357 = tpu.memref_squeeze %dma_wait3A_356 : memref<1x32x128xf32, #tpu.memory_space<hbm>> -> memref<32x128xf32, #tpu.memory_space<hbm>>
      tpu.wait_dma2 semaphore(%arg21 : memref<!tpu.dma_semaphore, #tpu.memory_space<semaphore_mem>>) src(%arg13 : memref<32x128xf32, #tpu.memory_space<vmem>>) dst(%dma_wait3A_357 : memref<32x128xf32, #tpu.memory_space<hbm>>)
      %add3A_358 = arith.constant 2 : i32
      %add3A_359 = arith.addi %add3A_341, %add3A_358 : i32
      %dma_start3A_360 = arith.constant 0 : i32
      %dma_start3A_361 = tpu.memref_slice %arg5[%add3A_359, %dma_start3A_360] : memref<200x128xi32, #tpu.memory_space<vmem>> -> memref<1x128xi32, #tpu.memory_space<vmem>>
      %dma_start3A_362 = tpu.memref_squeeze %dma_start3A_361 : memref<1x128xi32, #tpu.memory_space<vmem>> -> memref<128xi32, #tpu.memory_space<vmem>>
      %dma_start3A_363 = arith.constant 0 : i32
      %dma_start3A_364 = arith.constant 0 : i32
      %dma_start3A_365 = tpu.memref_slice %arg2[%dma_start3A_363, %dma_start3A_364] : memref<1000000x32xf32, #tpu.memory_space<hbm>> -> memref<1000000x32xf32, #tpu.memory_space<hbm>>
      tpu.enqueue_indirect_dma source(%dma_start3A_365 : memref<1000000x32xf32, #tpu.memory_space<hbm>>) target(%arg9 : memref<128x32xf32, #tpu.memory_space<vmem>>) offsets(%dma_start3A_362 : memref<128xi32, #tpu.memory_space<vmem>>) semaphore(%arg17 : memref<!tpu.dma_semaphore, #tpu.memory_space<semaphore_mem>>)
      %dma_wait3A_366 = arith.constant 0 : i32
      %dma_wait3A_367 = tpu.memref_slice %arg5[%add3A_341, %dma_wait3A_366] : memref<200x128xi32, #tpu.memory_space<vmem>> -> memref<1x128xi32, #tpu.memory_space<vmem>>
      %dma_wait3A_368 = tpu.memref_squeeze %dma_wait3A_367 : memref<1x128xi32, #tpu.memory_space<vmem>> -> memref<128xi32, #tpu.memory_space<vmem>>
      %dma_wait3A_369 = arith.constant 0 : i32
      %dma_wait3A_370 = arith.constant 0 : i32
      %dma_wait3A_371 = tpu.memref_slice %arg2[%dma_wait3A_369, %dma_wait3A_370] : memref<1000000x32xf32, #tpu.memory_space<hbm>> -> memref<1000000x32xf32, #tpu.memory_space<hbm>>
      tpu.wait_indirect_dma semaphore(%arg15 : memref<!tpu.dma_semaphore, #tpu.memory_space<semaphore_mem>>) src(%dma_wait3A_371 : memref<1000000x32xf32, #tpu.memory_space<hbm>>) dst(%arg7 : memref<128x32xf32, #tpu.memory_space<vmem>>)
      %parallel_loop3A_372 = arith.constant 0 : i32
      %parallel_loop3A_373 = arith.constant 32 : i32
      %parallel_loop3A_374 = arith.constant 1 : i32
      scf.for %parallel_loop3A_389 = %parallel_loop3A_372 to %parallel_loop3A_373 step %parallel_loop3A_374  : i32 {
        %parallel_loop3A_390 = vector.broadcast %parallel_loop3A_389 : i32 to vector<16xi32>
        %parallel_loop3A_391 = tpu.iota {dimensions = array<i32: 0>} : vector<16xi32>
        %parallel_loop3A_392 = arith.constant 0 : i32
        %parallel_loop3A_393 = vector.broadcast %parallel_loop3A_392 : i32 to vector<16xi32>
        %parallel_loop3A_394 = arith.addi %parallel_loop3A_391, %parallel_loop3A_393 : vector<16xi32>
        %parallel_loop3A_395 = tpu.vector_load_idx %arg7[%parallel_loop3A_394, %parallel_loop3A_390] : memref<128x32xf32, #tpu.memory_space<vmem>>[vector<16xi32>, vector<16xi32>], vector<16xf32>,
        %parallel_loop3A_396 = arith.constant 5.65685415 : f32
        %parallel_loop3A_397 = vector.broadcast %parallel_loop3A_396 : f32 to vector<16xf32>
        %parallel_loop3A_398 = arith.mulf %parallel_loop3A_395, %parallel_loop3A_397 : vector<16xf32>
        %parallel_loop3A_399 = arith.index_cast %parallel_loop3A_389 : i32 to index
        %parallel_loop3A_400 = arith.constant 0 : index
        %parallel_loop3A_401 = tpu.vector_load %arg11[%parallel_loop3A_399, %parallel_loop3A_400] {strides = array<i32>} : memref<32x128xf32, #tpu.memory_space<vmem>>, vector<16xf32>,
        tpu.vector_store %arg11[%parallel_loop3A_399, %parallel_loop3A_400], %parallel_loop3A_398 {strides = array<i32>} : memref<32x128xf32, #tpu.memory_space<vmem>>, vector<16xf32>,
        %parallel_loop3A_402 = tpu.iota {dimensions = array<i32: 0>} : vector<16xi32>
        %parallel_loop3A_403 = arith.constant 16 : i32
        %parallel_loop3A_404 = vector.broadcast %parallel_loop3A_403 : i32 to vector<16xi32>
        %parallel_loop3A_405 = arith.addi %parallel_loop3A_402, %parallel_loop3A_404 : vector<16xi32>
        %parallel_loop3A_406 = tpu.vector_load_idx %arg7[%parallel_loop3A_405, %parallel_loop3A_390] : memref<128x32xf32, #tpu.memory_space<vmem>>[vector<16xi32>, vector<16xi32>], vector<16xf32>,
        %parallel_loop3A_407 = arith.constant 5.65685415 : f32
        %parallel_loop3A_408 = vector.broadcast %parallel_loop3A_407 : f32 to vector<16xf32>
        %parallel_loop3A_409 = arith.mulf %parallel_loop3A_406, %parallel_loop3A_408 : vector<16xf32>
        %parallel_loop3A_410 = arith.index_cast %parallel_loop3A_389 : i32 to index
        %parallel_loop3A_411 = arith.constant 16 : index
        %parallel_loop3A_412 = tpu.vector_load %arg11[%parallel_loop3A_410, %parallel_loop3A_411] {strides = array<i32>} : memref<32x128xf32, #tpu.memory_space<vmem>>, vector<16xf32>,
        tpu.vector_store %arg11[%parallel_loop3A_410, %parallel_loop3A_411], %parallel_loop3A_409 {strides = array<i32>} : memref<32x128xf32, #tpu.memory_space<vmem>>, vector<16xf32>,
        %parallel_loop3A_413 = tpu.iota {dimensions = array<i32: 0>} : vector<16xi32>
        %parallel_loop3A_414 = arith.constant 32 : i32
        %parallel_loop3A_415 = vector.broadcast %parallel_loop3A_414 : i32 to vector<16xi32>
        %parallel_loop3A_416 = arith.addi %parallel_loop3A_413, %parallel_loop3A_415 : vector<16xi32>
        %parallel_loop3A_417 = tpu.vector_load_idx %arg7[%parallel_loop3A_416, %parallel_loop3A_390] : memref<128x32xf32, #tpu.memory_space<vmem>>[vector<16xi32>, vector<16xi32>], vector<16xf32>,
        %parallel_loop3A_418 = arith.constant 5.65685415 : f32
        %parallel_loop3A_419 = vector.broadcast %parallel_loop3A_418 : f32 to vector<16xf32>
        %parallel_loop3A_420 = arith.mulf %parallel_loop3A_417, %parallel_loop3A_419 : vector<16xf32>
        %parallel_loop3A_421 = arith.index_cast %parallel_loop3A_389 : i32 to index
        %parallel_loop3A_422 = arith.constant 32 : index
        %parallel_loop3A_423 = tpu.vector_load %arg11[%parallel_loop3A_421, %parallel_loop3A_422] {strides = array<i32>} : memref<32x128xf32, #tpu.memory_space<vmem>>, vector<16xf32>,
        tpu.vector_store %arg11[%parallel_loop3A_421, %parallel_loop3A_422], %parallel_loop3A_420 {strides = array<i32>} : memref<32x128xf32, #tpu.memory_space<vmem>>, vector<16xf32>,
        %parallel_loop3A_424 = tpu.iota {dimensions = array<i32: 0>} : vector<16xi32>
        %parallel_loop3A_425 = arith.constant 48 : i32
        %parallel_loop3A_426 = vector.broadcast %parallel_loop3A_425 : i32 to vector<16xi32>
        %parallel_loop3A_427 = arith.addi %parallel_loop3A_424, %parallel_loop3A_426 : vector<16xi32>
        %parallel_loop3A_428 = tpu.vector_load_idx %arg7[%parallel_loop3A_427, %parallel_loop3A_390] : memref<128x32xf32, #tpu.memory_space<vmem>>[vector<16xi32>, vector<16xi32>], vector<16xf32>,
        %parallel_loop3A_429 = arith.constant 5.65685415 : f32
        %parallel_loop3A_430 = vector.broadcast %parallel_loop3A_429 : f32 to vector<16xf32>
        %parallel_loop3A_431 = arith.mulf %parallel_loop3A_428, %parallel_loop3A_430 : vector<16xf32>
        %parallel_loop3A_432 = arith.index_cast %parallel_loop3A_389 : i32 to index
        %parallel_loop3A_433 = arith.constant 48 : index
        %parallel_loop3A_434 = tpu.vector_load %arg11[%parallel_loop3A_432, %parallel_loop3A_433] {strides = array<i32>} : memref<32x128xf32, #tpu.memory_space<vmem>>, vector<16xf32>,
        tpu.vector_store %arg11[%parallel_loop3A_432, %parallel_loop3A_433], %parallel_loop3A_431 {strides = array<i32>} : memref<32x128xf32, #tpu.memory_space<vmem>>, vector<16xf32>,
        %parallel_loop3A_435 = tpu.iota {dimensions = array<i32: 0>} : vector<16xi32>
        %parallel_loop3A_436 = arith.constant 64 : i32
        %parallel_loop3A_437 = vector.broadcast %parallel_loop3A_436 : i32 to vector<16xi32>
        %parallel_loop3A_438 = arith.addi %parallel_loop3A_435, %parallel_loop3A_437 : vector<16xi32>
        %parallel_loop3A_439 = tpu.vector_load_idx %arg7[%parallel_loop3A_438, %parallel_loop3A_390] : memref<128x32xf32, #tpu.memory_space<vmem>>[vector<16xi32>, vector<16xi32>], vector<16xf32>,
        %parallel_loop3A_440 = arith.constant 5.65685415 : f32
        %parallel_loop3A_441 = vector.broadcast %parallel_loop3A_440 : f32 to vector<16xf32>
        %parallel_loop3A_442 = arith.mulf %parallel_loop3A_439, %parallel_loop3A_441 : vector<16xf32>
        %parallel_loop3A_443 = arith.index_cast %parallel_loop3A_389 : i32 to index
        %parallel_loop3A_444 = arith.constant 64 : index
        %parallel_loop3A_445 = tpu.vector_load %arg11[%parallel_loop3A_443, %parallel_loop3A_444] {strides = array<i32>} : memref<32x128xf32, #tpu.memory_space<vmem>>, vector<16xf32>,
        tpu.vector_store %arg11[%parallel_loop3A_443, %parallel_loop3A_444], %parallel_loop3A_442 {strides = array<i32>} : memref<32x128xf32, #tpu.memory_space<vmem>>, vector<16xf32>,
        %parallel_loop3A_446 = tpu.iota {dimensions = array<i32: 0>} : vector<16xi32>
        %parallel_loop3A_447 = arith.constant 80 : i32
        %parallel_loop3A_448 = vector.broadcast %parallel_loop3A_447 : i32 to vector<16xi32>
        %parallel_loop3A_449 = arith.addi %parallel_loop3A_446, %parallel_loop3A_448 : vector<16xi32>
        %parallel_loop3A_450 = tpu.vector_load_idx %arg7[%parallel_loop3A_449, %parallel_loop3A_390] : memref<128x32xf32, #tpu.memory_space<vmem>>[vector<16xi32>, vector<16xi32>], vector<16xf32>,
        %parallel_loop3A_451 = arith.constant 5.65685415 : f32
        %parallel_loop3A_452 = vector.broadcast %parallel_loop3A_451 : f32 to vector<16xf32>
        %parallel_loop3A_453 = arith.mulf %parallel_loop3A_450, %parallel_loop3A_452 : vector<16xf32>
        %parallel_loop3A_454 = arith.index_cast %parallel_loop3A_389 : i32 to index
        %parallel_loop3A_455 = arith.constant 80 : index
        %parallel_loop3A_456 = tpu.vector_load %arg11[%parallel_loop3A_454, %parallel_loop3A_455] {strides = array<i32>} : memref<32x128xf32, #tpu.memory_space<vmem>>, vector<16xf32>,
        tpu.vector_store %arg11[%parallel_loop3A_454, %parallel_loop3A_455], %parallel_loop3A_453 {strides = array<i32>} : memref<32x128xf32, #tpu.memory_space<vmem>>, vector<16xf32>,
        %parallel_loop3A_457 = tpu.iota {dimensions = array<i32: 0>} : vector<16xi32>
        %parallel_loop3A_458 = arith.constant 96 : i32
        %parallel_loop3A_459 = vector.broadcast %parallel_loop3A_458 : i32 to vector<16xi32>
        %parallel_loop3A_460 = arith.addi %parallel_loop3A_457, %parallel_loop3A_459 : vector<16xi32>
        %parallel_loop3A_461 = tpu.vector_load_idx %arg7[%parallel_loop3A_460, %parallel_loop3A_390] : memref<128x32xf32, #tpu.memory_space<vmem>>[vector<16xi32>, vector<16xi32>], vector<16xf32>,
        %parallel_loop3A_462 = arith.constant 5.65685415 : f32
        %parallel_loop3A_463 = vector.broadcast %parallel_loop3A_462 : f32 to vector<16xf32>
        %parallel_loop3A_464 = arith.mulf %parallel_loop3A_461, %parallel_loop3A_463 : vector<16xf32>
        %parallel_loop3A_465 = arith.index_cast %parallel_loop3A_389 : i32 to index
        %parallel_loop3A_466 = arith.constant 96 : index
        %parallel_loop3A_467 = tpu.vector_load %arg11[%parallel_loop3A_465, %parallel_loop3A_466] {strides = array<i32>} : memref<32x128xf32, #tpu.memory_space<vmem>>, vector<16xf32>,
        tpu.vector_store %arg11[%parallel_loop3A_465, %parallel_loop3A_466], %parallel_loop3A_464 {strides = array<i32>} : memref<32x128xf32, #tpu.memory_space<vmem>>, vector<16xf32>,
        %parallel_loop3A_468 = tpu.iota {dimensions = array<i32: 0>} : vector<16xi32>
        %parallel_loop3A_469 = arith.constant 112 : i32
        %parallel_loop3A_470 = vector.broadcast %parallel_loop3A_469 : i32 to vector<16xi32>
        %parallel_loop3A_471 = arith.addi %parallel_loop3A_468, %parallel_loop3A_470 : vector<16xi32>
        %parallel_loop3A_472 = tpu.vector_load_idx %arg7[%parallel_loop3A_471, %parallel_loop3A_390] : memref<128x32xf32, #tpu.memory_space<vmem>>[vector<16xi32>, vector<16xi32>], vector<16xf32>,
        %parallel_loop3A_473 = arith.constant 5.65685415 : f32
        %parallel_loop3A_474 = vector.broadcast %parallel_loop3A_473 : f32 to vector<16xf32>
        %parallel_loop3A_475 = arith.mulf %parallel_loop3A_472, %parallel_loop3A_474 : vector<16xf32>
        %parallel_loop3A_476 = arith.index_cast %parallel_loop3A_389 : i32 to index
        %parallel_loop3A_477 = arith.constant 112 : index
        %parallel_loop3A_478 = tpu.vector_load %arg11[%parallel_loop3A_476, %parallel_loop3A_477] {strides = array<i32>} : memref<32x128xf32, #tpu.memory_space<vmem>>, vector<16xf32>,
        tpu.vector_store %arg11[%parallel_loop3A_476, %parallel_loop3A_477], %parallel_loop3A_475 {strides = array<i32>} : memref<32x128xf32, #tpu.memory_space<vmem>>, vector<16xf32>,
      } {sc.loop_unroll_factor = 4 : i64, sc.parallel_access}
      %mul3A_375 = arith.constant 128 : i32
      %mul3A_376 = arith.muli %add3A_341, %mul3A_375 : i32
      %add3A_377 = arith.addi %mul3A_2, %mul3A_376 : i32
      %shift_right_arithmetic3A_378 = arith.constant 14 : i32
      %shift_right_arithmetic3A_379 = arith.shrsi %add3A_377, %shift_right_arithmetic3A_378 : i32
      %and3A_380 = arith.constant 16383 : i32
      %and3A_381 = arith.andi %add3A_377, %and3A_380 : i32
      %multiple_of3A_382 = tpu.assume_multiple %and3A_381, 128 : i32
      %dma_start3A_383 = arith.constant 0 : i32
      %dma_start3A_384 = tpu.memref_slice %arg4[%shift_right_arithmetic3A_379, %dma_start3A_383, %multiple_of3A_382] : memref<50x32x16384xf32, #tpu.memory_space<hbm>> -> memref<1x32x128xf32, #tpu.memory_space<hbm>>
      %dma_start3A_385 = tpu.memref_squeeze %dma_start3A_384 : memref<1x32x128xf32, #tpu.memory_space<hbm>> -> memref<32x128xf32, #tpu.memory_space<hbm>>
      %dma_start3A_386 = arith.constant 0 : i32
      %dma_start3A_387 = tpu.memref_slice %arg4[%shift_right_arithmetic3A_379, %dma_start3A_386, %multiple_of3A_382] : memref<50x32x16384xf32, #tpu.memory_space<hbm>> -> memref<1x32x128xf32, #tpu.memory_space<hbm>>
      %dma_start3A_388 = tpu.memref_squeeze %dma_start3A_387 : memref<1x32x128xf32, #tpu.memory_space<hbm>> -> memref<32x128xf32, #tpu.memory_space<hbm>>
      tpu.enqueue_dma source(%arg11 : memref<32x128xf32, #tpu.memory_space<vmem>>) target(%dma_start3A_388 : memref<32x128xf32, #tpu.memory_space<hbm>>) target_semaphore(%arg19 : memref<!tpu.dma_semaphore, #tpu.memory_space<semaphore_mem>>)
    }
    %scan3A_74 = arith.constant 49 : i32
    %dma_wait3A_75 = arith.constant 198 : i32
    %dma_wait3A_76 = arith.constant 0 : i32
    %dma_wait3A_77 = tpu.memref_slice %arg5[%dma_wait3A_75, %dma_wait3A_76] : memref<200x128xi32, #tpu.memory_space<vmem>> -> memref<1x128xi32, #tpu.memory_space<vmem>>
    %dma_wait3A_78 = tpu.memref_squeeze %dma_wait3A_77 : memref<1x128xi32, #tpu.memory_space<vmem>> -> memref<128xi32, #tpu.memory_space<vmem>>
    %dma_wait3A_79 = arith.constant 0 : i32
    %dma_wait3A_80 = arith.constant 0 : i32
    %dma_wait3A_81 = tpu.memref_slice %arg2[%dma_wait3A_79, %dma_wait3A_80] : memref<1000000x32xf32, #tpu.memory_space<hbm>> -> memref<1000000x32xf32, #tpu.memory_space<hbm>>
    tpu.wait_indirect_dma semaphore(%arg16 : memref<!tpu.dma_semaphore, #tpu.memory_space<semaphore_mem>>) src(%dma_wait3A_81 : memref<1000000x32xf32, #tpu.memory_space<hbm>>) dst(%arg8 : memref<128x32xf32, #tpu.memory_space<vmem>>)
    %parallel_loop3A_82 = arith.constant 0 : i32
    %parallel_loop3A_83 = arith.constant 32 : i32
    %parallel_loop3A_84 = arith.constant 1 : i32
    scf.for %parallel_loop3A_173 = %parallel_loop3A_82 to %parallel_loop3A_83 step %parallel_loop3A_84  : i32 {
      %parallel_loop3A_174 = vector.broadcast %parallel_loop3A_173 : i32 to vector<16xi32>
      %parallel_loop3A_175 = tpu.iota {dimensions = array<i32: 0>} : vector<16xi32>
      %parallel_loop3A_176 = arith.constant 0 : i32
      %parallel_loop3A_177 = vector.broadcast %parallel_loop3A_176 : i32 to vector<16xi32>
      %parallel_loop3A_178 = arith.addi %parallel_loop3A_175, %parallel_loop3A_177 : vector<16xi32>
      %parallel_loop3A_179 = tpu.vector_load_idx %arg8[%parallel_loop3A_178, %parallel_loop3A_174] : memref<128x32xf32, #tpu.memory_space<vmem>>[vector<16xi32>, vector<16xi32>], vector<16xf32>,
      %parallel_loop3A_180 = arith.constant 5.65685415 : f32
      %parallel_loop3A_181 = vector.broadcast %parallel_loop3A_180 : f32 to vector<16xf32>
      %parallel_loop3A_182 = arith.mulf %parallel_loop3A_179, %parallel_loop3A_181 : vector<16xf32>
      %parallel_loop3A_183 = arith.index_cast %parallel_loop3A_173 : i32 to index
      %parallel_loop3A_184 = arith.constant 0 : index
      %parallel_loop3A_185 = tpu.vector_load %arg12[%parallel_loop3A_183, %parallel_loop3A_184] {strides = array<i32>} : memref<32x128xf32, #tpu.memory_space<vmem>>, vector<16xf32>,
      tpu.vector_store %arg12[%parallel_loop3A_183, %parallel_loop3A_184], %parallel_loop3A_182 {strides = array<i32>} : memref<32x128xf32, #tpu.memory_space<vmem>>, vector<16xf32>,
      %parallel_loop3A_186 = tpu.iota {dimensions = array<i32: 0>} : vector<16xi32>
      %parallel_loop3A_187 = arith.constant 16 : i32
      %parallel_loop3A_188 = vector.broadcast %parallel_loop3A_187 : i32 to vector<16xi32>
      %parallel_loop3A_189 = arith.addi %parallel_loop3A_186, %parallel_loop3A_188 : vector<16xi32>
      %parallel_loop3A_190 = tpu.vector_load_idx %arg8[%parallel_loop3A_189, %parallel_loop3A_174] : memref<128x32xf32, #tpu.memory_space<vmem>>[vector<16xi32>, vector<16xi32>], vector<16xf32>,
      %parallel_loop3A_191 = arith.constant 5.65685415 : f32
      %parallel_loop3A_192 = vector.broadcast %parallel_loop3A_191 : f32 to vector<16xf32>
      %parallel_loop3A_193 = arith.mulf %parallel_loop3A_190, %parallel_loop3A_192 : vector<16xf32>
      %parallel_loop3A_194 = arith.index_cast %parallel_loop3A_173 : i32 to index
      %parallel_loop3A_195 = arith.constant 16 : index
      %parallel_loop3A_196 = tpu.vector_load %arg12[%parallel_loop3A_194, %parallel_loop3A_195] {strides = array<i32>} : memref<32x128xf32, #tpu.memory_space<vmem>>, vector<16xf32>,
      tpu.vector_store %arg12[%parallel_loop3A_194, %parallel_loop3A_195], %parallel_loop3A_193 {strides = array<i32>} : memref<32x128xf32, #tpu.memory_space<vmem>>, vector<16xf32>,
      %parallel_loop3A_197 = tpu.iota {dimensions = array<i32: 0>} : vector<16xi32>
      %parallel_loop3A_198 = arith.constant 32 : i32
      %parallel_loop3A_199 = vector.broadcast %parallel_loop3A_198 : i32 to vector<16xi32>
      %parallel_loop3A_200 = arith.addi %parallel_loop3A_197, %parallel_loop3A_199 : vector<16xi32>
      %parallel_loop3A_201 = tpu.vector_load_idx %arg8[%parallel_loop3A_200, %parallel_loop3A_174] : memref<128x32xf32, #tpu.memory_space<vmem>>[vector<16xi32>, vector<16xi32>], vector<16xf32>,
      %parallel_loop3A_202 = arith.constant 5.65685415 : f32
      %parallel_loop3A_203 = vector.broadcast %parallel_loop3A_202 : f32 to vector<16xf32>
      %parallel_loop3A_204 = arith.mulf %parallel_loop3A_201, %parallel_loop3A_203 : vector<16xf32>
      %parallel_loop3A_205 = arith.index_cast %parallel_loop3A_173 : i32 to index
      %parallel_loop3A_206 = arith.constant 32 : index
      %parallel_loop3A_207 = tpu.vector_load %arg12[%parallel_loop3A_205, %parallel_loop3A_206] {strides = array<i32>} : memref<32x128xf32, #tpu.memory_space<vmem>>, vector<16xf32>,
      tpu.vector_store %arg12[%parallel_loop3A_205, %parallel_loop3A_206], %parallel_loop3A_204 {strides = array<i32>} : memref<32x128xf32, #tpu.memory_space<vmem>>, vector<16xf32>,
      %parallel_loop3A_208 = tpu.iota {dimensions = array<i32: 0>} : vector<16xi32>
      %parallel_loop3A_209 = arith.constant 48 : i32
      %parallel_loop3A_210 = vector.broadcast %parallel_loop3A_209 : i32 to vector<16xi32>
      %parallel_loop3A_211 = arith.addi %parallel_loop3A_208, %parallel_loop3A_210 : vector<16xi32>
      %parallel_loop3A_212 = tpu.vector_load_idx %arg8[%parallel_loop3A_211, %parallel_loop3A_174] : memref<128x32xf32, #tpu.memory_space<vmem>>[vector<16xi32>, vector<16xi32>], vector<16xf32>,
      %parallel_loop3A_213 = arith.constant 5.65685415 : f32
      %parallel_loop3A_214 = vector.broadcast %parallel_loop3A_213 : f32 to vector<16xf32>
      %parallel_loop3A_215 = arith.mulf %parallel_loop3A_212, %parallel_loop3A_214 : vector<16xf32>
      %parallel_loop3A_216 = arith.index_cast %parallel_loop3A_173 : i32 to index
      %parallel_loop3A_217 = arith.constant 48 : index
      %parallel_loop3A_218 = tpu.vector_load %arg12[%parallel_loop3A_216, %parallel_loop3A_217] {strides = array<i32>} : memref<32x128xf32, #tpu.memory_space<vmem>>, vector<16xf32>,
      tpu.vector_store %arg12[%parallel_loop3A_216, %parallel_loop3A_217], %parallel_loop3A_215 {strides = array<i32>} : memref<32x128xf32, #tpu.memory_space<vmem>>, vector<16xf32>,
      %parallel_loop3A_219 = tpu.iota {dimensions = array<i32: 0>} : vector<16xi32>
      %parallel_loop3A_220 = arith.constant 64 : i32
      %parallel_loop3A_221 = vector.broadcast %parallel_loop3A_220 : i32 to vector<16xi32>
      %parallel_loop3A_222 = arith.addi %parallel_loop3A_219, %parallel_loop3A_221 : vector<16xi32>
      %parallel_loop3A_223 = tpu.vector_load_idx %arg8[%parallel_loop3A_222, %parallel_loop3A_174] : memref<128x32xf32, #tpu.memory_space<vmem>>[vector<16xi32>, vector<16xi32>], vector<16xf32>,
      %parallel_loop3A_224 = arith.constant 5.65685415 : f32
      %parallel_loop3A_225 = vector.broadcast %parallel_loop3A_224 : f32 to vector<16xf32>
      %parallel_loop3A_226 = arith.mulf %parallel_loop3A_223, %parallel_loop3A_225 : vector<16xf32>
      %parallel_loop3A_227 = arith.index_cast %parallel_loop3A_173 : i32 to index
      %parallel_loop3A_228 = arith.constant 64 : index
      %parallel_loop3A_229 = tpu.vector_load %arg12[%parallel_loop3A_227, %parallel_loop3A_228] {strides = array<i32>} : memref<32x128xf32, #tpu.memory_space<vmem>>, vector<16xf32>,
      tpu.vector_store %arg12[%parallel_loop3A_227, %parallel_loop3A_228], %parallel_loop3A_226 {strides = array<i32>} : memref<32x128xf32, #tpu.memory_space<vmem>>, vector<16xf32>,
      %parallel_loop3A_230 = tpu.iota {dimensions = array<i32: 0>} : vector<16xi32>
      %parallel_loop3A_231 = arith.constant 80 : i32
      %parallel_loop3A_232 = vector.broadcast %parallel_loop3A_231 : i32 to vector<16xi32>
      %parallel_loop3A_233 = arith.addi %parallel_loop3A_230, %parallel_loop3A_232 : vector<16xi32>
      %parallel_loop3A_234 = tpu.vector_load_idx %arg8[%parallel_loop3A_233, %parallel_loop3A_174] : memref<128x32xf32, #tpu.memory_space<vmem>>[vector<16xi32>, vector<16xi32>], vector<16xf32>,
      %parallel_loop3A_235 = arith.constant 5.65685415 : f32
      %parallel_loop3A_236 = vector.broadcast %parallel_loop3A_235 : f32 to vector<16xf32>
      %parallel_loop3A_237 = arith.mulf %parallel_loop3A_234, %parallel_loop3A_236 : vector<16xf32>
      %parallel_loop3A_238 = arith.index_cast %parallel_loop3A_173 : i32 to index
      %parallel_loop3A_239 = arith.constant 80 : index
      %parallel_loop3A_240 = tpu.vector_load %arg12[%parallel_loop3A_238, %parallel_loop3A_239] {strides = array<i32>} : memref<32x128xf32, #tpu.memory_space<vmem>>, vector<16xf32>,
      tpu.vector_store %arg12[%parallel_loop3A_238, %parallel_loop3A_239], %parallel_loop3A_237 {strides = array<i32>} : memref<32x128xf32, #tpu.memory_space<vmem>>, vector<16xf32>,
      %parallel_loop3A_241 = tpu.iota {dimensions = array<i32: 0>} : vector<16xi32>
      %parallel_loop3A_242 = arith.constant 96 : i32
      %parallel_loop3A_243 = vector.broadcast %parallel_loop3A_242 : i32 to vector<16xi32>
      %parallel_loop3A_244 = arith.addi %parallel_loop3A_241, %parallel_loop3A_243 : vector<16xi32>
      %parallel_loop3A_245 = tpu.vector_load_idx %arg8[%parallel_loop3A_244, %parallel_loop3A_174] : memref<128x32xf32, #tpu.memory_space<vmem>>[vector<16xi32>, vector<16xi32>], vector<16xf32>,
      %parallel_loop3A_246 = arith.constant 5.65685415 : f32
      %parallel_loop3A_247 = vector.broadcast %parallel_loop3A_246 : f32 to vector<16xf32>
      %parallel_loop3A_248 = arith.mulf %parallel_loop3A_245, %parallel_loop3A_247 : vector<16xf32>
      %parallel_loop3A_249 = arith.index_cast %parallel_loop3A_173 : i32 to index
      %parallel_loop3A_250 = arith.constant 96 : index
      %parallel_loop3A_251 = tpu.vector_load %arg12[%parallel_loop3A_249, %parallel_loop3A_250] {strides = array<i32>} : memref<32x128xf32, #tpu.memory_space<vmem>>, vector<16xf32>,
      tpu.vector_store %arg12[%parallel_loop3A_249, %parallel_loop3A_250], %parallel_loop3A_248 {strides = array<i32>} : memref<32x128xf32, #tpu.memory_space<vmem>>, vector<16xf32>,
      %parallel_loop3A_252 = tpu.iota {dimensions = array<i32: 0>} : vector<16xi32>
      %parallel_loop3A_253 = arith.constant 112 : i32
      %parallel_loop3A_254 = vector.broadcast %parallel_loop3A_253 : i32 to vector<16xi32>
      %parallel_loop3A_255 = arith.addi %parallel_loop3A_252, %parallel_loop3A_254 : vector<16xi32>
      %parallel_loop3A_256 = tpu.vector_load_idx %arg8[%parallel_loop3A_255, %parallel_loop3A_174] : memref<128x32xf32, #tpu.memory_space<vmem>>[vector<16xi32>, vector<16xi32>], vector<16xf32>,
      %parallel_loop3A_257 = arith.constant 5.65685415 : f32
      %parallel_loop3A_258 = vector.broadcast %parallel_loop3A_257 : f32 to vector<16xf32>
      %parallel_loop3A_259 = arith.mulf %parallel_loop3A_256, %parallel_loop3A_258 : vector<16xf32>
      %parallel_loop3A_260 = arith.index_cast %parallel_loop3A_173 : i32 to index
      %parallel_loop3A_261 = arith.constant 112 : index
      %parallel_loop3A_262 = tpu.vector_load %arg12[%parallel_loop3A_260, %parallel_loop3A_261] {strides = array<i32>} : memref<32x128xf32, #tpu.memory_space<vmem>>, vector<16xf32>,
      tpu.vector_store %arg12[%parallel_loop3A_260, %parallel_loop3A_261], %parallel_loop3A_259 {strides = array<i32>} : memref<32x128xf32, #tpu.memory_space<vmem>>, vector<16xf32>,
    } {sc.loop_unroll_factor = 4 : i64, sc.parallel_access}
    %add3A_85 = arith.constant 25344 : i32
    %add3A_86 = arith.addi %mul3A_2, %add3A_85 : i32
    %shift_right_arithmetic3A_87 = arith.constant 14 : i32
    %shift_right_arithmetic3A_88 = arith.shrsi %add3A_86, %shift_right_arithmetic3A_87 : i32
    %and3A_89 = arith.constant 16383 : i32
    %and3A_90 = arith.andi %add3A_86, %and3A_89 : i32
    %multiple_of3A_91 = tpu.assume_multiple %and3A_90, 128 : i32
    %dma_start3A_92 = arith.constant 0 : i32
    %dma_start3A_93 = tpu.memref_slice %arg4[%shift_right_arithmetic3A_88, %dma_start3A_92, %multiple_of3A_91] : memref<50x32x16384xf32, #tpu.memory_space<hbm>> -> memref<1x32x128xf32, #tpu.memory_space<hbm>>
    %dma_start3A_94 = tpu.memref_squeeze %dma_start3A_93 : memref<1x32x128xf32, #tpu.memory_space<hbm>> -> memref<32x128xf32, #tpu.memory_space<hbm>>
    %dma_start3A_95 = arith.constant 0 : i32
    %dma_start3A_96 = tpu.memref_slice %arg4[%shift_right_arithmetic3A_88, %dma_start3A_95, %multiple_of3A_91] : memref<50x32x16384xf32, #tpu.memory_space<hbm>> -> memref<1x32x128xf32, #tpu.memory_space<hbm>>
    %dma_start3A_97 = tpu.memref_squeeze %dma_start3A_96 : memref<1x32x128xf32, #tpu.memory_space<hbm>> -> memref<32x128xf32, #tpu.memory_space<hbm>>
    tpu.enqueue_dma source(%arg12 : memref<32x128xf32, #tpu.memory_space<vmem>>) target(%dma_start3A_97 : memref<32x128xf32, #tpu.memory_space<hbm>>) target_semaphore(%arg20 : memref<!tpu.dma_semaphore, #tpu.memory_space<semaphore_mem>>)
    %dma_wait3A_98 = arith.constant 199 : i32
    %dma_wait3A_99 = arith.constant 0 : i32
    %dma_wait3A_100 = tpu.memref_slice %arg5[%dma_wait3A_98, %dma_wait3A_99] : memref<200x128xi32, #tpu.memory_space<vmem>> -> memref<1x128xi32, #tpu.memory_space<vmem>>
    %dma_wait3A_101 = tpu.memref_squeeze %dma_wait3A_100 : memref<1x128xi32, #tpu.memory_space<vmem>> -> memref<128xi32, #tpu.memory_space<vmem>>
    %dma_wait3A_102 = arith.constant 0 : i32
    %dma_wait3A_103 = arith.constant 0 : i32
    %dma_wait3A_104 = tpu.memref_slice %arg2[%dma_wait3A_102, %dma_wait3A_103] : memref<1000000x32xf32, #tpu.memory_space<hbm>> -> memref<1000000x32xf32, #tpu.memory_space<hbm>>
    tpu.wait_indirect_dma semaphore(%arg17 : memref<!tpu.dma_semaphore, #tpu.memory_space<semaphore_mem>>) src(%dma_wait3A_104 : memref<1000000x32xf32, #tpu.memory_space<hbm>>) dst(%arg9 : memref<128x32xf32, #tpu.memory_space<vmem>>)
    %parallel_loop3A_105 = arith.constant 0 : i32
    %parallel_loop3A_106 = arith.constant 32 : i32
    %parallel_loop3A_107 = arith.constant 1 : i32
    scf.for %parallel_loop3A_173 = %parallel_loop3A_105 to %parallel_loop3A_106 step %parallel_loop3A_107  : i32 {
      %parallel_loop3A_174 = vector.broadcast %parallel_loop3A_173 : i32 to vector<16xi32>
      %parallel_loop3A_175 = tpu.iota {dimensions = array<i32: 0>} : vector<16xi32>
      %parallel_loop3A_176 = arith.constant 0 : i32
      %parallel_loop3A_177 = vector.broadcast %parallel_loop3A_176 : i32 to vector<16xi32>
      %parallel_loop3A_178 = arith.addi %parallel_loop3A_175, %parallel_loop3A_177 : vector<16xi32>
      %parallel_loop3A_179 = tpu.vector_load_idx %arg9[%parallel_loop3A_178, %parallel_loop3A_174] : memref<128x32xf32, #tpu.memory_space<vmem>>[vector<16xi32>, vector<16xi32>], vector<16xf32>,
      %parallel_loop3A_180 = arith.constant 5.65685415 : f32
      %parallel_loop3A_181 = vector.broadcast %parallel_loop3A_180 : f32 to vector<16xf32>
      %parallel_loop3A_182 = arith.mulf %parallel_loop3A_179, %parallel_loop3A_181 : vector<16xf32>
      %parallel_loop3A_183 = arith.index_cast %parallel_loop3A_173 : i32 to index
      %parallel_loop3A_184 = arith.constant 0 : index
      %parallel_loop3A_185 = tpu.vector_load %arg13[%parallel_loop3A_183, %parallel_loop3A_184] {strides = array<i32>} : memref<32x128xf32, #tpu.memory_space<vmem>>, vector<16xf32>,
      tpu.vector_store %arg13[%parallel_loop3A_183, %parallel_loop3A_184], %parallel_loop3A_182 {strides = array<i32>} : memref<32x128xf32, #tpu.memory_space<vmem>>, vector<16xf32>,
      %parallel_loop3A_186 = tpu.iota {dimensions = array<i32: 0>} : vector<16xi32>
      %parallel_loop3A_187 = arith.constant 16 : i32
      %parallel_loop3A_188 = vector.broadcast %parallel_loop3A_187 : i32 to vector<16xi32>
      %parallel_loop3A_189 = arith.addi %parallel_loop3A_186, %parallel_loop3A_188 : vector<16xi32>
      %parallel_loop3A_190 = tpu.vector_load_idx %arg9[%parallel_loop3A_189, %parallel_loop3A_174] : memref<128x32xf32, #tpu.memory_space<vmem>>[vector<16xi32>, vector<16xi32>], vector<16xf32>,
      %parallel_loop3A_191 = arith.constant 5.65685415 : f32
      %parallel_loop3A_192 = vector.broadcast %parallel_loop3A_191 : f32 to vector<16xf32>
      %parallel_loop3A_193 = arith.mulf %parallel_loop3A_190, %parallel_loop3A_192 : vector<16xf32>
      %parallel_loop3A_194 = arith.index_cast %parallel_loop3A_173 : i32 to index
      %parallel_loop3A_195 = arith.constant 16 : index
      %parallel_loop3A_196 = tpu.vector_load %arg13[%parallel_loop3A_194, %parallel_loop3A_195] {strides = array<i32>} : memref<32x128xf32, #tpu.memory_space<vmem>>, vector<16xf32>,
      tpu.vector_store %arg13[%parallel_loop3A_194, %parallel_loop3A_195], %parallel_loop3A_193 {strides = array<i32>} : memref<32x128xf32, #tpu.memory_space<vmem>>, vector<16xf32>,
      %parallel_loop3A_197 = tpu.iota {dimensions = array<i32: 0>} : vector<16xi32>
      %parallel_loop3A_198 = arith.constant 32 : i32
      %parallel_loop3A_199 = vector.broadcast %parallel_loop3A_198 : i32 to vector<16xi32>
      %parallel_loop3A_200 = arith.addi %parallel_loop3A_197, %parallel_loop3A_199 : vector<16xi32>
      %parallel_loop3A_201 = tpu.vector_load_idx %arg9[%parallel_loop3A_200, %parallel_loop3A_174] : memref<128x32xf32, #tpu.memory_space<vmem>>[vector<16xi32>, vector<16xi32>], vector<16xf32>,
      %parallel_loop3A_202 = arith.constant 5.65685415 : f32
      %parallel_loop3A_203 = vector.broadcast %parallel_loop3A_202 : f32 to vector<16xf32>
      %parallel_loop3A_204 = arith.mulf %parallel_loop3A_201, %parallel_loop3A_203 : vector<16xf32>
      %parallel_loop3A_205 = arith.index_cast %parallel_loop3A_173 : i32 to index
      %parallel_loop3A_206 = arith.constant 32 : index
      %parallel_loop3A_207 = tpu.vector_load %arg13[%parallel_loop3A_205, %parallel_loop3A_206] {strides = array<i32>} : memref<32x128xf32, #tpu.memory_space<vmem>>, vector<16xf32>,
      tpu.vector_store %arg13[%parallel_loop3A_205, %parallel_loop3A_206], %parallel_loop3A_204 {strides = array<i32>} : memref<32x128xf32, #tpu.memory_space<vmem>>, vector<16xf32>,
      %parallel_loop3A_208 = tpu.iota {dimensions = array<i32: 0>} : vector<16xi32>
      %parallel_loop3A_209 = arith.constant 48 : i32
      %parallel_loop3A_210 = vector.broadcast %parallel_loop3A_209 : i32 to vector<16xi32>
      %parallel_loop3A_211 = arith.addi %parallel_loop3A_208, %parallel_loop3A_210 : vector<16xi32>
      %parallel_loop3A_212 = tpu.vector_load_idx %arg9[%parallel_loop3A_211, %parallel_loop3A_174] : memref<128x32xf32, #tpu.memory_space<vmem>>[vector<16xi32>, vector<16xi32>], vector<16xf32>,
      %parallel_loop3A_213 = arith.constant 5.65685415 : f32
      %parallel_loop3A_214 = vector.broadcast %parallel_loop3A_213 : f32 to vector<16xf32>
      %parallel_loop3A_215 = arith.mulf %parallel_loop3A_212, %parallel_loop3A_214 : vector<16xf32>
      %parallel_loop3A_216 = arith.index_cast %parallel_loop3A_173 : i32 to index
      %parallel_loop3A_217 = arith.constant 48 : index
      %parallel_loop3A_218 = tpu.vector_load %arg13[%parallel_loop3A_216, %parallel_loop3A_217] {strides = array<i32>} : memref<32x128xf32, #tpu.memory_space<vmem>>, vector<16xf32>,
      tpu.vector_store %arg13[%parallel_loop3A_216, %parallel_loop3A_217], %parallel_loop3A_215 {strides = array<i32>} : memref<32x128xf32, #tpu.memory_space<vmem>>, vector<16xf32>,
      %parallel_loop3A_219 = tpu.iota {dimensions = array<i32: 0>} : vector<16xi32>
      %parallel_loop3A_220 = arith.constant 64 : i32
      %parallel_loop3A_221 = vector.broadcast %parallel_loop3A_220 : i32 to vector<16xi32>
      %parallel_loop3A_222 = arith.addi %parallel_loop3A_219, %parallel_loop3A_221 : vector<16xi32>
      %parallel_loop3A_223 = tpu.vector_load_idx %arg9[%parallel_loop3A_222, %parallel_loop3A_174] : memref<128x32xf32, #tpu.memory_space<vmem>>[vector<16xi32>, vector<16xi32>], vector<16xf32>,
      %parallel_loop3A_224 = arith.constant 5.65685415 : f32
      %parallel_loop3A_225 = vector.broadcast %parallel_loop3A_224 : f32 to vector<16xf32>
      %parallel_loop3A_226 = arith.mulf %parallel_loop3A_223, %parallel_loop3A_225 : vector<16xf32>
      %parallel_loop3A_227 = arith.index_cast %parallel_loop3A_173 : i32 to index
      %parallel_loop3A_228 = arith.constant 64 : index
      %parallel_loop3A_229 = tpu.vector_load %arg13[%parallel_loop3A_227, %parallel_loop3A_228] {strides = array<i32>} : memref<32x128xf32, #tpu.memory_space<vmem>>, vector<16xf32>,
      tpu.vector_store %arg13[%parallel_loop3A_227, %parallel_loop3A_228], %parallel_loop3A_226 {strides = array<i32>} : memref<32x128xf32, #tpu.memory_space<vmem>>, vector<16xf32>,
      %parallel_loop3A_230 = tpu.iota {dimensions = array<i32: 0>} : vector<16xi32>
      %parallel_loop3A_231 = arith.constant 80 : i32
      %parallel_loop3A_232 = vector.broadcast %parallel_loop3A_231 : i32 to vector<16xi32>
      %parallel_loop3A_233 = arith.addi %parallel_loop3A_230, %parallel_loop3A_232 : vector<16xi32>
      %parallel_loop3A_234 = tpu.vector_load_idx %arg9[%parallel_loop3A_233, %parallel_loop3A_174] : memref<128x32xf32, #tpu.memory_space<vmem>>[vector<16xi32>, vector<16xi32>], vector<16xf32>,
      %parallel_loop3A_235 = arith.constant 5.65685415 : f32
      %parallel_loop3A_236 = vector.broadcast %parallel_loop3A_235 : f32 to vector<16xf32>
      %parallel_loop3A_237 = arith.mulf %parallel_loop3A_234, %parallel_loop3A_236 : vector<16xf32>
      %parallel_loop3A_238 = arith.index_cast %parallel_loop3A_173 : i32 to index
      %parallel_loop3A_239 = arith.constant 80 : index
      %parallel_loop3A_240 = tpu.vector_load %arg13[%parallel_loop3A_238, %parallel_loop3A_239] {strides = array<i32>} : memref<32x128xf32, #tpu.memory_space<vmem>>, vector<16xf32>,
      tpu.vector_store %arg13[%parallel_loop3A_238, %parallel_loop3A_239], %parallel_loop3A_237 {strides = array<i32>} : memref<32x128xf32, #tpu.memory_space<vmem>>, vector<16xf32>,
      %parallel_loop3A_241 = tpu.iota {dimensions = array<i32: 0>} : vector<16xi32>
      %parallel_loop3A_242 = arith.constant 96 : i32
      %parallel_loop3A_243 = vector.broadcast %parallel_loop3A_242 : i32 to vector<16xi32>
      %parallel_loop3A_244 = arith.addi %parallel_loop3A_241, %parallel_loop3A_243 : vector<16xi32>
      %parallel_loop3A_245 = tpu.vector_load_idx %arg9[%parallel_loop3A_244, %parallel_loop3A_174] : memref<128x32xf32, #tpu.memory_space<vmem>>[vector<16xi32>, vector<16xi32>], vector<16xf32>,
      %parallel_loop3A_246 = arith.constant 5.65685415 : f32
      %parallel_loop3A_247 = vector.broadcast %parallel_loop3A_246 : f32 to vector<16xf32>
      %parallel_loop3A_248 = arith.mulf %parallel_loop3A_245, %parallel_loop3A_247 : vector<16xf32>
      %parallel_loop3A_249 = arith.index_cast %parallel_loop3A_173 : i32 to index
      %parallel_loop3A_250 = arith.constant 96 : index
      %parallel_loop3A_251 = tpu.vector_load %arg13[%parallel_loop3A_249, %parallel_loop3A_250] {strides = array<i32>} : memref<32x128xf32, #tpu.memory_space<vmem>>, vector<16xf32>,
      tpu.vector_store %arg13[%parallel_loop3A_249, %parallel_loop3A_250], %parallel_loop3A_248 {strides = array<i32>} : memref<32x128xf32, #tpu.memory_space<vmem>>, vector<16xf32>,
      %parallel_loop3A_252 = tpu.iota {dimensions = array<i32: 0>} : vector<16xi32>
      %parallel_loop3A_253 = arith.constant 112 : i32
      %parallel_loop3A_254 = vector.broadcast %parallel_loop3A_253 : i32 to vector<16xi32>
      %parallel_loop3A_255 = arith.addi %parallel_loop3A_252, %parallel_loop3A_254 : vector<16xi32>
      %parallel_loop3A_256 = tpu.vector_load_idx %arg9[%parallel_loop3A_255, %parallel_loop3A_174] : memref<128x32xf32, #tpu.memory_space<vmem>>[vector<16xi32>, vector<16xi32>], vector<16xf32>,
      %parallel_loop3A_257 = arith.constant 5.65685415 : f32
      %parallel_loop3A_258 = vector.broadcast %parallel_loop3A_257 : f32 to vector<16xf32>
      %parallel_loop3A_259 = arith.mulf %parallel_loop3A_256, %parallel_loop3A_258 : vector<16xf32>
      %parallel_loop3A_260 = arith.index_cast %parallel_loop3A_173 : i32 to index
      %parallel_loop3A_261 = arith.constant 112 : index
      %parallel_loop3A_262 = tpu.vector_load %arg13[%parallel_loop3A_260, %parallel_loop3A_261] {strides = array<i32>} : memref<32x128xf32, #tpu.memory_space<vmem>>, vector<16xf32>,
      tpu.vector_store %arg13[%parallel_loop3A_260, %parallel_loop3A_261], %parallel_loop3A_259 {strides = array<i32>} : memref<32x128xf32, #tpu.memory_space<vmem>>, vector<16xf32>,
    } {sc.loop_unroll_factor = 4 : i64, sc.parallel_access}
    %add3A_108 = arith.constant 25472 : i32
    %add3A_109 = arith.addi %mul3A_2, %add3A_108 : i32
    %shift_right_arithmetic3A_110 = arith.constant 14 : i32
    %shift_right_arithmetic3A_111 = arith.shrsi %add3A_109, %shift_right_arithmetic3A_110 : i32
    %and3A_112 = arith.constant 16383 : i32
    %and3A_113 = arith.andi %add3A_109, %and3A_112 : i32
    %multiple_of3A_114 = tpu.assume_multiple %and3A_113, 128 : i32
    %dma_start3A_115 = arith.constant 0 : i32
    %dma_start3A_116 = tpu.memref_slice %arg4[%shift_right_arithmetic3A_111, %dma_start3A_115, %multiple_of3A_114] : memref<50x32x16384xf32, #tpu.memory_space<hbm>> -> memref<1x32x128xf32, #tpu.memory_space<hbm>>
    %dma_start3A_117 = tpu.memref_squeeze %dma_start3A_116 : memref<1x32x128xf32, #tpu.memory_space<hbm>> -> memref<32x128xf32, #tpu.memory_space<hbm>>
    %dma_start3A_118 = arith.constant 0 : i32
    %dma_start3A_119 = tpu.memref_slice %arg4[%shift_right_arithmetic3A_111, %dma_start3A_118, %multiple_of3A_114] : memref<50x32x16384xf32, #tpu.memory_space<hbm>> -> memref<1x32x128xf32, #tpu.memory_space<hbm>>
    %dma_start3A_120 = tpu.memref_squeeze %dma_start3A_119 : memref<1x32x128xf32, #tpu.memory_space<hbm>> -> memref<32x128xf32, #tpu.memory_space<hbm>>
    tpu.enqueue_dma source(%arg13 : memref<32x128xf32, #tpu.memory_space<vmem>>) target(%dma_start3A_120 : memref<32x128xf32, #tpu.memory_space<hbm>>) target_semaphore(%arg21 : memref<!tpu.dma_semaphore, #tpu.memory_space<semaphore_mem>>)
    %add3A_121 = arith.constant 25088 : i32
    %add3A_122 = arith.addi %mul3A_2, %add3A_121 : i32
    %shift_right_arithmetic3A_123 = arith.constant 14 : i32
    %shift_right_arithmetic3A_124 = arith.shrsi %add3A_122, %shift_right_arithmetic3A_123 : i32
    %and3A_125 = arith.constant 16383 : i32
    %and3A_126 = arith.andi %add3A_122, %and3A_125 : i32
    %multiple_of3A_127 = tpu.assume_multiple %and3A_126, 128 : i32
    %dma_wait3A_128 = arith.constant 0 : i32
    %dma_wait3A_129 = tpu.memref_slice %arg4[%shift_right_arithmetic3A_124, %dma_wait3A_128, %multiple_of3A_127] : memref<50x32x16384xf32, #tpu.memory_space<hbm>> -> memref<1x32x128xf32, #tpu.memory_space<hbm>>
    %dma_wait3A_130 = tpu.memref_squeeze %dma_wait3A_129 : memref<1x32x128xf32, #tpu.memory_space<hbm>> -> memref<32x128xf32, #tpu.memory_space<hbm>>
    %dma_wait3A_131 = arith.constant 0 : i32
    %dma_wait3A_132 = tpu.memref_slice %arg4[%shift_right_arithmetic3A_124, %dma_wait3A_131, %multiple_of3A_127] : memref<50x32x16384xf32, #tpu.memory_space<hbm>> -> memref<1x32x128xf32, #tpu.memory_space<hbm>>
    %dma_wait3A_133 = tpu.memref_squeeze %dma_wait3A_132 : memref<1x32x128xf32, #tpu.memory_space<hbm>> -> memref<32x128xf32, #tpu.memory_space<hbm>>
    tpu.wait_dma2 semaphore(%arg18 : memref<!tpu.dma_semaphore, #tpu.memory_space<semaphore_mem>>) src(%arg10 : memref<32x128xf32, #tpu.memory_space<vmem>>) dst(%dma_wait3A_133 : memref<32x128xf32, #tpu.memory_space<hbm>>)
    %add3A_134 = arith.constant 25216 : i32
    %add3A_135 = arith.addi %mul3A_2, %add3A_134 : i32
    %shift_right_arithmetic3A_136 = arith.constant 14 : i32
    %shift_right_arithmetic3A_137 = arith.shrsi %add3A_135, %shift_right_arithmetic3A_136 : i32
    %and3A_138 = arith.constant 16383 : i32
    %and3A_139 = arith.andi %add3A_135, %and3A_138 : i32
    %multiple_of3A_140 = tpu.assume_multiple %and3A_139, 128 : i32
    %dma_wait3A_141 = arith.constant 0 : i32
    %dma_wait3A_142 = tpu.memref_slice %arg4[%shift_right_arithmetic3A_137, %dma_wait3A_141, %multiple_of3A_140] : memref<50x32x16384xf32, #tpu.memory_space<hbm>> -> memref<1x32x128xf32, #tpu.memory_space<hbm>>
    %dma_wait3A_143 = tpu.memref_squeeze %dma_wait3A_142 : memref<1x32x128xf32, #tpu.memory_space<hbm>> -> memref<32x128xf32, #tpu.memory_space<hbm>>
    %dma_wait3A_144 = arith.constant 0 : i32
    %dma_wait3A_145 = tpu.memref_slice %arg4[%shift_right_arithmetic3A_137, %dma_wait3A_144, %multiple_of3A_140] : memref<50x32x16384xf32, #tpu.memory_space<hbm>> -> memref<1x32x128xf32, #tpu.memory_space<hbm>>
    %dma_wait3A_146 = tpu.memref_squeeze %dma_wait3A_145 : memref<1x32x128xf32, #tpu.memory_space<hbm>> -> memref<32x128xf32, #tpu.memory_space<hbm>>
    tpu.wait_dma2 semaphore(%arg19 : memref<!tpu.dma_semaphore, #tpu.memory_space<semaphore_mem>>) src(%arg11 : memref<32x128xf32, #tpu.memory_space<vmem>>) dst(%dma_wait3A_146 : memref<32x128xf32, #tpu.memory_space<hbm>>)
    %add3A_147 = arith.constant 25344 : i32
    %add3A_148 = arith.addi %mul3A_2, %add3A_147 : i32
    %shift_right_arithmetic3A_149 = arith.constant 14 : i32
    %shift_right_arithmetic3A_150 = arith.shrsi %add3A_148, %shift_right_arithmetic3A_149 : i32
    %and3A_151 = arith.constant 16383 : i32
    %and3A_152 = arith.andi %add3A_148, %and3A_151 : i32
    %multiple_of3A_153 = tpu.assume_multiple %and3A_152, 128 : i32
    %dma_wait3A_154 = arith.constant 0 : i32
    %dma_wait3A_155 = tpu.memref_slice %arg4[%shift_right_arithmetic3A_150, %dma_wait3A_154, %multiple_of3A_153] : memref<50x32x16384xf32, #tpu.memory_space<hbm>> -> memref<1x32x128xf32, #tpu.memory_space<hbm>>
    %dma_wait3A_156 = tpu.memref_squeeze %dma_wait3A_155 : memref<1x32x128xf32, #tpu.memory_space<hbm>> -> memref<32x128xf32, #tpu.memory_space<hbm>>
    %dma_wait3A_157 = arith.constant 0 : i32
    %dma_wait3A_158 = tpu.memref_slice %arg4[%shift_right_arithmetic3A_150, %dma_wait3A_157, %multiple_of3A_153] : memref<50x32x16384xf32, #tpu.memory_space<hbm>> -> memref<1x32x128xf32, #tpu.memory_space<hbm>>
    %dma_wait3A_159 = tpu.memref_squeeze %dma_wait3A_158 : memref<1x32x128xf32, #tpu.memory_space<hbm>> -> memref<32x128xf32, #tpu.memory_space<hbm>>
    tpu.wait_dma2 semaphore(%arg20 : memref<!tpu.dma_semaphore, #tpu.memory_space<semaphore_mem>>) src(%arg12 : memref<32x128xf32, #tpu.memory_space<vmem>>) dst(%dma_wait3A_159 : memref<32x128xf32, #tpu.memory_space<hbm>>)
    %add3A_160 = arith.constant 25472 : i32
    %add3A_161 = arith.addi %mul3A_2, %add3A_160 : i32
    %shift_right_arithmetic3A_162 = arith.constant 14 : i32
    %shift_right_arithmetic3A_163 = arith.shrsi %add3A_161, %shift_right_arithmetic3A_162 : i32
    %and3A_164 = arith.constant 16383 : i32
    %and3A_165 = arith.andi %add3A_161, %and3A_164 : i32
    %multiple_of3A_166 = tpu.assume_multiple %and3A_165, 128 : i32
    %dma_wait3A_167 = arith.constant 0 : i32
    %dma_wait3A_168 = tpu.memref_slice %arg4[%shift_right_arithmetic3A_163, %dma_wait3A_167, %multiple_of3A_166] : memref<50x32x16384xf32, #tpu.memory_space<hbm>> -> memref<1x32x128xf32, #tpu.memory_space<hbm>>
    %dma_wait3A_169 = tpu.memref_squeeze %dma_wait3A_168 : memref<1x32x128xf32, #tpu.memory_space<hbm>> -> memref<32x128xf32, #tpu.memory_space<hbm>>
    %dma_wait3A_170 = arith.constant 0 : i32
    %dma_wait3A_171 = tpu.memref_slice %arg4[%shift_right_arithmetic3A_163, %dma_wait3A_170, %multiple_of3A_166] : memref<50x32x16384xf32, #tpu.memory_space<hbm>> -> memref<1x32x128xf32, #tpu.memory_space<hbm>>
    %dma_wait3A_172 = tpu.memref_squeeze %dma_wait3A_171 : memref<1x32x128xf32, #tpu.memory_space<hbm>> -> memref<32x128xf32, #tpu.memory_space<hbm>>
    tpu.wait_dma2 semaphore(%arg21 : memref<!tpu.dma_semaphore, #tpu.memory_space<semaphore_mem>>) src(%arg13 : memref<32x128xf32, #tpu.memory_space<vmem>>) dst(%dma_wait3A_172 : memref<32x128xf32, #tpu.memory_space<hbm>>)
    return
  }
}

</mosaic_0001>

<sc_bundles>
// kernel: kernel.3.cloned.1.call-start
scs
__scs_entry_jumppad:
0x0: {  	(pc) =	sbr.rel $0x88, $3  }
0x1: {  	(tag) =	ssettag $0x0;
	lr =	simm.s32 $0x1  }
0x2: {  	[smem:$0x3F9F] =	sst lr;
	_ =	strace $0xD0000000  }
0x3: {  	_ = 	snop  }
0x4: {  	_ = 	snop  }
0x5: {  	_ = 	snop  }
0x6: {  	_ = 	snop  }
0x7: {  	_ = 	snop  }
__scs_overlays_trampoline_lowered:
0x8: {  	[smem:$0x3FAE] =	sst s0  }
0x9: {  	[smem:$0x3FAF] =	sst s1  }
0xa: {  	[smem:$0x3FB0] =	sst s2  }
0xb: {  	[smem:$0x3FB1] =	sst s3  }
0xc: {  	[smem:$0x3FB2] =	sst s4  }
0xd: {  	[smem:$0x3FB3] =	sst s5  }
0xe: {  	[smem:$0x3FB4] =	sst s6  }
0xf: {  	[smem:$0x3FB5] =	sst s7  }
0x10: {  	[smem:$0x3FB6] =	sst s8  }
0x11: {  	[smem:$0x3FB7] =	sst s9;
	s0 =	simm.s32 @!p0 $0x0  }
0x12: {  	s1 =	sld [smem:$0x3F9D];
	s0 =	simm.s32 @p0 $0x1  }
0x13: {  	[smem:$0x3FB8] =	sst s0;
	s0 =	simm.s32 @!p1 $0x0  }
0x14: {  	s2 =	sld [smem:$0x3F9C];
	s0 =	simm.s32 @p1 $0x1  }
0x15: {  	[smem:$0x3FB9] =	sst s0;
	s0 =	simm.s32 @!p2 $0x0  }
0x16: {  	s3 =	sld [smem:$0x3FDB];
	s0 =	simm.s32 @p2 $0x1  }
0x17: {  	s4 =	simm.s32 $0x1BF5;
	[smem:$0x3FBB] =	sst s0  }
0x18: {  	s0 =	sld [smem:$0x3F9E];
	_ =	swait.ge [sflag:s4], $0x0  }
0x19: {  	s7 =	sld [smem:$0x3F9F]  }
0x1a: {  	s8 =	sadd.s32 $0xFFFFE003, lr  }
0x1b: {  	s9 =	sadd.s32 $0xFFFFFEF7, lr;
	s5 =	simm.s32 $0xFFFFFFFF;
	p2 =	slt.u32 s8, $0xFFFFF086  }
0x1c: {  	p1 =	slt.u32 s9, $0xF7A;
	s5 =	simm.s32 @!p2 $0x0  }
0x1d: {  	s5 =	simm.s32 @p1 $0x1;
	p0 =	seq.s32 s7, s2  }
0x1e: {  	s7 =	smul.u32 @!p0 $0xF7A, s2;
	p2 =	seq.s32 @!p0 s5, $0x0  }
0x1f: {  	s9 =	smul.u32 $0xF7A, s1;
	s8 =	simm.s32 @!p0 $0x1BF5;
	p2 =	por !p2, p0  }
0x20: {  	[sflag:s8] =	ssyncset.s32 @!p0 $0xFFFFF086;
	s6 =	sadd.s32 @!p0 s3, s7;
	s7 =	simm.s32 @!p0 $0x108  }
0x21: {  	s3 =	sadd.s32 s3, s9;
	s6 =	sadd.s32 @!p0 $0x88, s6;
	s7 =	simm.s32 @p2 $0x1082  }
0x22: {  	[simem:s7], [sflag:s8] =	dma.local @!p0 [hbm:s6], $0xF7A  }
0x23: {  	s9 =	sor.u32 $0xD0000000, s2;
	s6 =	simm.s32 $0x108;
	_ =	swait.ge @!p0 [sflag:s8], $0x0  }
0x24: {  	s3 =	sadd.s32 $0x88, s3;
	s6 =	simm.s32 @!p1 $0x1082;
	[sflag:s4] =	ssyncset.s32 $0xFFFFF086  }
0x25: {  	[simem:s6], [sflag:s4] =	dma.local [hbm:s3], $0xF7A  }
0x26: {  	[smem:$0x3F9F] =	sst s1;
	(tag) =	ssettag s2;
	_ =	strace s9  }
0x27: {  	s1 =	sld [smem:$0x3FAF]  }
0x28: {  	s2 =	sld [smem:$0x3FB0]  }
0x29: {  	s4 =	sld [smem:$0x3FB2]  }
0x2a: {  	p0 =	seq.s32 s5, $0x0;
	s5 =	sld [smem:$0x3FB3]  }
0x2b: {  	s6 =	sld [smem:$0x3FB4]  }
0x2c: {  	s7 =	sld [smem:$0x3FB5]  }
0x2d: {  	s3 =	simm.s32 $0x108;
	s8 =	sld [smem:$0x3FB6]  }
0x2e: {  	s3 =	simm.s32 @!p0 $0x1082;
	s9 =	sld [smem:$0x3FB7]  }
0x2f: {  	lr =	sadd.s32 s0, s3;
	s0 =	sld [smem:$0x3FAE]  }
0x30: {  	s3 =	sld [smem:$0x3FB1]  }
0x31: {  	[smem:$0x3FBA] =	sst s10  }
0x32: {  	s10 =	sld [smem:$0x3FB8];
	_ =	sdelay $0x3  }
0x33: {  	p0 =	seq.s32 s10, $0x1;
	s10 =	sld [smem:$0x3FBA];
	_ =	sdelay $0x3  }
0x34: {  	[smem:$0x3FBA] =	sst s10  }
0x35: {  	s10 =	sld [smem:$0x3FB9];
	_ =	sdelay $0x3  }
0x36: {  	p1 =	seq.s32 s10, $0x1;
	s10 =	sld [smem:$0x3FBA];
	_ =	sdelay $0x3  }
0x37: {  	[smem:$0x3FBA] =	sst s10  }
0x38: {  	s10 =	sld [smem:$0x3FBB]  }
0x39: {  	_ = 	snop;
	(pc) =	sbr.ind lr, $3  }
0x3a: {  	_ = 	snop  }
0x3b: {  	_ = 	snop  }
0x3c: {  	p2 =	seq.s32 s10, $0x1;
	s10 =	sld [smem:$0x3FBA]  }
0x3d: {  	_ =	shalt  }
0x3e: {  	_ =	shalt  }
0x3f: {  	_ =	shalt  }
0x40: {  	_ =	shalt  }
0x41: {  	_ =	shalt  }
0x42: {  	_ =	shalt  }
0x43: {  	_ =	shalt  }
0x44: {  	_ =	shalt  }
0x45: {  	_ =	shalt  }
0x46: {  	_ =	shalt  }
0x47: {  	_ =	shalt  }
0x48: {  	_ =	shalt  }
0x49: {  	_ =	shalt  }
0x4a: {  	_ =	shalt  }
0x4b: {  	_ =	shalt  }
0x4c: {  	_ =	shalt  }
0x4d: {  	_ =	shalt  }
0x4e: {  	_ =	shalt  }
0x4f: {  	_ =	shalt  }
0x50: {  	_ =	shalt  }
0x51: {  	_ =	shalt  }
0x52: {  	_ =	shalt  }
0x53: {  	_ =	shalt  }
0x54: {  	_ =	shalt  }
0x55: {  	_ =	shalt  }
0x56: {  	_ =	shalt  }
0x57: {  	_ =	shalt  }
0x58: {  	_ =	shalt  }
0x59: {  	_ =	shalt  }
0x5a: {  	_ =	shalt  }
0x5b: {  	_ =	shalt  }
0x5c: {  	_ =	shalt  }
0x5d: {  	_ =	shalt  }
0x5e: {  	_ =	shalt  }
0x5f: {  	_ =	shalt  }
0x60: {  	_ =	shalt  }
0x61: {  	_ =	shalt  }
0x62: {  	_ =	shalt  }
0x63: {  	_ =	shalt  }
0x64: {  	_ =	shalt  }
0x65: {  	_ =	shalt  }
0x66: {  	_ =	shalt  }
0x67: {  	_ =	shalt  }
0x68: {  	_ =	shalt  }
0x69: {  	_ =	shalt  }
0x6a: {  	_ =	shalt  }
0x6b: {  	_ =	shalt  }
0x6c: {  	_ =	shalt  }
0x6d: {  	_ =	shalt  }
0x6e: {  	_ =	shalt  }
0x6f: {  	_ =	shalt  }
0x70: {  	_ =	shalt  }
0x71: {  	_ =	shalt  }
0x72: {  	_ =	shalt  }
0x73: {  	_ =	shalt  }
0x74: {  	_ =	shalt  }
0x75: {  	_ =	shalt  }
0x76: {  	_ =	shalt  }
0x77: {  	_ =	shalt  }
0x78: {  	_ =	shalt  }
0x79: {  	_ =	shalt  }
0x7a: {  	_ =	shalt  }
0x7b: {  	_ =	shalt  }
0x7c: {  	_ =	shalt  }
0x7d: {  	_ =	shalt  }
0x7e: {  	_ =	shalt  }
0x7f: {  	_ =	shalt  }
0x80: {  	_ =	shalt  }
0x81: {  	_ =	shalt  }
0x82: {  	_ =	shalt  }
0x83: {  	_ =	shalt  }
0x84: {  	_ =	shalt  }
0x85: {  	_ =	shalt  }
0x86: {  	_ =	shalt  }
0x87: {  	_ =	shalt  }
.Lfunc_end0:
.L_simem_size_0:
called_computation_lowered:
.L_overlay_start_0:
0x88: {  	s2 =	sld [smem:$0x3FD9]  }
0x89: {  	s3 =	sld [smem:$0x3FFE];
	_ =	sdelay $0x1  }
0x8a: {  	s1 =	srdreg.scid  }
0x8b: {  	s0 =	sand.u32 $0x1, s1  }
0x8c: {  	s17 =	sshll.u32 s0, $0xA;
	s2 =	sadd.s32 s3, s2  }
0x8d: {  	s2 =	sadd.s32 s2, s17  }
0x8e: {  	[smem:$0x3FC6] =	sst s2  }
0x8f: {  	_ = 	snop  }
0x90: {  	s2 =	sld [smem:$0x3FD0];
	(tm) =	ssettm $0x1  }
0x91: {  	s18 =	sld [smem:$0x3FFB];
	_ =	sdelay $0x3  }
0x92: {  	_ =	strace s18  }
0x93: {  	s3 =	sld [smem:$0x3FFC];
	_ =	sdelay $0x3  }
0x94: {  	_ =	strace s3  }
0x95: {  	s3 =	sld [smem:$0x3FFD];
	_ =	sdelay $0x3  }
0x96: {  	_ =	strace s3  }
0x97: {  	_ =	strace $0x8FFFFFFF  }
0x98: {  	s19 =	sld [smem:$0x3FDB];
	_ =	sdelay $0x1  }
0x99: {  	s4 =	simm.s32 $_scs_section_size  }
0x9a: {  	s5 =	simm.s32 $_size__tile_overlayer_lowered;
	s6 =	simm.s32 $_tile_overlayer_lowered  }
0x9b: {  	s22 =	simm.s32 $0x1BFF;
	s21 =	sshll.u32 s6, $0x1;
	s3 =	sadd.s32 s4, s19  }
0x9c: {  	s7 =	simm.s32 $0x0;
	s20 =	sshll.u32 s5, $0x1;
	s5 =	sadd.s32 s21, s3  }
0x9d: {  	[timem:s7], [sflag:s22] =	dma.local [hbm:s5], s20  }
0x9e: {  	_ =	swait.ge [sflag:s22], s20  }
0x9f: {  	s4 =	ssub.s32 $0x0, s20;
	[sflag:s22] =	ssyncset.done $0x0  }
0xa0: {  	[sflag:s22] =	ssyncadd.s32 s4;
	_ =	sdelay $0x1  }
0xa1: {  	s23 =	simm.s32 $0x1B8B  }
0xa2: {  	_ =	swait.ge [sflag:s23], $0x1  }
0xa3: {  	[sflag:s23] =	ssyncset.done $0x0  }
0xa4: {  	s25 =	simm.s32 $0x1B8E;
	s24 =	sld [smem:$0x3FFE];
	[sflag:s23] =	ssyncadd.s32 $0xFFFFFFFF  }
0xa5: {  	s26 =	simm.s32 $execute0_lowered;
	[smem:$0x3FD2] =	sst s25  }
0xa6: {  	s5 =	sshll.u32 s26, $0x1;
	_ =	strace $0x80000046;
	[dreg:$0x1] =	wrdreg $0xFFFFFFFF  }
0xa7: {  	s28 =	simm.s32 $_size_execute0_lowered;
	s3 =	sadd.s32 s3, s5;
	[dreg:$0x0] =	wrdreg $0x0  }
0xa8: {  	s5 =	sshll.u32 s28, $0x1;
	[dreg:$0x2] =	wrdreg s3  }
0xa9: {  	[dreg:$0x3] =	wrdreg s5  }
0xaa: {  	[dreg:$0x4] =	wrdreg $0xC0  }
0xab: {  	_ =	task [dreg:s7], $0x5FFFF  }
0xac: {  	[dreg:$0x1] =	wrdreg $0xFFFFFFFF  }
0xad: {  	[dreg:$0x0] =	wrdreg $0x60  }
0xae: {  	[dreg:$0x2] =	wrdreg s24  }
0xaf: {  	[dreg:$0x3] =	wrdreg s2  }
0xb0: {  	[dreg:$0x4] =	wrdreg $0x9  }
0xb1: {  	_ =	task.clear_ibuf [dreg:s7], $0x5FFFF;
	_ =	strace $0x90000046  }
0xb2: {  	s29 =	simm.s32 $0x9;
	_ =	strace $0x80000048  }
0xb3: {  	_ =	swait.ge [sflag:s29], $0x1  }
0xb4: {  	[sflag:s29] =	ssyncadd.s32 $0xFFFFFFFF  }
0xb5: {  	_ =	strace $0x90000048  }
0xb6: {  	_ =	sfence  }
0xb7: {  	s30 =	sld [smem:$0x0];
	_ =	sdelay $0x2  }
0xb8: {  	s31 =	sshll.u32 s1, $0xD;
	s1 =	sshrl.u32 s1, $0x2  }
0xb9: {  	s3 =	sand.u32 $0x4000, s31;
	s1 =	sadd.s32 s1, s30  }
0xba: {  	s0 =	sor.u32 s3, s0;
	s1 =	sshll.u32 s1, $0x11  }
0xbb: {  	s0 =	sor.u32 s1, s0  }
0xbc: {  	s0 =	sadd.s32 $0x8F2B, s0  }
0xbd: {  	[sflag:s0] =	ssyncadd.remote.s32 $0x1  }
0xbe: {  	_ =	sfence.sel $0xFFFF  }
0xbf: {  	[dreg:$0x0] =	wrdreg $0xFFFFFFFF;
	(pc) =	sbr.abs _section_cstart, $3  }
0xc0: {  	[dreg:$0x1] =	wrdreg $0xFFFFFFFF  }
0xc1: {  	_ =	task.clear_ibuf [dreg:s7], $0x2FFFF;
	_ =	strace $0x9FFFFFFF  }
0xc2: {  	(tm) =	ssettm $0x7FFFFFFF  }
0xc3: {  	_ =	shalt  }
tec
execute0_lowered:
.L_overlay_start_1:
0x0: {  	(tag) =	ssettag $0x1  }
0x1: {  	s0 =	rddreg [dreg:$0x0];
	s1 =	srdreg.scid  }
0x2: {  	s3 =	stileid.u32;
	s2 =	rddreg [dreg:$0x1];
	s5 =	simm.s32 $0x0  }
0x3: {  	s28 =	simm.s32 $0xC400;
	s1 =	sand.u32 $0x1, s1;
	s3 =	sshll.u32 s3, $0x1  }
0x4: {  	s29 =	simm.s32 $0x6;
	s30 =	simm.s32 $0x4;
	s4 =	sor.u32 s1, s3  }
0x5: {  	s31 =	simm.s32 $0xD400;
	[smem:$0x7FF] =	sst s5;
	s3 =	smul.u32 $0x6400, s4  }
0x6: {  	s5 =	sadd.s32 $0x600, s0;
	s1 =	ssub.s32 $0x2, s1;
	s7 =	smul.u32 $0xC8000, s4  }
0x7: {  	_ =	strace $0x80000047;
	s6 =	sshrl.u32 s1, $0x1;
	s4 =	sadd.s32 $0xF42A00, s0  }
0x8: {  	s13 =	ssub.s32 s1, s6;
	s14 =	sshrl.u32 s3, $0x3;
	s15 =	sand.u32 $0x1F80000, s7  }
0x9: {  	s16 =	sand.u32 $0x3C00, s3;
	s18 =	sadd.s32 $0x6300, s3;
	s20 =	sadd.s32 $0x6380, s3  }
0xa: {  	s0 =	smax.u32 s13, $0x1;
	s13 =	simm.s32 $0x80;
	s1 =	sadd.s32 s2, s14  }
0xb: {  	s17 =	sor.u32 s16, s15;
	s19 =	sshll.u32 s18, $0x5;
	s2 =	sand.u32 $0x3F00, s18  }
0xc: {  	s8 =	sshll.u32 s20, $0x5;
	s7 =	sand.u32 $0x3F80, s20;
	[dreg:$0x8] =	wrdreg s0  }
0xd: {  	s14 =	simm.s32 $0x6400;
	s15 =	simm.s32 $0x7400;
	s18 =	simm.s32 $0x1  }
0xe: {  	s0 =	simm.s32 $0x8;
	[dreg:$0x3] =	wrdreg s1;
	s1 =	sshrl.u32 s17, $0x3  }
0xf: {  	s6 =	sand.u32 $0x3F80000, s19;
	s21 =	sand.u32 $0x3F80000, s8;
	s17 =	simm.s32 $0x8400  }
0x10: {  	s19 =	simm.s32 $0x4000;
	s2 =	sor.u32 s2, s6;
	s22 =	sadd.s32 s5, s1  }
0x11: {  	v0 =	vlaneseq.u32;
	s24 =	sor.u32 s7, s21;
	s6 =	simm.s32 $0x0;
	s21 =	simm.s32 $0x0  }
0x12: {  	v0 =	vmul.u32 $0x20, v0;
	s23 =	sshrl.u32 s2, $0x3;
	[dreg:$0x4] =	wrdreg s22;
	s25 =	sadd.s32 $0x10, s22  }
0x13: {  	s26 =	sshrl.u32 s24, $0x3;
	s22 =	simm.s32 $0x9400;
	s24 =	simm.s32 $0xB400  }
0x14: {  	v1 =	vor.u32 $0x200, v0;
	[dreg:$0x5] =	wrdreg s25;
	s1 =	sadd.s32 s5, s23;
	s23 =	simm.s32 $0x2  }
0x15: {  	v2 =	vor.u32 $0x400, v0;
	v3 =	vor.u32 $0x600, v0;
	v4 =	vor.u32 $0x800, v0;
	s25 =	simm.s32 $0x5;
	[dreg:$0x6] =	wrdreg s1;
	s1 =	sadd.s32 s5, s26  }
0x16: {  	v5 =	vor.u32 $0xA00, v0;
	v6 =	vor.u32 $0xC00, v0;
	v7 =	vor.u32 $0xE00, v0;
	s26 =	simm.s32 $0x3;
	[dreg:$0x7] =	wrdreg s1;
	s1 =	simm.s32 $0x7  }
.LBB2_1:
0x17: {  	[dreg:$0x9] =	wrdreg s6  }
0x18: {  	s7 =	simm.s32 $0x0;
	s2 =	rddreg [dreg:$0x3];
	s8 =	simm.s32 $0x9  }
0x19: {  	[tilespmem:s7], [sflag:$0x9] =	stream.linear.gather [hbm4b:s2+s7], $0x6400, $0x38;
	[tilespmem:$0xE400] =	vst v63  }
0x1a: {  	_ =	swait.ge [sflag:s8], $0x6400  }
0x1b: {  	s9 =	simm.s32 $0x3;
	[sflag:s8] =	ssyncset.done $0x0  }
0x1c: {  	s10 =	simm.s32 $0x1;
	s11 =	simm.s32 $0x2;
	v8 =	vmov s9;
	[sflag:s8] =	ssyncadd.s32 $0xFFFF9C00  }
0x1d: {  	v9 =	vmov s10;
	v8 =	vand.u32 $0x1F, v8;
	[tilespmem:s14], [sflag:$0x1] =	stream.indirect.gather [hbm4b:s4+s13], $0x20, s7, s13, $0xb8;
	[tilespmem:$0xE400] =	vst v63  }
0x1e: {  	v10 =	vmov s11;
	v9 =	vand.u32 $0x1D, v9;
	v19 =	vbroadcast v8, $0x0  }
0x1f: {  	v8 =	vmov s7;
	v18 =	vbroadcast v9, $0x0;
	v9 =	vand.u32 $0x1E, v10;
	[tilespmem:s15], [sflag:$0x2] =	stream.indirect.gather [hbm4b:s4+s13], $0x20, s13, s13, $0xb8;
	[tilespmem:$0xE400] =	vst v63  }
0x20: {  	s12 =	simm.s32 $0x100;
	v8 =	vand.u32 $0x1C, v8;
	v17 =	vbroadcast v9, $0x0;
	v9 =	vor.u32 v0, v19  }
0x21: {  	v16 =	vbroadcast v8, $0x0;
	v8 =	vor.u32 v0, v18;
	[tilespmem:s17], [sflag:$0x3] =	stream.indirect.gather [hbm4b:s4+s13], $0x20, s12, s13, $0xb8;
	[tilespmem:$0xE400] =	vst v63  }
0x22: {  	v10 =	vor.u32 v0, v17;
	_ =	swait.ge [sflag:s18], $0x1000  }
0x23: {  	v11 =	vor.u32 v0, v16;
	[sflag:s18] =	ssyncset.done $0x0  }
0x24: {  	[sflag:s18] =	ssyncadd.s32 $0xFFFFF000  }
0x25: {  	v9 =	vld.idx.msk [tilespmem:v9+s14+$0x0], $0xffff  }
0x26: {  	v8 =	vld.idx.msk [tilespmem:v8+s14+$0x0], $0xffff  }
0x27: {  	v10 =	vld.idx.msk [tilespmem:v10+s14+$0x0], $0xffff  }
0x28: {  	v12 =	vor.u32 v1, v19;
	v11 =	vld.idx.msk [tilespmem:v11+s14+$0x0], $0xffff  }
0x29: {  	v13 =	vor.u32 v1, v18  }
0x2a: {  	v14 =	vor.u32 v1, v17;
	v9 =	vmul.f32 $5.656854150e+00, v9  }
0x2b: {  	s7 =	simm.s32 $0xA500;
	v15 =	vor.u32 v1, v16;
	v8 =	vmul.f32 $5.656854150e+00, v8  }
0x2c: {  	v10 =	vmul.f32 $5.656854150e+00, v10;
	[tilespmem:s7+$0x80] =	vst v9  }
0x2d: {  	v9 =	vmul.f32 $5.656854150e+00, v11;
	[tilespmem:s7+$0xFFFFFF80] =	vst v8;
	v8 =	vld.idx.msk [tilespmem:v12+s14+$0x0], $0xffff  }
0x2e: {  	[tilespmem:s7+$0x0] =	vst v10;
	v11 =	vld.idx.msk [tilespmem:v13+s14+$0x0], $0xffff  }
0x2f: {  	[tilespmem:s7+$0xFFFFFF00] =	vst v9;
	v9 =	vld.idx.msk [tilespmem:v14+s14+$0x0], $0xffff  }
0x30: {  	v12 =	vor.u32 v2, v19;
	v10 =	vld.idx.msk [tilespmem:v15+s14+$0x0], $0xffff  }
0x31: {  	v13 =	vor.u32 v2, v18  }
0x32: {  	v14 =	vor.u32 v2, v17;
	v8 =	vmul.f32 $5.656854150e+00, v8  }
0x33: {  	v15 =	vor.u32 v2, v16;
	v11 =	vmul.f32 $5.656854150e+00, v11  }
0x34: {  	v9 =	vmul.f32 $5.656854150e+00, v9;
	[tilespmem:s7+$0x90] =	vst v8  }
0x35: {  	s16 =	simm.s32 $0x4;
	v10 =	vmul.f32 $5.656854150e+00, v10;
	[tilespmem:s7+$0xFFFFFF90] =	vst v11;
	v11 =	vld.idx.msk [tilespmem:v12+s14+$0x0], $0xffff  }
0x36: {  	s6 =	simm.s32 $0x6;
	v20 =	vmov s16;
	v12 =	vld.idx.msk [tilespmem:v13+s14+$0x0], $0xffff;
	[tilespmem:s7+$0x10] =	vst v9  }
0x37: {  	v22 =	vmov s6;
	v21 =	vor.u32 v3, v19;
	v23 =	vor.u32 v3, v18;
	[tilespmem:s7+$0xFFFFFF10] =	vst v10;
	v10 =	vld.idx.msk [tilespmem:v14+s14+$0x0], $0xffff  }
0x38: {  	s20 =	simm.s32 $0x5;
	s8 =	simm.s32 $0x7;
	v24 =	vor.u32 v3, v17;
	v25 =	vor.u32 v3, v16;
	v8 =	vand.u32 $0x1C, v20;
	v15 =	vld.idx.msk [tilespmem:v15+s14+$0x0], $0xffff  }
0x39: {  	v8 =	vbroadcast v8, $0x0;
	v9 =	vmov s20;
	v13 =	vmov s8  }
0x3a: {  	v9 =	vand.u32 $0x1D, v9;
	v13 =	vand.u32 $0x1F, v13;
	v11 =	vmul.f32 $5.656854150e+00, v11  }
0x3b: {  	v20 =	vor.u32 v0, v8;
	v14 =	vbroadcast v13, $0x0;
	v12 =	vmul.f32 $5.656854150e+00, v12  }
0x3c: {  	v13 =	vbroadcast v9, $0x0;
	v9 =	vand.u32 $0x1E, v22;
	v10 =	vmul.f32 $5.656854150e+00, v10;
	[tilespmem:s7+$0xA0] =	vst v11  }
0x3d: {  	v11 =	vbroadcast v9, $0x0;
	v9 =	vor.u32 v0, v14;
	v15 =	vmul.f32 $5.656854150e+00, v15;
	[tilespmem:s7+$0xFFFFFFA0] =	vst v12;
	v12 =	vld.idx.msk [tilespmem:v21+s14+$0x0], $0xffff  }
0x3e: {  	v21 =	vor.u32 v0, v13;
	v22 =	vld.idx.msk [tilespmem:v23+s14+$0x0], $0xffff;
	[tilespmem:s7+$0x20] =	vst v10  }
0x3f: {  	s9 =	simm.s32 $0x8;
	v10 =	vor.u32 v0, v11;
	[tilespmem:s7+$0xFFFFFF20] =	vst v15;
	v15 =	vld.idx.msk [tilespmem:v24+s14+$0x0], $0xffff  }
0x40: {  	v24 =	vmov s9;
	v23 =	vld.idx.msk [tilespmem:v25+s14+$0x0], $0xffff;
	v25 =	vor.u32 v4, v19  }
0x41: {  	v26 =	vld.idx.msk [tilespmem:v20+s14+$0x0], $0xffff;
	v20 =	vand.u32 $0x1C, v24;
	v24 =	vor.u32 v4, v18  }
0x42: {  	v27 =	vld.idx.msk [tilespmem:v9+s14+$0x0], $0xffff;
	v9 =	vbroadcast v20, $0x0;
	v20 =	vor.u32 v4, v17;
	v12 =	vmul.f32 $5.656854150e+00, v12  }
0x43: {  	v28 =	vor.u32 v4, v16;
	v21 =	vld.idx.msk [tilespmem:v21+s14+$0x0], $0xffff;
	v22 =	vmul.f32 $5.656854150e+00, v22  }
0x44: {  	v10 =	vld.idx.msk [tilespmem:v10+s14+$0x0], $0xffff;
	v29 =	vor.u32 v0, v9;
	v15 =	vmul.f32 $5.656854150e+00, v15;
	[tilespmem:s7+$0xB0] =	vst v12  }
0x45: {  	v30 =	vor.u32 v1, v8;
	v23 =	vmul.f32 $5.656854150e+00, v23;
	[tilespmem:s7+$0xFFFFFFB0] =	vst v22;
	v22 =	vld.idx.msk [tilespmem:v25+s14+$0x0], $0xffff  }
0x46: {  	v26 =	vmul.f32 $5.656854150e+00, v26;
	v12 =	vor.u32 v1, v14;
	v24 =	vld.idx.msk [tilespmem:v24+s14+$0x0], $0xffff;
	[tilespmem:s7+$0x30] =	vst v15  }
0x47: {  	s6 =	simm.s32 $0xA700;
	v25 =	vor.u32 v1, v13;
	v27 =	vmul.f32 $5.656854150e+00, v27;
	[tilespmem:s7+$0xFFFFFF30] =	vst v23;
	v23 =	vld.idx.msk [tilespmem:v20+s14+$0x0], $0xffff  }
0x48: {  	s10 =	simm.s32 $0x9;
	[tilespmem:s6+$0xFFFFFF00] =	vst v26;
	v15 =	vor.u32 v1, v11;
	v21 =	vmul.f32 $5.656854150e+00, v21;
	v28 =	vld.idx.msk [tilespmem:v28+s14+$0x0], $0xffff  }
0x49: {  	v31 =	vmov s10;
	v20 =	vld.idx.msk [tilespmem:v29+s14+$0x0], $0xffff;
	v29 =	vmul.f32 $5.656854150e+00, v10;
	[tilespmem:s6+$0x80] =	vst v27;
	v27 =	vor.u32 v5, v19  }
0x4a: {  	v30 =	vld.idx.msk [tilespmem:v30+s14+$0x0], $0xffff;
	v10 =	vand.u32 $0x1D, v31;
	[tilespmem:s6+$0xFFFFFF80] =	vst v21;
	v21 =	vor.u32 v5, v18  }
0x4b: {  	v12 =	vld.idx.msk [tilespmem:v12+s14+$0x0], $0xffff;
	v10 =	vbroadcast v10, $0x0;
	[tilespmem:s6+$0x0] =	vst v29;
	v29 =	vor.u32 v5, v17;
	v22 =	vmul.f32 $5.656854150e+00, v22  }
0x4c: {  	v26 =	vor.u32 v5, v16;
	v25 =	vld.idx.msk [tilespmem:v25+s14+$0x0], $0xffff;
	v24 =	vmul.f32 $5.656854150e+00, v24  }
0x4d: {  	v15 =	vld.idx.msk [tilespmem:v15+s14+$0x0], $0xffff;
	v31 =	vor.u32 v0, v10;
	v23 =	vmul.f32 $5.656854150e+00, v23;
	[tilespmem:s7+$0xC0] =	vst v22  }
0x4e: {  	v22 =	vor.u32 v2, v14;
	v28 =	vmul.f32 $5.656854150e+00, v28;
	[tilespmem:s7+$0xFFFFFFC0] =	vst v24;
	v24 =	vld.idx.msk [tilespmem:v27+s14+$0x0], $0xffff  }
0x4f: {  	v27 =	vor.u32 v2, v13;
	[tilespmem:s7+$0x40] =	vst v23;
	v21 =	vld.idx.msk [tilespmem:v21+s14+$0x0], $0xffff  }
0x50: {  	v23 =	vor.u32 v2, v11;
	v12 =	vmul.f32 $5.656854150e+00, v12;
	[tilespmem:s7+$0xFFFFFF40] =	vst v28;
	v28 =	vld.idx.msk [tilespmem:v29+s14+$0x0], $0xffff  }
0x51: {  	s11 =	simm.s32 $0xA;
	v29 =	vor.u32 v2, v8;
	v25 =	vmul.f32 $5.656854150e+00, v25;
	v26 =	vld.idx.msk [tilespmem:v26+s14+$0x0], $0xffff  }
0x52: {  	v32 =	vmov s11;
	v33 =	vor.u32 v6, v19;
	v31 =	vld.idx.msk [tilespmem:v31+s14+$0x0], $0xffff;
	v15 =	vmul.f32 $5.656854150e+00, v15;
	[tilespmem:s6+$0x90] =	vst v12  }
0x53: {  	v30 =	vmul.f32 $5.656854150e+00, v30;
	v12 =	vand.u32 $0x1E, v32;
	[tilespmem:s6+$0xFFFFFF90] =	vst v25;
	v22 =	vld.idx.msk [tilespmem:v22+s14+$0x0], $0xffff;
	v25 =	vor.u32 v6, v18  }
0x54: {  	v12 =	vbroadcast v12, $0x0;
	v27 =	vld.idx.msk [tilespmem:v27+s14+$0x0], $0xffff;
	[tilespmem:s6+$0x10] =	vst v15;
	v15 =	vor.u32 v6, v17;
	v24 =	vmul.f32 $5.656854150e+00, v24  }
0x55: {  	[tilespmem:s6+$0xFFFFFF10] =	vst v30;
	v30 =	vor.u32 v6, v16;
	v23 =	vld.idx.msk [tilespmem:v23+s14+$0x0], $0xffff;
	v21 =	vmul.f32 $5.656854150e+00, v21  }
0x56: {  	v56 =	vor.u32 v0, v12;
	v29 =	vld.idx.msk [tilespmem:v29+s14+$0x0], $0xffff;
	v28 =	vmul.f32 $5.656854150e+00, v28;
	[tilespmem:s7+$0xD0] =	vst v24  }
0x57: {  	s12 =	simm.s32 $0xB;
	v24 =	vor.u32 v3, v14;
	v26 =	vmul.f32 $5.656854150e+00, v26;
	[tilespmem:s7+$0xFFFFFFD0] =	vst v21;
	v21 =	vld.idx.msk [tilespmem:v33+s14+$0x0], $0xffff  }
0x58: {  	v57 =	vmov s12;
	v34 =	vor.u32 v3, v13;
	v25 =	vld.idx.msk [tilespmem:v25+s14+$0x0], $0xffff;
	[tilespmem:s7+$0x50] =	vst v28  }
0x59: {  	v58 =	vor.u32 v3, v11;
	v28 =	vand.u32 $0x1F, v57;
	v22 =	vmul.f32 $5.656854150e+00, v22;
	[tilespmem:s7+$0xFFFFFF50] =	vst v26;
	v26 =	vld.idx.msk [tilespmem:v15+s14+$0x0], $0xffff  }
0x5a: {  	v15 =	vbroadcast v28, $0x0;
	v28 =	vor.u32 v3, v8;
	v27 =	vmul.f32 $5.656854150e+00, v27;
	v30 =	vld.idx.msk [tilespmem:v30+s14+$0x0], $0xffff  }
0x5b: {  	v19 =	vor.u32 v7, v19;
	v32 =	vld.idx.msk [tilespmem:v56+s14+$0x0], $0xffff;
	v23 =	vmul.f32 $5.656854150e+00, v23;
	[tilespmem:s6+$0xA0] =	vst v22  }
0x5c: {  	v22 =	vor.u32 v0, v15;
	v29 =	vmul.f32 $5.656854150e+00, v29;
	[tilespmem:s6+$0xFFFFFFA0] =	vst v27;
	v24 =	vld.idx.msk [tilespmem:v24+s14+$0x0], $0xffff  }
0x5d: {  	v18 =	vor.u32 v7, v18;
	v27 =	vld.idx.msk [tilespmem:v34+s14+$0x0], $0xffff;
	[tilespmem:s6+$0x20] =	vst v23;
	v21 =	vmul.f32 $5.656854150e+00, v21  }
0x5e: {  	v17 =	vor.u32 v7, v17;
	[tilespmem:s6+$0xFFFFFF20] =	vst v29;
	v23 =	vld.idx.msk [tilespmem:v58+s14+$0x0], $0xffff  }
0x5f: {  	s16 =	simm.s32 $0xC;
	v25 =	vmul.f32 $5.656854150e+00, v25;
	v29 =	vor.u32 v7, v16;
	v28 =	vld.idx.msk [tilespmem:v28+s14+$0x0], $0xffff;
	[tilespmem:s7+$0xE0] =	vst v21  }
0x60: {  	v16 =	vmul.f32 $5.656854150e+00, v26;
	v21 =	vmov s16;
	v26 =	vor.u32 v4, v14;
	v19 =	vld.idx.msk [tilespmem:v19+s14+$0x0], $0xffff  }
0x61: {  	v30 =	vmul.f32 $5.656854150e+00, v30;
	[tilespmem:s7+$0xFFFFFFE0] =	vst v25;
	v21 =	vand.u32 $0x1C, v21;
	v25 =	vor.u32 v4, v13;
	v22 =	vld.idx.msk [tilespmem:v22+s14+$0x0], $0xffff  }
0x62: {  	[tilespmem:s7+$0x60] =	vst v16;
	v16 =	vbroadcast v21, $0x0;
	v21 =	vor.u32 v4, v11;
	v24 =	vmul.f32 $5.656854150e+00, v24;
	v18 =	vld.idx.msk [tilespmem:v18+s14+$0x0], $0xffff  }
0x63: {  	[tilespmem:s7+$0xFFFFFF60] =	vst v30;
	v30 =	vor.u32 v4, v8;
	v27 =	vmul.f32 $5.656854150e+00, v27;
	v59 =	vld.idx.msk [tilespmem:v17+s14+$0x0], $0xffff  }
0x64: {  	v17 =	vor.u32 v0, v16;
	v23 =	vmul.f32 $5.656854150e+00, v23;
	[tilespmem:s6+$0xB0] =	vst v24;
	v24 =	vld.idx.msk [tilespmem:v29+s14+$0x0], $0xffff  }
0x65: {  	v29 =	vor.u32 v1, v15;
	v28 =	vmul.f32 $5.656854150e+00, v28;
	[tilespmem:s6+$0xFFFFFFB0] =	vst v27;
	v26 =	vld.idx.msk [tilespmem:v26+s14+$0x0], $0xffff  }
0x66: {  	v27 =	vor.u32 v1, v10;
	v25 =	vld.idx.msk [tilespmem:v25+s14+$0x0], $0xffff;
	[tilespmem:s6+$0x30] =	vst v23;
	v19 =	vmul.f32 $5.656854150e+00, v19  }
0x67: {  	v23 =	vor.u32 v1, v12;
	v22 =	vmul.f32 $5.656854150e+00, v22;
	[tilespmem:s6+$0xFFFFFF30] =	vst v28;
	v21 =	vld.idx.msk [tilespmem:v21+s14+$0x0], $0xffff  }
0x68: {  	s2 =	simm.s32 $0xA900;
	s8 =	simm.s32 $0xD;
	v31 =	vmul.f32 $5.656854150e+00, v31;
	v28 =	vor.u32 v1, v9;
	v30 =	vld.idx.msk [tilespmem:v30+s14+$0x0], $0xffff;
	[tilespmem:s7+$0xF0] =	vst v19  }
0x69: {  	v60 =	vmov s8;
	v32 =	vmul.f32 $5.656854150e+00, v32;
	v19 =	vld.idx.msk [tilespmem:v17+s14+$0x0], $0xffff;
	[tilespmem:s2+$0x80] =	vst v22;
	v22 =	vor.u32 v5, v14  }
0x6a: {  	v20 =	vmul.f32 $5.656854150e+00, v20;
	[tilespmem:s2+$0xFFFFFF80] =	vst v31;
	v31 =	vor.u32 v5, v13;
	v17 =	vand.u32 $0x1D, v60;
	v29 =	vld.idx.msk [tilespmem:v29+s14+$0x0], $0xffff  }
0x6b: {  	v61 =	vor.u32 v5, v11;
	[tilespmem:s2+$0x0] =	vst v32;
	v17 =	vbroadcast v17, $0x0;
	v27 =	vld.idx.msk [tilespmem:v27+s14+$0x0], $0xffff;
	v26 =	vmul.f32 $5.656854150e+00, v26  }
0x6c: {  	[tilespmem:s2+$0xFFFFFF00] =	vst v20;
	v20 =	vld.idx.msk [tilespmem:v23+s14+$0x0], $0xffff;
	v23 =	vor.u32 v5, v8;
	v25 =	vmul.f32 $5.656854150e+00, v25  }
0x6d: {  	v62 =	vor.u32 v0, v17;
	v28 =	vld.idx.msk [tilespmem:v28+s14+$0x0], $0xffff;
	v21 =	vmul.f32 $5.656854150e+00, v21;
	[tilespmem:s6+$0xC0] =	vst v26  }
0x6e: {  	v26 =	vor.u32 v2, v15;
	v30 =	vmul.f32 $5.656854150e+00, v30;
	[tilespmem:s6+$0xFFFFFFC0] =	vst v25;
	v25 =	vld.idx.msk [tilespmem:v22+s14+$0x0], $0xffff  }
0x6f: {  	v35 =	vor.u32 v2, v10;
	v18 =	vmul.f32 $5.656854150e+00, v18;
	v31 =	vld.idx.msk [tilespmem:v31+s14+$0x0], $0xffff;
	[tilespmem:s6+$0x40] =	vst v21  }
0x70: {  	v21 =	vor.u32 v2, v12;
	v29 =	vmul.f32 $5.656854150e+00, v29;
	[tilespmem:s6+$0xFFFFFF40] =	vst v30;
	v32 =	vld.idx.msk [tilespmem:v61+s14+$0x0], $0xffff  }
0x71: {  	s20 =	simm.s32 $0xE;
	v36 =	vor.u32 v2, v9;
	[tilespmem:s7+$0xFFFFFFF0] =	vst v18;
	v27 =	vmul.f32 $5.656854150e+00, v27;
	v37 =	vld.idx.msk [tilespmem:v23+s14+$0x0], $0xffff  }
0x72: {  	v38 =	vor.u32 v6, v14;
	v18 =	vmov s20;
	v20 =	vmul.f32 $5.656854150e+00, v20;
	v22 =	vld.idx.msk [tilespmem:v62+s14+$0x0], $0xffff;
	[tilespmem:s2+$0x90] =	vst v29  }
0x73: {  	v18 =	vand.u32 $0x1E, v18;
	v30 =	vmul.f32 $5.656854150e+00, v28;
	[tilespmem:s2+$0xFFFFFF90] =	vst v27;
	v28 =	vor.u32 v6, v13;
	v29 =	vld.idx.msk [tilespmem:v26+s14+$0x0], $0xffff  }
0x74: {  	v18 =	vbroadcast v18, $0x0;
	v27 =	vld.idx.msk [tilespmem:v35+s14+$0x0], $0xffff;
	[tilespmem:s2+$0x10] =	vst v20;
	v63 =	vmul.f32 $5.656854150e+00, v25;
	v25 =	vor.u32 v6, v11  }
0x75: {  	v26 =	vor.u32 v6, v8;
	[tilespmem:s2+$0xFFFFFF10] =	vst v30;
	v30 =	vld.idx.msk [tilespmem:v21+s14+$0x0], $0xffff;
	v21 =	vmul.f32 $5.656854150e+00, v31  }
0x76: {  	v33 =	vor.u32 v0, v18;
	v23 =	vmul.f32 $5.656854150e+00, v59;
	v31 =	vld.idx.msk [tilespmem:v36+s14+$0x0], $0xffff;
	v34 =	vmul.f32 $5.656854150e+00, v32;
	[tilespmem:s6+$0xD0] =	vst v63  }
0x77: {  	s8 =	simm.s32 $0x10;
	s9 =	simm.s32 $0xF;
	v20 =	vmul.f32 $5.656854150e+00, v24;
	v24 =	vor.u32 v3, v15;
	v35 =	vmul.f32 $5.656854150e+00, v37;
	[tilespmem:s6+$0xFFFFFFD0] =	vst v21;
	v32 =	vld.idx.msk [tilespmem:v38+s14+$0x0], $0xffff  }
.LBB2_2:
0x78: {  	p0 =	slt.u32 s8, $0x1C;
	v21 =	vmov s9;
	v36 =	vor.u32 v3, v10;
	v28 =	vld.idx.msk [tilespmem:v28+s14+$0x0], $0xffff;
	[tilespmem:s6+$0x50] =	vst v34  }
0x79: {  	v34 =	vor.u32 v3, v12;
	v29 =	vmul.f32 $5.656854150e+00, v29;
	v21 =	vand.u32 $0x1F, v21;
	[tilespmem:s6+$0xFFFFFF50] =	vst v35;
	v25 =	vld.idx.msk [tilespmem:v25+s14+$0x0], $0xffff  }
0x7a: {  	v35 =	vor.u32 v3, v9;
	v27 =	vmul.f32 $5.656854150e+00, v27;
	v21 =	vbroadcast v21, $0x0;
	v26 =	vld.idx.msk [tilespmem:v26+s14+$0x0], $0xffff;
	[tilespmem:s7+$0x70] =	vst v23  }
0x7b: {  	v30 =	vmul.f32 $5.656854150e+00, v30;
	v23 =	vld.idx.msk [tilespmem:v33+s14+$0x0], $0xffff;
	[tilespmem:s2+$0xA0] =	vst v29;
	v29 =	vor.u32 v7, v14;
	v14 =	vmov v15  }
0x7c: {  	v31 =	vmul.f32 $5.656854150e+00, v31;
	v33 =	vor.u32 v0, v21;
	[tilespmem:s2+$0xFFFFFFA0] =	vst v27;
	v24 =	vld.idx.msk [tilespmem:v24+s14+$0x0], $0xffff;
	v15 =	vmov v21  }
0x7d: {  	v27 =	vor.u32 v7, v13;
	v13 =	vmovc v10;
	v10 =	vmov v17;
	v21 =	vld.idx.msk [tilespmem:v36+s14+$0x0], $0xffff;
	[tilespmem:s2+$0x20] =	vst v30;
	v30 =	vmul.f32 $5.656854150e+00, v32  }
0x7e: {  	v28 =	vmul.f32 $5.656854150e+00, v28;
	[tilespmem:s2+$0xFFFFFF20] =	vst v31;
	v17 =	vld.idx.msk [tilespmem:v34+s14+$0x0], $0xffff;
	v31 =	vor.u32 v7, v11;
	v11 =	vmovc v12;
	v12 =	vmov v18  }
0x7f: {  	v32 =	vor.u32 v7, v8;
	v8 =	vmovc v9;
	v9 =	vmov v16;
	v25 =	vmul.f32 $5.656854150e+00, v25;
	v18 =	vld.idx.msk [tilespmem:v35+s14+$0x0], $0xffff;
	[tilespmem:s6+$0xE0] =	vst v30  }
0x80: {  	v16 =	vmov s8;
	v30 =	vor.u32 v4, v14;
	v26 =	vmul.f32 $5.656854150e+00, v26;
	[tilespmem:s6+$0xFFFFFFE0] =	vst v28;
	v28 =	vld.idx.msk [tilespmem:v29+s14+$0x0], $0xffff  }
0x81: {  	v16 =	vand.u32 $0x1C, v16;
	v29 =	vld.idx.msk [tilespmem:v33+s14+$0x0], $0xffff;
	v33 =	vor.u32 v4, v13;
	[tilespmem:s6+$0x60] =	vst v25  }
0x82: {  	v16 =	vbroadcast v16, $0x0;
	v25 =	vor.u32 v4, v11;
	v24 =	vmul.f32 $5.656854150e+00, v24;
	[tilespmem:s6+$0xFFFFFF60] =	vst v26;
	v26 =	vld.idx.msk [tilespmem:v27+s14+$0x0], $0xffff  }
0x83: {  	v27 =	vor.u32 v4, v8;
	v21 =	vmul.f32 $5.656854150e+00, v21;
	v31 =	vld.idx.msk [tilespmem:v31+s14+$0x0], $0xffff;
	[tilespmem:s7+$0xFFFFFF70] =	vst v20;
	s7 =	smov.u32 s6;
	s6 =	smov.u32 s2  }
0x84: {  	v20 =	vor.u32 v0, v16;
	v17 =	vmul.f32 $5.656854150e+00, v17;
	[tilespmem:s2+$0xB0] =	vst v24;
	v24 =	vld.idx.msk [tilespmem:v32+s14+$0x0], $0xffff  }
0x85: {  	s9 =	sadd.s32 $0x1, s8;
	v32 =	vor.u32 v1, v15;
	v18 =	vmul.f32 $5.656854150e+00, v18;
	[tilespmem:s2+$0xFFFFFFB0] =	vst v21;
	v21 =	vld.idx.msk [tilespmem:v30+s14+$0x0], $0xffff  }
0x86: {  	v34 =	vor.u32 v1, v10;
	v30 =	vmov s9;
	v33 =	vld.idx.msk [tilespmem:v33+s14+$0x0], $0xffff;
	[tilespmem:s2+$0x30] =	vst v17;
	v17 =	vmul.f32 $5.656854150e+00, v28  }
0x87: {  	v28 =	vand.u32 $0x1D, v30;
	v30 =	vor.u32 v1, v12;
	v29 =	vmul.f32 $5.656854150e+00, v29;
	[tilespmem:s2+$0xFFFFFF30] =	vst v18;
	v18 =	vld.idx.msk [tilespmem:v25+s14+$0x0], $0xffff  }
0x88: {  	v22 =	vmul.f32 $5.656854150e+00, v22;
	v25 =	vor.u32 v1, v9;
	s2 =	sadd.s32 $0x200, s2;
	v26 =	vmul.f32 $5.656854150e+00, v26;
	v27 =	vld.idx.msk [tilespmem:v27+s14+$0x0], $0xffff;
	[tilespmem:s7+$0xF0] =	vst v17  }
0x89: {  	v36 =	vmul.f32 $5.656854150e+00, v23;
	v23 =	vmul.f32 $5.656854150e+00, v31;
	v35 =	vld.idx.msk [tilespmem:v20+s14+$0x0], $0xffff;
	[tilespmem:s2+$0x80] =	vst v29;
	v29 =	vor.u32 v5, v14  }
0x8a: {  	v19 =	vmul.f32 $5.656854150e+00, v19;
	v31 =	vor.u32 v5, v13;
	v20 =	vmul.f32 $5.656854150e+00, v24;
	[tilespmem:s2+$0xFFFFFF80] =	vst v22;
	v22 =	vld.idx.msk [tilespmem:v32+s14+$0x0], $0xffff  }
0x8b: {  	v17 =	vbroadcast v28, $0x0;
	v28 =	vor.u32 v5, v11;
	v21 =	vmul.f32 $5.656854150e+00, v21;
	v24 =	vld.idx.msk [tilespmem:v34+s14+$0x0], $0xffff;
	[tilespmem:s2+$0x0] =	vst v36  }
0x8c: {  	v32 =	vor.u32 v5, v8;
	v37 =	vmul.f32 $5.656854150e+00, v33;
	[tilespmem:s2+$0xFFFFFF00] =	vst v19;
	v30 =	vld.idx.msk [tilespmem:v30+s14+$0x0], $0xffff  }
0x8d: {  	v33 =	vor.u32 v0, v17;
	v18 =	vmul.f32 $5.656854150e+00, v18;
	v25 =	vld.idx.msk [tilespmem:v25+s14+$0x0], $0xffff;
	[tilespmem:s6+$0xC0] =	vst v21  }
0x8e: {  	v21 =	vor.u32 v2, v15;
	v27 =	vmul.f32 $5.656854150e+00, v27;
	[tilespmem:s6+$0xFFFFFFC0] =	vst v37;
	v34 =	vld.idx.msk [tilespmem:v29+s14+$0x0], $0xffff  }
0x8f: {  	v36 =	vor.u32 v2, v10;
	v19 =	vmov v35;
	v31 =	vld.idx.msk [tilespmem:v31+s14+$0x0], $0xffff;
	[tilespmem:s6+$0x40] =	vst v18  }
0x90: {  	v35 =	vor.u32 v2, v12;
	v18 =	vmul.f32 $5.656854150e+00, v22;
	[tilespmem:s6+$0xFFFFFF40] =	vst v27;
	v37 =	vld.idx.msk [tilespmem:v28+s14+$0x0], $0xffff  }
0x91: {  	v38 =	vor.u32 v2, v9;
	s9 =	sadd.s32 $0x2, s8;
	v24 =	vmul.f32 $5.656854150e+00, v24;
	v32 =	vld.idx.msk [tilespmem:v32+s14+$0x0], $0xffff;
	[tilespmem:s7+$0xFFFFFFF0] =	vst v26  }
0x92: {  	v39 =	vor.u32 v6, v14;
	v26 =	vmov s9;
	v30 =	vmul.f32 $5.656854150e+00, v30;
	v22 =	vld.idx.msk [tilespmem:v33+s14+$0x0], $0xffff;
	[tilespmem:s2+$0x90] =	vst v18  }
.Ltmp0:
0x93: {  	v28 =	vor.u32 v6, v13;
	v18 =	vand.u32 $0x1E, v26;
	v26 =	vmul.f32 $5.656854150e+00, v25;
	[tilespmem:s2+$0xFFFFFF90] =	vst v24;
	v29 =	vld.idx.msk [tilespmem:v21+s14+$0x0], $0xffff;
	(pc) =	sbr.rel @p0 .LBB2_2-.Ltmp0, $4  }
0x94: {  	v25 =	vor.u32 v6, v11;
	v18 =	vbroadcast v18, $0x0;
	v21 =	vmul.f32 $5.656854150e+00, v34;
	v27 =	vld.idx.msk [tilespmem:v36+s14+$0x0], $0xffff;
	[tilespmem:s2+$0x10] =	vst v30  }
0x95: {  	v36 =	vmul.f32 $5.656854150e+00, v31;
	[tilespmem:s2+$0xFFFFFF10] =	vst v26;
	v30 =	vld.idx.msk [tilespmem:v35+s14+$0x0], $0xffff;
	v26 =	vor.u32 v6, v8  }
0x96: {  	v33 =	vor.u32 v0, v18;
	v34 =	vmul.f32 $5.656854150e+00, v37;
	v31 =	vld.idx.msk [tilespmem:v38+s14+$0x0], $0xffff;
	[tilespmem:s6+$0xD0] =	vst v21  }
0x97: {  	s9 =	sadd.s32 $0x3, s8;
	s8 =	sadd.s32 $0x4, s8;
	v24 =	vor.u32 v3, v15;
	v35 =	vmul.f32 $5.656854150e+00, v32;
	[tilespmem:s6+$0xFFFFFFD0] =	vst v36;
	v32 =	vld.idx.msk [tilespmem:v39+s14+$0x0], $0xffff  }
0x98: {  	v21 =	vmov s9  }
0x99: {  	v21 =	vand.u32 $0x1F, v21  }
0x9a: {  	v21 =	vbroadcast v21, $0x0;
	_ =	sdelay $0x1  }
0x9b: {  	v36 =	vor.u32 v0, v21;
	_ =	sdelay $0x3  }
0x9c: {  	[tilespmem:s6+$0x50] =	vst v34  }
0x9d: {  	v29 =	vmul.f32 $5.656854150e+00, v29;
	[tilespmem:s7+$0x70] =	vst v23;
	v50 =	vld.idx.msk [tilespmem:v36+s14+$0x0], $0xffff  }
0x9e: {  	[tilespmem:s6+$0xFFFFFF50] =	vst v35;
	v27 =	vmul.f32 $5.656854150e+00, v27  }
0x9f: {  	v23 =	vld.idx.msk [tilespmem:v33+s14+$0x0], $0xffff;
	v30 =	vmul.f32 $5.656854150e+00, v30;
	[tilespmem:s2+$0xA0] =	vst v29  }
0xa0: {  	v29 =	vmul.f32 $5.656854150e+00, v31;
	[tilespmem:s2+$0xFFFFFFA0] =	vst v27;
	v27 =	vor.u32 v1, v21  }
0xa1: {  	v28 =	vld.idx.msk [tilespmem:v28+s14+$0x0], $0xffff;
	v31 =	vor.u32 v1, v17;
	[tilespmem:s2+$0x20] =	vst v30;
	v30 =	vmul.f32 $5.656854150e+00, v32  }
0xa2: {  	v25 =	vld.idx.msk [tilespmem:v25+s14+$0x0], $0xffff;
	[tilespmem:s2+$0xFFFFFF20] =	vst v29;
	v29 =	vor.u32 v1, v18;
	v51 =	vmul.f32 $5.656854150e+00, v50  }
0xa3: {  	v22 =	vmul.f32 $5.656854150e+00, v22;
	s8 =	sadd.s32 $0x200, s2;
	v26 =	vld.idx.msk [tilespmem:v26+s14+$0x0], $0xffff;
	[tilespmem:s6+$0xE0] =	vst v30;
	v30 =	vor.u32 v1, v16  }
0xa4: {  	v23 =	vmul.f32 $5.656854150e+00, v23;
	[tilespmem:s8+$0x80] =	vst v51  }
0xa5: {  	v52 =	vor.u32 v3, v10;
	v19 =	vmul.f32 $5.656854150e+00, v19;
	[tilespmem:s8+$0xFFFFFF80] =	vst v22;
	v22 =	vld.idx.msk [tilespmem:v27+s14+$0x0], $0xffff  }
0xa6: {  	v28 =	vmul.f32 $5.656854150e+00, v28;
	[tilespmem:s8+$0x0] =	vst v23;
	v31 =	vld.idx.msk [tilespmem:v31+s14+$0x0], $0xffff;
	v27 =	vor.u32 v3, v12  }
0xa7: {  	[tilespmem:s8+$0xFFFFFF00] =	vst v19;
	v25 =	vmul.f32 $5.656854150e+00, v25;
	v23 =	vor.u32 v3, v9;
	v19 =	vld.idx.msk [tilespmem:v29+s14+$0x0], $0xffff  }
0xa8: {  	v26 =	vmul.f32 $5.656854150e+00, v26;
	[tilespmem:s6+$0xFFFFFFE0] =	vst v28;
	v29 =	vor.u32 v2, v21;
	v28 =	vld.idx.msk [tilespmem:v30+s14+$0x0], $0xffff  }
0xa9: {  	v24 =	vld.idx.msk [tilespmem:v24+s14+$0x0], $0xffff;
	[tilespmem:s6+$0x60] =	vst v25;
	v25 =	vor.u32 v2, v17  }
0xaa: {  	[tilespmem:s6+$0xFFFFFF60] =	vst v26;
	v26 =	vor.u32 v2, v18;
	v30 =	vld.idx.msk [tilespmem:v52+s14+$0x0], $0xffff;
	v22 =	vmul.f32 $5.656854150e+00, v22  }
0xab: {  	[tilespmem:s7+$0xFFFFFF70] =	vst v20;
	v20 =	vor.u32 v2, v16;
	v31 =	vmul.f32 $5.656854150e+00, v31;
	v27 =	vld.idx.msk [tilespmem:v27+s14+$0x0], $0xffff  }
0xac: {  	v14 =	vor.u32 v7, v14;
	v23 =	vld.idx.msk [tilespmem:v23+s14+$0x0], $0xffff;
	v19 =	vmul.f32 $5.656854150e+00, v19;
	[tilespmem:s8+$0x90] =	vst v22  }
0xad: {  	[tilespmem:s8+$0xFFFFFF90] =	vst v31;
	v28 =	vmul.f32 $5.656854150e+00, v28;
	v22 =	vor.u32 v4, v15;
	v29 =	vld.idx.msk [tilespmem:v29+s14+$0x0], $0xffff  }
0xae: {  	v24 =	vmul.f32 $5.656854150e+00, v24;
	v31 =	vor.u32 v4, v10;
	v25 =	vld.idx.msk [tilespmem:v25+s14+$0x0], $0xffff;
	[tilespmem:s8+$0x10] =	vst v19  }
0xaf: {  	v30 =	vmul.f32 $5.656854150e+00, v30;
	v19 =	vor.u32 v4, v12;
	[tilespmem:s8+$0xFFFFFF10] =	vst v28;
	v26 =	vld.idx.msk [tilespmem:v26+s14+$0x0], $0xffff  }
0xb0: {  	[tilespmem:s2+$0xB0] =	vst v24;
	v24 =	vor.u32 v3, v21;
	v20 =	vld.idx.msk [tilespmem:v20+s14+$0x0], $0xffff;
	v27 =	vmul.f32 $5.656854150e+00, v27  }
0xb1: {  	v14 =	vld.idx.msk [tilespmem:v14+s14+$0x0], $0xffff;
	v23 =	vmul.f32 $5.656854150e+00, v23;
	[tilespmem:s2+$0xFFFFFFB0] =	vst v30;
	v28 =	vor.u32 v3, v17  }
0xb2: {  	v22 =	vld.idx.msk [tilespmem:v22+s14+$0x0], $0xffff;
	[tilespmem:s2+$0x30] =	vst v27;
	v27 =	vor.u32 v3, v18;
	v29 =	vmul.f32 $5.656854150e+00, v29  }
0xb3: {  	[tilespmem:s2+$0xFFFFFF30] =	vst v23;
	v23 =	vor.u32 v3, v16;
	v30 =	vld.idx.msk [tilespmem:v31+s14+$0x0], $0xffff;
	v25 =	vmul.f32 $5.656854150e+00, v25  }
0xb4: {  	v13 =	vor.u32 v7, v13;
	v26 =	vmul.f32 $5.656854150e+00, v26;
	v19 =	vld.idx.msk [tilespmem:v19+s14+$0x0], $0xffff;
	[tilespmem:s8+$0xA0] =	vst v29  }
0xb5: {  	v31 =	vor.u32 v4, v9;
	[tilespmem:s8+$0xFFFFFFA0] =	vst v25;
	v20 =	vmul.f32 $5.656854150e+00, v20;
	v24 =	vld.idx.msk [tilespmem:v24+s14+$0x0], $0xffff  }
0xb6: {  	v14 =	vmul.f32 $5.656854150e+00, v14;
	v25 =	vor.u32 v5, v15;
	v28 =	vld.idx.msk [tilespmem:v28+s14+$0x0], $0xffff;
	[tilespmem:s8+$0x20] =	vst v26  }
0xb7: {  	v26 =	vor.u32 v5, v10;
	[tilespmem:s8+$0xFFFFFF20] =	vst v20;
	v22 =	vmul.f32 $5.656854150e+00, v22;
	v20 =	vld.idx.msk [tilespmem:v27+s14+$0x0], $0xffff  }
0xb8: {  	[tilespmem:s6+$0xF0] =	vst v14;
	v14 =	vmul.f32 $5.656854150e+00, v30;
	v23 =	vld.idx.msk [tilespmem:v23+s14+$0x0], $0xffff;
	v27 =	vor.u32 v4, v21  }
0xb9: {  	v13 =	vld.idx.msk [tilespmem:v13+s14+$0x0], $0xffff;
	v19 =	vmul.f32 $5.656854150e+00, v19;
	[tilespmem:s2+$0xC0] =	vst v22;
	v22 =	vor.u32 v4, v17  }
0xba: {  	[tilespmem:s2+$0xFFFFFFC0] =	vst v14;
	v14 =	vor.u32 v4, v18;
	v29 =	vld.idx.msk [tilespmem:v31+s14+$0x0], $0xffff;
	v24 =	vmul.f32 $5.656854150e+00, v24  }
0xbb: {  	v28 =	vmul.f32 $5.656854150e+00, v28;
	v25 =	vld.idx.msk [tilespmem:v25+s14+$0x0], $0xffff;
	[tilespmem:s2+$0x40] =	vst v19;
	v19 =	vor.u32 v4, v16  }
0xbc: {  	v30 =	vor.u32 v5, v12;
	v26 =	vld.idx.msk [tilespmem:v26+s14+$0x0], $0xffff;
	v20 =	vmul.f32 $5.656854150e+00, v20;
	[tilespmem:s8+$0xB0] =	vst v24  }
0xbd: {  	[tilespmem:s8+$0xFFFFFFB0] =	vst v28;
	v23 =	vmul.f32 $5.656854150e+00, v23;
	v24 =	vor.u32 v5, v9;
	v27 =	vld.idx.msk [tilespmem:v27+s14+$0x0], $0xffff  }
0xbe: {  	v11 =	vor.u32 v7, v11;
	v13 =	vmul.f32 $5.656854150e+00, v13;
	v22 =	vld.idx.msk [tilespmem:v22+s14+$0x0], $0xffff;
	[tilespmem:s8+$0x30] =	vst v20  }
0xbf: {  	[tilespmem:s8+$0xFFFFFF30] =	vst v23;
	v28 =	vmul.f32 $5.656854150e+00, v29;
	v20 =	vor.u32 v6, v15;
	v14 =	vld.idx.msk [tilespmem:v14+s14+$0x0], $0xffff  }
0xc0: {  	[tilespmem:s6+$0xFFFFFFF0] =	vst v13;
	v23 =	vmul.f32 $5.656854150e+00, v25;
	v19 =	vld.idx.msk [tilespmem:v19+s14+$0x0], $0xffff;
	v25 =	vor.u32 v5, v21  }
0xc1: {  	v13 =	vmul.f32 $5.656854150e+00, v26;
	v26 =	vor.u32 v5, v17;
	[tilespmem:s2+$0xFFFFFF40] =	vst v28;
	v28 =	vld.idx.msk [tilespmem:v30+s14+$0x0], $0xffff  }
0xc2: {  	[tilespmem:s2+$0xD0] =	vst v23;
	v23 =	vor.u32 v5, v18;
	v24 =	vld.idx.msk [tilespmem:v24+s14+$0x0], $0xffff;
	v27 =	vmul.f32 $5.656854150e+00, v27  }
0xc3: {  	v11 =	vld.idx.msk [tilespmem:v11+s14+$0x0], $0xffff;
	[tilespmem:s2+$0xFFFFFFD0] =	vst v13;
	v13 =	vor.u32 v5, v16;
	v22 =	vmul.f32 $5.656854150e+00, v22  }
0xc4: {  	v29 =	vor.u32 v6, v10;
	v20 =	vld.idx.msk [tilespmem:v20+s14+$0x0], $0xffff;
	v14 =	vmul.f32 $5.656854150e+00, v14;
	[tilespmem:s8+$0xC0] =	vst v27  }
0xc5: {  	v19 =	vmul.f32 $5.656854150e+00, v19;
	v27 =	vor.u32 v6, v12;
	[tilespmem:s8+$0xFFFFFFC0] =	vst v22;
	v22 =	vld.idx.msk [tilespmem:v25+s14+$0x0], $0xffff  }
0xc6: {  	v28 =	vmul.f32 $5.656854150e+00, v28;
	v25 =	vor.u32 v6, v9;
	v26 =	vld.idx.msk [tilespmem:v26+s14+$0x0], $0xffff;
	[tilespmem:s8+$0x40] =	vst v14  }
0xc7: {  	v8 =	vor.u32 v7, v8;
	[tilespmem:s8+$0xFFFFFF40] =	vst v19;
	v14 =	vmul.f32 $5.656854150e+00, v24;
	v19 =	vld.idx.msk [tilespmem:v23+s14+$0x0], $0xffff  }
0xc8: {  	v11 =	vmul.f32 $5.656854150e+00, v11;
	[tilespmem:s2+$0x50] =	vst v28;
	v13 =	vld.idx.msk [tilespmem:v13+s14+$0x0], $0xffff;
	v23 =	vor.u32 v6, v21  }
0xc9: {  	v24 =	vld.idx.msk [tilespmem:v29+s14+$0x0], $0xffff;
	[tilespmem:s2+$0xFFFFFF50] =	vst v14;
	v14 =	vmul.f32 $5.656854150e+00, v20;
	v20 =	vor.u32 v6, v17  }
0xca: {  	[tilespmem:s6+$0x70] =	vst v11;
	v11 =	vor.u32 v6, v18;
	v27 =	vld.idx.msk [tilespmem:v27+s14+$0x0], $0xffff;
	v22 =	vmul.f32 $5.656854150e+00, v22  }
0xcb: {  	v25 =	vld.idx.msk [tilespmem:v25+s14+$0x0], $0xffff;
	[tilespmem:s2+$0xE0] =	vst v14;
	v14 =	vor.u32 v6, v16;
	v26 =	vmul.f32 $5.656854150e+00, v26  }
0xcc: {  	v8 =	vld.idx.msk [tilespmem:v8+s14+$0x0], $0xffff;
	v15 =	vor.u32 v7, v15;
	v19 =	vmul.f32 $5.656854150e+00, v19;
	[tilespmem:s8+$0xD0] =	vst v22  }
0xcd: {  	v10 =	vor.u32 v7, v10;
	v13 =	vmul.f32 $5.656854150e+00, v13;
	[tilespmem:s8+$0xFFFFFFD0] =	vst v26;
	v22 =	vld.idx.msk [tilespmem:v23+s14+$0x0], $0xffff  }
0xce: {  	v12 =	vor.u32 v7, v12;
	v23 =	vmul.f32 $5.656854150e+00, v24;
	v20 =	vld.idx.msk [tilespmem:v20+s14+$0x0], $0xffff;
	[tilespmem:s8+$0x50] =	vst v19  }
0xcf: {  	v9 =	vor.u32 v7, v9;
	[tilespmem:s8+$0xFFFFFF50] =	vst v13;
	v19 =	vmul.f32 $5.656854150e+00, v27;
	v11 =	vld.idx.msk [tilespmem:v11+s14+$0x0], $0xffff  }
0xd0: {  	v21 =	vor.u32 v7, v21;
	v13 =	vmul.f32 $5.656854150e+00, v25;
	[tilespmem:s2+$0xFFFFFFE0] =	vst v23;
	v14 =	vld.idx.msk [tilespmem:v14+s14+$0x0], $0xffff  }
0xd1: {  	v8 =	vmul.f32 $5.656854150e+00, v8;
	v17 =	vor.u32 v7, v17;
	v15 =	vld.idx.msk [tilespmem:v15+s14+$0x0], $0xffff;
	[tilespmem:s2+$0x60] =	vst v19  }
0xd2: {  	v18 =	vor.u32 v7, v18;
	v10 =	vld.idx.msk [tilespmem:v10+s14+$0x0], $0xffff;
	[tilespmem:s2+$0xFFFFFF60] =	vst v13;
	v13 =	vmul.f32 $5.656854150e+00, v22  }
0xd3: {  	[tilespmem:s6+$0xFFFFFF70] =	vst v8;
	v16 =	vor.u32 v7, v16;
	v12 =	vld.idx.msk [tilespmem:v12+s14+$0x0], $0xffff;
	v8 =	vmul.f32 $5.656854150e+00, v20  }
0xd4: {  	v9 =	vld.idx.msk [tilespmem:v9+s14+$0x0], $0xffff;
	v11 =	vmul.f32 $5.656854150e+00, v11;
	[tilespmem:s8+$0xE0] =	vst v13  }
0xd5: {  	v13 =	vmul.f32 $5.656854150e+00, v14;
	[tilespmem:s8+$0xFFFFFFE0] =	vst v8;
	v8 =	vld.idx.msk [tilespmem:v21+s14+$0x0], $0xffff  }
0xd6: {  	v14 =	vmul.f32 $5.656854150e+00, v15;
	[tilespmem:s8+$0x60] =	vst v11;
	v11 =	vld.idx.msk [tilespmem:v17+s14+$0x0], $0xffff  }
0xd7: {  	v10 =	vmul.f32 $5.656854150e+00, v10;
	[tilespmem:s8+$0xFFFFFF60] =	vst v13;
	v13 =	vld.idx.msk [tilespmem:v18+s14+$0x0], $0xffff  }
0xd8: {  	[tilespmem:s2+$0xF0] =	vst v14;
	v12 =	vmul.f32 $5.656854150e+00, v12;
	v14 =	vld.idx.msk [tilespmem:v16+s14+$0x0], $0xffff  }
0xd9: {  	v9 =	vmul.f32 $5.656854150e+00, v9;
	[tilespmem:s2+$0xFFFFFFF0] =	vst v10  }
0xda: {  	[tilespmem:s2+$0x70] =	vst v12;
	v8 =	vmul.f32 $5.656854150e+00, v8  }
0xdb: {  	[tilespmem:s2+$0xFFFFFF70] =	vst v9;
	v9 =	vmul.f32 $5.656854150e+00, v11  }
0xdc: {  	[tilespmem:s8+$0xF0] =	vst v8;
	v8 =	vmul.f32 $5.656854150e+00, v13  }
0xdd: {  	s11 =	simm.s32 $0x3;
	v10 =	vmul.f32 $5.656854150e+00, v14;
	[tilespmem:s8+$0xFFFFFFF0] =	vst v9  }
0xde: {  	s12 =	simm.s32 $0x1;
	v9 =	vmov s11;
	[tilespmem:s8+$0x70] =	vst v8  }
0xdf: {  	s16 =	simm.s32 $0x2;
	v9 =	vand.u32 $0x1F, v9;
	v8 =	vmov s12;
	[tilespmem:s8+$0xFFFFFF70] =	vst v10  }
0xe0: {  	s20 =	simm.s32 $0x0;
	s9 =	simm.s32 $0xA400;
	v10 =	vmov s16;
	v19 =	vbroadcast v9, $0x0;
	v8 =	vand.u32 $0x1D, v8;
	s8 =	rddreg [dreg:$0x4]  }
0xe1: {  	v9 =	vmov s20;
	[hbm4b:s8+s13] =	stream.strided.scatter [tilespmem:s9], [sflag:$0x5], $0x1000, s19, s13, $0x38;
	v18 =	vbroadcast v8, $0x0;
	v8 =	vand.u32 $0x1E, v10;
	[tilespmem:$0xE400] =	vst v63  }
0xe2: {  	s10 =	simm.s32 $0x180;
	v9 =	vand.u32 $0x1C, v9;
	v17 =	vbroadcast v8, $0x0;
	v8 =	vor.u32 v0, v19  }
0xe3: {  	v16 =	vbroadcast v9, $0x0;
	[tilespmem:s22], [sflag:$0x4] =	stream.indirect.gather [hbm4b:s4+s13], $0x20, s10, s13, $0xb8;
	v9 =	vor.u32 v0, v18;
	[tilespmem:$0xE400] =	vst v63  }
0xe4: {  	_ =	swait.ge [sflag:s23], $0x1000;
	v10 =	vor.u32 v0, v17  }
0xe5: {  	v11 =	vor.u32 v0, v16;
	[sflag:s23] =	ssyncset.done $0x0  }
0xe6: {  	[sflag:s23] =	ssyncadd.s32 $0xFFFFF000  }
0xe7: {  	v8 =	vld.idx.msk [tilespmem:v8+s15+$0x0], $0xffff  }
0xe8: {  	v9 =	vld.idx.msk [tilespmem:v9+s15+$0x0], $0xffff  }
0xe9: {  	v10 =	vld.idx.msk [tilespmem:v10+s15+$0x0], $0xffff  }
0xea: {  	v12 =	vor.u32 v1, v19;
	v11 =	vld.idx.msk [tilespmem:v11+s15+$0x0], $0xffff  }
0xeb: {  	v13 =	vor.u32 v1, v18  }
0xec: {  	v14 =	vor.u32 v1, v17;
	v8 =	vmul.f32 $5.656854150e+00, v8  }
0xed: {  	s7 =	simm.s32 $0xB500;
	v15 =	vor.u32 v1, v16;
	v9 =	vmul.f32 $5.656854150e+00, v9  }
0xee: {  	v10 =	vmul.f32 $5.656854150e+00, v10;
	[tilespmem:s7+$0x80] =	vst v8  }
0xef: {  	v8 =	vmul.f32 $5.656854150e+00, v11;
	[tilespmem:s7+$0xFFFFFF80] =	vst v9;
	v9 =	vld.idx.msk [tilespmem:v12+s15+$0x0], $0xffff  }
0xf0: {  	v11 =	vld.idx.msk [tilespmem:v13+s15+$0x0], $0xffff;
	[tilespmem:s7+$0x0] =	vst v10  }
0xf1: {  	[tilespmem:s7+$0xFFFFFF00] =	vst v8;
	v8 =	vld.idx.msk [tilespmem:v14+s15+$0x0], $0xffff  }
0xf2: {  	v12 =	vor.u32 v2, v19;
	v10 =	vld.idx.msk [tilespmem:v15+s15+$0x0], $0xffff  }
0xf3: {  	v13 =	vor.u32 v2, v18  }
0xf4: {  	v14 =	vor.u32 v2, v17;
	v9 =	vmul.f32 $5.656854150e+00, v9  }
0xf5: {  	v15 =	vor.u32 v2, v16;
	v11 =	vmul.f32 $5.656854150e+00, v11  }
0xf6: {  	v21 =	vmul.f32 $5.656854150e+00, v8;
	[tilespmem:s7+$0x90] =	vst v9  }
0xf7: {  	s11 =	simm.s32 $0x4;
	v9 =	vmul.f32 $5.656854150e+00, v10;
	[tilespmem:s7+$0xFFFFFF90] =	vst v11;
	v10 =	vld.idx.msk [tilespmem:v12+s15+$0x0], $0xffff  }
0xf8: {  	v20 =	vmov s11;
	s16 =	simm.s32 $0x6;
	v11 =	vld.idx.msk [tilespmem:v13+s15+$0x0], $0xffff;
	[tilespmem:s7+$0x10] =	vst v21  }
0xf9: {  	v22 =	vmov s16;
	v23 =	vor.u32 v3, v18;
	v25 =	vor.u32 v3, v16;
	[tilespmem:s7+$0xFFFFFF10] =	vst v9;
	v9 =	vld.idx.msk [tilespmem:v14+s15+$0x0], $0xffff  }
0xfa: {  	s12 =	simm.s32 $0x5;
	s20 =	simm.s32 $0x7;
	v24 =	vor.u32 v3, v17;
	v8 =	vand.u32 $0x1C, v20;
	v21 =	vor.u32 v3, v19;
	v15 =	vld.idx.msk [tilespmem:v15+s15+$0x0], $0xffff  }
0xfb: {  	v8 =	vbroadcast v8, $0x0;
	v12 =	vmov s12;
	v13 =	vmov s20  }
0xfc: {  	v12 =	vand.u32 $0x1D, v12;
	v13 =	vand.u32 $0x1F, v13;
	v10 =	vmul.f32 $5.656854150e+00, v10  }
0xfd: {  	v20 =	vor.u32 v0, v8;
	v14 =	vbroadcast v13, $0x0;
	v26 =	vmul.f32 $5.656854150e+00, v11  }
0xfe: {  	v13 =	vbroadcast v12, $0x0;
	v11 =	vand.u32 $0x1E, v22;
	v9 =	vmul.f32 $5.656854150e+00, v9;
	[tilespmem:s7+$0xA0] =	vst v10  }
0xff: {  	v11 =	vbroadcast v11, $0x0;
	v10 =	vor.u32 v0, v14;
	v12 =	vmul.f32 $5.656854150e+00, v15;
	[tilespmem:s7+$0xFFFFFFA0] =	vst v26;
	v15 =	vld.idx.msk [tilespmem:v21+s15+$0x0], $0xffff  }
0x100: {  	v21 =	vor.u32 v0, v13;
	v22 =	vld.idx.msk [tilespmem:v23+s15+$0x0], $0xffff;
	[tilespmem:s7+$0x20] =	vst v9  }
0x101: {  	s8 =	simm.s32 $0x8;
	v23 =	vor.u32 v0, v11;
	[tilespmem:s7+$0xFFFFFF20] =	vst v12;
	v12 =	vld.idx.msk [tilespmem:v24+s15+$0x0], $0xffff  }
0x102: {  	v9 =	vmov s8;
	v24 =	vld.idx.msk [tilespmem:v25+s15+$0x0], $0xffff;
	v25 =	vor.u32 v4, v19  }
0x103: {  	v26 =	vld.idx.msk [tilespmem:v20+s15+$0x0], $0xffff;
	v20 =	vor.u32 v4, v18;
	v9 =	vand.u32 $0x1C, v9  }
0x104: {  	v27 =	vor.u32 v4, v17;
	v9 =	vbroadcast v9, $0x0;
	v10 =	vld.idx.msk [tilespmem:v10+s15+$0x0], $0xffff;
	v15 =	vmul.f32 $5.656854150e+00, v15  }
0x105: {  	v28 =	vor.u32 v4, v16;
	v21 =	vld.idx.msk [tilespmem:v21+s15+$0x0], $0xffff;
	v22 =	vmul.f32 $5.656854150e+00, v22  }
0x106: {  	v29 =	vor.u32 v0, v9;
	v23 =	vld.idx.msk [tilespmem:v23+s15+$0x0], $0xffff;
	v12 =	vmul.f32 $5.656854150e+00, v12;
	[tilespmem:s7+$0xB0] =	vst v15  }
0x107: {  	v15 =	vor.u32 v1, v14;
	v24 =	vmul.f32 $5.656854150e+00, v24;
	[tilespmem:s7+$0xFFFFFFB0] =	vst v22;
	v22 =	vld.idx.msk [tilespmem:v25+s15+$0x0], $0xffff  }
0x108: {  	v25 =	vor.u32 v1, v13;
	v30 =	vld.idx.msk [tilespmem:v20+s15+$0x0], $0xffff;
	[tilespmem:s7+$0x30] =	vst v12  }
0x109: {  	v12 =	vor.u32 v1, v11;
	v10 =	vmul.f32 $5.656854150e+00, v10;
	[tilespmem:s7+$0xFFFFFF30] =	vst v24;
	v24 =	vld.idx.msk [tilespmem:v27+s15+$0x0], $0xffff  }
0x10a: {  	s6 =	simm.s32 $0xB700;
	s9 =	simm.s32 $0x9;
	v27 =	vor.u32 v1, v8;
	v21 =	vmul.f32 $5.656854150e+00, v21;
	v28 =	vld.idx.msk [tilespmem:v28+s15+$0x0], $0xffff  }
0x10b: {  	v31 =	vmov s9;
	v20 =	vld.idx.msk [tilespmem:v29+s15+$0x0], $0xffff;
	v29 =	vor.u32 v5, v19;
	v23 =	vmul.f32 $5.656854150e+00, v23;
	[tilespmem:s6+$0x80] =	vst v10  }
0x10c: {  	v26 =	vmul.f32 $5.656854150e+00, v26;
	v10 =	vand.u32 $0x1D, v31;
	[tilespmem:s6+$0xFFFFFF80] =	vst v21;
	v15 =	vld.idx.msk [tilespmem:v15+s15+$0x0], $0xffff;
	v21 =	vor.u32 v5, v18  }
0x10d: {  	v10 =	vbroadcast v10, $0x0;
	v25 =	vld.idx.msk [tilespmem:v25+s15+$0x0], $0xffff;
	[tilespmem:s6+$0x0] =	vst v23;
	v23 =	vor.u32 v5, v17;
	v22 =	vmul.f32 $5.656854150e+00, v22  }
0x10e: {  	[tilespmem:s6+$0xFFFFFF00] =	vst v26;
	v26 =	vor.u32 v5, v16;
	v12 =	vld.idx.msk [tilespmem:v12+s15+$0x0], $0xffff;
	v30 =	vmul.f32 $5.656854150e+00, v30  }
0x10f: {  	v31 =	vor.u32 v0, v10;
	v27 =	vld.idx.msk [tilespmem:v27+s15+$0x0], $0xffff;
	v24 =	vmul.f32 $5.656854150e+00, v24;
	[tilespmem:s7+$0xC0] =	vst v22  }
0x110: {  	v22 =	vor.u32 v2, v14;
	v28 =	vmul.f32 $5.656854150e+00, v28;
	[tilespmem:s7+$0xFFFFFFC0] =	vst v30;
	v29 =	vld.idx.msk [tilespmem:v29+s15+$0x0], $0xffff  }
0x111: {  	v30 =	vor.u32 v2, v13;
	v21 =	vld.idx.msk [tilespmem:v21+s15+$0x0], $0xffff;
	[tilespmem:s7+$0x40] =	vst v24  }
0x112: {  	v24 =	vor.u32 v2, v11;
	v15 =	vmul.f32 $5.656854150e+00, v15;
	[tilespmem:s7+$0xFFFFFF40] =	vst v28;
	v23 =	vld.idx.msk [tilespmem:v23+s15+$0x0], $0xffff  }
0x113: {  	s10 =	simm.s32 $0xA;
	v28 =	vor.u32 v2, v8;
	v25 =	vmul.f32 $5.656854150e+00, v25;
	v26 =	vld.idx.msk [tilespmem:v26+s15+$0x0], $0xffff  }
0x114: {  	v53 =	vmov s10;
	v31 =	vld.idx.msk [tilespmem:v31+s15+$0x0], $0xffff;
	v54 =	vmul.f32 $5.656854150e+00, v12;
	[tilespmem:s6+$0x90] =	vst v15;
	v15 =	vor.u32 v6, v19  }
0x115: {  	v12 =	vand.u32 $0x1E, v53;
	v27 =	vmul.f32 $5.656854150e+00, v27;
	[tilespmem:s6+$0xFFFFFF90] =	vst v25;
	v22 =	vld.idx.msk [tilespmem:v22+s15+$0x0], $0xffff;
	v25 =	vor.u32 v6, v18  }
0x116: {  	v55 =	vor.u32 v6, v17;
	v12 =	vbroadcast v12, $0x0;
	v30 =	vld.idx.msk [tilespmem:v30+s15+$0x0], $0xffff;
	[tilespmem:s6+$0x10] =	vst v54;
	v29 =	vmul.f32 $5.656854150e+00, v29  }
0x117: {  	[tilespmem:s6+$0xFFFFFF10] =	vst v27;
	v24 =	vld.idx.msk [tilespmem:v24+s15+$0x0], $0xffff;
	v27 =	vor.u32 v6, v16;
	v21 =	vmul.f32 $5.656854150e+00, v21  }
0x118: {  	v56 =	vor.u32 v0, v12;
	v28 =	vld.idx.msk [tilespmem:v28+s15+$0x0], $0xffff;
	v23 =	vmul.f32 $5.656854150e+00, v23;
	[tilespmem:s7+$0xD0] =	vst v29  }
0x119: {  	s11 =	simm.s32 $0xB;
	v29 =	vor.u32 v3, v14;
	v26 =	vmul.f32 $5.656854150e+00, v26;
	[tilespmem:s7+$0xFFFFFFD0] =	vst v21;
	v21 =	vld.idx.msk [tilespmem:v15+s15+$0x0], $0xffff  }
0x11a: {  	v57 =	vor.u32 v3, v13;
	v15 =	vmov s11;
	v25 =	vld.idx.msk [tilespmem:v25+s15+$0x0], $0xffff;
	[tilespmem:s7+$0x50] =	vst v23  }
0x11b: {  	v15 =	vand.u32 $0x1F, v15;
	v23 =	vor.u32 v3, v11;
	v22 =	vmul.f32 $5.656854150e+00, v22;
	[tilespmem:s7+$0xFFFFFF50] =	vst v26;
	v26 =	vld.idx.msk [tilespmem:v55+s15+$0x0], $0xffff  }
0x11c: {  	v58 =	vor.u32 v3, v8;
	v15 =	vbroadcast v15, $0x0;
	v30 =	vmul.f32 $5.656854150e+00, v30;
	v27 =	vld.idx.msk [tilespmem:v27+s15+$0x0], $0xffff  }
0x11d: {  	v19 =	vor.u32 v7, v19;
	v33 =	vld.idx.msk [tilespmem:v56+s15+$0x0], $0xffff;
	v24 =	vmul.f32 $5.656854150e+00, v24;
	[tilespmem:s6+$0xA0] =	vst v22  }
0x11e: {  	v22 =	vor.u32 v0, v15;
	v28 =	vmul.f32 $5.656854150e+00, v28;
	[tilespmem:s6+$0xFFFFFFA0] =	vst v30;
	v29 =	vld.idx.msk [tilespmem:v29+s15+$0x0], $0xffff  }
0x11f: {  	v18 =	vor.u32 v7, v18;
	v30 =	vld.idx.msk [tilespmem:v57+s15+$0x0], $0xffff;
	[tilespmem:s6+$0x20] =	vst v24;
	v21 =	vmul.f32 $5.656854150e+00, v21  }
0x120: {  	v17 =	vor.u32 v7, v17;
	[tilespmem:s6+$0xFFFFFF20] =	vst v28;
	v23 =	vld.idx.msk [tilespmem:v23+s15+$0x0], $0xffff;
	v24 =	vmul.f32 $5.656854150e+00, v25  }
0x121: {  	s12 =	simm.s32 $0xC;
	v28 =	vor.u32 v7, v16;
	v25 =	vld.idx.msk [tilespmem:v58+s15+$0x0], $0xffff;
	[tilespmem:s7+$0xE0] =	vst v21;
	v16 =	vmul.f32 $5.656854150e+00, v26  }
0x122: {  	v21 =	vmov s12;
	v26 =	vor.u32 v4, v14;
	v19 =	vld.idx.msk [tilespmem:v19+s15+$0x0], $0xffff;
	v27 =	vmul.f32 $5.656854150e+00, v27;
	[tilespmem:s7+$0xFFFFFFE0] =	vst v24  }
0x123: {  	v21 =	vand.u32 $0x1C, v21;
	v24 =	vor.u32 v4, v13;
	v22 =	vld.idx.msk [tilespmem:v22+s15+$0x0], $0xffff;
	[tilespmem:s7+$0x60] =	vst v16;
	v29 =	vmul.f32 $5.656854150e+00, v29  }
0x124: {  	v16 =	vbroadcast v21, $0x0;
	v21 =	vor.u32 v4, v11;
	v18 =	vld.idx.msk [tilespmem:v18+s15+$0x0], $0xffff;
	[tilespmem:s7+$0xFFFFFF60] =	vst v27;
	v30 =	vmul.f32 $5.656854150e+00, v30  }
0x125: {  	v27 =	vor.u32 v4, v8;
	v59 =	vld.idx.msk [tilespmem:v17+s15+$0x0], $0xffff;
	v23 =	vmul.f32 $5.656854150e+00, v23;
	[tilespmem:s6+$0xB0] =	vst v29  }
0x126: {  	v17 =	vor.u32 v0, v16;
	v60 =	vld.idx.msk [tilespmem:v28+s15+$0x0], $0xffff;
	v25 =	vmul.f32 $5.656854150e+00, v25;
	[tilespmem:s6+$0xFFFFFFB0] =	vst v30  }
0x127: {  	v29 =	vor.u32 v1, v10;
	v26 =	vld.idx.msk [tilespmem:v26+s15+$0x0], $0xffff;
	v30 =	vmul.f32 $5.656854150e+00, v31;
	[tilespmem:s6+$0x30] =	vst v23  }
0x128: {  	s2 =	simm.s32 $0xB900;
	v28 =	vor.u32 v1, v15;
	v24 =	vld.idx.msk [tilespmem:v24+s15+$0x0], $0xffff;
	v19 =	vmul.f32 $5.656854150e+00, v19;
	[tilespmem:s6+$0xFFFFFF30] =	vst v25  }
0x129: {  	v23 =	vor.u32 v1, v12;
	v22 =	vmul.f32 $5.656854150e+00, v22;
	v21 =	vld.idx.msk [tilespmem:v21+s15+$0x0], $0xffff;
	[tilespmem:s2+$0xFFFFFF80] =	vst v30  }
0x12a: {  	s16 =	simm.s32 $0xD;
	v25 =	vor.u32 v1, v9;
	v27 =	vld.idx.msk [tilespmem:v27+s15+$0x0], $0xffff;
	[tilespmem:s7+$0xF0] =	vst v19  }
0x12b: {  	v33 =	vmul.f32 $5.656854150e+00, v33;
	v31 =	vmov s16;
	v19 =	vld.idx.msk [tilespmem:v17+s15+$0x0], $0xffff;
	[tilespmem:s2+$0x80] =	vst v22;
	v22 =	vor.u32 v5, v14  }
0x12c: {  	v20 =	vmul.f32 $5.656854150e+00, v20;
	v30 =	vor.u32 v5, v13;
	v17 =	vand.u32 $0x1D, v31;
	v29 =	vld.idx.msk [tilespmem:v29+s15+$0x0], $0xffff  }
0x12d: {  	[tilespmem:s2+$0x0] =	vst v33;
	v31 =	vor.u32 v5, v11;
	v28 =	vld.idx.msk [tilespmem:v28+s15+$0x0], $0xffff;
	v17 =	vbroadcast v17, $0x0;
	v26 =	vmul.f32 $5.656854150e+00, v26  }
0x12e: {  	[tilespmem:s2+$0xFFFFFF00] =	vst v20;
	v20 =	vld.idx.msk [tilespmem:v23+s15+$0x0], $0xffff;
	v23 =	vor.u32 v5, v8;
	v24 =	vmul.f32 $5.656854150e+00, v24  }
0x12f: {  	v61 =	vor.u32 v0, v17;
	v25 =	vld.idx.msk [tilespmem:v25+s15+$0x0], $0xffff;
	v21 =	vmul.f32 $5.656854150e+00, v21;
	[tilespmem:s6+$0xC0] =	vst v26  }
0x130: {  	v26 =	vor.u32 v2, v15;
	v27 =	vmul.f32 $5.656854150e+00, v27;
	[tilespmem:s6+$0xFFFFFFC0] =	vst v24;
	v24 =	vld.idx.msk [tilespmem:v22+s15+$0x0], $0xffff  }
0x131: {  	v62 =	vor.u32 v2, v10;
	v18 =	vmul.f32 $5.656854150e+00, v18;
	v63 =	vld.idx.msk [tilespmem:v30+s15+$0x0], $0xffff;
	[tilespmem:s6+$0x40] =	vst v21  }
0x132: {  	v21 =	vor.u32 v2, v12;
	v28 =	vmul.f32 $5.656854150e+00, v28;
	[tilespmem:s6+$0xFFFFFF40] =	vst v27;
	v37 =	vld.idx.msk [tilespmem:v31+s15+$0x0], $0xffff  }
0x133: {  	s20 =	simm.s32 $0xE;
	[tilespmem:s7+$0xFFFFFFF0] =	vst v18;
	v31 =	vor.u32 v2, v9;
	v27 =	vmul.f32 $5.656854150e+00, v29;
	v38 =	vld.idx.msk [tilespmem:v23+s15+$0x0], $0xffff  }
0x134: {  	v39 =	vor.u32 v6, v14;
	v18 =	vmov s20;
	v20 =	vmul.f32 $5.656854150e+00, v20;
	v22 =	vld.idx.msk [tilespmem:v61+s15+$0x0], $0xffff;
	[tilespmem:s2+$0x90] =	vst v28  }
0x135: {  	v18 =	vand.u32 $0x1E, v18;
	v30 =	vmul.f32 $5.656854150e+00, v25;
	[tilespmem:s2+$0xFFFFFF90] =	vst v27;
	v28 =	vor.u32 v6, v13;
	v29 =	vld.idx.msk [tilespmem:v26+s15+$0x0], $0xffff  }
0x136: {  	v18 =	vbroadcast v18, $0x0;
	v25 =	vor.u32 v6, v11;
	v27 =	vld.idx.msk [tilespmem:v62+s15+$0x0], $0xffff;
	[tilespmem:s2+$0x10] =	vst v20;
	v24 =	vmul.f32 $5.656854150e+00, v24  }
0x137: {  	v26 =	vor.u32 v6, v8;
	[tilespmem:s2+$0xFFFFFF10] =	vst v30;
	v30 =	vld.idx.msk [tilespmem:v21+s15+$0x0], $0xffff;
	v21 =	vmul.f32 $5.656854150e+00, v63  }
0x138: {  	v33 =	vor.u32 v0, v18;
	v23 =	vmul.f32 $5.656854150e+00, v59;
	v31 =	vld.idx.msk [tilespmem:v31+s15+$0x0], $0xffff;
	v34 =	vmul.f32 $5.656854150e+00, v37;
	[tilespmem:s6+$0xD0] =	vst v24  }
0x139: {  	s9 =	simm.s32 $0xF;
	s8 =	simm.s32 $0x10;
	v20 =	vmul.f32 $5.656854150e+00, v60;
	v24 =	vor.u32 v3, v15;
	v35 =	vmul.f32 $5.656854150e+00, v38;
	[tilespmem:s6+$0xFFFFFFD0] =	vst v21;
	v32 =	vld.idx.msk [tilespmem:v39+s15+$0x0], $0xffff  }
.LBB2_4:
0x13a: {  	p0 =	slt.u32 s8, $0x1C;
	v21 =	vmov s9;
	v36 =	vor.u32 v3, v10;
	v28 =	vld.idx.msk [tilespmem:v28+s15+$0x0], $0xffff;
	[tilespmem:s6+$0x50] =	vst v34  }
0x13b: {  	v34 =	vor.u32 v3, v12;
	v29 =	vmul.f32 $5.656854150e+00, v29;
	v21 =	vand.u32 $0x1F, v21;
	[tilespmem:s6+$0xFFFFFF50] =	vst v35;
	v25 =	vld.idx.msk [tilespmem:v25+s15+$0x0], $0xffff  }
0x13c: {  	v35 =	vor.u32 v3, v9;
	v27 =	vmul.f32 $5.656854150e+00, v27;
	v21 =	vbroadcast v21, $0x0;
	v26 =	vld.idx.msk [tilespmem:v26+s15+$0x0], $0xffff;
	[tilespmem:s7+$0x70] =	vst v23  }
0x13d: {  	v30 =	vmul.f32 $5.656854150e+00, v30;
	v23 =	vld.idx.msk [tilespmem:v33+s15+$0x0], $0xffff;
	[tilespmem:s2+$0xA0] =	vst v29;
	v29 =	vor.u32 v7, v14;
	v14 =	vmov v15  }
0x13e: {  	v31 =	vmul.f32 $5.656854150e+00, v31;
	v33 =	vor.u32 v0, v21;
	[tilespmem:s2+$0xFFFFFFA0] =	vst v27;
	v24 =	vld.idx.msk [tilespmem:v24+s15+$0x0], $0xffff;
	v15 =	vmov v21  }
0x13f: {  	v27 =	vor.u32 v7, v13;
	v13 =	vmovc v10;
	v10 =	vmov v17;
	v21 =	vld.idx.msk [tilespmem:v36+s15+$0x0], $0xffff;
	[tilespmem:s2+$0x20] =	vst v30;
	v30 =	vmul.f32 $5.656854150e+00, v32  }
0x140: {  	v28 =	vmul.f32 $5.656854150e+00, v28;
	[tilespmem:s2+$0xFFFFFF20] =	vst v31;
	v17 =	vld.idx.msk [tilespmem:v34+s15+$0x0], $0xffff;
	v31 =	vor.u32 v7, v11;
	v11 =	vmovc v12;
	v12 =	vmov v18  }
0x141: {  	v32 =	vor.u32 v7, v8;
	v8 =	vmovc v9;
	v9 =	vmov v16;
	v25 =	vmul.f32 $5.656854150e+00, v25;
	v18 =	vld.idx.msk [tilespmem:v35+s15+$0x0], $0xffff;
	[tilespmem:s6+$0xE0] =	vst v30  }
0x142: {  	v16 =	vmov s8;
	v30 =	vor.u32 v4, v14;
	v26 =	vmul.f32 $5.656854150e+00, v26;
	[tilespmem:s6+$0xFFFFFFE0] =	vst v28;
	v28 =	vld.idx.msk [tilespmem:v29+s15+$0x0], $0xffff  }
0x143: {  	v16 =	vand.u32 $0x1C, v16;
	v29 =	vld.idx.msk [tilespmem:v33+s15+$0x0], $0xffff;
	v33 =	vor.u32 v4, v13;
	[tilespmem:s6+$0x60] =	vst v25  }
0x144: {  	v16 =	vbroadcast v16, $0x0;
	v25 =	vor.u32 v4, v11;
	v24 =	vmul.f32 $5.656854150e+00, v24;
	[tilespmem:s6+$0xFFFFFF60] =	vst v26;
	v26 =	vld.idx.msk [tilespmem:v27+s15+$0x0], $0xffff  }
0x145: {  	v27 =	vor.u32 v4, v8;
	v21 =	vmul.f32 $5.656854150e+00, v21;
	v31 =	vld.idx.msk [tilespmem:v31+s15+$0x0], $0xffff;
	[tilespmem:s7+$0xFFFFFF70] =	vst v20;
	s7 =	smov.u32 s6;
	s6 =	smov.u32 s2  }
0x146: {  	v20 =	vor.u32 v0, v16;
	v17 =	vmul.f32 $5.656854150e+00, v17;
	[tilespmem:s2+$0xB0] =	vst v24;
	v24 =	vld.idx.msk [tilespmem:v32+s15+$0x0], $0xffff  }
0x147: {  	s9 =	sadd.s32 $0x1, s8;
	v32 =	vor.u32 v1, v15;
	v18 =	vmul.f32 $5.656854150e+00, v18;
	[tilespmem:s2+$0xFFFFFFB0] =	vst v21;
	v21 =	vld.idx.msk [tilespmem:v30+s15+$0x0], $0xffff  }
0x148: {  	v34 =	vor.u32 v1, v10;
	v30 =	vmov s9;
	v33 =	vld.idx.msk [tilespmem:v33+s15+$0x0], $0xffff;
	[tilespmem:s2+$0x30] =	vst v17;
	v17 =	vmul.f32 $5.656854150e+00, v28  }
0x149: {  	v28 =	vand.u32 $0x1D, v30;
	v30 =	vor.u32 v1, v12;
	v29 =	vmul.f32 $5.656854150e+00, v29;
	[tilespmem:s2+$0xFFFFFF30] =	vst v18;
	v18 =	vld.idx.msk [tilespmem:v25+s15+$0x0], $0xffff  }
0x14a: {  	v22 =	vmul.f32 $5.656854150e+00, v22;
	v25 =	vor.u32 v1, v9;
	s2 =	sadd.s32 $0x200, s2;
	v26 =	vmul.f32 $5.656854150e+00, v26;
	v27 =	vld.idx.msk [tilespmem:v27+s15+$0x0], $0xffff;
	[tilespmem:s7+$0xF0] =	vst v17  }
0x14b: {  	v36 =	vmul.f32 $5.656854150e+00, v23;
	v23 =	vmul.f32 $5.656854150e+00, v31;
	v35 =	vld.idx.msk [tilespmem:v20+s15+$0x0], $0xffff;
	[tilespmem:s2+$0x80] =	vst v29;
	v29 =	vor.u32 v5, v14  }
0x14c: {  	v19 =	vmul.f32 $5.656854150e+00, v19;
	v31 =	vor.u32 v5, v13;
	v20 =	vmul.f32 $5.656854150e+00, v24;
	[tilespmem:s2+$0xFFFFFF80] =	vst v22;
	v22 =	vld.idx.msk [tilespmem:v32+s15+$0x0], $0xffff  }
0x14d: {  	v17 =	vbroadcast v28, $0x0;
	v28 =	vor.u32 v5, v11;
	v21 =	vmul.f32 $5.656854150e+00, v21;
	v24 =	vld.idx.msk [tilespmem:v34+s15+$0x0], $0xffff;
	[tilespmem:s2+$0x0] =	vst v36  }
0x14e: {  	v32 =	vor.u32 v5, v8;
	v37 =	vmul.f32 $5.656854150e+00, v33;
	[tilespmem:s2+$0xFFFFFF00] =	vst v19;
	v30 =	vld.idx.msk [tilespmem:v30+s15+$0x0], $0xffff  }
0x14f: {  	v33 =	vor.u32 v0, v17;
	v18 =	vmul.f32 $5.656854150e+00, v18;
	v25 =	vld.idx.msk [tilespmem:v25+s15+$0x0], $0xffff;
	[tilespmem:s6+$0xC0] =	vst v21  }
0x150: {  	v21 =	vor.u32 v2, v15;
	v27 =	vmul.f32 $5.656854150e+00, v27;
	[tilespmem:s6+$0xFFFFFFC0] =	vst v37;
	v34 =	vld.idx.msk [tilespmem:v29+s15+$0x0], $0xffff  }
0x151: {  	v36 =	vor.u32 v2, v10;
	v19 =	vmov v35;
	v31 =	vld.idx.msk [tilespmem:v31+s15+$0x0], $0xffff;
	[tilespmem:s6+$0x40] =	vst v18  }
0x152: {  	v35 =	vor.u32 v2, v12;
	v18 =	vmul.f32 $5.656854150e+00, v22;
	[tilespmem:s6+$0xFFFFFF40] =	vst v27;
	v37 =	vld.idx.msk [tilespmem:v28+s15+$0x0], $0xffff  }
0x153: {  	v38 =	vor.u32 v2, v9;
	s9 =	sadd.s32 $0x2, s8;
	v24 =	vmul.f32 $5.656854150e+00, v24;
	v32 =	vld.idx.msk [tilespmem:v32+s15+$0x0], $0xffff;
	[tilespmem:s7+$0xFFFFFFF0] =	vst v26  }
0x154: {  	v39 =	vor.u32 v6, v14;
	v26 =	vmov s9;
	v30 =	vmul.f32 $5.656854150e+00, v30;
	v22 =	vld.idx.msk [tilespmem:v33+s15+$0x0], $0xffff;
	[tilespmem:s2+$0x90] =	vst v18  }
.Ltmp1:
0x155: {  	v28 =	vor.u32 v6, v13;
	v18 =	vand.u32 $0x1E, v26;
	v26 =	vmul.f32 $5.656854150e+00, v25;
	[tilespmem:s2+$0xFFFFFF90] =	vst v24;
	v29 =	vld.idx.msk [tilespmem:v21+s15+$0x0], $0xffff;
	(pc) =	sbr.rel @p0 .LBB2_4-.Ltmp1, $4  }
0x156: {  	v25 =	vor.u32 v6, v11;
	v18 =	vbroadcast v18, $0x0;
	v21 =	vmul.f32 $5.656854150e+00, v34;
	v27 =	vld.idx.msk [tilespmem:v36+s15+$0x0], $0xffff;
	[tilespmem:s2+$0x10] =	vst v30  }
0x157: {  	v36 =	vmul.f32 $5.656854150e+00, v31;
	[tilespmem:s2+$0xFFFFFF10] =	vst v26;
	v30 =	vld.idx.msk [tilespmem:v35+s15+$0x0], $0xffff;
	v26 =	vor.u32 v6, v8  }
0x158: {  	v33 =	vor.u32 v0, v18;
	v34 =	vmul.f32 $5.656854150e+00, v37;
	v31 =	vld.idx.msk [tilespmem:v38+s15+$0x0], $0xffff;
	[tilespmem:s6+$0xD0] =	vst v21  }
0x159: {  	s9 =	sadd.s32 $0x3, s8;
	s8 =	sadd.s32 $0x4, s8;
	v24 =	vor.u32 v3, v15;
	v35 =	vmul.f32 $5.656854150e+00, v32;
	[tilespmem:s6+$0xFFFFFFD0] =	vst v36;
	v32 =	vld.idx.msk [tilespmem:v39+s15+$0x0], $0xffff  }
0x15a: {  	v21 =	vmov s9  }
0x15b: {  	v21 =	vand.u32 $0x1F, v21  }
0x15c: {  	v21 =	vbroadcast v21, $0x0;
	_ =	sdelay $0x1  }
0x15d: {  	v36 =	vor.u32 v0, v21;
	_ =	sdelay $0x1  }
0x15e: {  	[tilespmem:s6+$0x50] =	vst v34  }
0x15f: {  	[tilespmem:s7+$0x70] =	vst v23  }
0x160: {  	v29 =	vmul.f32 $5.656854150e+00, v29;
	[tilespmem:s7+$0xFFFFFF70] =	vst v20  }
0x161: {  	v57 =	vor.u32 v1, v16;
	v22 =	vmul.f32 $5.656854150e+00, v22;
	[tilespmem:s6+$0xFFFFFF50] =	vst v35;
	v49 =	vld.idx.msk [tilespmem:v36+s15+$0x0], $0xffff  }
0x162: {  	v54 =	vor.u32 v1, v17;
	s8 =	sadd.s32 $0x200, s2;
	v19 =	vmul.f32 $5.656854150e+00, v19;
	[tilespmem:s2+$0xA0] =	vst v29  }
0x163: {  	v50 =	vld.idx.msk [tilespmem:v33+s15+$0x0], $0xffff;
	v27 =	vmul.f32 $5.656854150e+00, v27;
	[tilespmem:s8+$0xFFFFFF80] =	vst v22  }
0x164: {  	v28 =	vld.idx.msk [tilespmem:v28+s15+$0x0], $0xffff;
	v30 =	vmul.f32 $5.656854150e+00, v30;
	[tilespmem:s8+$0xFFFFFF00] =	vst v19;
	v52 =	vor.u32 v1, v21  }
0x165: {  	v58 =	vor.u32 v3, v10;
	v25 =	vld.idx.msk [tilespmem:v25+s15+$0x0], $0xffff;
	v51 =	vmul.f32 $5.656854150e+00, v31;
	[tilespmem:s2+$0xFFFFFFA0] =	vst v27  }
0x166: {  	v55 =	vor.u32 v1, v18;
	[tilespmem:s2+$0x20] =	vst v30;
	v63 =	vld.idx.msk [tilespmem:v57+s15+$0x0], $0xffff;
	v56 =	vmul.f32 $5.656854150e+00, v49  }
0x167: {  	v60 =	vor.u32 v3, v12;
	v53 =	vmul.f32 $5.656854150e+00, v32;
	[tilespmem:s2+$0xFFFFFF20] =	vst v51;
	v31 =	vld.idx.msk [tilespmem:v54+s15+$0x0], $0xffff  }
0x168: {  	v61 =	vor.u32 v3, v9;
	v26 =	vld.idx.msk [tilespmem:v26+s15+$0x0], $0xffff;
	v23 =	vmul.f32 $5.656854150e+00, v50;
	[tilespmem:s8+$0x80] =	vst v56  }
0x169: {  	v37 =	vor.u32 v2, v16;
	v28 =	vmul.f32 $5.656854150e+00, v28;
	[tilespmem:s6+$0xE0] =	vst v53;
	v59 =	vld.idx.msk [tilespmem:v52+s15+$0x0], $0xffff  }
0x16a: {  	v34 =	vor.u32 v2, v17;
	v35 =	vld.idx.msk [tilespmem:v58+s15+$0x0], $0xffff;
	v25 =	vmul.f32 $5.656854150e+00, v25;
	[tilespmem:s8+$0x0] =	vst v23  }
0x16b: {  	[tilespmem:s6+$0xFFFFFFE0] =	vst v28;
	v62 =	vld.idx.msk [tilespmem:v55+s15+$0x0], $0xffff;
	v28 =	vmul.f32 $5.656854150e+00, v63  }
0x16c: {  	v33 =	vor.u32 v2, v21;
	v27 =	vld.idx.msk [tilespmem:v60+s15+$0x0], $0xffff;
	[tilespmem:s6+$0x60] =	vst v25;
	v31 =	vmul.f32 $5.656854150e+00, v31  }
0x16d: {  	v14 =	vor.u32 v7, v14;
	v26 =	vmul.f32 $5.656854150e+00, v26;
	v23 =	vld.idx.msk [tilespmem:v61+s15+$0x0], $0xffff;
	[tilespmem:s8+$0xFFFFFF10] =	vst v28  }
0x16e: {  	v36 =	vor.u32 v2, v18;
	[tilespmem:s8+$0xFFFFFF90] =	vst v31;
	v20 =	vld.idx.msk [tilespmem:v37+s15+$0x0], $0xffff;
	v22 =	vmul.f32 $5.656854150e+00, v59  }
0x16f: {  	v39 =	vor.u32 v4, v10;
	[tilespmem:s6+$0xFFFFFF60] =	vst v26;
	v30 =	vmul.f32 $5.656854150e+00, v35;
	v25 =	vld.idx.msk [tilespmem:v34+s15+$0x0], $0xffff  }
0x170: {  	v40 =	vor.u32 v4, v12;
	v24 =	vld.idx.msk [tilespmem:v24+s15+$0x0], $0xffff;
	v19 =	vmul.f32 $5.656854150e+00, v62;
	[tilespmem:s8+$0x90] =	vst v22  }
0x171: {  	v44 =	vor.u32 v3, v16;
	v27 =	vmul.f32 $5.656854150e+00, v27;
	[tilespmem:s2+$0xFFFFFFB0] =	vst v30;
	v29 =	vld.idx.msk [tilespmem:v33+s15+$0x0], $0xffff  }
0x172: {  	v42 =	vor.u32 v3, v17;
	v14 =	vld.idx.msk [tilespmem:v14+s15+$0x0], $0xffff;
	v23 =	vmul.f32 $5.656854150e+00, v23;
	[tilespmem:s8+$0x10] =	vst v19  }
0x173: {  	v38 =	vor.u32 v4, v15;
	[tilespmem:s2+$0x30] =	vst v27;
	v26 =	vld.idx.msk [tilespmem:v36+s15+$0x0], $0xffff;
	v20 =	vmul.f32 $5.656854150e+00, v20  }
0x174: {  	v41 =	vor.u32 v3, v21;
	v30 =	vld.idx.msk [tilespmem:v39+s15+$0x0], $0xffff;
	[tilespmem:s2+$0xFFFFFF30] =	vst v23;
	v25 =	vmul.f32 $5.656854150e+00, v25  }
0x175: {  	v13 =	vor.u32 v7, v13;
	v24 =	vmul.f32 $5.656854150e+00, v24;
	v19 =	vld.idx.msk [tilespmem:v40+s15+$0x0], $0xffff;
	[tilespmem:s8+$0xFFFFFF20] =	vst v20  }
0x176: {  	v43 =	vor.u32 v3, v18;
	[tilespmem:s8+$0xFFFFFFA0] =	vst v25;
	v23 =	vld.idx.msk [tilespmem:v44+s15+$0x0], $0xffff;
	v29 =	vmul.f32 $5.656854150e+00, v29  }
0x177: {  	v11 =	vor.u32 v7, v11;
	[tilespmem:s2+$0xB0] =	vst v24;
	v28 =	vld.idx.msk [tilespmem:v42+s15+$0x0], $0xffff  }
0x178: {  	v45 =	vor.u32 v4, v9;
	v26 =	vmul.f32 $5.656854150e+00, v26;
	v22 =	vld.idx.msk [tilespmem:v38+s15+$0x0], $0xffff;
	[tilespmem:s8+$0xA0] =	vst v29  }
0x179: {  	v54 =	vor.u32 v4, v16;
	v49 =	vmul.f32 $5.656854150e+00, v30;
	v24 =	vld.idx.msk [tilespmem:v41+s15+$0x0], $0xffff  }
0x17a: {  	v13 =	vld.idx.msk [tilespmem:v13+s15+$0x0], $0xffff;
	v52 =	vor.u32 v4, v17;
	v19 =	vmul.f32 $5.656854150e+00, v19;
	[tilespmem:s8+$0x20] =	vst v26  }
0x17b: {  	v47 =	vor.u32 v5, v10;
	[tilespmem:s2+$0xFFFFFFC0] =	vst v49;
	v48 =	vld.idx.msk [tilespmem:v43+s15+$0x0], $0xffff;
	v23 =	vmul.f32 $5.656854150e+00, v23  }
0x17c: {  	v50 =	vor.u32 v4, v21;
	v11 =	vld.idx.msk [tilespmem:v11+s15+$0x0], $0xffff;
	[tilespmem:s2+$0x40] =	vst v19;
	v28 =	vmul.f32 $5.656854150e+00, v28  }
0x17d: {  	v46 =	vor.u32 v5, v15;
	v51 =	vld.idx.msk [tilespmem:v45+s15+$0x0], $0xffff;
	[tilespmem:s8+$0xFFFFFF30] =	vst v23;
	v22 =	vmul.f32 $5.656854150e+00, v22  }
0x17e: {  	v53 =	vor.u32 v4, v18;
	[tilespmem:s8+$0xFFFFFFB0] =	vst v28;
	v19 =	vld.idx.msk [tilespmem:v54+s15+$0x0], $0xffff;
	v24 =	vmul.f32 $5.656854150e+00, v24  }
0x17f: {  	v8 =	vor.u32 v7, v8;
	v14 =	vmul.f32 $5.656854150e+00, v14;
	[tilespmem:s2+$0xC0] =	vst v22;
	v22 =	vld.idx.msk [tilespmem:v52+s15+$0x0], $0xffff  }
0x180: {  	v55 =	vor.u32 v5, v12;
	v26 =	vld.idx.msk [tilespmem:v47+s15+$0x0], $0xffff;
	v20 =	vmul.f32 $5.656854150e+00, v48;
	[tilespmem:s8+$0xB0] =	vst v24  }
0x181: {  	v13 =	vmul.f32 $5.656854150e+00, v13;
	[tilespmem:s6+$0xF0] =	vst v14;
	v33 =	vor.u32 v5, v16;
	v27 =	vld.idx.msk [tilespmem:v50+s15+$0x0], $0xffff  }
0x182: {  	v63 =	vor.u32 v5, v17;
	v11 =	vmul.f32 $5.656854150e+00, v11;
	[tilespmem:s8+$0x30] =	vst v20;
	v25 =	vld.idx.msk [tilespmem:v46+s15+$0x0], $0xffff  }
0x183: {  	[tilespmem:s6+$0xFFFFFFF0] =	vst v13;
	v56 =	vor.u32 v5, v9;
	v14 =	vld.idx.msk [tilespmem:v53+s15+$0x0], $0xffff;
	v19 =	vmul.f32 $5.656854150e+00, v19  }
0x184: {  	v60 =	vor.u32 v5, v21;
	v8 =	vld.idx.msk [tilespmem:v8+s15+$0x0], $0xffff;
	[tilespmem:s6+$0x70] =	vst v11;
	v22 =	vmul.f32 $5.656854150e+00, v22  }
0x185: {  	v58 =	vor.u32 v6, v15;
	v57 =	vmul.f32 $5.656854150e+00, v51;
	v61 =	vld.idx.msk [tilespmem:v55+s15+$0x0], $0xffff;
	[tilespmem:s8+$0xFFFFFF40] =	vst v19  }
0x186: {  	v32 =	vor.u32 v5, v18;
	v13 =	vld.idx.msk [tilespmem:v33+s15+$0x0], $0xffff;
	[tilespmem:s8+$0xFFFFFFC0] =	vst v22;
	v27 =	vmul.f32 $5.656854150e+00, v27  }
0x187: {  	v34 =	vor.u32 v6, v10;
	[tilespmem:s2+$0xFFFFFF40] =	vst v57;
	v62 =	vmul.f32 $5.656854150e+00, v26;
	v59 =	vmul.f32 $5.656854150e+00, v25;
	v26 =	vld.idx.msk [tilespmem:v63+s15+$0x0], $0xffff  }
0x188: {  	v14 =	vmul.f32 $5.656854150e+00, v14;
	v24 =	vld.idx.msk [tilespmem:v56+s15+$0x0], $0xffff;
	[tilespmem:s8+$0xC0] =	vst v27  }
0x189: {  	v45 =	vor.u32 v6, v16;
	[tilespmem:s2+$0xD0] =	vst v59;
	v36 =	vld.idx.msk [tilespmem:v60+s15+$0x0], $0xffff  }
0x18a: {  	v8 =	vmul.f32 $5.656854150e+00, v8;
	v43 =	vor.u32 v6, v17;
	[tilespmem:s8+$0x40] =	vst v14;
	v20 =	vld.idx.msk [tilespmem:v58+s15+$0x0], $0xffff  }
0x18b: {  	v35 =	vor.u32 v6, v12;
	[tilespmem:s2+$0xFFFFFFD0] =	vst v62;
	v39 =	vld.idx.msk [tilespmem:v32+s15+$0x0], $0xffff;
	v13 =	vmul.f32 $5.656854150e+00, v13  }
0x18c: {  	v40 =	vor.u32 v6, v21;
	[tilespmem:s6+$0xFFFFFF70] =	vst v8;
	v41 =	vld.idx.msk [tilespmem:v34+s15+$0x0], $0xffff;
	v26 =	vmul.f32 $5.656854150e+00, v26  }
0x18d: {  	v37 =	vor.u32 v6, v9;
	v28 =	vmul.f32 $5.656854150e+00, v61;
	[tilespmem:s8+$0xFFFFFF50] =	vst v13  }
0x18e: {  	v44 =	vor.u32 v6, v18;
	v14 =	vld.idx.msk [tilespmem:v45+s15+$0x0], $0xffff;
	[tilespmem:s8+$0xFFFFFFD0] =	vst v26;
	v22 =	vmul.f32 $5.656854150e+00, v36  }
0x18f: {  	v47 =	vor.u32 v7, v10;
	[tilespmem:s2+$0x50] =	vst v28;
	v38 =	vmul.f32 $5.656854150e+00, v24;
	v42 =	vmul.f32 $5.656854150e+00, v20;
	v20 =	vld.idx.msk [tilespmem:v43+s15+$0x0], $0xffff  }
0x190: {  	v46 =	vor.u32 v7, v15;
	v19 =	vmul.f32 $5.656854150e+00, v39;
	v27 =	vld.idx.msk [tilespmem:v35+s15+$0x0], $0xffff;
	[tilespmem:s8+$0xD0] =	vst v22  }
0x191: {  	v48 =	vmul.f32 $5.656854150e+00, v41;
	v56 =	vor.u32 v7, v16;
	[tilespmem:s2+$0xFFFFFF50] =	vst v38;
	v22 =	vld.idx.msk [tilespmem:v40+s15+$0x0], $0xffff  }
0x192: {  	v53 =	vor.u32 v7, v17;
	[tilespmem:s8+$0x50] =	vst v19;
	v25 =	vld.idx.msk [tilespmem:v37+s15+$0x0], $0xffff  }
0x193: {  	v49 =	vor.u32 v7, v12;
	[tilespmem:s2+$0xFFFFFFE0] =	vst v48;
	v11 =	vld.idx.msk [tilespmem:v44+s15+$0x0], $0xffff;
	v57 =	vmul.f32 $5.656854150e+00, v14  }
0x194: {  	v21 =	vor.u32 v7, v21;
	v10 =	vld.idx.msk [tilespmem:v47+s15+$0x0], $0xffff;
	[tilespmem:s2+$0xE0] =	vst v42;
	v8 =	vmul.f32 $5.656854150e+00, v20  }
0x195: {  	v50 =	vor.u32 v7, v9;
	v15 =	vld.idx.msk [tilespmem:v46+s15+$0x0], $0xffff;
	[tilespmem:s8+$0xFFFFFF60] =	vst v57;
	v51 =	vmul.f32 $5.656854150e+00, v27  }
0x196: {  	v55 =	vor.u32 v7, v18;
	v61 =	vld.idx.msk [tilespmem:v56+s15+$0x0], $0xffff;
	[tilespmem:s8+$0xFFFFFFE0] =	vst v8;
	v54 =	vmul.f32 $5.656854150e+00, v22  }
0x197: {  	v52 =	vmul.f32 $5.656854150e+00, v25;
	[tilespmem:s2+$0x60] =	vst v51;
	v59 =	vld.idx.msk [tilespmem:v53+s15+$0x0], $0xffff  }
0x198: {  	v11 =	vmul.f32 $5.656854150e+00, v11;
	v12 =	vld.idx.msk [tilespmem:v49+s15+$0x0], $0xffff;
	[tilespmem:s8+$0xE0] =	vst v54  }
0x199: {  	v10 =	vmul.f32 $5.656854150e+00, v10;
	[tilespmem:s2+$0xFFFFFF60] =	vst v52;
	v8 =	vld.idx.msk [tilespmem:v21+s15+$0x0], $0xffff  }
0x19a: {  	v58 =	vmul.f32 $5.656854150e+00, v15;
	[tilespmem:s8+$0x60] =	vst v11;
	v9 =	vld.idx.msk [tilespmem:v50+s15+$0x0], $0xffff  }
0x19b: {  	[tilespmem:s2+$0xFFFFFFF0] =	vst v10;
	v60 =	vld.idx.msk [tilespmem:v55+s15+$0x0], $0xffff;
	v63 =	vmul.f32 $5.656854150e+00, v61  }
0x19c: {  	[tilespmem:s2+$0xF0] =	vst v58;
	v62 =	vmul.f32 $5.656854150e+00, v59  }
0x19d: {  	[tilespmem:s8+$0xFFFFFF70] =	vst v63;
	v12 =	vmul.f32 $5.656854150e+00, v12  }
0x19e: {  	[tilespmem:s8+$0xFFFFFFF0] =	vst v62;
	v8 =	vmul.f32 $5.656854150e+00, v8  }
0x19f: {  	v9 =	vmul.f32 $5.656854150e+00, v9;
	[tilespmem:s2+$0x70] =	vst v12  }
0x1a0: {  	[tilespmem:s8+$0xF0] =	vst v8;
	v8 =	vmul.f32 $5.656854150e+00, v60  }
0x1a1: {  	[tilespmem:s2+$0xFFFFFF70] =	vst v9  }
0x1a2: {  	[tilespmem:s8+$0x70] =	vst v8  }
0x1a3: {  	s6 =	simm.s32 $0x0;
	s2 =	rddreg [dreg:$0x5]  }
0x1a4: {  	[hbm4b:s2+s13] =	stream.strided.scatter [tilespmem:s24], [sflag:$0x6], $0x1000, s19, s13, $0x38;
	[tilespmem:$0xE400] =	vst v63  }
.LBB2_6:
0x1a5: {  	s2 =	simm.s32 $0x3  }
0x1a6: {  	s7 =	simm.s32 $0x1;
	v8 =	vmov s2  }
0x1a7: {  	s16 =	simm.s32 $0x2;
	v9 =	vmov s7;
	v8 =	vand.u32 $0x1F, v8  }
0x1a8: {  	_ =	swait.ge [sflag:s25], $0x1000;
	v10 =	vmov s16;
	v9 =	vand.u32 $0x1D, v9;
	v19 =	vbroadcast v8, $0x0  }
0x1a9: {  	s10 =	sshll.u32 s6, $0x9;
	[sflag:s25] =	ssyncset.done $0x0;
	v8 =	vmov s21;
	v17 =	vbroadcast v9, $0x0;
	v9 =	vand.u32 $0x1E, v10  }
0x1aa: {  	s8 =	sadd.s32 $0x200, s10;
	[sflag:s25] =	ssyncadd.s32 $0xFFFFF000;
	v8 =	vand.u32 $0x1C, v8;
	v18 =	vbroadcast v9, $0x0;
	v9 =	vor.u32 v0, v19  }
0x1ab: {  	[tilespmem:s14], [sflag:$0x1] =	stream.indirect.gather [hbm4b:s4+s13], $0x20, s8, s13, $0xb8;
	v16 =	vbroadcast v8, $0x0;
	v8 =	vor.u32 v0, v17;
	[tilespmem:$0xE400] =	vst v63  }
0x1ac: {  	_ =	swait.ge [sflag:s26], $0x1000;
	v10 =	vor.u32 v0, v18  }
0x1ad: {  	[sflag:s26] =	ssyncset.done $0x0;
	v11 =	vor.u32 v0, v16  }
0x1ae: {  	[sflag:s26] =	ssyncadd.s32 $0xFFFFF000  }
0x1af: {  	v9 =	vld.idx.msk [tilespmem:v9+s17+$0x0], $0xffff  }
0x1b0: {  	v8 =	vld.idx.msk [tilespmem:v8+s17+$0x0], $0xffff  }
0x1b1: {  	v10 =	vld.idx.msk [tilespmem:v10+s17+$0x0], $0xffff  }
0x1b2: {  	v12 =	vor.u32 v1, v19;
	v11 =	vld.idx.msk [tilespmem:v11+s17+$0x0], $0xffff  }
0x1b3: {  	v13 =	vor.u32 v1, v17  }
0x1b4: {  	v14 =	vor.u32 v1, v18;
	v9 =	vmul.f32 $5.656854150e+00, v9  }
0x1b5: {  	s7 =	simm.s32 $0xC500;
	v15 =	vor.u32 v1, v16;
	v8 =	vmul.f32 $5.656854150e+00, v8  }
0x1b6: {  	v10 =	vmul.f32 $5.656854150e+00, v10;
	[tilespmem:s7+$0x80] =	vst v9  }
0x1b7: {  	v9 =	vmul.f32 $5.656854150e+00, v11;
	[tilespmem:s7+$0xFFFFFF80] =	vst v8;
	v8 =	vld.idx.msk [tilespmem:v12+s17+$0x0], $0xffff  }
0x1b8: {  	v11 =	vld.idx.msk [tilespmem:v13+s17+$0x0], $0xffff;
	[tilespmem:s7+$0x0] =	vst v10  }
0x1b9: {  	[tilespmem:s7+$0xFFFFFF00] =	vst v9;
	v9 =	vld.idx.msk [tilespmem:v14+s17+$0x0], $0xffff  }
0x1ba: {  	v12 =	vor.u32 v2, v19;
	v10 =	vld.idx.msk [tilespmem:v15+s17+$0x0], $0xffff  }
0x1bb: {  	v13 =	vor.u32 v2, v17  }
0x1bc: {  	v14 =	vor.u32 v2, v18;
	v8 =	vmul.f32 $5.656854150e+00, v8  }
0x1bd: {  	v15 =	vor.u32 v2, v16;
	v11 =	vmul.f32 $5.656854150e+00, v11  }
0x1be: {  	v9 =	vmul.f32 $5.656854150e+00, v9;
	[tilespmem:s7+$0x90] =	vst v8  }
0x1bf: {  	s20 =	simm.s32 $0x4;
	v10 =	vmul.f32 $5.656854150e+00, v10;
	[tilespmem:s7+$0xFFFFFF90] =	vst v11;
	v11 =	vld.idx.msk [tilespmem:v12+s17+$0x0], $0xffff  }
0x1c0: {  	s11 =	simm.s32 $0x6;
	v20 =	vmov s20;
	v12 =	vld.idx.msk [tilespmem:v13+s17+$0x0], $0xffff;
	[tilespmem:s7+$0x10] =	vst v9  }
0x1c1: {  	s9 =	simm.s32 $0x5;
	v22 =	vmov s11;
	v21 =	vor.u32 v3, v19;
	v23 =	vor.u32 v3, v17;
	[tilespmem:s7+$0xFFFFFF10] =	vst v10;
	v10 =	vld.idx.msk [tilespmem:v14+s17+$0x0], $0xffff  }
0x1c2: {  	v24 =	vor.u32 v3, v18;
	v8 =	vand.u32 $0x1C, v20;
	v9 =	vmov s9;
	s9 =	simm.s32 $0x7;
	v15 =	vld.idx.msk [tilespmem:v15+s17+$0x0], $0xffff  }
0x1c3: {  	v25 =	vor.u32 v3, v16;
	v8 =	vbroadcast v8, $0x0;
	v13 =	vmov s9  }
0x1c4: {  	v9 =	vand.u32 $0x1D, v9;
	v13 =	vand.u32 $0x1F, v13;
	v11 =	vmul.f32 $5.656854150e+00, v11  }
0x1c5: {  	v20 =	vor.u32 v0, v8;
	v14 =	vbroadcast v13, $0x0;
	v12 =	vmul.f32 $5.656854150e+00, v12  }
0x1c6: {  	v13 =	vbroadcast v9, $0x0;
	v9 =	vand.u32 $0x1E, v22;
	v10 =	vmul.f32 $5.656854150e+00, v10;
	[tilespmem:s7+$0xA0] =	vst v11  }
0x1c7: {  	v11 =	vbroadcast v9, $0x0;
	v9 =	vor.u32 v0, v14;
	v15 =	vmul.f32 $5.656854150e+00, v15;
	[tilespmem:s7+$0xFFFFFFA0] =	vst v12;
	v12 =	vld.idx.msk [tilespmem:v21+s17+$0x0], $0xffff  }
0x1c8: {  	v21 =	vor.u32 v0, v13;
	v22 =	vld.idx.msk [tilespmem:v23+s17+$0x0], $0xffff;
	[tilespmem:s7+$0x20] =	vst v10  }
0x1c9: {  	s12 =	simm.s32 $0x8;
	v10 =	vor.u32 v0, v11;
	[tilespmem:s7+$0xFFFFFF20] =	vst v15;
	v15 =	vld.idx.msk [tilespmem:v24+s17+$0x0], $0xffff  }
0x1ca: {  	v24 =	vmov s12;
	v23 =	vld.idx.msk [tilespmem:v25+s17+$0x0], $0xffff;
	v25 =	vor.u32 v4, v19  }
0x1cb: {  	v26 =	vld.idx.msk [tilespmem:v20+s17+$0x0], $0xffff;
	v20 =	vand.u32 $0x1C, v24;
	v24 =	vor.u32 v4, v17  }
0x1cc: {  	v27 =	vld.idx.msk [tilespmem:v9+s17+$0x0], $0xffff;
	v9 =	vbroadcast v20, $0x0;
	v20 =	vor.u32 v4, v18;
	v12 =	vmul.f32 $5.656854150e+00, v12  }
0x1cd: {  	v28 =	vor.u32 v4, v16;
	v21 =	vld.idx.msk [tilespmem:v21+s17+$0x0], $0xffff;
	v22 =	vmul.f32 $5.656854150e+00, v22  }
0x1ce: {  	v10 =	vld.idx.msk [tilespmem:v10+s17+$0x0], $0xffff;
	v29 =	vor.u32 v0, v9;
	v15 =	vmul.f32 $5.656854150e+00, v15;
	[tilespmem:s7+$0xB0] =	vst v12  }
0x1cf: {  	v30 =	vor.u32 v1, v8;
	v23 =	vmul.f32 $5.656854150e+00, v23;
	[tilespmem:s7+$0xFFFFFFB0] =	vst v22;
	v22 =	vld.idx.msk [tilespmem:v25+s17+$0x0], $0xffff  }
0x1d0: {  	v26 =	vmul.f32 $5.656854150e+00, v26;
	v12 =	vor.u32 v1, v14;
	v24 =	vld.idx.msk [tilespmem:v24+s17+$0x0], $0xffff;
	[tilespmem:s7+$0x30] =	vst v15  }
0x1d1: {  	s9 =	simm.s32 $0xC700;
	v25 =	vor.u32 v1, v13;
	v27 =	vmul.f32 $5.656854150e+00, v27;
	[tilespmem:s7+$0xFFFFFF30] =	vst v23;
	v23 =	vld.idx.msk [tilespmem:v20+s17+$0x0], $0xffff  }
0x1d2: {  	s16 =	simm.s32 $0x9;
	[tilespmem:s9+$0xFFFFFF00] =	vst v26;
	v15 =	vor.u32 v1, v11;
	v21 =	vmul.f32 $5.656854150e+00, v21;
	v28 =	vld.idx.msk [tilespmem:v28+s17+$0x0], $0xffff  }
0x1d3: {  	v31 =	vmov s16;
	v20 =	vld.idx.msk [tilespmem:v29+s17+$0x0], $0xffff;
	v29 =	vmul.f32 $5.656854150e+00, v10;
	[tilespmem:s9+$0x80] =	vst v27;
	v27 =	vor.u32 v5, v19  }
0x1d4: {  	v30 =	vld.idx.msk [tilespmem:v30+s17+$0x0], $0xffff;
	v10 =	vand.u32 $0x1D, v31;
	[tilespmem:s9+$0xFFFFFF80] =	vst v21;
	v21 =	vor.u32 v5, v17  }
0x1d5: {  	v12 =	vld.idx.msk [tilespmem:v12+s17+$0x0], $0xffff;
	v10 =	vbroadcast v10, $0x0;
	[tilespmem:s9+$0x0] =	vst v29;
	v29 =	vor.u32 v5, v18;
	v22 =	vmul.f32 $5.656854150e+00, v22  }
0x1d6: {  	v26 =	vor.u32 v5, v16;
	v25 =	vld.idx.msk [tilespmem:v25+s17+$0x0], $0xffff;
	v24 =	vmul.f32 $5.656854150e+00, v24  }
0x1d7: {  	v15 =	vld.idx.msk [tilespmem:v15+s17+$0x0], $0xffff;
	v31 =	vor.u32 v0, v10;
	v23 =	vmul.f32 $5.656854150e+00, v23;
	[tilespmem:s7+$0xC0] =	vst v22  }
0x1d8: {  	v22 =	vor.u32 v2, v14;
	v28 =	vmul.f32 $5.656854150e+00, v28;
	[tilespmem:s7+$0xFFFFFFC0] =	vst v24;
	v24 =	vld.idx.msk [tilespmem:v27+s17+$0x0], $0xffff  }
0x1d9: {  	v27 =	vor.u32 v2, v13;
	[tilespmem:s7+$0x40] =	vst v23;
	v21 =	vld.idx.msk [tilespmem:v21+s17+$0x0], $0xffff  }
0x1da: {  	v23 =	vor.u32 v2, v11;
	v12 =	vmul.f32 $5.656854150e+00, v12;
	[tilespmem:s7+$0xFFFFFF40] =	vst v28;
	v28 =	vld.idx.msk [tilespmem:v29+s17+$0x0], $0xffff  }
0x1db: {  	s20 =	simm.s32 $0xA;
	v29 =	vor.u32 v2, v8;
	v25 =	vmul.f32 $5.656854150e+00, v25;
	v26 =	vld.idx.msk [tilespmem:v26+s17+$0x0], $0xffff  }
0x1dc: {  	v32 =	vmov s20;
	v33 =	vor.u32 v6, v19;
	v31 =	vld.idx.msk [tilespmem:v31+s17+$0x0], $0xffff;
	v15 =	vmul.f32 $5.656854150e+00, v15;
	[tilespmem:s9+$0x90] =	vst v12  }
0x1dd: {  	v30 =	vmul.f32 $5.656854150e+00, v30;
	v12 =	vand.u32 $0x1E, v32;
	[tilespmem:s9+$0xFFFFFF90] =	vst v25;
	v22 =	vld.idx.msk [tilespmem:v22+s17+$0x0], $0xffff;
	v25 =	vor.u32 v6, v17  }
0x1de: {  	v12 =	vbroadcast v12, $0x0;
	v27 =	vld.idx.msk [tilespmem:v27+s17+$0x0], $0xffff;
	[tilespmem:s9+$0x10] =	vst v15;
	v15 =	vor.u32 v6, v18;
	v24 =	vmul.f32 $5.656854150e+00, v24  }
0x1df: {  	[tilespmem:s9+$0xFFFFFF10] =	vst v30;
	v30 =	vor.u32 v6, v16;
	v23 =	vld.idx.msk [tilespmem:v23+s17+$0x0], $0xffff;
	v21 =	vmul.f32 $5.656854150e+00, v21  }
0x1e0: {  	v55 =	vor.u32 v0, v12;
	v29 =	vld.idx.msk [tilespmem:v29+s17+$0x0], $0xffff;
	v28 =	vmul.f32 $5.656854150e+00, v28;
	[tilespmem:s7+$0xD0] =	vst v24  }
0x1e1: {  	s11 =	simm.s32 $0xB;
	v24 =	vor.u32 v3, v14;
	v26 =	vmul.f32 $5.656854150e+00, v26;
	[tilespmem:s7+$0xFFFFFFD0] =	vst v21;
	v21 =	vld.idx.msk [tilespmem:v33+s17+$0x0], $0xffff  }
0x1e2: {  	v56 =	vmov s11;
	v34 =	vor.u32 v3, v13;
	v25 =	vld.idx.msk [tilespmem:v25+s17+$0x0], $0xffff;
	[tilespmem:s7+$0x50] =	vst v28  }
0x1e3: {  	v57 =	vor.u32 v3, v11;
	v28 =	vand.u32 $0x1F, v56;
	v22 =	vmul.f32 $5.656854150e+00, v22;
	[tilespmem:s7+$0xFFFFFF50] =	vst v26;
	v26 =	vld.idx.msk [tilespmem:v15+s17+$0x0], $0xffff  }
0x1e4: {  	v15 =	vbroadcast v28, $0x0;
	v28 =	vor.u32 v3, v8;
	v27 =	vmul.f32 $5.656854150e+00, v27;
	v30 =	vld.idx.msk [tilespmem:v30+s17+$0x0], $0xffff  }
0x1e5: {  	v19 =	vor.u32 v7, v19;
	v32 =	vld.idx.msk [tilespmem:v55+s17+$0x0], $0xffff;
	v23 =	vmul.f32 $5.656854150e+00, v23;
	[tilespmem:s9+$0xA0] =	vst v22  }
0x1e6: {  	v22 =	vor.u32 v0, v15;
	v29 =	vmul.f32 $5.656854150e+00, v29;
	[tilespmem:s9+$0xFFFFFFA0] =	vst v27;
	v24 =	vld.idx.msk [tilespmem:v24+s17+$0x0], $0xffff  }
0x1e7: {  	v17 =	vor.u32 v7, v17;
	v27 =	vld.idx.msk [tilespmem:v34+s17+$0x0], $0xffff;
	[tilespmem:s9+$0x20] =	vst v23;
	v21 =	vmul.f32 $5.656854150e+00, v21  }
0x1e8: {  	v18 =	vor.u32 v7, v18;
	[tilespmem:s9+$0xFFFFFF20] =	vst v29;
	v23 =	vld.idx.msk [tilespmem:v57+s17+$0x0], $0xffff  }
0x1e9: {  	s12 =	simm.s32 $0xC;
	v25 =	vmul.f32 $5.656854150e+00, v25;
	v29 =	vor.u32 v7, v16;
	v28 =	vld.idx.msk [tilespmem:v28+s17+$0x0], $0xffff;
	[tilespmem:s7+$0xE0] =	vst v21  }
0x1ea: {  	v16 =	vmul.f32 $5.656854150e+00, v26;
	v21 =	vmov s12;
	v26 =	vor.u32 v4, v14;
	v19 =	vld.idx.msk [tilespmem:v19+s17+$0x0], $0xffff  }
0x1eb: {  	v30 =	vmul.f32 $5.656854150e+00, v30;
	[tilespmem:s7+$0xFFFFFFE0] =	vst v25;
	v21 =	vand.u32 $0x1C, v21;
	v25 =	vor.u32 v4, v13;
	v22 =	vld.idx.msk [tilespmem:v22+s17+$0x0], $0xffff  }
0x1ec: {  	[tilespmem:s7+$0x60] =	vst v16;
	v16 =	vbroadcast v21, $0x0;
	v21 =	vor.u32 v4, v11;
	v24 =	vmul.f32 $5.656854150e+00, v24;
	v58 =	vld.idx.msk [tilespmem:v17+s17+$0x0], $0xffff  }
0x1ed: {  	[tilespmem:s7+$0xFFFFFF60] =	vst v30;
	v17 =	vor.u32 v4, v8;
	v27 =	vmul.f32 $5.656854150e+00, v27;
	v18 =	vld.idx.msk [tilespmem:v18+s17+$0x0], $0xffff  }
0x1ee: {  	v30 =	vor.u32 v0, v16;
	v23 =	vmul.f32 $5.656854150e+00, v23;
	[tilespmem:s9+$0xB0] =	vst v24;
	v24 =	vld.idx.msk [tilespmem:v29+s17+$0x0], $0xffff  }
0x1ef: {  	v29 =	vor.u32 v1, v15;
	v28 =	vmul.f32 $5.656854150e+00, v28;
	[tilespmem:s9+$0xFFFFFFB0] =	vst v27;
	v26 =	vld.idx.msk [tilespmem:v26+s17+$0x0], $0xffff  }
0x1f0: {  	v27 =	vor.u32 v1, v10;
	v25 =	vld.idx.msk [tilespmem:v25+s17+$0x0], $0xffff;
	[tilespmem:s9+$0x30] =	vst v23;
	v19 =	vmul.f32 $5.656854150e+00, v19  }
0x1f1: {  	v23 =	vor.u32 v1, v12;
	v22 =	vmul.f32 $5.656854150e+00, v22;
	[tilespmem:s9+$0xFFFFFF30] =	vst v28;
	v21 =	vld.idx.msk [tilespmem:v21+s17+$0x0], $0xffff  }
0x1f2: {  	s16 =	simm.s32 $0xD;
	v31 =	vmul.f32 $5.656854150e+00, v31;
	s12 =	simm.s32 $0xC900;
	v28 =	vor.u32 v1, v9;
	v59 =	vld.idx.msk [tilespmem:v17+s17+$0x0], $0xffff;
	[tilespmem:s7+$0xF0] =	vst v19  }
0x1f3: {  	v17 =	vmov s16;
	v19 =	vld.idx.msk [tilespmem:v30+s17+$0x0], $0xffff;
	v30 =	vmul.f32 $5.656854150e+00, v32;
	[tilespmem:s12+$0x80] =	vst v22;
	v22 =	vor.u32 v5, v14  }
0x1f4: {  	v20 =	vmul.f32 $5.656854150e+00, v20;
	[tilespmem:s12+$0xFFFFFF80] =	vst v31;
	v31 =	vor.u32 v5, v13;
	v17 =	vand.u32 $0x1D, v17;
	v29 =	vld.idx.msk [tilespmem:v29+s17+$0x0], $0xffff  }
0x1f5: {  	v17 =	vbroadcast v17, $0x0;
	v27 =	vld.idx.msk [tilespmem:v27+s17+$0x0], $0xffff;
	v26 =	vmul.f32 $5.656854150e+00, v26;
	[tilespmem:s12+$0x0] =	vst v30;
	v30 =	vor.u32 v5, v11  }
0x1f6: {  	[tilespmem:s12+$0xFFFFFF00] =	vst v20;
	v25 =	vmul.f32 $5.656854150e+00, v25;
	v20 =	vld.idx.msk [tilespmem:v23+s17+$0x0], $0xffff;
	v23 =	vor.u32 v5, v8  }
0x1f7: {  	v60 =	vor.u32 v0, v17;
	v28 =	vld.idx.msk [tilespmem:v28+s17+$0x0], $0xffff;
	v21 =	vmul.f32 $5.656854150e+00, v21;
	[tilespmem:s9+$0xC0] =	vst v26  }
0x1f8: {  	v26 =	vor.u32 v2, v15;
	v34 =	vmul.f32 $5.656854150e+00, v59;
	[tilespmem:s9+$0xFFFFFFC0] =	vst v25;
	v25 =	vld.idx.msk [tilespmem:v22+s17+$0x0], $0xffff  }
0x1f9: {  	v61 =	vor.u32 v2, v10;
	v22 =	vmul.f32 $5.656854150e+00, v58;
	v31 =	vld.idx.msk [tilespmem:v31+s17+$0x0], $0xffff;
	[tilespmem:s9+$0x40] =	vst v21  }
0x1fa: {  	v21 =	vor.u32 v2, v12;
	v29 =	vmul.f32 $5.656854150e+00, v29;
	[tilespmem:s9+$0xFFFFFF40] =	vst v34;
	v62 =	vld.idx.msk [tilespmem:v30+s17+$0x0], $0xffff  }
0x1fb: {  	s20 =	simm.s32 $0xE;
	v63 =	vor.u32 v6, v14;
	v35 =	vor.u32 v2, v9;
	v27 =	vmul.f32 $5.656854150e+00, v27;
	[tilespmem:s7+$0xFFFFFFF0] =	vst v22;
	v36 =	vld.idx.msk [tilespmem:v23+s17+$0x0], $0xffff  }
0x1fc: {  	v30 =	vmov s20;
	v22 =	vld.idx.msk [tilespmem:v60+s17+$0x0], $0xffff;
	v20 =	vmul.f32 $5.656854150e+00, v20;
	[tilespmem:s12+$0x90] =	vst v29;
	v23 =	vmul.f32 $5.656854150e+00, v18  }
0x1fd: {  	v18 =	vand.u32 $0x1E, v30;
	v30 =	vmul.f32 $5.656854150e+00, v28;
	[tilespmem:s12+$0xFFFFFF90] =	vst v27;
	v28 =	vor.u32 v6, v13;
	v29 =	vld.idx.msk [tilespmem:v26+s17+$0x0], $0xffff  }
0x1fe: {  	v18 =	vbroadcast v18, $0x0;
	v27 =	vld.idx.msk [tilespmem:v61+s17+$0x0], $0xffff;
	[tilespmem:s12+$0x10] =	vst v20;
	v37 =	vmul.f32 $5.656854150e+00, v25;
	v25 =	vor.u32 v6, v11  }
0x1ff: {  	v26 =	vor.u32 v6, v8;
	[tilespmem:s12+$0xFFFFFF10] =	vst v30;
	v30 =	vld.idx.msk [tilespmem:v21+s17+$0x0], $0xffff;
	v21 =	vmul.f32 $5.656854150e+00, v31  }
0x200: {  	v33 =	vor.u32 v0, v18;
	v31 =	vld.idx.msk [tilespmem:v35+s17+$0x0], $0xffff;
	[tilespmem:s9+$0xD0] =	vst v37;
	v34 =	vmul.f32 $5.656854150e+00, v62  }
0x201: {  	s2 =	simm.s32 $0x10;
	s11 =	simm.s32 $0xF;
	v20 =	vmul.f32 $5.656854150e+00, v24;
	v24 =	vor.u32 v3, v15;
	v35 =	vmul.f32 $5.656854150e+00, v36;
	[tilespmem:s9+$0xFFFFFFD0] =	vst v21;
	v32 =	vld.idx.msk [tilespmem:v63+s17+$0x0], $0xffff  }
.LBB2_7:
0x202: {  	p0 =	slt.u32 s2, $0x1C;
	v21 =	vmov s11;
	v36 =	vor.u32 v3, v10;
	v28 =	vld.idx.msk [tilespmem:v28+s17+$0x0], $0xffff;
	[tilespmem:s9+$0x50] =	vst v34  }
0x203: {  	v34 =	vor.u32 v3, v12;
	v29 =	vmul.f32 $5.656854150e+00, v29;
	v21 =	vand.u32 $0x1F, v21;
	[tilespmem:s9+$0xFFFFFF50] =	vst v35;
	v25 =	vld.idx.msk [tilespmem:v25+s17+$0x0], $0xffff  }
0x204: {  	v35 =	vor.u32 v3, v9;
	v27 =	vmul.f32 $5.656854150e+00, v27;
	v21 =	vbroadcast v21, $0x0;
	v26 =	vld.idx.msk [tilespmem:v26+s17+$0x0], $0xffff;
	[tilespmem:s7+$0x70] =	vst v23  }
0x205: {  	v30 =	vmul.f32 $5.656854150e+00, v30;
	v23 =	vld.idx.msk [tilespmem:v33+s17+$0x0], $0xffff;
	[tilespmem:s12+$0xA0] =	vst v29;
	v29 =	vor.u32 v7, v14;
	v14 =	vmov v15  }
0x206: {  	v31 =	vmul.f32 $5.656854150e+00, v31;
	v33 =	vor.u32 v0, v21;
	[tilespmem:s12+$0xFFFFFFA0] =	vst v27;
	v24 =	vld.idx.msk [tilespmem:v24+s17+$0x0], $0xffff;
	v15 =	vmov v21  }
0x207: {  	v27 =	vor.u32 v7, v13;
	v13 =	vmovc v10;
	v10 =	vmov v17;
	v21 =	vld.idx.msk [tilespmem:v36+s17+$0x0], $0xffff;
	[tilespmem:s12+$0x20] =	vst v30;
	v30 =	vmul.f32 $5.656854150e+00, v32  }
0x208: {  	v28 =	vmul.f32 $5.656854150e+00, v28;
	[tilespmem:s12+$0xFFFFFF20] =	vst v31;
	v17 =	vld.idx.msk [tilespmem:v34+s17+$0x0], $0xffff;
	v31 =	vor.u32 v7, v11;
	v11 =	vmovc v12;
	v12 =	vmov v18  }
0x209: {  	v32 =	vor.u32 v7, v8;
	v8 =	vmovc v9;
	v9 =	vmov v16;
	v25 =	vmul.f32 $5.656854150e+00, v25;
	v18 =	vld.idx.msk [tilespmem:v35+s17+$0x0], $0xffff;
	[tilespmem:s9+$0xE0] =	vst v30  }
0x20a: {  	v16 =	vmov s2;
	v30 =	vor.u32 v4, v14;
	v26 =	vmul.f32 $5.656854150e+00, v26;
	[tilespmem:s9+$0xFFFFFFE0] =	vst v28;
	v28 =	vld.idx.msk [tilespmem:v29+s17+$0x0], $0xffff  }
0x20b: {  	v16 =	vand.u32 $0x1C, v16;
	v29 =	vld.idx.msk [tilespmem:v33+s17+$0x0], $0xffff;
	v33 =	vor.u32 v4, v13;
	[tilespmem:s9+$0x60] =	vst v25  }
0x20c: {  	v16 =	vbroadcast v16, $0x0;
	v25 =	vor.u32 v4, v11;
	v24 =	vmul.f32 $5.656854150e+00, v24;
	[tilespmem:s9+$0xFFFFFF60] =	vst v26;
	v26 =	vld.idx.msk [tilespmem:v27+s17+$0x0], $0xffff  }
0x20d: {  	v27 =	vor.u32 v4, v8;
	v21 =	vmul.f32 $5.656854150e+00, v21;
	v31 =	vld.idx.msk [tilespmem:v31+s17+$0x0], $0xffff;
	[tilespmem:s7+$0xFFFFFF70] =	vst v20;
	s7 =	smov.u32 s9;
	s9 =	smov.u32 s12  }
0x20e: {  	v20 =	vor.u32 v0, v16;
	v17 =	vmul.f32 $5.656854150e+00, v17;
	[tilespmem:s12+$0xB0] =	vst v24;
	v24 =	vld.idx.msk [tilespmem:v32+s17+$0x0], $0xffff  }
0x20f: {  	s11 =	sadd.s32 $0x1, s2;
	v32 =	vor.u32 v1, v15;
	v18 =	vmul.f32 $5.656854150e+00, v18;
	[tilespmem:s12+$0xFFFFFFB0] =	vst v21;
	v21 =	vld.idx.msk [tilespmem:v30+s17+$0x0], $0xffff  }
0x210: {  	v34 =	vor.u32 v1, v10;
	v30 =	vmov s11;
	v33 =	vld.idx.msk [tilespmem:v33+s17+$0x0], $0xffff;
	[tilespmem:s12+$0x30] =	vst v17;
	v17 =	vmul.f32 $5.656854150e+00, v28  }
0x211: {  	v28 =	vand.u32 $0x1D, v30;
	v30 =	vor.u32 v1, v12;
	v29 =	vmul.f32 $5.656854150e+00, v29;
	[tilespmem:s12+$0xFFFFFF30] =	vst v18;
	v18 =	vld.idx.msk [tilespmem:v25+s17+$0x0], $0xffff  }
0x212: {  	v22 =	vmul.f32 $5.656854150e+00, v22;
	v25 =	vor.u32 v1, v9;
	s12 =	sadd.s32 $0x200, s12;
	v26 =	vmul.f32 $5.656854150e+00, v26;
	v27 =	vld.idx.msk [tilespmem:v27+s17+$0x0], $0xffff;
	[tilespmem:s7+$0xF0] =	vst v17  }
0x213: {  	v36 =	vmul.f32 $5.656854150e+00, v23;
	v23 =	vmul.f32 $5.656854150e+00, v31;
	v35 =	vld.idx.msk [tilespmem:v20+s17+$0x0], $0xffff;
	[tilespmem:s12+$0x80] =	vst v29;
	v29 =	vor.u32 v5, v14  }
0x214: {  	v19 =	vmul.f32 $5.656854150e+00, v19;
	v31 =	vor.u32 v5, v13;
	v20 =	vmul.f32 $5.656854150e+00, v24;
	[tilespmem:s12+$0xFFFFFF80] =	vst v22;
	v22 =	vld.idx.msk [tilespmem:v32+s17+$0x0], $0xffff  }
0x215: {  	v17 =	vbroadcast v28, $0x0;
	v28 =	vor.u32 v5, v11;
	v21 =	vmul.f32 $5.656854150e+00, v21;
	v24 =	vld.idx.msk [tilespmem:v34+s17+$0x0], $0xffff;
	[tilespmem:s12+$0x0] =	vst v36  }
0x216: {  	v32 =	vor.u32 v5, v8;
	v37 =	vmul.f32 $5.656854150e+00, v33;
	[tilespmem:s12+$0xFFFFFF00] =	vst v19;
	v30 =	vld.idx.msk [tilespmem:v30+s17+$0x0], $0xffff  }
0x217: {  	v33 =	vor.u32 v0, v17;
	v18 =	vmul.f32 $5.656854150e+00, v18;
	v25 =	vld.idx.msk [tilespmem:v25+s17+$0x0], $0xffff;
	[tilespmem:s9+$0xC0] =	vst v21  }
0x218: {  	v21 =	vor.u32 v2, v15;
	v27 =	vmul.f32 $5.656854150e+00, v27;
	[tilespmem:s9+$0xFFFFFFC0] =	vst v37;
	v34 =	vld.idx.msk [tilespmem:v29+s17+$0x0], $0xffff  }
0x219: {  	v36 =	vor.u32 v2, v10;
	v19 =	vmov v35;
	v31 =	vld.idx.msk [tilespmem:v31+s17+$0x0], $0xffff;
	[tilespmem:s9+$0x40] =	vst v18  }
0x21a: {  	v35 =	vor.u32 v2, v12;
	v18 =	vmul.f32 $5.656854150e+00, v22;
	[tilespmem:s9+$0xFFFFFF40] =	vst v27;
	v37 =	vld.idx.msk [tilespmem:v28+s17+$0x0], $0xffff  }
0x21b: {  	v38 =	vor.u32 v2, v9;
	s11 =	sadd.s32 $0x2, s2;
	v24 =	vmul.f32 $5.656854150e+00, v24;
	v32 =	vld.idx.msk [tilespmem:v32+s17+$0x0], $0xffff;
	[tilespmem:s7+$0xFFFFFFF0] =	vst v26  }
0x21c: {  	v39 =	vor.u32 v6, v14;
	v26 =	vmov s11;
	v30 =	vmul.f32 $5.656854150e+00, v30;
	v22 =	vld.idx.msk [tilespmem:v33+s17+$0x0], $0xffff;
	[tilespmem:s12+$0x90] =	vst v18  }
.Ltmp2:
0x21d: {  	v28 =	vor.u32 v6, v13;
	v18 =	vand.u32 $0x1E, v26;
	v26 =	vmul.f32 $5.656854150e+00, v25;
	[tilespmem:s12+$0xFFFFFF90] =	vst v24;
	v29 =	vld.idx.msk [tilespmem:v21+s17+$0x0], $0xffff;
	(pc) =	sbr.rel @p0 .LBB2_7-.Ltmp2, $4  }
0x21e: {  	v25 =	vor.u32 v6, v11;
	v18 =	vbroadcast v18, $0x0;
	v21 =	vmul.f32 $5.656854150e+00, v34;
	v27 =	vld.idx.msk [tilespmem:v36+s17+$0x0], $0xffff;
	[tilespmem:s12+$0x10] =	vst v30  }
0x21f: {  	v36 =	vmul.f32 $5.656854150e+00, v31;
	[tilespmem:s12+$0xFFFFFF10] =	vst v26;
	v30 =	vld.idx.msk [tilespmem:v35+s17+$0x0], $0xffff;
	v26 =	vor.u32 v6, v8  }
0x220: {  	v33 =	vor.u32 v0, v18;
	v34 =	vmul.f32 $5.656854150e+00, v37;
	v31 =	vld.idx.msk [tilespmem:v38+s17+$0x0], $0xffff;
	[tilespmem:s9+$0xD0] =	vst v21  }
0x221: {  	s11 =	sadd.s32 $0x3, s2;
	s2 =	sadd.s32 $0x4, s2;
	v24 =	vor.u32 v3, v15;
	v35 =	vmul.f32 $5.656854150e+00, v32;
	[tilespmem:s9+$0xFFFFFFD0] =	vst v36;
	v32 =	vld.idx.msk [tilespmem:v39+s17+$0x0], $0xffff  }
0x222: {  	v21 =	vmov s11  }
0x223: {  	v21 =	vand.u32 $0x1F, v21  }
0x224: {  	v21 =	vbroadcast v21, $0x0;
	_ =	sdelay $0x1  }
0x225: {  	v36 =	vor.u32 v0, v21;
	_ =	sdelay $0x3  }
0x226: {  	[tilespmem:s9+$0x50] =	vst v34  }
0x227: {  	v29 =	vmul.f32 $5.656854150e+00, v29;
	[tilespmem:s7+$0x70] =	vst v23;
	v47 =	vld.idx.msk [tilespmem:v36+s17+$0x0], $0xffff  }
0x228: {  	[tilespmem:s9+$0xFFFFFF50] =	vst v35;
	v27 =	vmul.f32 $5.656854150e+00, v27  }
0x229: {  	v23 =	vld.idx.msk [tilespmem:v33+s17+$0x0], $0xffff;
	v30 =	vmul.f32 $5.656854150e+00, v30;
	[tilespmem:s12+$0xA0] =	vst v29  }
0x22a: {  	v29 =	vmul.f32 $5.656854150e+00, v31;
	[tilespmem:s12+$0xFFFFFFA0] =	vst v27;
	v27 =	vor.u32 v1, v21  }
0x22b: {  	v28 =	vld.idx.msk [tilespmem:v28+s17+$0x0], $0xffff;
	v31 =	vor.u32 v1, v17;
	[tilespmem:s12+$0x20] =	vst v30;
	v30 =	vmul.f32 $5.656854150e+00, v32  }
0x22c: {  	v25 =	vld.idx.msk [tilespmem:v25+s17+$0x0], $0xffff;
	[tilespmem:s12+$0xFFFFFF20] =	vst v29;
	v29 =	vor.u32 v1, v18;
	v48 =	vmul.f32 $5.656854150e+00, v47  }
0x22d: {  	v22 =	vmul.f32 $5.656854150e+00, v22;
	s2 =	sadd.s32 $0x200, s12;
	v26 =	vld.idx.msk [tilespmem:v26+s17+$0x0], $0xffff;
	[tilespmem:s9+$0xE0] =	vst v30;
	v30 =	vor.u32 v1, v16  }
0x22e: {  	v23 =	vmul.f32 $5.656854150e+00, v23;
	[tilespmem:s2+$0x80] =	vst v48  }
0x22f: {  	v49 =	vor.u32 v3, v10;
	v19 =	vmul.f32 $5.656854150e+00, v19;
	[tilespmem:s2+$0xFFFFFF80] =	vst v22;
	v22 =	vld.idx.msk [tilespmem:v27+s17+$0x0], $0xffff  }
0x230: {  	v28 =	vmul.f32 $5.656854150e+00, v28;
	[tilespmem:s2+$0x0] =	vst v23;
	v31 =	vld.idx.msk [tilespmem:v31+s17+$0x0], $0xffff;
	v27 =	vor.u32 v3, v12  }
0x231: {  	[tilespmem:s2+$0xFFFFFF00] =	vst v19;
	v25 =	vmul.f32 $5.656854150e+00, v25;
	v23 =	vor.u32 v3, v9;
	v19 =	vld.idx.msk [tilespmem:v29+s17+$0x0], $0xffff  }
0x232: {  	v26 =	vmul.f32 $5.656854150e+00, v26;
	[tilespmem:s9+$0xFFFFFFE0] =	vst v28;
	v29 =	vor.u32 v2, v21;
	v28 =	vld.idx.msk [tilespmem:v30+s17+$0x0], $0xffff  }
0x233: {  	v24 =	vld.idx.msk [tilespmem:v24+s17+$0x0], $0xffff;
	[tilespmem:s9+$0x60] =	vst v25;
	v25 =	vor.u32 v2, v17  }
0x234: {  	[tilespmem:s9+$0xFFFFFF60] =	vst v26;
	v26 =	vor.u32 v2, v18;
	v30 =	vld.idx.msk [tilespmem:v49+s17+$0x0], $0xffff;
	v22 =	vmul.f32 $5.656854150e+00, v22  }
0x235: {  	[tilespmem:s7+$0xFFFFFF70] =	vst v20;
	v20 =	vor.u32 v2, v16;
	v31 =	vmul.f32 $5.656854150e+00, v31;
	v27 =	vld.idx.msk [tilespmem:v27+s17+$0x0], $0xffff  }
0x236: {  	v14 =	vor.u32 v7, v14;
	v23 =	vld.idx.msk [tilespmem:v23+s17+$0x0], $0xffff;
	v19 =	vmul.f32 $5.656854150e+00, v19;
	[tilespmem:s2+$0x90] =	vst v22  }
0x237: {  	[tilespmem:s2+$0xFFFFFF90] =	vst v31;
	v28 =	vmul.f32 $5.656854150e+00, v28;
	v22 =	vor.u32 v4, v15;
	v29 =	vld.idx.msk [tilespmem:v29+s17+$0x0], $0xffff  }
0x238: {  	v24 =	vmul.f32 $5.656854150e+00, v24;
	v31 =	vor.u32 v4, v10;
	v25 =	vld.idx.msk [tilespmem:v25+s17+$0x0], $0xffff;
	[tilespmem:s2+$0x10] =	vst v19  }
0x239: {  	v30 =	vmul.f32 $5.656854150e+00, v30;
	v19 =	vor.u32 v4, v12;
	[tilespmem:s2+$0xFFFFFF10] =	vst v28;
	v26 =	vld.idx.msk [tilespmem:v26+s17+$0x0], $0xffff  }
0x23a: {  	[tilespmem:s12+$0xB0] =	vst v24;
	v24 =	vor.u32 v3, v21;
	v20 =	vld.idx.msk [tilespmem:v20+s17+$0x0], $0xffff;
	v27 =	vmul.f32 $5.656854150e+00, v27  }
0x23b: {  	v14 =	vld.idx.msk [tilespmem:v14+s17+$0x0], $0xffff;
	v23 =	vmul.f32 $5.656854150e+00, v23;
	[tilespmem:s12+$0xFFFFFFB0] =	vst v30;
	v28 =	vor.u32 v3, v17  }
0x23c: {  	v22 =	vld.idx.msk [tilespmem:v22+s17+$0x0], $0xffff;
	[tilespmem:s12+$0x30] =	vst v27;
	v27 =	vor.u32 v3, v18;
	v29 =	vmul.f32 $5.656854150e+00, v29  }
0x23d: {  	[tilespmem:s12+$0xFFFFFF30] =	vst v23;
	v23 =	vor.u32 v3, v16;
	v30 =	vld.idx.msk [tilespmem:v31+s17+$0x0], $0xffff;
	v25 =	vmul.f32 $5.656854150e+00, v25  }
0x23e: {  	v13 =	vor.u32 v7, v13;
	v26 =	vmul.f32 $5.656854150e+00, v26;
	v19 =	vld.idx.msk [tilespmem:v19+s17+$0x0], $0xffff;
	[tilespmem:s2+$0xA0] =	vst v29  }
0x23f: {  	v31 =	vor.u32 v4, v9;
	[tilespmem:s2+$0xFFFFFFA0] =	vst v25;
	v20 =	vmul.f32 $5.656854150e+00, v20;
	v24 =	vld.idx.msk [tilespmem:v24+s17+$0x0], $0xffff  }
0x240: {  	v14 =	vmul.f32 $5.656854150e+00, v14;
	v25 =	vor.u32 v5, v15;
	v28 =	vld.idx.msk [tilespmem:v28+s17+$0x0], $0xffff;
	[tilespmem:s2+$0x20] =	vst v26  }
0x241: {  	v26 =	vor.u32 v5, v10;
	[tilespmem:s2+$0xFFFFFF20] =	vst v20;
	v22 =	vmul.f32 $5.656854150e+00, v22;
	v20 =	vld.idx.msk [tilespmem:v27+s17+$0x0], $0xffff  }
0x242: {  	[tilespmem:s9+$0xF0] =	vst v14;
	v14 =	vmul.f32 $5.656854150e+00, v30;
	v23 =	vld.idx.msk [tilespmem:v23+s17+$0x0], $0xffff;
	v27 =	vor.u32 v4, v21  }
0x243: {  	v13 =	vld.idx.msk [tilespmem:v13+s17+$0x0], $0xffff;
	v19 =	vmul.f32 $5.656854150e+00, v19;
	[tilespmem:s12+$0xC0] =	vst v22;
	v22 =	vor.u32 v4, v17  }
0x244: {  	[tilespmem:s12+$0xFFFFFFC0] =	vst v14;
	v14 =	vor.u32 v4, v18;
	v29 =	vld.idx.msk [tilespmem:v31+s17+$0x0], $0xffff;
	v24 =	vmul.f32 $5.656854150e+00, v24  }
0x245: {  	v28 =	vmul.f32 $5.656854150e+00, v28;
	v25 =	vld.idx.msk [tilespmem:v25+s17+$0x0], $0xffff;
	[tilespmem:s12+$0x40] =	vst v19;
	v19 =	vor.u32 v4, v16  }
0x246: {  	v30 =	vor.u32 v5, v12;
	v26 =	vld.idx.msk [tilespmem:v26+s17+$0x0], $0xffff;
	v20 =	vmul.f32 $5.656854150e+00, v20;
	[tilespmem:s2+$0xB0] =	vst v24  }
0x247: {  	[tilespmem:s2+$0xFFFFFFB0] =	vst v28;
	v23 =	vmul.f32 $5.656854150e+00, v23;
	v24 =	vor.u32 v5, v9;
	v27 =	vld.idx.msk [tilespmem:v27+s17+$0x0], $0xffff  }
0x248: {  	v11 =	vor.u32 v7, v11;
	v13 =	vmul.f32 $5.656854150e+00, v13;
	v22 =	vld.idx.msk [tilespmem:v22+s17+$0x0], $0xffff;
	[tilespmem:s2+$0x30] =	vst v20  }
0x249: {  	[tilespmem:s2+$0xFFFFFF30] =	vst v23;
	v28 =	vmul.f32 $5.656854150e+00, v29;
	v20 =	vor.u32 v6, v15;
	v14 =	vld.idx.msk [tilespmem:v14+s17+$0x0], $0xffff  }
0x24a: {  	[tilespmem:s9+$0xFFFFFFF0] =	vst v13;
	v23 =	vmul.f32 $5.656854150e+00, v25;
	v19 =	vld.idx.msk [tilespmem:v19+s17+$0x0], $0xffff;
	v25 =	vor.u32 v5, v21  }
0x24b: {  	v13 =	vmul.f32 $5.656854150e+00, v26;
	v26 =	vor.u32 v5, v17;
	[tilespmem:s12+$0xFFFFFF40] =	vst v28;
	v28 =	vld.idx.msk [tilespmem:v30+s17+$0x0], $0xffff  }
0x24c: {  	[tilespmem:s12+$0xD0] =	vst v23;
	v23 =	vor.u32 v5, v18;
	v24 =	vld.idx.msk [tilespmem:v24+s17+$0x0], $0xffff;
	v27 =	vmul.f32 $5.656854150e+00, v27  }
0x24d: {  	v11 =	vld.idx.msk [tilespmem:v11+s17+$0x0], $0xffff;
	[tilespmem:s12+$0xFFFFFFD0] =	vst v13;
	v13 =	vor.u32 v5, v16;
	v22 =	vmul.f32 $5.656854150e+00, v22  }
0x24e: {  	v29 =	vor.u32 v6, v10;
	v20 =	vld.idx.msk [tilespmem:v20+s17+$0x0], $0xffff;
	v14 =	vmul.f32 $5.656854150e+00, v14;
	[tilespmem:s2+$0xC0] =	vst v27  }
0x24f: {  	v19 =	vmul.f32 $5.656854150e+00, v19;
	v27 =	vor.u32 v6, v12;
	[tilespmem:s2+$0xFFFFFFC0] =	vst v22;
	v22 =	vld.idx.msk [tilespmem:v25+s17+$0x0], $0xffff  }
0x250: {  	v28 =	vmul.f32 $5.656854150e+00, v28;
	v25 =	vor.u32 v6, v9;
	v26 =	vld.idx.msk [tilespmem:v26+s17+$0x0], $0xffff;
	[tilespmem:s2+$0x40] =	vst v14  }
0x251: {  	v8 =	vor.u32 v7, v8;
	[tilespmem:s2+$0xFFFFFF40] =	vst v19;
	v14 =	vmul.f32 $5.656854150e+00, v24;
	v19 =	vld.idx.msk [tilespmem:v23+s17+$0x0], $0xffff  }
0x252: {  	v11 =	vmul.f32 $5.656854150e+00, v11;
	[tilespmem:s12+$0x50] =	vst v28;
	v13 =	vld.idx.msk [tilespmem:v13+s17+$0x0], $0xffff;
	v23 =	vor.u32 v6, v21  }
0x253: {  	v24 =	vld.idx.msk [tilespmem:v29+s17+$0x0], $0xffff;
	[tilespmem:s12+$0xFFFFFF50] =	vst v14;
	v14 =	vmul.f32 $5.656854150e+00, v20;
	v20 =	vor.u32 v6, v17  }
0x254: {  	[tilespmem:s9+$0x70] =	vst v11;
	v11 =	vor.u32 v6, v18;
	v27 =	vld.idx.msk [tilespmem:v27+s17+$0x0], $0xffff;
	v22 =	vmul.f32 $5.656854150e+00, v22  }
0x255: {  	v25 =	vld.idx.msk [tilespmem:v25+s17+$0x0], $0xffff;
	[tilespmem:s12+$0xE0] =	vst v14;
	v14 =	vor.u32 v6, v16;
	v26 =	vmul.f32 $5.656854150e+00, v26  }
0x256: {  	v8 =	vld.idx.msk [tilespmem:v8+s17+$0x0], $0xffff;
	v15 =	vor.u32 v7, v15;
	v19 =	vmul.f32 $5.656854150e+00, v19;
	[tilespmem:s2+$0xD0] =	vst v22  }
0x257: {  	v10 =	vor.u32 v7, v10;
	v13 =	vmul.f32 $5.656854150e+00, v13;
	[tilespmem:s2+$0xFFFFFFD0] =	vst v26;
	v22 =	vld.idx.msk [tilespmem:v23+s17+$0x0], $0xffff  }
0x258: {  	v12 =	vor.u32 v7, v12;
	v23 =	vmul.f32 $5.656854150e+00, v24;
	v20 =	vld.idx.msk [tilespmem:v20+s17+$0x0], $0xffff;
	[tilespmem:s2+$0x50] =	vst v19  }
0x259: {  	v9 =	vor.u32 v7, v9;
	[tilespmem:s2+$0xFFFFFF50] =	vst v13;
	v19 =	vmul.f32 $5.656854150e+00, v27;
	v11 =	vld.idx.msk [tilespmem:v11+s17+$0x0], $0xffff  }
0x25a: {  	v21 =	vor.u32 v7, v21;
	v13 =	vmul.f32 $5.656854150e+00, v25;
	[tilespmem:s12+$0xFFFFFFE0] =	vst v23;
	v14 =	vld.idx.msk [tilespmem:v14+s17+$0x0], $0xffff  }
0x25b: {  	v8 =	vmul.f32 $5.656854150e+00, v8;
	v17 =	vor.u32 v7, v17;
	v15 =	vld.idx.msk [tilespmem:v15+s17+$0x0], $0xffff;
	[tilespmem:s12+$0x60] =	vst v19  }
0x25c: {  	v18 =	vor.u32 v7, v18;
	v10 =	vld.idx.msk [tilespmem:v10+s17+$0x0], $0xffff;
	[tilespmem:s12+$0xFFFFFF60] =	vst v13;
	v13 =	vmul.f32 $5.656854150e+00, v22  }
0x25d: {  	[tilespmem:s9+$0xFFFFFF70] =	vst v8;
	v16 =	vor.u32 v7, v16;
	v12 =	vld.idx.msk [tilespmem:v12+s17+$0x0], $0xffff;
	v8 =	vmul.f32 $5.656854150e+00, v20  }
0x25e: {  	v9 =	vld.idx.msk [tilespmem:v9+s17+$0x0], $0xffff;
	v11 =	vmul.f32 $5.656854150e+00, v11;
	[tilespmem:s2+$0xE0] =	vst v13  }
0x25f: {  	v13 =	vmul.f32 $5.656854150e+00, v14;
	[tilespmem:s2+$0xFFFFFFE0] =	vst v8;
	v8 =	vld.idx.msk [tilespmem:v21+s17+$0x0], $0xffff  }
0x260: {  	v14 =	vmul.f32 $5.656854150e+00, v15;
	[tilespmem:s2+$0x60] =	vst v11;
	v11 =	vld.idx.msk [tilespmem:v17+s17+$0x0], $0xffff  }
0x261: {  	v10 =	vmul.f32 $5.656854150e+00, v10;
	[tilespmem:s2+$0xFFFFFF60] =	vst v13;
	v13 =	vld.idx.msk [tilespmem:v18+s17+$0x0], $0xffff  }
0x262: {  	s11 =	sadd.s32 s10, s3;
	[tilespmem:s12+$0xF0] =	vst v14;
	v12 =	vmul.f32 $5.656854150e+00, v12;
	v14 =	vld.idx.msk [tilespmem:v16+s17+$0x0], $0xffff  }
0x263: {  	s20 =	sadd.s32 $0x100, s11;
	v9 =	vmul.f32 $5.656854150e+00, v9;
	[tilespmem:s12+$0xFFFFFFF0] =	vst v10  }
0x264: {  	s16 =	sshll.u32 s20, $0x5;
	[tilespmem:s12+$0x70] =	vst v12;
	v8 =	vmul.f32 $5.656854150e+00, v8  }
0x265: {  	s7 =	sand.u32 $0x3F00, s20;
	s9 =	sand.u32 $0x7FF80000, s16;
	[tilespmem:s12+$0xFFFFFF70] =	vst v9;
	v9 =	vmul.f32 $5.656854150e+00, v11  }
0x266: {  	s7 =	sor.u32 s7, s9;
	[tilespmem:s2+$0xF0] =	vst v8;
	v8 =	vmul.f32 $5.656854150e+00, v13  }
0x267: {  	s7 =	sshrl.u32 s7, $0x3;
	v10 =	vmul.f32 $5.656854150e+00, v14;
	[tilespmem:s2+$0xFFFFFFF0] =	vst v9  }
0x268: {  	s20 =	sadd.s32 s5, s7;
	s7 =	simm.s32 $0x3;
	[tilespmem:s2+$0x70] =	vst v8  }
0x269: {  	s9 =	simm.s32 $0x1;
	s12 =	simm.s32 $0x2;
	[tilespmem:s2+$0xFFFFFF70] =	vst v10;
	v8 =	vmov s7  }
0x26a: {  	v9 =	vmov s9;
	[hbm4b:s20+s13] =	stream.strided.scatter [tilespmem:s28], [sflag:$0x7], $0x1000, s19, s13, $0x38;
	v8 =	vand.u32 $0x1F, v8;
	[tilespmem:$0xE400] =	vst v63  }
0x26b: {  	s16 =	simm.s32 $0x0;
	v9 =	vand.u32 $0x1D, v9;
	v10 =	vmov s12;
	_ =	swait.ge [sflag:s29], $0x1000;
	v19 =	vbroadcast v8, $0x0  }
0x26c: {  	v17 =	vbroadcast v9, $0x0;
	v9 =	vand.u32 $0x1E, v10;
	v8 =	vmov s16;
	[sflag:s29] =	ssyncset.done $0x0  }
0x26d: {  	s9 =	sadd.s32 $0x280, s10;
	v18 =	vbroadcast v9, $0x0;
	v8 =	vand.u32 $0x1C, v8;
	[sflag:s29] =	ssyncadd.s32 $0xFFFFF000;
	v9 =	vor.u32 v0, v19  }
0x26e: {  	v16 =	vbroadcast v8, $0x0;
	v8 =	vor.u32 v0, v17;
	[tilespmem:s15], [sflag:$0x2] =	stream.indirect.gather [hbm4b:s4+s13], $0x20, s9, s13, $0xb8;
	[tilespmem:$0xE400] =	vst v63  }
0x26f: {  	v10 =	vor.u32 v0, v18;
	_ =	swait.ge [sflag:s30], $0x1000  }
0x270: {  	v11 =	vor.u32 v0, v16;
	[sflag:s30] =	ssyncset.done $0x0  }
0x271: {  	[sflag:s30] =	ssyncadd.s32 $0xFFFFF000  }
0x272: {  	v9 =	vld.idx.msk [tilespmem:v9+s22+$0x0], $0xffff  }
0x273: {  	v8 =	vld.idx.msk [tilespmem:v8+s22+$0x0], $0xffff  }
0x274: {  	v10 =	vld.idx.msk [tilespmem:v10+s22+$0x0], $0xffff  }
0x275: {  	v12 =	vor.u32 v1, v19;
	v11 =	vld.idx.msk [tilespmem:v11+s22+$0x0], $0xffff  }
0x276: {  	v13 =	vor.u32 v1, v17  }
0x277: {  	v14 =	vor.u32 v1, v18;
	v9 =	vmul.f32 $5.656854150e+00, v9  }
0x278: {  	s12 =	simm.s32 $0xD500;
	v15 =	vor.u32 v1, v16;
	v8 =	vmul.f32 $5.656854150e+00, v8  }
0x279: {  	v10 =	vmul.f32 $5.656854150e+00, v10;
	[tilespmem:s12+$0x80] =	vst v9  }
0x27a: {  	v9 =	vmul.f32 $5.656854150e+00, v11;
	[tilespmem:s12+$0xFFFFFF80] =	vst v8;
	v8 =	vld.idx.msk [tilespmem:v12+s22+$0x0], $0xffff  }
0x27b: {  	[tilespmem:s12+$0x0] =	vst v10;
	v11 =	vld.idx.msk [tilespmem:v13+s22+$0x0], $0xffff  }
0x27c: {  	[tilespmem:s12+$0xFFFFFF00] =	vst v9;
	v9 =	vld.idx.msk [tilespmem:v14+s22+$0x0], $0xffff  }
0x27d: {  	v12 =	vor.u32 v2, v19;
	v10 =	vld.idx.msk [tilespmem:v15+s22+$0x0], $0xffff  }
0x27e: {  	v13 =	vor.u32 v2, v17  }
0x27f: {  	v14 =	vor.u32 v2, v18;
	v8 =	vmul.f32 $5.656854150e+00, v8  }
0x280: {  	v15 =	vor.u32 v2, v16;
	v11 =	vmul.f32 $5.656854150e+00, v11  }
0x281: {  	v9 =	vmul.f32 $5.656854150e+00, v9;
	[tilespmem:s12+$0x90] =	vst v8  }
0x282: {  	s20 =	simm.s32 $0x4;
	v10 =	vmul.f32 $5.656854150e+00, v10;
	[tilespmem:s12+$0xFFFFFF90] =	vst v11;
	v11 =	vld.idx.msk [tilespmem:v12+s22+$0x0], $0xffff  }
0x283: {  	v20 =	vmov s20;
	s16 =	simm.s32 $0x6;
	v12 =	vld.idx.msk [tilespmem:v13+s22+$0x0], $0xffff;
	[tilespmem:s12+$0x10] =	vst v9  }
0x284: {  	v23 =	vor.u32 v3, v17;
	v22 =	vmov s16;
	v21 =	vor.u32 v3, v19;
	[tilespmem:s12+$0xFFFFFF10] =	vst v10;
	v10 =	vld.idx.msk [tilespmem:v14+s22+$0x0], $0xffff  }
0x285: {  	s7 =	simm.s32 $0x5;
	s20 =	simm.s32 $0x7;
	v24 =	vor.u32 v3, v18;
	v25 =	vor.u32 v3, v16;
	v8 =	vand.u32 $0x1C, v20;
	v15 =	vld.idx.msk [tilespmem:v15+s22+$0x0], $0xffff  }
0x286: {  	v8 =	vbroadcast v8, $0x0;
	v9 =	vmov s7;
	v13 =	vmov s20  }
0x287: {  	v9 =	vand.u32 $0x1D, v9;
	v13 =	vand.u32 $0x1F, v13;
	v11 =	vmul.f32 $5.656854150e+00, v11  }
0x288: {  	v20 =	vor.u32 v0, v8;
	v14 =	vbroadcast v13, $0x0;
	v12 =	vmul.f32 $5.656854150e+00, v12  }
0x289: {  	v13 =	vbroadcast v9, $0x0;
	v9 =	vand.u32 $0x1E, v22;
	v10 =	vmul.f32 $5.656854150e+00, v10;
	[tilespmem:s12+$0xA0] =	vst v11  }
0x28a: {  	v11 =	vbroadcast v9, $0x0;
	v9 =	vor.u32 v0, v14;
	v15 =	vmul.f32 $5.656854150e+00, v15;
	[tilespmem:s12+$0xFFFFFFA0] =	vst v12;
	v12 =	vld.idx.msk [tilespmem:v21+s22+$0x0], $0xffff  }
0x28b: {  	v21 =	vor.u32 v0, v13;
	v22 =	vld.idx.msk [tilespmem:v23+s22+$0x0], $0xffff;
	[tilespmem:s12+$0x20] =	vst v10  }
0x28c: {  	s16 =	simm.s32 $0x8;
	v10 =	vor.u32 v0, v11;
	[tilespmem:s12+$0xFFFFFF20] =	vst v15;
	v15 =	vld.idx.msk [tilespmem:v24+s22+$0x0], $0xffff  }
0x28d: {  	v24 =	vmov s16;
	v23 =	vld.idx.msk [tilespmem:v25+s22+$0x0], $0xffff;
	v25 =	vor.u32 v4, v19  }
0x28e: {  	v26 =	vld.idx.msk [tilespmem:v20+s22+$0x0], $0xffff;
	v20 =	vand.u32 $0x1C, v24;
	v24 =	vor.u32 v4, v17  }
0x28f: {  	v27 =	vld.idx.msk [tilespmem:v9+s22+$0x0], $0xffff;
	v9 =	vbroadcast v20, $0x0;
	v20 =	vor.u32 v4, v18;
	v12 =	vmul.f32 $5.656854150e+00, v12  }
0x290: {  	v28 =	vor.u32 v4, v16;
	v21 =	vld.idx.msk [tilespmem:v21+s22+$0x0], $0xffff;
	v22 =	vmul.f32 $5.656854150e+00, v22  }
0x291: {  	v10 =	vld.idx.msk [tilespmem:v10+s22+$0x0], $0xffff;
	v29 =	vor.u32 v0, v9;
	v15 =	vmul.f32 $5.656854150e+00, v15;
	[tilespmem:s12+$0xB0] =	vst v12  }
0x292: {  	v30 =	vor.u32 v1, v8;
	v23 =	vmul.f32 $5.656854150e+00, v23;
	[tilespmem:s12+$0xFFFFFFB0] =	vst v22;
	v22 =	vld.idx.msk [tilespmem:v25+s22+$0x0], $0xffff  }
0x293: {  	v26 =	vmul.f32 $5.656854150e+00, v26;
	v12 =	vor.u32 v1, v14;
	v24 =	vld.idx.msk [tilespmem:v24+s22+$0x0], $0xffff;
	[tilespmem:s12+$0x30] =	vst v15  }
0x294: {  	s7 =	simm.s32 $0xD700;
	v25 =	vor.u32 v1, v13;
	v27 =	vmul.f32 $5.656854150e+00, v27;
	[tilespmem:s12+$0xFFFFFF30] =	vst v23;
	v23 =	vld.idx.msk [tilespmem:v20+s22+$0x0], $0xffff  }
0x295: {  	s20 =	simm.s32 $0x9;
	[tilespmem:s7+$0xFFFFFF00] =	vst v26;
	v15 =	vor.u32 v1, v11;
	v21 =	vmul.f32 $5.656854150e+00, v21;
	v28 =	vld.idx.msk [tilespmem:v28+s22+$0x0], $0xffff  }
0x296: {  	v31 =	vmov s20;
	v20 =	vld.idx.msk [tilespmem:v29+s22+$0x0], $0xffff;
	v29 =	vmul.f32 $5.656854150e+00, v10;
	[tilespmem:s7+$0x80] =	vst v27;
	v27 =	vor.u32 v5, v19  }
0x297: {  	v30 =	vld.idx.msk [tilespmem:v30+s22+$0x0], $0xffff;
	v10 =	vand.u32 $0x1D, v31;
	[tilespmem:s7+$0xFFFFFF80] =	vst v21;
	v21 =	vor.u32 v5, v17  }
0x298: {  	v12 =	vld.idx.msk [tilespmem:v12+s22+$0x0], $0xffff;
	v10 =	vbroadcast v10, $0x0;
	[tilespmem:s7+$0x0] =	vst v29;
	v29 =	vor.u32 v5, v18;
	v22 =	vmul.f32 $5.656854150e+00, v22  }
0x299: {  	v26 =	vor.u32 v5, v16;
	v25 =	vld.idx.msk [tilespmem:v25+s22+$0x0], $0xffff;
	v24 =	vmul.f32 $5.656854150e+00, v24  }
0x29a: {  	v15 =	vld.idx.msk [tilespmem:v15+s22+$0x0], $0xffff;
	v31 =	vor.u32 v0, v10;
	v23 =	vmul.f32 $5.656854150e+00, v23;
	[tilespmem:s12+$0xC0] =	vst v22  }
0x29b: {  	v22 =	vor.u32 v2, v14;
	v28 =	vmul.f32 $5.656854150e+00, v28;
	[tilespmem:s12+$0xFFFFFFC0] =	vst v24;
	v24 =	vld.idx.msk [tilespmem:v27+s22+$0x0], $0xffff  }
0x29c: {  	v27 =	vor.u32 v2, v13;
	[tilespmem:s12+$0x40] =	vst v23;
	v21 =	vld.idx.msk [tilespmem:v21+s22+$0x0], $0xffff  }
0x29d: {  	v23 =	vor.u32 v2, v11;
	v12 =	vmul.f32 $5.656854150e+00, v12;
	[tilespmem:s12+$0xFFFFFF40] =	vst v28;
	v28 =	vld.idx.msk [tilespmem:v29+s22+$0x0], $0xffff  }
0x29e: {  	s16 =	simm.s32 $0xA;
	v29 =	vor.u32 v2, v8;
	v25 =	vmul.f32 $5.656854150e+00, v25;
	v26 =	vld.idx.msk [tilespmem:v26+s22+$0x0], $0xffff  }
0x29f: {  	v51 =	vor.u32 v6, v19;
	v50 =	vmov s16;
	v31 =	vld.idx.msk [tilespmem:v31+s22+$0x0], $0xffff;
	v15 =	vmul.f32 $5.656854150e+00, v15;
	[tilespmem:s7+$0x90] =	vst v12  }
0x2a0: {  	v30 =	vmul.f32 $5.656854150e+00, v30;
	v12 =	vand.u32 $0x1E, v50;
	[tilespmem:s7+$0xFFFFFF90] =	vst v25;
	v22 =	vld.idx.msk [tilespmem:v22+s22+$0x0], $0xffff;
	v25 =	vor.u32 v6, v17  }
0x2a1: {  	v12 =	vbroadcast v12, $0x0;
	v27 =	vld.idx.msk [tilespmem:v27+s22+$0x0], $0xffff;
	[tilespmem:s7+$0x10] =	vst v15;
	v15 =	vor.u32 v6, v18;
	v24 =	vmul.f32 $5.656854150e+00, v24  }
0x2a2: {  	[tilespmem:s7+$0xFFFFFF10] =	vst v30;
	v30 =	vor.u32 v6, v16;
	v23 =	vld.idx.msk [tilespmem:v23+s22+$0x0], $0xffff;
	v21 =	vmul.f32 $5.656854150e+00, v21  }
0x2a3: {  	v52 =	vor.u32 v0, v12;
	v29 =	vld.idx.msk [tilespmem:v29+s22+$0x0], $0xffff;
	v28 =	vmul.f32 $5.656854150e+00, v28;
	[tilespmem:s12+$0xD0] =	vst v24  }
0x2a4: {  	s20 =	simm.s32 $0xB;
	v24 =	vor.u32 v3, v14;
	v26 =	vmul.f32 $5.656854150e+00, v26;
	[tilespmem:s12+$0xFFFFFFD0] =	vst v21;
	v21 =	vld.idx.msk [tilespmem:v51+s22+$0x0], $0xffff  }
0x2a5: {  	v53 =	vmov s20;
	v54 =	vor.u32 v3, v13;
	v25 =	vld.idx.msk [tilespmem:v25+s22+$0x0], $0xffff;
	[tilespmem:s12+$0x50] =	vst v28  }
0x2a6: {  	v55 =	vor.u32 v3, v11;
	v28 =	vand.u32 $0x1F, v53;
	v22 =	vmul.f32 $5.656854150e+00, v22;
	[tilespmem:s12+$0xFFFFFF50] =	vst v26;
	v26 =	vld.idx.msk [tilespmem:v15+s22+$0x0], $0xffff  }
0x2a7: {  	v15 =	vbroadcast v28, $0x0;
	v28 =	vor.u32 v3, v8;
	v27 =	vmul.f32 $5.656854150e+00, v27;
	v30 =	vld.idx.msk [tilespmem:v30+s22+$0x0], $0xffff  }
0x2a8: {  	v19 =	vor.u32 v7, v19;
	v32 =	vld.idx.msk [tilespmem:v52+s22+$0x0], $0xffff;
	v23 =	vmul.f32 $5.656854150e+00, v23;
	[tilespmem:s7+$0xA0] =	vst v22  }
0x2a9: {  	v22 =	vor.u32 v0, v15;
	v29 =	vmul.f32 $5.656854150e+00, v29;
	[tilespmem:s7+$0xFFFFFFA0] =	vst v27;
	v24 =	vld.idx.msk [tilespmem:v24+s22+$0x0], $0xffff  }
0x2aa: {  	v17 =	vor.u32 v7, v17;
	v27 =	vld.idx.msk [tilespmem:v54+s22+$0x0], $0xffff;
	[tilespmem:s7+$0x20] =	vst v23;
	v21 =	vmul.f32 $5.656854150e+00, v21  }
0x2ab: {  	v18 =	vor.u32 v7, v18;
	[tilespmem:s7+$0xFFFFFF20] =	vst v29;
	v23 =	vld.idx.msk [tilespmem:v55+s22+$0x0], $0xffff  }
0x2ac: {  	s16 =	simm.s32 $0xC;
	v25 =	vmul.f32 $5.656854150e+00, v25;
	v29 =	vor.u32 v7, v16;
	v28 =	vld.idx.msk [tilespmem:v28+s22+$0x0], $0xffff;
	[tilespmem:s12+$0xE0] =	vst v21  }
0x2ad: {  	v16 =	vmul.f32 $5.656854150e+00, v26;
	v21 =	vmov s16;
	v26 =	vor.u32 v4, v14;
	v19 =	vld.idx.msk [tilespmem:v19+s22+$0x0], $0xffff  }
0x2ae: {  	v30 =	vmul.f32 $5.656854150e+00, v30;
	[tilespmem:s12+$0xFFFFFFE0] =	vst v25;
	v21 =	vand.u32 $0x1C, v21;
	v25 =	vor.u32 v4, v13;
	v22 =	vld.idx.msk [tilespmem:v22+s22+$0x0], $0xffff  }
0x2af: {  	[tilespmem:s12+$0x60] =	vst v16;
	v16 =	vbroadcast v21, $0x0;
	v21 =	vor.u32 v4, v11;
	v24 =	vmul.f32 $5.656854150e+00, v24;
	v56 =	vld.idx.msk [tilespmem:v17+s22+$0x0], $0xffff  }
0x2b0: {  	[tilespmem:s12+$0xFFFFFF60] =	vst v30;
	v17 =	vor.u32 v4, v8;
	v27 =	vmul.f32 $5.656854150e+00, v27;
	v18 =	vld.idx.msk [tilespmem:v18+s22+$0x0], $0xffff  }
0x2b1: {  	v30 =	vor.u32 v0, v16;
	v23 =	vmul.f32 $5.656854150e+00, v23;
	[tilespmem:s7+$0xB0] =	vst v24;
	v24 =	vld.idx.msk [tilespmem:v29+s22+$0x0], $0xffff  }
0x2b2: {  	v29 =	vor.u32 v1, v15;
	v28 =	vmul.f32 $5.656854150e+00, v28;
	[tilespmem:s7+$0xFFFFFFB0] =	vst v27;
	v26 =	vld.idx.msk [tilespmem:v26+s22+$0x0], $0xffff  }
0x2b3: {  	v27 =	vor.u32 v1, v10;
	v25 =	vld.idx.msk [tilespmem:v25+s22+$0x0], $0xffff;
	[tilespmem:s7+$0x30] =	vst v23;
	v19 =	vmul.f32 $5.656854150e+00, v19  }
0x2b4: {  	v23 =	vor.u32 v1, v12;
	v22 =	vmul.f32 $5.656854150e+00, v22;
	[tilespmem:s7+$0xFFFFFF30] =	vst v28;
	v21 =	vld.idx.msk [tilespmem:v21+s22+$0x0], $0xffff  }
0x2b5: {  	s2 =	simm.s32 $0xD900;
	v31 =	vmul.f32 $5.656854150e+00, v31;
	s16 =	simm.s32 $0xD;
	v28 =	vor.u32 v1, v9;
	v57 =	vld.idx.msk [tilespmem:v17+s22+$0x0], $0xffff;
	[tilespmem:s12+$0xF0] =	vst v19  }
0x2b6: {  	v17 =	vmov s16;
	v19 =	vld.idx.msk [tilespmem:v30+s22+$0x0], $0xffff;
	v30 =	vmul.f32 $5.656854150e+00, v32;
	[tilespmem:s2+$0x80] =	vst v22;
	v22 =	vor.u32 v5, v14  }
0x2b7: {  	v20 =	vmul.f32 $5.656854150e+00, v20;
	[tilespmem:s2+$0xFFFFFF80] =	vst v31;
	v31 =	vor.u32 v5, v13;
	v17 =	vand.u32 $0x1D, v17;
	v29 =	vld.idx.msk [tilespmem:v29+s22+$0x0], $0xffff  }
0x2b8: {  	v17 =	vbroadcast v17, $0x0;
	v27 =	vld.idx.msk [tilespmem:v27+s22+$0x0], $0xffff;
	v26 =	vmul.f32 $5.656854150e+00, v26;
	[tilespmem:s2+$0x0] =	vst v30;
	v30 =	vor.u32 v5, v11  }
0x2b9: {  	[tilespmem:s2+$0xFFFFFF00] =	vst v20;
	v25 =	vmul.f32 $5.656854150e+00, v25;
	v20 =	vld.idx.msk [tilespmem:v23+s22+$0x0], $0xffff;
	v23 =	vor.u32 v5, v8  }
0x2ba: {  	v58 =	vor.u32 v0, v17;
	v28 =	vld.idx.msk [tilespmem:v28+s22+$0x0], $0xffff;
	v21 =	vmul.f32 $5.656854150e+00, v21;
	[tilespmem:s7+$0xC0] =	vst v26  }
0x2bb: {  	v26 =	vor.u32 v2, v15;
	v34 =	vmul.f32 $5.656854150e+00, v57;
	[tilespmem:s7+$0xFFFFFFC0] =	vst v25;
	v25 =	vld.idx.msk [tilespmem:v22+s22+$0x0], $0xffff  }
0x2bc: {  	v59 =	vor.u32 v2, v10;
	v22 =	vmul.f32 $5.656854150e+00, v56;
	v31 =	vld.idx.msk [tilespmem:v31+s22+$0x0], $0xffff;
	[tilespmem:s7+$0x40] =	vst v21  }
0x2bd: {  	v21 =	vor.u32 v2, v12;
	v29 =	vmul.f32 $5.656854150e+00, v29;
	[tilespmem:s7+$0xFFFFFF40] =	vst v34;
	v60 =	vld.idx.msk [tilespmem:v30+s22+$0x0], $0xffff  }
0x2be: {  	s20 =	simm.s32 $0xE;
	v63 =	vor.u32 v6, v14;
	v61 =	vor.u32 v2, v9;
	v27 =	vmul.f32 $5.656854150e+00, v27;
	[tilespmem:s12+$0xFFFFFFF0] =	vst v22;
	v62 =	vld.idx.msk [tilespmem:v23+s22+$0x0], $0xffff  }
0x2bf: {  	v30 =	vmov s20;
	v22 =	vld.idx.msk [tilespmem:v58+s22+$0x0], $0xffff;
	v20 =	vmul.f32 $5.656854150e+00, v20;
	[tilespmem:s2+$0x90] =	vst v29;
	v23 =	vmul.f32 $5.656854150e+00, v18  }
0x2c0: {  	v18 =	vand.u32 $0x1E, v30;
	v30 =	vmul.f32 $5.656854150e+00, v28;
	[tilespmem:s2+$0xFFFFFF90] =	vst v27;
	v28 =	vor.u32 v6, v13;
	v29 =	vld.idx.msk [tilespmem:v26+s22+$0x0], $0xffff  }
0x2c1: {  	v18 =	vbroadcast v18, $0x0;
	v27 =	vld.idx.msk [tilespmem:v59+s22+$0x0], $0xffff;
	[tilespmem:s2+$0x10] =	vst v20;
	v37 =	vmul.f32 $5.656854150e+00, v25;
	v25 =	vor.u32 v6, v11  }
0x2c2: {  	v26 =	vor.u32 v6, v8;
	[tilespmem:s2+$0xFFFFFF10] =	vst v30;
	v30 =	vld.idx.msk [tilespmem:v21+s22+$0x0], $0xffff;
	v21 =	vmul.f32 $5.656854150e+00, v31  }
0x2c3: {  	v33 =	vor.u32 v0, v18;
	v31 =	vld.idx.msk [tilespmem:v61+s22+$0x0], $0xffff;
	[tilespmem:s7+$0xD0] =	vst v37;
	v34 =	vmul.f32 $5.656854150e+00, v60  }
0x2c4: {  	s16 =	simm.s32 $0x10;
	s20 =	simm.s32 $0xF;
	v20 =	vmul.f32 $5.656854150e+00, v24;
	v24 =	vor.u32 v3, v15;
	v35 =	vmul.f32 $5.656854150e+00, v62;
	[tilespmem:s7+$0xFFFFFFD0] =	vst v21;
	v32 =	vld.idx.msk [tilespmem:v63+s22+$0x0], $0xffff  }
.LBB2_9:
0x2c5: {  	p0 =	slt.u32 s16, $0x1C;
	v21 =	vmov s20;
	v36 =	vor.u32 v3, v10;
	v28 =	vld.idx.msk [tilespmem:v28+s22+$0x0], $0xffff;
	[tilespmem:s7+$0x50] =	vst v34  }
0x2c6: {  	v34 =	vor.u32 v3, v12;
	v29 =	vmul.f32 $5.656854150e+00, v29;
	v21 =	vand.u32 $0x1F, v21;
	[tilespmem:s7+$0xFFFFFF50] =	vst v35;
	v25 =	vld.idx.msk [tilespmem:v25+s22+$0x0], $0xffff  }
0x2c7: {  	v35 =	vor.u32 v3, v9;
	v27 =	vmul.f32 $5.656854150e+00, v27;
	v21 =	vbroadcast v21, $0x0;
	v26 =	vld.idx.msk [tilespmem:v26+s22+$0x0], $0xffff;
	[tilespmem:s12+$0x70] =	vst v23  }
0x2c8: {  	v30 =	vmul.f32 $5.656854150e+00, v30;
	v23 =	vld.idx.msk [tilespmem:v33+s22+$0x0], $0xffff;
	[tilespmem:s2+$0xA0] =	vst v29;
	v29 =	vor.u32 v7, v14;
	v14 =	vmov v15  }
0x2c9: {  	v31 =	vmul.f32 $5.656854150e+00, v31;
	v33 =	vor.u32 v0, v21;
	[tilespmem:s2+$0xFFFFFFA0] =	vst v27;
	v24 =	vld.idx.msk [tilespmem:v24+s22+$0x0], $0xffff;
	v15 =	vmov v21  }
0x2ca: {  	v27 =	vor.u32 v7, v13;
	v13 =	vmovc v10;
	v10 =	vmov v17;
	v21 =	vld.idx.msk [tilespmem:v36+s22+$0x0], $0xffff;
	[tilespmem:s2+$0x20] =	vst v30;
	v30 =	vmul.f32 $5.656854150e+00, v32  }
0x2cb: {  	v28 =	vmul.f32 $5.656854150e+00, v28;
	[tilespmem:s2+$0xFFFFFF20] =	vst v31;
	v17 =	vld.idx.msk [tilespmem:v34+s22+$0x0], $0xffff;
	v31 =	vor.u32 v7, v11;
	v11 =	vmovc v12;
	v12 =	vmov v18  }
0x2cc: {  	v32 =	vor.u32 v7, v8;
	v8 =	vmovc v9;
	v9 =	vmov v16;
	v25 =	vmul.f32 $5.656854150e+00, v25;
	v18 =	vld.idx.msk [tilespmem:v35+s22+$0x0], $0xffff;
	[tilespmem:s7+$0xE0] =	vst v30  }
0x2cd: {  	v16 =	vmov s16;
	v30 =	vor.u32 v4, v14;
	v26 =	vmul.f32 $5.656854150e+00, v26;
	[tilespmem:s7+$0xFFFFFFE0] =	vst v28;
	v28 =	vld.idx.msk [tilespmem:v29+s22+$0x0], $0xffff  }
0x2ce: {  	v16 =	vand.u32 $0x1C, v16;
	v29 =	vld.idx.msk [tilespmem:v33+s22+$0x0], $0xffff;
	v33 =	vor.u32 v4, v13;
	[tilespmem:s7+$0x60] =	vst v25  }
0x2cf: {  	v16 =	vbroadcast v16, $0x0;
	v25 =	vor.u32 v4, v11;
	v24 =	vmul.f32 $5.656854150e+00, v24;
	[tilespmem:s7+$0xFFFFFF60] =	vst v26;
	v26 =	vld.idx.msk [tilespmem:v27+s22+$0x0], $0xffff  }
0x2d0: {  	v27 =	vor.u32 v4, v8;
	v21 =	vmul.f32 $5.656854150e+00, v21;
	v31 =	vld.idx.msk [tilespmem:v31+s22+$0x0], $0xffff;
	[tilespmem:s12+$0xFFFFFF70] =	vst v20;
	s12 =	smov.u32 s7;
	s7 =	smov.u32 s2  }
0x2d1: {  	v20 =	vor.u32 v0, v16;
	v17 =	vmul.f32 $5.656854150e+00, v17;
	[tilespmem:s2+$0xB0] =	vst v24;
	v24 =	vld.idx.msk [tilespmem:v32+s22+$0x0], $0xffff  }
0x2d2: {  	s20 =	sadd.s32 $0x1, s16;
	v32 =	vor.u32 v1, v15;
	v18 =	vmul.f32 $5.656854150e+00, v18;
	[tilespmem:s2+$0xFFFFFFB0] =	vst v21;
	v21 =	vld.idx.msk [tilespmem:v30+s22+$0x0], $0xffff  }
0x2d3: {  	v34 =	vor.u32 v1, v10;
	v30 =	vmov s20;
	v33 =	vld.idx.msk [tilespmem:v33+s22+$0x0], $0xffff;
	[tilespmem:s2+$0x30] =	vst v17;
	v17 =	vmul.f32 $5.656854150e+00, v28  }
0x2d4: {  	v28 =	vand.u32 $0x1D, v30;
	v30 =	vor.u32 v1, v12;
	v29 =	vmul.f32 $5.656854150e+00, v29;
	[tilespmem:s2+$0xFFFFFF30] =	vst v18;
	v18 =	vld.idx.msk [tilespmem:v25+s22+$0x0], $0xffff  }
0x2d5: {  	v22 =	vmul.f32 $5.656854150e+00, v22;
	v25 =	vor.u32 v1, v9;
	s2 =	sadd.s32 $0x200, s2;
	v26 =	vmul.f32 $5.656854150e+00, v26;
	v27 =	vld.idx.msk [tilespmem:v27+s22+$0x0], $0xffff;
	[tilespmem:s12+$0xF0] =	vst v17  }
0x2d6: {  	v36 =	vmul.f32 $5.656854150e+00, v23;
	v23 =	vmul.f32 $5.656854150e+00, v31;
	v35 =	vld.idx.msk [tilespmem:v20+s22+$0x0], $0xffff;
	[tilespmem:s2+$0x80] =	vst v29;
	v29 =	vor.u32 v5, v14  }
0x2d7: {  	v19 =	vmul.f32 $5.656854150e+00, v19;
	v31 =	vor.u32 v5, v13;
	v20 =	vmul.f32 $5.656854150e+00, v24;
	[tilespmem:s2+$0xFFFFFF80] =	vst v22;
	v22 =	vld.idx.msk [tilespmem:v32+s22+$0x0], $0xffff  }
0x2d8: {  	v17 =	vbroadcast v28, $0x0;
	v28 =	vor.u32 v5, v11;
	v21 =	vmul.f32 $5.656854150e+00, v21;
	v24 =	vld.idx.msk [tilespmem:v34+s22+$0x0], $0xffff;
	[tilespmem:s2+$0x0] =	vst v36  }
0x2d9: {  	v32 =	vor.u32 v5, v8;
	v37 =	vmul.f32 $5.656854150e+00, v33;
	[tilespmem:s2+$0xFFFFFF00] =	vst v19;
	v30 =	vld.idx.msk [tilespmem:v30+s22+$0x0], $0xffff  }
0x2da: {  	v33 =	vor.u32 v0, v17;
	v18 =	vmul.f32 $5.656854150e+00, v18;
	v25 =	vld.idx.msk [tilespmem:v25+s22+$0x0], $0xffff;
	[tilespmem:s7+$0xC0] =	vst v21  }
0x2db: {  	v21 =	vor.u32 v2, v15;
	v27 =	vmul.f32 $5.656854150e+00, v27;
	[tilespmem:s7+$0xFFFFFFC0] =	vst v37;
	v34 =	vld.idx.msk [tilespmem:v29+s22+$0x0], $0xffff  }
0x2dc: {  	v36 =	vor.u32 v2, v10;
	v19 =	vmov v35;
	v31 =	vld.idx.msk [tilespmem:v31+s22+$0x0], $0xffff;
	[tilespmem:s7+$0x40] =	vst v18  }
0x2dd: {  	v35 =	vor.u32 v2, v12;
	v18 =	vmul.f32 $5.656854150e+00, v22;
	[tilespmem:s7+$0xFFFFFF40] =	vst v27;
	v37 =	vld.idx.msk [tilespmem:v28+s22+$0x0], $0xffff  }
0x2de: {  	v38 =	vor.u32 v2, v9;
	s20 =	sadd.s32 $0x2, s16;
	v24 =	vmul.f32 $5.656854150e+00, v24;
	v32 =	vld.idx.msk [tilespmem:v32+s22+$0x0], $0xffff;
	[tilespmem:s12+$0xFFFFFFF0] =	vst v26  }
0x2df: {  	v39 =	vor.u32 v6, v14;
	v26 =	vmov s20;
	v30 =	vmul.f32 $5.656854150e+00, v30;
	v22 =	vld.idx.msk [tilespmem:v33+s22+$0x0], $0xffff;
	[tilespmem:s2+$0x90] =	vst v18  }
.Ltmp3:
0x2e0: {  	v28 =	vor.u32 v6, v13;
	v18 =	vand.u32 $0x1E, v26;
	v26 =	vmul.f32 $5.656854150e+00, v25;
	[tilespmem:s2+$0xFFFFFF90] =	vst v24;
	v29 =	vld.idx.msk [tilespmem:v21+s22+$0x0], $0xffff;
	(pc) =	sbr.rel @p0 .LBB2_9-.Ltmp3, $4  }
0x2e1: {  	v25 =	vor.u32 v6, v11;
	v18 =	vbroadcast v18, $0x0;
	v21 =	vmul.f32 $5.656854150e+00, v34;
	v27 =	vld.idx.msk [tilespmem:v36+s22+$0x0], $0xffff;
	[tilespmem:s2+$0x10] =	vst v30  }
0x2e2: {  	v36 =	vmul.f32 $5.656854150e+00, v31;
	[tilespmem:s2+$0xFFFFFF10] =	vst v26;
	v30 =	vld.idx.msk [tilespmem:v35+s22+$0x0], $0xffff;
	v26 =	vor.u32 v6, v8  }
0x2e3: {  	v33 =	vor.u32 v0, v18;
	v34 =	vmul.f32 $5.656854150e+00, v37;
	v31 =	vld.idx.msk [tilespmem:v38+s22+$0x0], $0xffff;
	[tilespmem:s7+$0xD0] =	vst v21  }
0x2e4: {  	s20 =	sadd.s32 $0x3, s16;
	s16 =	sadd.s32 $0x4, s16;
	v24 =	vor.u32 v3, v15;
	v35 =	vmul.f32 $5.656854150e+00, v32;
	[tilespmem:s7+$0xFFFFFFD0] =	vst v36;
	v32 =	vld.idx.msk [tilespmem:v39+s22+$0x0], $0xffff  }
0x2e5: {  	v21 =	vmov s20  }
0x2e6: {  	v21 =	vand.u32 $0x1F, v21  }
0x2e7: {  	v21 =	vbroadcast v21, $0x0;
	_ =	sdelay $0x1  }
0x2e8: {  	v36 =	vor.u32 v0, v21;
	_ =	sdelay $0x3  }
0x2e9: {  	[tilespmem:s7+$0x50] =	vst v34  }
0x2ea: {  	v29 =	vmul.f32 $5.656854150e+00, v29;
	[tilespmem:s12+$0x70] =	vst v23;
	v47 =	vld.idx.msk [tilespmem:v36+s22+$0x0], $0xffff  }
0x2eb: {  	[tilespmem:s7+$0xFFFFFF50] =	vst v35;
	v27 =	vmul.f32 $5.656854150e+00, v27  }
0x2ec: {  	v23 =	vld.idx.msk [tilespmem:v33+s22+$0x0], $0xffff;
	v30 =	vmul.f32 $5.656854150e+00, v30;
	[tilespmem:s2+$0xA0] =	vst v29  }
0x2ed: {  	v29 =	vmul.f32 $5.656854150e+00, v31;
	[tilespmem:s2+$0xFFFFFFA0] =	vst v27;
	v27 =	vor.u32 v1, v21  }
0x2ee: {  	v28 =	vld.idx.msk [tilespmem:v28+s22+$0x0], $0xffff;
	v31 =	vor.u32 v1, v17;
	[tilespmem:s2+$0x20] =	vst v30;
	v30 =	vmul.f32 $5.656854150e+00, v32  }
0x2ef: {  	v25 =	vld.idx.msk [tilespmem:v25+s22+$0x0], $0xffff;
	[tilespmem:s2+$0xFFFFFF20] =	vst v29;
	v29 =	vor.u32 v1, v18;
	v48 =	vmul.f32 $5.656854150e+00, v47  }
0x2f0: {  	v22 =	vmul.f32 $5.656854150e+00, v22;
	s16 =	sadd.s32 $0x200, s2;
	v26 =	vld.idx.msk [tilespmem:v26+s22+$0x0], $0xffff;
	[tilespmem:s7+$0xE0] =	vst v30;
	v30 =	vor.u32 v1, v16  }
0x2f1: {  	v23 =	vmul.f32 $5.656854150e+00, v23;
	[tilespmem:s16+$0x80] =	vst v48  }
0x2f2: {  	v49 =	vor.u32 v3, v10;
	v19 =	vmul.f32 $5.656854150e+00, v19;
	[tilespmem:s16+$0xFFFFFF80] =	vst v22;
	v22 =	vld.idx.msk [tilespmem:v27+s22+$0x0], $0xffff  }
0x2f3: {  	v28 =	vmul.f32 $5.656854150e+00, v28;
	[tilespmem:s16+$0x0] =	vst v23;
	v31 =	vld.idx.msk [tilespmem:v31+s22+$0x0], $0xffff;
	v27 =	vor.u32 v3, v12  }
0x2f4: {  	[tilespmem:s16+$0xFFFFFF00] =	vst v19;
	v25 =	vmul.f32 $5.656854150e+00, v25;
	v23 =	vor.u32 v3, v9;
	v19 =	vld.idx.msk [tilespmem:v29+s22+$0x0], $0xffff  }
0x2f5: {  	v26 =	vmul.f32 $5.656854150e+00, v26;
	[tilespmem:s7+$0xFFFFFFE0] =	vst v28;
	v29 =	vor.u32 v2, v21;
	v28 =	vld.idx.msk [tilespmem:v30+s22+$0x0], $0xffff  }
0x2f6: {  	v24 =	vld.idx.msk [tilespmem:v24+s22+$0x0], $0xffff;
	[tilespmem:s7+$0x60] =	vst v25;
	v25 =	vor.u32 v2, v17  }
0x2f7: {  	[tilespmem:s7+$0xFFFFFF60] =	vst v26;
	v26 =	vor.u32 v2, v18;
	v30 =	vld.idx.msk [tilespmem:v49+s22+$0x0], $0xffff;
	v22 =	vmul.f32 $5.656854150e+00, v22  }
0x2f8: {  	[tilespmem:s12+$0xFFFFFF70] =	vst v20;
	v20 =	vor.u32 v2, v16;
	v31 =	vmul.f32 $5.656854150e+00, v31;
	v27 =	vld.idx.msk [tilespmem:v27+s22+$0x0], $0xffff  }
0x2f9: {  	v14 =	vor.u32 v7, v14;
	v23 =	vld.idx.msk [tilespmem:v23+s22+$0x0], $0xffff;
	v19 =	vmul.f32 $5.656854150e+00, v19;
	[tilespmem:s16+$0x90] =	vst v22  }
0x2fa: {  	[tilespmem:s16+$0xFFFFFF90] =	vst v31;
	v28 =	vmul.f32 $5.656854150e+00, v28;
	v22 =	vor.u32 v4, v15;
	v29 =	vld.idx.msk [tilespmem:v29+s22+$0x0], $0xffff  }
0x2fb: {  	v24 =	vmul.f32 $5.656854150e+00, v24;
	v31 =	vor.u32 v4, v10;
	v25 =	vld.idx.msk [tilespmem:v25+s22+$0x0], $0xffff;
	[tilespmem:s16+$0x10] =	vst v19  }
0x2fc: {  	v30 =	vmul.f32 $5.656854150e+00, v30;
	v19 =	vor.u32 v4, v12;
	[tilespmem:s16+$0xFFFFFF10] =	vst v28;
	v26 =	vld.idx.msk [tilespmem:v26+s22+$0x0], $0xffff  }
0x2fd: {  	[tilespmem:s2+$0xB0] =	vst v24;
	v24 =	vor.u32 v3, v21;
	v20 =	vld.idx.msk [tilespmem:v20+s22+$0x0], $0xffff;
	v27 =	vmul.f32 $5.656854150e+00, v27  }
0x2fe: {  	v14 =	vld.idx.msk [tilespmem:v14+s22+$0x0], $0xffff;
	v23 =	vmul.f32 $5.656854150e+00, v23;
	[tilespmem:s2+$0xFFFFFFB0] =	vst v30;
	v28 =	vor.u32 v3, v17  }
0x2ff: {  	v22 =	vld.idx.msk [tilespmem:v22+s22+$0x0], $0xffff;
	[tilespmem:s2+$0x30] =	vst v27;
	v27 =	vor.u32 v3, v18;
	v29 =	vmul.f32 $5.656854150e+00, v29  }
0x300: {  	[tilespmem:s2+$0xFFFFFF30] =	vst v23;
	v23 =	vor.u32 v3, v16;
	v30 =	vld.idx.msk [tilespmem:v31+s22+$0x0], $0xffff;
	v25 =	vmul.f32 $5.656854150e+00, v25  }
0x301: {  	v13 =	vor.u32 v7, v13;
	v26 =	vmul.f32 $5.656854150e+00, v26;
	v19 =	vld.idx.msk [tilespmem:v19+s22+$0x0], $0xffff;
	[tilespmem:s16+$0xA0] =	vst v29  }
0x302: {  	v31 =	vor.u32 v4, v9;
	[tilespmem:s16+$0xFFFFFFA0] =	vst v25;
	v20 =	vmul.f32 $5.656854150e+00, v20;
	v24 =	vld.idx.msk [tilespmem:v24+s22+$0x0], $0xffff  }
0x303: {  	v14 =	vmul.f32 $5.656854150e+00, v14;
	v25 =	vor.u32 v5, v15;
	v28 =	vld.idx.msk [tilespmem:v28+s22+$0x0], $0xffff;
	[tilespmem:s16+$0x20] =	vst v26  }
0x304: {  	v26 =	vor.u32 v5, v10;
	[tilespmem:s16+$0xFFFFFF20] =	vst v20;
	v22 =	vmul.f32 $5.656854150e+00, v22;
	v20 =	vld.idx.msk [tilespmem:v27+s22+$0x0], $0xffff  }
0x305: {  	[tilespmem:s7+$0xF0] =	vst v14;
	v14 =	vmul.f32 $5.656854150e+00, v30;
	v23 =	vld.idx.msk [tilespmem:v23+s22+$0x0], $0xffff;
	v27 =	vor.u32 v4, v21  }
0x306: {  	v13 =	vld.idx.msk [tilespmem:v13+s22+$0x0], $0xffff;
	v19 =	vmul.f32 $5.656854150e+00, v19;
	[tilespmem:s2+$0xC0] =	vst v22;
	v22 =	vor.u32 v4, v17  }
0x307: {  	[tilespmem:s2+$0xFFFFFFC0] =	vst v14;
	v14 =	vor.u32 v4, v18;
	v29 =	vld.idx.msk [tilespmem:v31+s22+$0x0], $0xffff;
	v24 =	vmul.f32 $5.656854150e+00, v24  }
0x308: {  	v28 =	vmul.f32 $5.656854150e+00, v28;
	v25 =	vld.idx.msk [tilespmem:v25+s22+$0x0], $0xffff;
	[tilespmem:s2+$0x40] =	vst v19;
	v19 =	vor.u32 v4, v16  }
0x309: {  	v30 =	vor.u32 v5, v12;
	v26 =	vld.idx.msk [tilespmem:v26+s22+$0x0], $0xffff;
	v20 =	vmul.f32 $5.656854150e+00, v20;
	[tilespmem:s16+$0xB0] =	vst v24  }
0x30a: {  	[tilespmem:s16+$0xFFFFFFB0] =	vst v28;
	v23 =	vmul.f32 $5.656854150e+00, v23;
	v24 =	vor.u32 v5, v9;
	v27 =	vld.idx.msk [tilespmem:v27+s22+$0x0], $0xffff  }
0x30b: {  	v11 =	vor.u32 v7, v11;
	v13 =	vmul.f32 $5.656854150e+00, v13;
	v22 =	vld.idx.msk [tilespmem:v22+s22+$0x0], $0xffff;
	[tilespmem:s16+$0x30] =	vst v20  }
0x30c: {  	[tilespmem:s16+$0xFFFFFF30] =	vst v23;
	v28 =	vmul.f32 $5.656854150e+00, v29;
	v20 =	vor.u32 v6, v15;
	v14 =	vld.idx.msk [tilespmem:v14+s22+$0x0], $0xffff  }
0x30d: {  	[tilespmem:s7+$0xFFFFFFF0] =	vst v13;
	v23 =	vmul.f32 $5.656854150e+00, v25;
	v19 =	vld.idx.msk [tilespmem:v19+s22+$0x0], $0xffff;
	v25 =	vor.u32 v5, v21  }
0x30e: {  	v13 =	vmul.f32 $5.656854150e+00, v26;
	v26 =	vor.u32 v5, v17;
	[tilespmem:s2+$0xFFFFFF40] =	vst v28;
	v28 =	vld.idx.msk [tilespmem:v30+s22+$0x0], $0xffff  }
0x30f: {  	[tilespmem:s2+$0xD0] =	vst v23;
	v23 =	vor.u32 v5, v18;
	v24 =	vld.idx.msk [tilespmem:v24+s22+$0x0], $0xffff;
	v27 =	vmul.f32 $5.656854150e+00, v27  }
0x310: {  	v11 =	vld.idx.msk [tilespmem:v11+s22+$0x0], $0xffff;
	[tilespmem:s2+$0xFFFFFFD0] =	vst v13;
	v13 =	vor.u32 v5, v16;
	v22 =	vmul.f32 $5.656854150e+00, v22  }
0x311: {  	v29 =	vor.u32 v6, v10;
	v20 =	vld.idx.msk [tilespmem:v20+s22+$0x0], $0xffff;
	v14 =	vmul.f32 $5.656854150e+00, v14;
	[tilespmem:s16+$0xC0] =	vst v27  }
0x312: {  	v19 =	vmul.f32 $5.656854150e+00, v19;
	v27 =	vor.u32 v6, v12;
	[tilespmem:s16+$0xFFFFFFC0] =	vst v22;
	v22 =	vld.idx.msk [tilespmem:v25+s22+$0x0], $0xffff  }
0x313: {  	v28 =	vmul.f32 $5.656854150e+00, v28;
	v25 =	vor.u32 v6, v9;
	v26 =	vld.idx.msk [tilespmem:v26+s22+$0x0], $0xffff;
	[tilespmem:s16+$0x40] =	vst v14  }
0x314: {  	v8 =	vor.u32 v7, v8;
	[tilespmem:s16+$0xFFFFFF40] =	vst v19;
	v14 =	vmul.f32 $5.656854150e+00, v24;
	v19 =	vld.idx.msk [tilespmem:v23+s22+$0x0], $0xffff  }
0x315: {  	v11 =	vmul.f32 $5.656854150e+00, v11;
	[tilespmem:s2+$0x50] =	vst v28;
	v13 =	vld.idx.msk [tilespmem:v13+s22+$0x0], $0xffff;
	v23 =	vor.u32 v6, v21  }
0x316: {  	v24 =	vld.idx.msk [tilespmem:v29+s22+$0x0], $0xffff;
	[tilespmem:s2+$0xFFFFFF50] =	vst v14;
	v14 =	vmul.f32 $5.656854150e+00, v20;
	v20 =	vor.u32 v6, v17  }
0x317: {  	[tilespmem:s7+$0x70] =	vst v11;
	v11 =	vor.u32 v6, v18;
	v27 =	vld.idx.msk [tilespmem:v27+s22+$0x0], $0xffff;
	v22 =	vmul.f32 $5.656854150e+00, v22  }
0x318: {  	v25 =	vld.idx.msk [tilespmem:v25+s22+$0x0], $0xffff;
	[tilespmem:s2+$0xE0] =	vst v14;
	v14 =	vor.u32 v6, v16;
	v26 =	vmul.f32 $5.656854150e+00, v26  }
0x319: {  	v8 =	vld.idx.msk [tilespmem:v8+s22+$0x0], $0xffff;
	v15 =	vor.u32 v7, v15;
	v19 =	vmul.f32 $5.656854150e+00, v19;
	[tilespmem:s16+$0xD0] =	vst v22  }
0x31a: {  	v10 =	vor.u32 v7, v10;
	v13 =	vmul.f32 $5.656854150e+00, v13;
	[tilespmem:s16+$0xFFFFFFD0] =	vst v26;
	v22 =	vld.idx.msk [tilespmem:v23+s22+$0x0], $0xffff  }
0x31b: {  	v12 =	vor.u32 v7, v12;
	v23 =	vmul.f32 $5.656854150e+00, v24;
	v20 =	vld.idx.msk [tilespmem:v20+s22+$0x0], $0xffff;
	[tilespmem:s16+$0x50] =	vst v19  }
0x31c: {  	v9 =	vor.u32 v7, v9;
	[tilespmem:s16+$0xFFFFFF50] =	vst v13;
	v19 =	vmul.f32 $5.656854150e+00, v27;
	v11 =	vld.idx.msk [tilespmem:v11+s22+$0x0], $0xffff  }
0x31d: {  	v21 =	vor.u32 v7, v21;
	v13 =	vmul.f32 $5.656854150e+00, v25;
	[tilespmem:s2+$0xFFFFFFE0] =	vst v23;
	v14 =	vld.idx.msk [tilespmem:v14+s22+$0x0], $0xffff  }
0x31e: {  	v8 =	vmul.f32 $5.656854150e+00, v8;
	v17 =	vor.u32 v7, v17;
	v15 =	vld.idx.msk [tilespmem:v15+s22+$0x0], $0xffff;
	[tilespmem:s2+$0x60] =	vst v19  }
0x31f: {  	v18 =	vor.u32 v7, v18;
	v10 =	vld.idx.msk [tilespmem:v10+s22+$0x0], $0xffff;
	[tilespmem:s2+$0xFFFFFF60] =	vst v13;
	v13 =	vmul.f32 $5.656854150e+00, v22  }
0x320: {  	[tilespmem:s7+$0xFFFFFF70] =	vst v8;
	v16 =	vor.u32 v7, v16;
	v12 =	vld.idx.msk [tilespmem:v12+s22+$0x0], $0xffff;
	v8 =	vmul.f32 $5.656854150e+00, v20  }
0x321: {  	v9 =	vld.idx.msk [tilespmem:v9+s22+$0x0], $0xffff;
	v11 =	vmul.f32 $5.656854150e+00, v11;
	[tilespmem:s16+$0xE0] =	vst v13  }
0x322: {  	v13 =	vmul.f32 $5.656854150e+00, v14;
	[tilespmem:s16+$0xFFFFFFE0] =	vst v8;
	v8 =	vld.idx.msk [tilespmem:v21+s22+$0x0], $0xffff  }
0x323: {  	v14 =	vmul.f32 $5.656854150e+00, v15;
	[tilespmem:s16+$0x60] =	vst v11;
	v11 =	vld.idx.msk [tilespmem:v17+s22+$0x0], $0xffff  }
0x324: {  	v10 =	vmul.f32 $5.656854150e+00, v10;
	[tilespmem:s16+$0xFFFFFF60] =	vst v13;
	v13 =	vld.idx.msk [tilespmem:v18+s22+$0x0], $0xffff  }
0x325: {  	[tilespmem:s2+$0xF0] =	vst v14;
	v12 =	vmul.f32 $5.656854150e+00, v12;
	v14 =	vld.idx.msk [tilespmem:v16+s22+$0x0], $0xffff  }
0x326: {  	v9 =	vmul.f32 $5.656854150e+00, v9;
	[tilespmem:s2+$0xFFFFFFF0] =	vst v10  }
0x327: {  	s12 =	sadd.s32 $0x180, s11;
	[tilespmem:s2+$0x70] =	vst v12;
	v8 =	vmul.f32 $5.656854150e+00, v8  }
0x328: {  	s20 =	sshll.u32 s12, $0x5;
	[tilespmem:s2+$0xFFFFFF70] =	vst v9;
	v9 =	vmul.f32 $5.656854150e+00, v11  }
0x329: {  	s7 =	sand.u32 $0x3F80, s12;
	s2 =	sand.u32 $0x7FF80000, s20;
	[tilespmem:s16+$0xF0] =	vst v8;
	v8 =	vmul.f32 $5.656854150e+00, v13  }
0x32a: {  	s2 =	sor.u32 s7, s2;
	v10 =	vmul.f32 $5.656854150e+00, v14;
	[tilespmem:s16+$0xFFFFFFF0] =	vst v9  }
0x32b: {  	s7 =	simm.s32 $0x3;
	s2 =	sshrl.u32 s2, $0x3;
	[tilespmem:s16+$0x70] =	vst v8  }
0x32c: {  	s11 =	simm.s32 $0x1;
	s12 =	simm.s32 $0x2;
	s2 =	sadd.s32 s5, s2;
	[tilespmem:s16+$0xFFFFFF70] =	vst v10;
	v8 =	vmov s7  }
0x32d: {  	v9 =	vmov s11;
	[hbm4b:s2+s13] =	stream.strided.scatter [tilespmem:s31], [sflag:$0x8], $0x1000, s19, s13, $0x38;
	v8 =	vand.u32 $0x1F, v8;
	[tilespmem:$0xE400] =	vst v63  }
0x32e: {  	v9 =	vand.u32 $0x1D, v9;
	s16 =	simm.s32 $0x0;
	v10 =	vmov s12;
	_ =	swait.ge [sflag:s1], $0x1000;
	v19 =	vbroadcast v8, $0x0  }
0x32f: {  	s10 =	sand.u32 $0x3FFFFE00, s10;
	v17 =	vbroadcast v9, $0x0;
	v9 =	vand.u32 $0x1E, v10;
	v8 =	vmov s16;
	[sflag:s1] =	ssyncset.done $0x0  }
0x330: {  	s20 =	sadd.s32 $0x300, s10;
	v18 =	vbroadcast v9, $0x0;
	v8 =	vand.u32 $0x1C, v8;
	[sflag:s1] =	ssyncadd.s32 $0xFFFFF000;
	v9 =	vor.u32 v0, v19  }
0x331: {  	v16 =	vbroadcast v8, $0x0;
	v8 =	vor.u32 v0, v17;
	[tilespmem:s17], [sflag:$0x3] =	stream.indirect.gather [hbm4b:s4+s13], $0x20, s20, s13, $0xb8;
	[tilespmem:$0xE400] =	vst v63  }
0x332: {  	v10 =	vor.u32 v0, v18;
	_ =	swait.ge [sflag:s18], $0x1000  }
0x333: {  	v11 =	vor.u32 v0, v16;
	[sflag:s18] =	ssyncset.done $0x0  }
0x334: {  	[sflag:s18] =	ssyncadd.s32 $0xFFFFF000  }
0x335: {  	v9 =	vld.idx.msk [tilespmem:v9+s14+$0x0], $0xffff  }
0x336: {  	v8 =	vld.idx.msk [tilespmem:v8+s14+$0x0], $0xffff  }
0x337: {  	v10 =	vld.idx.msk [tilespmem:v10+s14+$0x0], $0xffff  }
0x338: {  	v12 =	vor.u32 v1, v19;
	v11 =	vld.idx.msk [tilespmem:v11+s14+$0x0], $0xffff  }
0x339: {  	v13 =	vor.u32 v1, v17  }
0x33a: {  	v14 =	vor.u32 v1, v18;
	v9 =	vmul.f32 $5.656854150e+00, v9  }
0x33b: {  	s11 =	simm.s32 $0xA500;
	v15 =	vor.u32 v1, v16;
	v8 =	vmul.f32 $5.656854150e+00, v8  }
0x33c: {  	v10 =	vmul.f32 $5.656854150e+00, v10;
	[tilespmem:s11+$0x80] =	vst v9  }
0x33d: {  	v9 =	vmul.f32 $5.656854150e+00, v11;
	[tilespmem:s11+$0xFFFFFF80] =	vst v8;
	v8 =	vld.idx.msk [tilespmem:v12+s14+$0x0], $0xffff  }
0x33e: {  	[tilespmem:s11+$0x0] =	vst v10;
	v11 =	vld.idx.msk [tilespmem:v13+s14+$0x0], $0xffff  }
0x33f: {  	[tilespmem:s11+$0xFFFFFF00] =	vst v9;
	v9 =	vld.idx.msk [tilespmem:v14+s14+$0x0], $0xffff  }
0x340: {  	v12 =	vor.u32 v2, v19;
	v10 =	vld.idx.msk [tilespmem:v15+s14+$0x0], $0xffff  }
0x341: {  	v13 =	vor.u32 v2, v17  }
0x342: {  	v14 =	vor.u32 v2, v18;
	v8 =	vmul.f32 $5.656854150e+00, v8  }
0x343: {  	v15 =	vor.u32 v2, v16;
	v11 =	vmul.f32 $5.656854150e+00, v11  }
0x344: {  	v9 =	vmul.f32 $5.656854150e+00, v9;
	[tilespmem:s11+$0x90] =	vst v8  }
0x345: {  	s7 =	simm.s32 $0x4;
	v10 =	vmul.f32 $5.656854150e+00, v10;
	[tilespmem:s11+$0xFFFFFF90] =	vst v11;
	v11 =	vld.idx.msk [tilespmem:v12+s14+$0x0], $0xffff  }
0x346: {  	v20 =	vmov s7;
	s16 =	simm.s32 $0x6;
	v12 =	vld.idx.msk [tilespmem:v13+s14+$0x0], $0xffff;
	[tilespmem:s11+$0x10] =	vst v9  }
0x347: {  	v23 =	vor.u32 v3, v17;
	v22 =	vmov s16;
	v21 =	vor.u32 v3, v19;
	[tilespmem:s11+$0xFFFFFF10] =	vst v10;
	v10 =	vld.idx.msk [tilespmem:v14+s14+$0x0], $0xffff  }
0x348: {  	s12 =	simm.s32 $0x5;
	v24 =	vor.u32 v3, v18;
	s20 =	simm.s32 $0x7;
	v25 =	vor.u32 v3, v16;
	v8 =	vand.u32 $0x1C, v20;
	v15 =	vld.idx.msk [tilespmem:v15+s14+$0x0], $0xffff  }
0x349: {  	v8 =	vbroadcast v8, $0x0;
	v9 =	vmov s12;
	v13 =	vmov s20  }
0x34a: {  	v9 =	vand.u32 $0x1D, v9;
	v13 =	vand.u32 $0x1F, v13;
	v11 =	vmul.f32 $5.656854150e+00, v11  }
0x34b: {  	v20 =	vor.u32 v0, v8;
	v14 =	vbroadcast v13, $0x0;
	v12 =	vmul.f32 $5.656854150e+00, v12  }
0x34c: {  	v13 =	vbroadcast v9, $0x0;
	v9 =	vand.u32 $0x1E, v22;
	v10 =	vmul.f32 $5.656854150e+00, v10;
	[tilespmem:s11+$0xA0] =	vst v11  }
0x34d: {  	v11 =	vbroadcast v9, $0x0;
	v9 =	vor.u32 v0, v14;
	v15 =	vmul.f32 $5.656854150e+00, v15;
	[tilespmem:s11+$0xFFFFFFA0] =	vst v12;
	v12 =	vld.idx.msk [tilespmem:v21+s14+$0x0], $0xffff  }
0x34e: {  	v21 =	vor.u32 v0, v13;
	v22 =	vld.idx.msk [tilespmem:v23+s14+$0x0], $0xffff;
	[tilespmem:s11+$0x20] =	vst v10  }
0x34f: {  	s7 =	simm.s32 $0x8;
	v10 =	vor.u32 v0, v11;
	[tilespmem:s11+$0xFFFFFF20] =	vst v15;
	v15 =	vld.idx.msk [tilespmem:v24+s14+$0x0], $0xffff  }
0x350: {  	v24 =	vmov s7;
	v23 =	vld.idx.msk [tilespmem:v25+s14+$0x0], $0xffff;
	v25 =	vor.u32 v4, v19  }
0x351: {  	v26 =	vld.idx.msk [tilespmem:v20+s14+$0x0], $0xffff;
	v20 =	vand.u32 $0x1C, v24;
	v24 =	vor.u32 v4, v17  }
0x352: {  	v27 =	vld.idx.msk [tilespmem:v9+s14+$0x0], $0xffff;
	v9 =	vbroadcast v20, $0x0;
	v20 =	vor.u32 v4, v18;
	v12 =	vmul.f32 $5.656854150e+00, v12  }
0x353: {  	v28 =	vor.u32 v4, v16;
	v21 =	vld.idx.msk [tilespmem:v21+s14+$0x0], $0xffff;
	v22 =	vmul.f32 $5.656854150e+00, v22  }
0x354: {  	v10 =	vld.idx.msk [tilespmem:v10+s14+$0x0], $0xffff;
	v29 =	vor.u32 v0, v9;
	v15 =	vmul.f32 $5.656854150e+00, v15;
	[tilespmem:s11+$0xB0] =	vst v12  }
0x355: {  	v30 =	vor.u32 v1, v8;
	v23 =	vmul.f32 $5.656854150e+00, v23;
	[tilespmem:s11+$0xFFFFFFB0] =	vst v22;
	v22 =	vld.idx.msk [tilespmem:v25+s14+$0x0], $0xffff  }
0x356: {  	v26 =	vmul.f32 $5.656854150e+00, v26;
	v12 =	vor.u32 v1, v14;
	v24 =	vld.idx.msk [tilespmem:v24+s14+$0x0], $0xffff;
	[tilespmem:s11+$0x30] =	vst v15  }
0x357: {  	s7 =	simm.s32 $0xA700;
	v25 =	vor.u32 v1, v13;
	v27 =	vmul.f32 $5.656854150e+00, v27;
	[tilespmem:s11+$0xFFFFFF30] =	vst v23;
	v23 =	vld.idx.msk [tilespmem:v20+s14+$0x0], $0xffff  }
0x358: {  	s12 =	simm.s32 $0x9;
	[tilespmem:s7+$0xFFFFFF00] =	vst v26;
	v15 =	vor.u32 v1, v11;
	v21 =	vmul.f32 $5.656854150e+00, v21;
	v28 =	vld.idx.msk [tilespmem:v28+s14+$0x0], $0xffff  }
0x359: {  	v31 =	vmov s12;
	v20 =	vld.idx.msk [tilespmem:v29+s14+$0x0], $0xffff;
	v29 =	vmul.f32 $5.656854150e+00, v10;
	[tilespmem:s7+$0x80] =	vst v27;
	v27 =	vor.u32 v5, v19  }
0x35a: {  	v30 =	vld.idx.msk [tilespmem:v30+s14+$0x0], $0xffff;
	v10 =	vand.u32 $0x1D, v31;
	[tilespmem:s7+$0xFFFFFF80] =	vst v21;
	v21 =	vor.u32 v5, v17  }
0x35b: {  	v12 =	vld.idx.msk [tilespmem:v12+s14+$0x0], $0xffff;
	v10 =	vbroadcast v10, $0x0;
	[tilespmem:s7+$0x0] =	vst v29;
	v29 =	vor.u32 v5, v18;
	v22 =	vmul.f32 $5.656854150e+00, v22  }
0x35c: {  	v26 =	vor.u32 v5, v16;
	v25 =	vld.idx.msk [tilespmem:v25+s14+$0x0], $0xffff;
	v24 =	vmul.f32 $5.656854150e+00, v24  }
0x35d: {  	v15 =	vld.idx.msk [tilespmem:v15+s14+$0x0], $0xffff;
	v31 =	vor.u32 v0, v10;
	v23 =	vmul.f32 $5.656854150e+00, v23;
	[tilespmem:s11+$0xC0] =	vst v22  }
0x35e: {  	v22 =	vor.u32 v2, v14;
	v28 =	vmul.f32 $5.656854150e+00, v28;
	[tilespmem:s11+$0xFFFFFFC0] =	vst v24;
	v24 =	vld.idx.msk [tilespmem:v27+s14+$0x0], $0xffff  }
0x35f: {  	v27 =	vor.u32 v2, v13;
	[tilespmem:s11+$0x40] =	vst v23;
	v21 =	vld.idx.msk [tilespmem:v21+s14+$0x0], $0xffff  }
0x360: {  	v23 =	vor.u32 v2, v11;
	v12 =	vmul.f32 $5.656854150e+00, v12;
	[tilespmem:s11+$0xFFFFFF40] =	vst v28;
	v28 =	vld.idx.msk [tilespmem:v29+s14+$0x0], $0xffff  }
0x361: {  	s16 =	simm.s32 $0xA;
	v29 =	vor.u32 v2, v8;
	v25 =	vmul.f32 $5.656854150e+00, v25;
	v26 =	vld.idx.msk [tilespmem:v26+s14+$0x0], $0xffff  }
0x362: {  	v50 =	vmov s16;
	v51 =	vor.u32 v6, v19;
	v31 =	vld.idx.msk [tilespmem:v31+s14+$0x0], $0xffff;
	v15 =	vmul.f32 $5.656854150e+00, v15;
	[tilespmem:s7+$0x90] =	vst v12  }
0x363: {  	v30 =	vmul.f32 $5.656854150e+00, v30;
	v12 =	vand.u32 $0x1E, v50;
	[tilespmem:s7+$0xFFFFFF90] =	vst v25;
	v22 =	vld.idx.msk [tilespmem:v22+s14+$0x0], $0xffff;
	v25 =	vor.u32 v6, v17  }
0x364: {  	v12 =	vbroadcast v12, $0x0;
	v27 =	vld.idx.msk [tilespmem:v27+s14+$0x0], $0xffff;
	[tilespmem:s7+$0x10] =	vst v15;
	v15 =	vor.u32 v6, v18;
	v24 =	vmul.f32 $5.656854150e+00, v24  }
0x365: {  	[tilespmem:s7+$0xFFFFFF10] =	vst v30;
	v30 =	vor.u32 v6, v16;
	v23 =	vld.idx.msk [tilespmem:v23+s14+$0x0], $0xffff;
	v21 =	vmul.f32 $5.656854150e+00, v21  }
0x366: {  	v52 =	vor.u32 v0, v12;
	v29 =	vld.idx.msk [tilespmem:v29+s14+$0x0], $0xffff;
	v28 =	vmul.f32 $5.656854150e+00, v28;
	[tilespmem:s11+$0xD0] =	vst v24  }
0x367: {  	s20 =	simm.s32 $0xB;
	v24 =	vor.u32 v3, v14;
	v26 =	vmul.f32 $5.656854150e+00, v26;
	[tilespmem:s11+$0xFFFFFFD0] =	vst v21;
	v21 =	vld.idx.msk [tilespmem:v51+s14+$0x0], $0xffff  }
0x368: {  	v53 =	vmov s20;
	v54 =	vor.u32 v3, v13;
	v25 =	vld.idx.msk [tilespmem:v25+s14+$0x0], $0xffff;
	[tilespmem:s11+$0x50] =	vst v28  }
0x369: {  	v55 =	vor.u32 v3, v11;
	v28 =	vand.u32 $0x1F, v53;
	v22 =	vmul.f32 $5.656854150e+00, v22;
	[tilespmem:s11+$0xFFFFFF50] =	vst v26;
	v26 =	vld.idx.msk [tilespmem:v15+s14+$0x0], $0xffff  }
0x36a: {  	v15 =	vbroadcast v28, $0x0;
	v28 =	vor.u32 v3, v8;
	v27 =	vmul.f32 $5.656854150e+00, v27;
	v30 =	vld.idx.msk [tilespmem:v30+s14+$0x0], $0xffff  }
0x36b: {  	v19 =	vor.u32 v7, v19;
	v32 =	vld.idx.msk [tilespmem:v52+s14+$0x0], $0xffff;
	v23 =	vmul.f32 $5.656854150e+00, v23;
	[tilespmem:s7+$0xA0] =	vst v22  }
0x36c: {  	v22 =	vor.u32 v0, v15;
	v29 =	vmul.f32 $5.656854150e+00, v29;
	[tilespmem:s7+$0xFFFFFFA0] =	vst v27;
	v24 =	vld.idx.msk [tilespmem:v24+s14+$0x0], $0xffff  }
0x36d: {  	v17 =	vor.u32 v7, v17;
	v27 =	vld.idx.msk [tilespmem:v54+s14+$0x0], $0xffff;
	[tilespmem:s7+$0x20] =	vst v23;
	v21 =	vmul.f32 $5.656854150e+00, v21  }
0x36e: {  	v18 =	vor.u32 v7, v18;
	[tilespmem:s7+$0xFFFFFF20] =	vst v29;
	v23 =	vld.idx.msk [tilespmem:v55+s14+$0x0], $0xffff  }
0x36f: {  	s12 =	simm.s32 $0xC;
	v25 =	vmul.f32 $5.656854150e+00, v25;
	v29 =	vor.u32 v7, v16;
	v28 =	vld.idx.msk [tilespmem:v28+s14+$0x0], $0xffff;
	[tilespmem:s11+$0xE0] =	vst v21  }
0x370: {  	v16 =	vmul.f32 $5.656854150e+00, v26;
	v21 =	vmov s12;
	v26 =	vor.u32 v4, v14;
	v19 =	vld.idx.msk [tilespmem:v19+s14+$0x0], $0xffff  }
0x371: {  	v30 =	vmul.f32 $5.656854150e+00, v30;
	[tilespmem:s11+$0xFFFFFFE0] =	vst v25;
	v21 =	vand.u32 $0x1C, v21;
	v25 =	vor.u32 v4, v13;
	v22 =	vld.idx.msk [tilespmem:v22+s14+$0x0], $0xffff  }
0x372: {  	[tilespmem:s11+$0x60] =	vst v16;
	v16 =	vbroadcast v21, $0x0;
	v21 =	vor.u32 v4, v11;
	v24 =	vmul.f32 $5.656854150e+00, v24;
	v56 =	vld.idx.msk [tilespmem:v17+s14+$0x0], $0xffff  }
0x373: {  	[tilespmem:s11+$0xFFFFFF60] =	vst v30;
	v17 =	vor.u32 v4, v8;
	v27 =	vmul.f32 $5.656854150e+00, v27;
	v18 =	vld.idx.msk [tilespmem:v18+s14+$0x0], $0xffff  }
0x374: {  	v30 =	vor.u32 v0, v16;
	v23 =	vmul.f32 $5.656854150e+00, v23;
	[tilespmem:s7+$0xB0] =	vst v24;
	v24 =	vld.idx.msk [tilespmem:v29+s14+$0x0], $0xffff  }
0x375: {  	v29 =	vor.u32 v1, v15;
	v28 =	vmul.f32 $5.656854150e+00, v28;
	[tilespmem:s7+$0xFFFFFFB0] =	vst v27;
	v26 =	vld.idx.msk [tilespmem:v26+s14+$0x0], $0xffff  }
0x376: {  	v27 =	vor.u32 v1, v10;
	v25 =	vld.idx.msk [tilespmem:v25+s14+$0x0], $0xffff;
	[tilespmem:s7+$0x30] =	vst v23;
	v19 =	vmul.f32 $5.656854150e+00, v19  }
0x377: {  	v23 =	vor.u32 v1, v12;
	v22 =	vmul.f32 $5.656854150e+00, v22;
	[tilespmem:s7+$0xFFFFFF30] =	vst v28;
	v21 =	vld.idx.msk [tilespmem:v21+s14+$0x0], $0xffff  }
0x378: {  	s2 =	simm.s32 $0xA900;
	s16 =	simm.s32 $0xD;
	v31 =	vmul.f32 $5.656854150e+00, v31;
	v28 =	vor.u32 v1, v9;
	v57 =	vld.idx.msk [tilespmem:v17+s14+$0x0], $0xffff;
	[tilespmem:s11+$0xF0] =	vst v19  }
0x379: {  	v17 =	vmov s16;
	v19 =	vld.idx.msk [tilespmem:v30+s14+$0x0], $0xffff;
	v30 =	vmul.f32 $5.656854150e+00, v32;
	[tilespmem:s2+$0x80] =	vst v22;
	v22 =	vor.u32 v5, v14  }
0x37a: {  	v20 =	vmul.f32 $5.656854150e+00, v20;
	[tilespmem:s2+$0xFFFFFF80] =	vst v31;
	v31 =	vor.u32 v5, v13;
	v17 =	vand.u32 $0x1D, v17;
	v29 =	vld.idx.msk [tilespmem:v29+s14+$0x0], $0xffff  }
0x37b: {  	v17 =	vbroadcast v17, $0x0;
	v27 =	vld.idx.msk [tilespmem:v27+s14+$0x0], $0xffff;
	v26 =	vmul.f32 $5.656854150e+00, v26;
	[tilespmem:s2+$0x0] =	vst v30;
	v30 =	vor.u32 v5, v11  }
0x37c: {  	[tilespmem:s2+$0xFFFFFF00] =	vst v20;
	v25 =	vmul.f32 $5.656854150e+00, v25;
	v20 =	vld.idx.msk [tilespmem:v23+s14+$0x0], $0xffff;
	v23 =	vor.u32 v5, v8  }
0x37d: {  	v58 =	vor.u32 v0, v17;
	v28 =	vld.idx.msk [tilespmem:v28+s14+$0x0], $0xffff;
	v21 =	vmul.f32 $5.656854150e+00, v21;
	[tilespmem:s7+$0xC0] =	vst v26  }
0x37e: {  	v26 =	vor.u32 v2, v15;
	v34 =	vmul.f32 $5.656854150e+00, v57;
	[tilespmem:s7+$0xFFFFFFC0] =	vst v25;
	v25 =	vld.idx.msk [tilespmem:v22+s14+$0x0], $0xffff  }
0x37f: {  	v59 =	vor.u32 v2, v10;
	v22 =	vmul.f32 $5.656854150e+00, v56;
	v31 =	vld.idx.msk [tilespmem:v31+s14+$0x0], $0xffff;
	[tilespmem:s7+$0x40] =	vst v21  }
0x380: {  	v21 =	vor.u32 v2, v12;
	v29 =	vmul.f32 $5.656854150e+00, v29;
	[tilespmem:s7+$0xFFFFFF40] =	vst v34;
	v60 =	vld.idx.msk [tilespmem:v30+s14+$0x0], $0xffff  }
0x381: {  	s20 =	simm.s32 $0xE;
	v63 =	vor.u32 v6, v14;
	v61 =	vor.u32 v2, v9;
	v27 =	vmul.f32 $5.656854150e+00, v27;
	[tilespmem:s11+$0xFFFFFFF0] =	vst v22;
	v62 =	vld.idx.msk [tilespmem:v23+s14+$0x0], $0xffff  }
0x382: {  	v30 =	vmov s20;
	v22 =	vld.idx.msk [tilespmem:v58+s14+$0x0], $0xffff;
	v20 =	vmul.f32 $5.656854150e+00, v20;
	[tilespmem:s2+$0x90] =	vst v29;
	v23 =	vmul.f32 $5.656854150e+00, v18  }
0x383: {  	v18 =	vand.u32 $0x1E, v30;
	v30 =	vmul.f32 $5.656854150e+00, v28;
	[tilespmem:s2+$0xFFFFFF90] =	vst v27;
	v28 =	vor.u32 v6, v13;
	v29 =	vld.idx.msk [tilespmem:v26+s14+$0x0], $0xffff  }
0x384: {  	v18 =	vbroadcast v18, $0x0;
	v27 =	vld.idx.msk [tilespmem:v59+s14+$0x0], $0xffff;
	[tilespmem:s2+$0x10] =	vst v20;
	v37 =	vmul.f32 $5.656854150e+00, v25;
	v25 =	vor.u32 v6, v11  }
0x385: {  	v26 =	vor.u32 v6, v8;
	[tilespmem:s2+$0xFFFFFF10] =	vst v30;
	v30 =	vld.idx.msk [tilespmem:v21+s14+$0x0], $0xffff;
	v21 =	vmul.f32 $5.656854150e+00, v31  }
0x386: {  	v33 =	vor.u32 v0, v18;
	v31 =	vld.idx.msk [tilespmem:v61+s14+$0x0], $0xffff;
	[tilespmem:s7+$0xD0] =	vst v37;
	v34 =	vmul.f32 $5.656854150e+00, v60  }
0x387: {  	s12 =	simm.s32 $0x10;
	s16 =	simm.s32 $0xF;
	v20 =	vmul.f32 $5.656854150e+00, v24;
	v24 =	vor.u32 v3, v15;
	v35 =	vmul.f32 $5.656854150e+00, v62;
	[tilespmem:s7+$0xFFFFFFD0] =	vst v21;
	v32 =	vld.idx.msk [tilespmem:v63+s14+$0x0], $0xffff  }
.LBB2_11:
0x388: {  	p0 =	slt.u32 s12, $0x1C;
	v21 =	vmov s16;
	v36 =	vor.u32 v3, v10;
	v28 =	vld.idx.msk [tilespmem:v28+s14+$0x0], $0xffff;
	[tilespmem:s7+$0x50] =	vst v34  }
0x389: {  	v34 =	vor.u32 v3, v12;
	v29 =	vmul.f32 $5.656854150e+00, v29;
	v21 =	vand.u32 $0x1F, v21;
	[tilespmem:s7+$0xFFFFFF50] =	vst v35;
	v25 =	vld.idx.msk [tilespmem:v25+s14+$0x0], $0xffff  }
0x38a: {  	v35 =	vor.u32 v3, v9;
	v27 =	vmul.f32 $5.656854150e+00, v27;
	v21 =	vbroadcast v21, $0x0;
	v26 =	vld.idx.msk [tilespmem:v26+s14+$0x0], $0xffff;
	[tilespmem:s11+$0x70] =	vst v23  }
0x38b: {  	v30 =	vmul.f32 $5.656854150e+00, v30;
	v23 =	vld.idx.msk [tilespmem:v33+s14+$0x0], $0xffff;
	[tilespmem:s2+$0xA0] =	vst v29;
	v29 =	vor.u32 v7, v14;
	v14 =	vmov v15  }
0x38c: {  	v31 =	vmul.f32 $5.656854150e+00, v31;
	v33 =	vor.u32 v0, v21;
	[tilespmem:s2+$0xFFFFFFA0] =	vst v27;
	v24 =	vld.idx.msk [tilespmem:v24+s14+$0x0], $0xffff;
	v15 =	vmov v21  }
0x38d: {  	v27 =	vor.u32 v7, v13;
	v13 =	vmovc v10;
	v10 =	vmov v17;
	v21 =	vld.idx.msk [tilespmem:v36+s14+$0x0], $0xffff;
	[tilespmem:s2+$0x20] =	vst v30;
	v30 =	vmul.f32 $5.656854150e+00, v32  }
0x38e: {  	v28 =	vmul.f32 $5.656854150e+00, v28;
	[tilespmem:s2+$0xFFFFFF20] =	vst v31;
	v17 =	vld.idx.msk [tilespmem:v34+s14+$0x0], $0xffff;
	v31 =	vor.u32 v7, v11;
	v11 =	vmovc v12;
	v12 =	vmov v18  }
0x38f: {  	v32 =	vor.u32 v7, v8;
	v8 =	vmovc v9;
	v9 =	vmov v16;
	v25 =	vmul.f32 $5.656854150e+00, v25;
	v18 =	vld.idx.msk [tilespmem:v35+s14+$0x0], $0xffff;
	[tilespmem:s7+$0xE0] =	vst v30  }
0x390: {  	v16 =	vmov s12;
	v30 =	vor.u32 v4, v14;
	v26 =	vmul.f32 $5.656854150e+00, v26;
	[tilespmem:s7+$0xFFFFFFE0] =	vst v28;
	v28 =	vld.idx.msk [tilespmem:v29+s14+$0x0], $0xffff  }
0x391: {  	v16 =	vand.u32 $0x1C, v16;
	v29 =	vld.idx.msk [tilespmem:v33+s14+$0x0], $0xffff;
	v33 =	vor.u32 v4, v13;
	[tilespmem:s7+$0x60] =	vst v25  }
0x392: {  	v16 =	vbroadcast v16, $0x0;
	v25 =	vor.u32 v4, v11;
	v24 =	vmul.f32 $5.656854150e+00, v24;
	[tilespmem:s7+$0xFFFFFF60] =	vst v26;
	v26 =	vld.idx.msk [tilespmem:v27+s14+$0x0], $0xffff  }
0x393: {  	v27 =	vor.u32 v4, v8;
	v21 =	vmul.f32 $5.656854150e+00, v21;
	v31 =	vld.idx.msk [tilespmem:v31+s14+$0x0], $0xffff;
	[tilespmem:s11+$0xFFFFFF70] =	vst v20;
	s11 =	smov.u32 s7;
	s7 =	smov.u32 s2  }
0x394: {  	v20 =	vor.u32 v0, v16;
	v17 =	vmul.f32 $5.656854150e+00, v17;
	[tilespmem:s2+$0xB0] =	vst v24;
	v24 =	vld.idx.msk [tilespmem:v32+s14+$0x0], $0xffff  }
0x395: {  	s16 =	sadd.s32 $0x1, s12;
	v32 =	vor.u32 v1, v15;
	v18 =	vmul.f32 $5.656854150e+00, v18;
	[tilespmem:s2+$0xFFFFFFB0] =	vst v21;
	v21 =	vld.idx.msk [tilespmem:v30+s14+$0x0], $0xffff  }
0x396: {  	v34 =	vor.u32 v1, v10;
	v30 =	vmov s16;
	v33 =	vld.idx.msk [tilespmem:v33+s14+$0x0], $0xffff;
	[tilespmem:s2+$0x30] =	vst v17;
	v17 =	vmul.f32 $5.656854150e+00, v28  }
0x397: {  	v28 =	vand.u32 $0x1D, v30;
	v30 =	vor.u32 v1, v12;
	v29 =	vmul.f32 $5.656854150e+00, v29;
	[tilespmem:s2+$0xFFFFFF30] =	vst v18;
	v18 =	vld.idx.msk [tilespmem:v25+s14+$0x0], $0xffff  }
0x398: {  	v22 =	vmul.f32 $5.656854150e+00, v22;
	v25 =	vor.u32 v1, v9;
	s2 =	sadd.s32 $0x200, s2;
	v26 =	vmul.f32 $5.656854150e+00, v26;
	v27 =	vld.idx.msk [tilespmem:v27+s14+$0x0], $0xffff;
	[tilespmem:s11+$0xF0] =	vst v17  }
0x399: {  	v36 =	vmul.f32 $5.656854150e+00, v23;
	v23 =	vmul.f32 $5.656854150e+00, v31;
	v35 =	vld.idx.msk [tilespmem:v20+s14+$0x0], $0xffff;
	[tilespmem:s2+$0x80] =	vst v29;
	v29 =	vor.u32 v5, v14  }
0x39a: {  	v19 =	vmul.f32 $5.656854150e+00, v19;
	v31 =	vor.u32 v5, v13;
	v20 =	vmul.f32 $5.656854150e+00, v24;
	[tilespmem:s2+$0xFFFFFF80] =	vst v22;
	v22 =	vld.idx.msk [tilespmem:v32+s14+$0x0], $0xffff  }
0x39b: {  	v17 =	vbroadcast v28, $0x0;
	v28 =	vor.u32 v5, v11;
	v21 =	vmul.f32 $5.656854150e+00, v21;
	v24 =	vld.idx.msk [tilespmem:v34+s14+$0x0], $0xffff;
	[tilespmem:s2+$0x0] =	vst v36  }
0x39c: {  	v32 =	vor.u32 v5, v8;
	v37 =	vmul.f32 $5.656854150e+00, v33;
	[tilespmem:s2+$0xFFFFFF00] =	vst v19;
	v30 =	vld.idx.msk [tilespmem:v30+s14+$0x0], $0xffff  }
0x39d: {  	v33 =	vor.u32 v0, v17;
	v18 =	vmul.f32 $5.656854150e+00, v18;
	v25 =	vld.idx.msk [tilespmem:v25+s14+$0x0], $0xffff;
	[tilespmem:s7+$0xC0] =	vst v21  }
0x39e: {  	v21 =	vor.u32 v2, v15;
	v27 =	vmul.f32 $5.656854150e+00, v27;
	[tilespmem:s7+$0xFFFFFFC0] =	vst v37;
	v34 =	vld.idx.msk [tilespmem:v29+s14+$0x0], $0xffff  }
0x39f: {  	v36 =	vor.u32 v2, v10;
	v19 =	vmov v35;
	v31 =	vld.idx.msk [tilespmem:v31+s14+$0x0], $0xffff;
	[tilespmem:s7+$0x40] =	vst v18  }
0x3a0: {  	v35 =	vor.u32 v2, v12;
	v18 =	vmul.f32 $5.656854150e+00, v22;
	[tilespmem:s7+$0xFFFFFF40] =	vst v27;
	v37 =	vld.idx.msk [tilespmem:v28+s14+$0x0], $0xffff  }
0x3a1: {  	v38 =	vor.u32 v2, v9;
	s16 =	sadd.s32 $0x2, s12;
	v24 =	vmul.f32 $5.656854150e+00, v24;
	v32 =	vld.idx.msk [tilespmem:v32+s14+$0x0], $0xffff;
	[tilespmem:s11+$0xFFFFFFF0] =	vst v26  }
0x3a2: {  	v39 =	vor.u32 v6, v14;
	v26 =	vmov s16;
	v30 =	vmul.f32 $5.656854150e+00, v30;
	v22 =	vld.idx.msk [tilespmem:v33+s14+$0x0], $0xffff;
	[tilespmem:s2+$0x90] =	vst v18  }
.Ltmp4:
0x3a3: {  	v28 =	vor.u32 v6, v13;
	v18 =	vand.u32 $0x1E, v26;
	v26 =	vmul.f32 $5.656854150e+00, v25;
	[tilespmem:s2+$0xFFFFFF90] =	vst v24;
	v29 =	vld.idx.msk [tilespmem:v21+s14+$0x0], $0xffff;
	(pc) =	sbr.rel @p0 .LBB2_11-.Ltmp4, $4  }
0x3a4: {  	v25 =	vor.u32 v6, v11;
	v18 =	vbroadcast v18, $0x0;
	v21 =	vmul.f32 $5.656854150e+00, v34;
	v27 =	vld.idx.msk [tilespmem:v36+s14+$0x0], $0xffff;
	[tilespmem:s2+$0x10] =	vst v30  }
0x3a5: {  	v36 =	vmul.f32 $5.656854150e+00, v31;
	[tilespmem:s2+$0xFFFFFF10] =	vst v26;
	v30 =	vld.idx.msk [tilespmem:v35+s14+$0x0], $0xffff;
	v26 =	vor.u32 v6, v8  }
0x3a6: {  	v33 =	vor.u32 v0, v18;
	v34 =	vmul.f32 $5.656854150e+00, v37;
	v31 =	vld.idx.msk [tilespmem:v38+s14+$0x0], $0xffff;
	[tilespmem:s7+$0xD0] =	vst v21  }
0x3a7: {  	s16 =	sadd.s32 $0x3, s12;
	s12 =	sadd.s32 $0x4, s12;
	v24 =	vor.u32 v3, v15;
	v35 =	vmul.f32 $5.656854150e+00, v32;
	[tilespmem:s7+$0xFFFFFFD0] =	vst v36;
	v32 =	vld.idx.msk [tilespmem:v39+s14+$0x0], $0xffff  }
0x3a8: {  	v21 =	vmov s16  }
0x3a9: {  	v21 =	vand.u32 $0x1F, v21  }
0x3aa: {  	v21 =	vbroadcast v21, $0x0;
	_ =	sdelay $0x1  }
0x3ab: {  	v36 =	vor.u32 v0, v21;
	_ =	sdelay $0x3  }
0x3ac: {  	[tilespmem:s7+$0x50] =	vst v34  }
0x3ad: {  	v29 =	vmul.f32 $5.656854150e+00, v29;
	[tilespmem:s11+$0x70] =	vst v23;
	v47 =	vld.idx.msk [tilespmem:v36+s14+$0x0], $0xffff  }
0x3ae: {  	[tilespmem:s7+$0xFFFFFF50] =	vst v35;
	v27 =	vmul.f32 $5.656854150e+00, v27  }
0x3af: {  	v23 =	vld.idx.msk [tilespmem:v33+s14+$0x0], $0xffff;
	v30 =	vmul.f32 $5.656854150e+00, v30;
	[tilespmem:s2+$0xA0] =	vst v29  }
0x3b0: {  	v29 =	vmul.f32 $5.656854150e+00, v31;
	[tilespmem:s2+$0xFFFFFFA0] =	vst v27;
	v27 =	vor.u32 v1, v21  }
0x3b1: {  	v28 =	vld.idx.msk [tilespmem:v28+s14+$0x0], $0xffff;
	v31 =	vor.u32 v1, v17;
	[tilespmem:s2+$0x20] =	vst v30;
	v30 =	vmul.f32 $5.656854150e+00, v32  }
0x3b2: {  	v25 =	vld.idx.msk [tilespmem:v25+s14+$0x0], $0xffff;
	[tilespmem:s2+$0xFFFFFF20] =	vst v29;
	v29 =	vor.u32 v1, v18;
	v48 =	vmul.f32 $5.656854150e+00, v47  }
0x3b3: {  	v22 =	vmul.f32 $5.656854150e+00, v22;
	s12 =	sadd.s32 $0x200, s2;
	v26 =	vld.idx.msk [tilespmem:v26+s14+$0x0], $0xffff;
	[tilespmem:s7+$0xE0] =	vst v30;
	v30 =	vor.u32 v1, v16  }
0x3b4: {  	v23 =	vmul.f32 $5.656854150e+00, v23;
	[tilespmem:s12+$0x80] =	vst v48  }
0x3b5: {  	v49 =	vor.u32 v3, v10;
	v19 =	vmul.f32 $5.656854150e+00, v19;
	[tilespmem:s12+$0xFFFFFF80] =	vst v22;
	v22 =	vld.idx.msk [tilespmem:v27+s14+$0x0], $0xffff  }
0x3b6: {  	v28 =	vmul.f32 $5.656854150e+00, v28;
	[tilespmem:s12+$0x0] =	vst v23;
	v31 =	vld.idx.msk [tilespmem:v31+s14+$0x0], $0xffff;
	v27 =	vor.u32 v3, v12  }
0x3b7: {  	[tilespmem:s12+$0xFFFFFF00] =	vst v19;
	v25 =	vmul.f32 $5.656854150e+00, v25;
	v23 =	vor.u32 v3, v9;
	v19 =	vld.idx.msk [tilespmem:v29+s14+$0x0], $0xffff  }
0x3b8: {  	v26 =	vmul.f32 $5.656854150e+00, v26;
	[tilespmem:s7+$0xFFFFFFE0] =	vst v28;
	v29 =	vor.u32 v2, v21;
	v28 =	vld.idx.msk [tilespmem:v30+s14+$0x0], $0xffff  }
0x3b9: {  	v24 =	vld.idx.msk [tilespmem:v24+s14+$0x0], $0xffff;
	[tilespmem:s7+$0x60] =	vst v25;
	v25 =	vor.u32 v2, v17  }
0x3ba: {  	[tilespmem:s7+$0xFFFFFF60] =	vst v26;
	v26 =	vor.u32 v2, v18;
	v30 =	vld.idx.msk [tilespmem:v49+s14+$0x0], $0xffff;
	v22 =	vmul.f32 $5.656854150e+00, v22  }
0x3bb: {  	[tilespmem:s11+$0xFFFFFF70] =	vst v20;
	v20 =	vor.u32 v2, v16;
	v31 =	vmul.f32 $5.656854150e+00, v31;
	v27 =	vld.idx.msk [tilespmem:v27+s14+$0x0], $0xffff  }
0x3bc: {  	v14 =	vor.u32 v7, v14;
	v23 =	vld.idx.msk [tilespmem:v23+s14+$0x0], $0xffff;
	v19 =	vmul.f32 $5.656854150e+00, v19;
	[tilespmem:s12+$0x90] =	vst v22  }
0x3bd: {  	[tilespmem:s12+$0xFFFFFF90] =	vst v31;
	v28 =	vmul.f32 $5.656854150e+00, v28;
	v22 =	vor.u32 v4, v15;
	v29 =	vld.idx.msk [tilespmem:v29+s14+$0x0], $0xffff  }
0x3be: {  	v24 =	vmul.f32 $5.656854150e+00, v24;
	v31 =	vor.u32 v4, v10;
	v25 =	vld.idx.msk [tilespmem:v25+s14+$0x0], $0xffff;
	[tilespmem:s12+$0x10] =	vst v19  }
0x3bf: {  	v30 =	vmul.f32 $5.656854150e+00, v30;
	v19 =	vor.u32 v4, v12;
	[tilespmem:s12+$0xFFFFFF10] =	vst v28;
	v26 =	vld.idx.msk [tilespmem:v26+s14+$0x0], $0xffff  }
0x3c0: {  	[tilespmem:s2+$0xB0] =	vst v24;
	v24 =	vor.u32 v3, v21;
	v20 =	vld.idx.msk [tilespmem:v20+s14+$0x0], $0xffff;
	v27 =	vmul.f32 $5.656854150e+00, v27  }
0x3c1: {  	v14 =	vld.idx.msk [tilespmem:v14+s14+$0x0], $0xffff;
	v23 =	vmul.f32 $5.656854150e+00, v23;
	[tilespmem:s2+$0xFFFFFFB0] =	vst v30;
	v28 =	vor.u32 v3, v17  }
0x3c2: {  	v22 =	vld.idx.msk [tilespmem:v22+s14+$0x0], $0xffff;
	[tilespmem:s2+$0x30] =	vst v27;
	v27 =	vor.u32 v3, v18;
	v29 =	vmul.f32 $5.656854150e+00, v29  }
0x3c3: {  	[tilespmem:s2+$0xFFFFFF30] =	vst v23;
	v23 =	vor.u32 v3, v16;
	v30 =	vld.idx.msk [tilespmem:v31+s14+$0x0], $0xffff;
	v25 =	vmul.f32 $5.656854150e+00, v25  }
0x3c4: {  	v13 =	vor.u32 v7, v13;
	v26 =	vmul.f32 $5.656854150e+00, v26;
	v19 =	vld.idx.msk [tilespmem:v19+s14+$0x0], $0xffff;
	[tilespmem:s12+$0xA0] =	vst v29  }
0x3c5: {  	v31 =	vor.u32 v4, v9;
	[tilespmem:s12+$0xFFFFFFA0] =	vst v25;
	v20 =	vmul.f32 $5.656854150e+00, v20;
	v24 =	vld.idx.msk [tilespmem:v24+s14+$0x0], $0xffff  }
0x3c6: {  	v14 =	vmul.f32 $5.656854150e+00, v14;
	v25 =	vor.u32 v5, v15;
	v28 =	vld.idx.msk [tilespmem:v28+s14+$0x0], $0xffff;
	[tilespmem:s12+$0x20] =	vst v26  }
0x3c7: {  	v26 =	vor.u32 v5, v10;
	[tilespmem:s12+$0xFFFFFF20] =	vst v20;
	v22 =	vmul.f32 $5.656854150e+00, v22;
	v20 =	vld.idx.msk [tilespmem:v27+s14+$0x0], $0xffff  }
0x3c8: {  	[tilespmem:s7+$0xF0] =	vst v14;
	v14 =	vmul.f32 $5.656854150e+00, v30;
	v23 =	vld.idx.msk [tilespmem:v23+s14+$0x0], $0xffff;
	v27 =	vor.u32 v4, v21  }
0x3c9: {  	v13 =	vld.idx.msk [tilespmem:v13+s14+$0x0], $0xffff;
	v19 =	vmul.f32 $5.656854150e+00, v19;
	[tilespmem:s2+$0xC0] =	vst v22;
	v22 =	vor.u32 v4, v17  }
0x3ca: {  	[tilespmem:s2+$0xFFFFFFC0] =	vst v14;
	v14 =	vor.u32 v4, v18;
	v29 =	vld.idx.msk [tilespmem:v31+s14+$0x0], $0xffff;
	v24 =	vmul.f32 $5.656854150e+00, v24  }
0x3cb: {  	v28 =	vmul.f32 $5.656854150e+00, v28;
	v25 =	vld.idx.msk [tilespmem:v25+s14+$0x0], $0xffff;
	[tilespmem:s2+$0x40] =	vst v19;
	v19 =	vor.u32 v4, v16  }
0x3cc: {  	v30 =	vor.u32 v5, v12;
	v26 =	vld.idx.msk [tilespmem:v26+s14+$0x0], $0xffff;
	v20 =	vmul.f32 $5.656854150e+00, v20;
	[tilespmem:s12+$0xB0] =	vst v24  }
0x3cd: {  	[tilespmem:s12+$0xFFFFFFB0] =	vst v28;
	v23 =	vmul.f32 $5.656854150e+00, v23;
	v24 =	vor.u32 v5, v9;
	v27 =	vld.idx.msk [tilespmem:v27+s14+$0x0], $0xffff  }
0x3ce: {  	v11 =	vor.u32 v7, v11;
	v13 =	vmul.f32 $5.656854150e+00, v13;
	v22 =	vld.idx.msk [tilespmem:v22+s14+$0x0], $0xffff;
	[tilespmem:s12+$0x30] =	vst v20  }
0x3cf: {  	[tilespmem:s12+$0xFFFFFF30] =	vst v23;
	v28 =	vmul.f32 $5.656854150e+00, v29;
	v20 =	vor.u32 v6, v15;
	v14 =	vld.idx.msk [tilespmem:v14+s14+$0x0], $0xffff  }
0x3d0: {  	[tilespmem:s7+$0xFFFFFFF0] =	vst v13;
	v23 =	vmul.f32 $5.656854150e+00, v25;
	v19 =	vld.idx.msk [tilespmem:v19+s14+$0x0], $0xffff;
	v25 =	vor.u32 v5, v21  }
0x3d1: {  	v13 =	vmul.f32 $5.656854150e+00, v26;
	v26 =	vor.u32 v5, v17;
	[tilespmem:s2+$0xFFFFFF40] =	vst v28;
	v28 =	vld.idx.msk [tilespmem:v30+s14+$0x0], $0xffff  }
0x3d2: {  	[tilespmem:s2+$0xD0] =	vst v23;
	v23 =	vor.u32 v5, v18;
	v24 =	vld.idx.msk [tilespmem:v24+s14+$0x0], $0xffff;
	v27 =	vmul.f32 $5.656854150e+00, v27  }
0x3d3: {  	v11 =	vld.idx.msk [tilespmem:v11+s14+$0x0], $0xffff;
	[tilespmem:s2+$0xFFFFFFD0] =	vst v13;
	v13 =	vor.u32 v5, v16;
	v22 =	vmul.f32 $5.656854150e+00, v22  }
0x3d4: {  	v29 =	vor.u32 v6, v10;
	v20 =	vld.idx.msk [tilespmem:v20+s14+$0x0], $0xffff;
	v14 =	vmul.f32 $5.656854150e+00, v14;
	[tilespmem:s12+$0xC0] =	vst v27  }
0x3d5: {  	v19 =	vmul.f32 $5.656854150e+00, v19;
	v27 =	vor.u32 v6, v12;
	[tilespmem:s12+$0xFFFFFFC0] =	vst v22;
	v22 =	vld.idx.msk [tilespmem:v25+s14+$0x0], $0xffff  }
0x3d6: {  	v28 =	vmul.f32 $5.656854150e+00, v28;
	v25 =	vor.u32 v6, v9;
	v26 =	vld.idx.msk [tilespmem:v26+s14+$0x0], $0xffff;
	[tilespmem:s12+$0x40] =	vst v14  }
0x3d7: {  	v8 =	vor.u32 v7, v8;
	[tilespmem:s12+$0xFFFFFF40] =	vst v19;
	v14 =	vmul.f32 $5.656854150e+00, v24;
	v19 =	vld.idx.msk [tilespmem:v23+s14+$0x0], $0xffff  }
0x3d8: {  	v11 =	vmul.f32 $5.656854150e+00, v11;
	[tilespmem:s2+$0x50] =	vst v28;
	v13 =	vld.idx.msk [tilespmem:v13+s14+$0x0], $0xffff;
	v23 =	vor.u32 v6, v21  }
0x3d9: {  	v24 =	vld.idx.msk [tilespmem:v29+s14+$0x0], $0xffff;
	[tilespmem:s2+$0xFFFFFF50] =	vst v14;
	v14 =	vmul.f32 $5.656854150e+00, v20;
	v20 =	vor.u32 v6, v17  }
0x3da: {  	[tilespmem:s7+$0x70] =	vst v11;
	v11 =	vor.u32 v6, v18;
	v27 =	vld.idx.msk [tilespmem:v27+s14+$0x0], $0xffff;
	v22 =	vmul.f32 $5.656854150e+00, v22  }
0x3db: {  	v25 =	vld.idx.msk [tilespmem:v25+s14+$0x0], $0xffff;
	[tilespmem:s2+$0xE0] =	vst v14;
	v14 =	vor.u32 v6, v16;
	v26 =	vmul.f32 $5.656854150e+00, v26  }
0x3dc: {  	v8 =	vld.idx.msk [tilespmem:v8+s14+$0x0], $0xffff;
	v15 =	vor.u32 v7, v15;
	v19 =	vmul.f32 $5.656854150e+00, v19;
	[tilespmem:s12+$0xD0] =	vst v22  }
0x3dd: {  	v10 =	vor.u32 v7, v10;
	v13 =	vmul.f32 $5.656854150e+00, v13;
	[tilespmem:s12+$0xFFFFFFD0] =	vst v26;
	v22 =	vld.idx.msk [tilespmem:v23+s14+$0x0], $0xffff  }
0x3de: {  	v12 =	vor.u32 v7, v12;
	v23 =	vmul.f32 $5.656854150e+00, v24;
	v20 =	vld.idx.msk [tilespmem:v20+s14+$0x0], $0xffff;
	[tilespmem:s12+$0x50] =	vst v19  }
0x3df: {  	v9 =	vor.u32 v7, v9;
	[tilespmem:s12+$0xFFFFFF50] =	vst v13;
	v19 =	vmul.f32 $5.656854150e+00, v27;
	v11 =	vld.idx.msk [tilespmem:v11+s14+$0x0], $0xffff  }
0x3e0: {  	v21 =	vor.u32 v7, v21;
	v13 =	vmul.f32 $5.656854150e+00, v25;
	[tilespmem:s2+$0xFFFFFFE0] =	vst v23;
	v14 =	vld.idx.msk [tilespmem:v14+s14+$0x0], $0xffff  }
0x3e1: {  	v8 =	vmul.f32 $5.656854150e+00, v8;
	v17 =	vor.u32 v7, v17;
	v15 =	vld.idx.msk [tilespmem:v15+s14+$0x0], $0xffff;
	[tilespmem:s2+$0x60] =	vst v19  }
0x3e2: {  	v18 =	vor.u32 v7, v18;
	v10 =	vld.idx.msk [tilespmem:v10+s14+$0x0], $0xffff;
	[tilespmem:s2+$0xFFFFFF60] =	vst v13;
	v13 =	vmul.f32 $5.656854150e+00, v22  }
0x3e3: {  	[tilespmem:s7+$0xFFFFFF70] =	vst v8;
	v16 =	vor.u32 v7, v16;
	v12 =	vld.idx.msk [tilespmem:v12+s14+$0x0], $0xffff;
	v8 =	vmul.f32 $5.656854150e+00, v20  }
0x3e4: {  	v9 =	vld.idx.msk [tilespmem:v9+s14+$0x0], $0xffff;
	v11 =	vmul.f32 $5.656854150e+00, v11;
	[tilespmem:s12+$0xE0] =	vst v13  }
0x3e5: {  	v13 =	vmul.f32 $5.656854150e+00, v14;
	[tilespmem:s12+$0xFFFFFFE0] =	vst v8;
	v8 =	vld.idx.msk [tilespmem:v21+s14+$0x0], $0xffff  }
0x3e6: {  	v14 =	vmul.f32 $5.656854150e+00, v15;
	[tilespmem:s12+$0x60] =	vst v11;
	v11 =	vld.idx.msk [tilespmem:v17+s14+$0x0], $0xffff  }
0x3e7: {  	v10 =	vmul.f32 $5.656854150e+00, v10;
	[tilespmem:s12+$0xFFFFFF60] =	vst v13;
	v13 =	vld.idx.msk [tilespmem:v18+s14+$0x0], $0xffff  }
0x3e8: {  	[tilespmem:s2+$0xF0] =	vst v14;
	v12 =	vmul.f32 $5.656854150e+00, v12;
	v14 =	vld.idx.msk [tilespmem:v16+s14+$0x0], $0xffff  }
0x3e9: {  	v9 =	vmul.f32 $5.656854150e+00, v9;
	[tilespmem:s2+$0xFFFFFFF0] =	vst v10  }
0x3ea: {  	s11 =	sadd.s32 s3, s8;
	[tilespmem:s2+$0x70] =	vst v12;
	v8 =	vmul.f32 $5.656854150e+00, v8  }
0x3eb: {  	s16 =	sshll.u32 s11, $0x5;
	[tilespmem:s2+$0xFFFFFF70] =	vst v9;
	v9 =	vmul.f32 $5.656854150e+00, v11  }
0x3ec: {  	s7 =	sand.u32 $0x3E00, s11;
	s2 =	sand.u32 $0x7FF80000, s16;
	[tilespmem:s12+$0xF0] =	vst v8;
	v8 =	vmul.f32 $5.656854150e+00, v13  }
0x3ed: {  	s2 =	sor.u32 s7, s2;
	v10 =	vmul.f32 $5.656854150e+00, v14;
	[tilespmem:s12+$0xFFFFFFF0] =	vst v9  }
0x3ee: {  	s20 =	simm.s32 $0xA400;
	s8 =	simm.s32 $0x3;
	s2 =	sshrl.u32 s2, $0x3;
	[tilespmem:s12+$0x70] =	vst v8  }
0x3ef: {  	s11 =	simm.s32 $0x1;
	s2 =	sadd.s32 s5, s2;
	[tilespmem:s12+$0xFFFFFF70] =	vst v10;
	v8 =	vmov s8;
	s12 =	simm.s32 $0x2  }
0x3f0: {  	v9 =	vmov s11;
	[hbm4b:s2+s13] =	stream.strided.scatter [tilespmem:s20], [sflag:$0x5], $0x1000, s19, s13, $0x38;
	v8 =	vand.u32 $0x1F, v8;
	[tilespmem:$0xE400] =	vst v63  }
0x3f1: {  	s16 =	simm.s32 $0x0;
	v9 =	vand.u32 $0x1D, v9;
	v10 =	vmov s12;
	_ =	swait.ge [sflag:s0], $0x1000;
	v19 =	vbroadcast v8, $0x0  }
0x3f2: {  	v17 =	vbroadcast v9, $0x0;
	v8 =	vmov s16;
	v9 =	vand.u32 $0x1E, v10;
	[sflag:s0] =	ssyncset.done $0x0  }
0x3f3: {  	s20 =	sadd.s32 $0x380, s10;
	v8 =	vand.u32 $0x1C, v8;
	v18 =	vbroadcast v9, $0x0;
	[sflag:s0] =	ssyncadd.s32 $0xFFFFF000;
	v9 =	vor.u32 v0, v19  }
0x3f4: {  	v16 =	vbroadcast v8, $0x0;
	v8 =	vor.u32 v0, v17;
	[tilespmem:s22], [sflag:$0x4] =	stream.indirect.gather [hbm4b:s4+s13], $0x20, s20, s13, $0xb8;
	[tilespmem:$0xE400] =	vst v63  }
0x3f5: {  	v10 =	vor.u32 v0, v18;
	_ =	swait.ge [sflag:s23], $0x1000  }
0x3f6: {  	v11 =	vor.u32 v0, v16;
	[sflag:s23] =	ssyncset.done $0x0  }
0x3f7: {  	[sflag:s23] =	ssyncadd.s32 $0xFFFFF000  }
0x3f8: {  	v9 =	vld.idx.msk [tilespmem:v9+s15+$0x0], $0xffff  }
0x3f9: {  	v8 =	vld.idx.msk [tilespmem:v8+s15+$0x0], $0xffff  }
0x3fa: {  	v10 =	vld.idx.msk [tilespmem:v10+s15+$0x0], $0xffff  }
0x3fb: {  	v12 =	vor.u32 v1, v19;
	v11 =	vld.idx.msk [tilespmem:v11+s15+$0x0], $0xffff  }
0x3fc: {  	v13 =	vor.u32 v1, v17  }
0x3fd: {  	v14 =	vor.u32 v1, v18;
	v9 =	vmul.f32 $5.656854150e+00, v9  }
0x3fe: {  	s8 =	simm.s32 $0xB500;
	v15 =	vor.u32 v1, v16;
	v8 =	vmul.f32 $5.656854150e+00, v8  }
0x3ff: {  	v10 =	vmul.f32 $5.656854150e+00, v10;
	[tilespmem:s8+$0x80] =	vst v9  }
0x400: {  	v9 =	vmul.f32 $5.656854150e+00, v11;
	[tilespmem:s8+$0xFFFFFF80] =	vst v8;
	v8 =	vld.idx.msk [tilespmem:v12+s15+$0x0], $0xffff  }
0x401: {  	v11 =	vld.idx.msk [tilespmem:v13+s15+$0x0], $0xffff;
	[tilespmem:s8+$0x0] =	vst v10  }
0x402: {  	[tilespmem:s8+$0xFFFFFF00] =	vst v9;
	v9 =	vld.idx.msk [tilespmem:v14+s15+$0x0], $0xffff  }
0x403: {  	v12 =	vor.u32 v2, v19;
	v10 =	vld.idx.msk [tilespmem:v15+s15+$0x0], $0xffff  }
0x404: {  	v13 =	vor.u32 v2, v17  }
0x405: {  	v14 =	vor.u32 v2, v18;
	v8 =	vmul.f32 $5.656854150e+00, v8  }
0x406: {  	v15 =	vor.u32 v2, v16;
	v11 =	vmul.f32 $5.656854150e+00, v11  }
0x407: {  	v9 =	vmul.f32 $5.656854150e+00, v9;
	[tilespmem:s8+$0x90] =	vst v8  }
0x408: {  	s7 =	simm.s32 $0x4;
	v10 =	vmul.f32 $5.656854150e+00, v10;
	[tilespmem:s8+$0xFFFFFF90] =	vst v11;
	v11 =	vld.idx.msk [tilespmem:v12+s15+$0x0], $0xffff  }
0x409: {  	v20 =	vmov s7;
	s11 =	simm.s32 $0x6;
	v12 =	vld.idx.msk [tilespmem:v13+s15+$0x0], $0xffff;
	[tilespmem:s8+$0x10] =	vst v9  }
0x40a: {  	v22 =	vmov s11;
	v23 =	vor.u32 v3, v17;
	v21 =	vor.u32 v3, v19;
	[tilespmem:s8+$0xFFFFFF10] =	vst v10;
	v10 =	vld.idx.msk [tilespmem:v14+s15+$0x0], $0xffff  }
0x40b: {  	s10 =	simm.s32 $0x5;
	s12 =	simm.s32 $0x7;
	v24 =	vor.u32 v3, v18;
	v25 =	vor.u32 v3, v16;
	v8 =	vand.u32 $0x1C, v20;
	v15 =	vld.idx.msk [tilespmem:v15+s15+$0x0], $0xffff  }
0x40c: {  	v8 =	vbroadcast v8, $0x0;
	v9 =	vmov s10;
	v13 =	vmov s12  }
0x40d: {  	v9 =	vand.u32 $0x1D, v9;
	v13 =	vand.u32 $0x1F, v13;
	v11 =	vmul.f32 $5.656854150e+00, v11  }
0x40e: {  	v20 =	vor.u32 v0, v8;
	v14 =	vbroadcast v13, $0x0;
	v12 =	vmul.f32 $5.656854150e+00, v12  }
0x40f: {  	v13 =	vbroadcast v9, $0x0;
	v9 =	vand.u32 $0x1E, v22;
	v10 =	vmul.f32 $5.656854150e+00, v10;
	[tilespmem:s8+$0xA0] =	vst v11  }
0x410: {  	v11 =	vbroadcast v9, $0x0;
	v9 =	vor.u32 v0, v14;
	v15 =	vmul.f32 $5.656854150e+00, v15;
	[tilespmem:s8+$0xFFFFFFA0] =	vst v12;
	v12 =	vld.idx.msk [tilespmem:v21+s15+$0x0], $0xffff  }
0x411: {  	v21 =	vor.u32 v0, v13;
	v22 =	vld.idx.msk [tilespmem:v23+s15+$0x0], $0xffff;
	[tilespmem:s8+$0x20] =	vst v10  }
0x412: {  	s16 =	simm.s32 $0x8;
	v10 =	vor.u32 v0, v11;
	[tilespmem:s8+$0xFFFFFF20] =	vst v15;
	v15 =	vld.idx.msk [tilespmem:v24+s15+$0x0], $0xffff  }
0x413: {  	v24 =	vmov s16;
	v23 =	vld.idx.msk [tilespmem:v25+s15+$0x0], $0xffff;
	v25 =	vor.u32 v4, v19  }
0x414: {  	v26 =	vld.idx.msk [tilespmem:v20+s15+$0x0], $0xffff;
	v20 =	vand.u32 $0x1C, v24;
	v24 =	vor.u32 v4, v17  }
0x415: {  	v27 =	vld.idx.msk [tilespmem:v9+s15+$0x0], $0xffff;
	v9 =	vbroadcast v20, $0x0;
	v20 =	vor.u32 v4, v18;
	v12 =	vmul.f32 $5.656854150e+00, v12  }
0x416: {  	v28 =	vor.u32 v4, v16;
	v21 =	vld.idx.msk [tilespmem:v21+s15+$0x0], $0xffff;
	v22 =	vmul.f32 $5.656854150e+00, v22  }
0x417: {  	v10 =	vld.idx.msk [tilespmem:v10+s15+$0x0], $0xffff;
	v29 =	vor.u32 v0, v9;
	v15 =	vmul.f32 $5.656854150e+00, v15;
	[tilespmem:s8+$0xB0] =	vst v12  }
0x418: {  	v30 =	vor.u32 v1, v8;
	v23 =	vmul.f32 $5.656854150e+00, v23;
	[tilespmem:s8+$0xFFFFFFB0] =	vst v22;
	v22 =	vld.idx.msk [tilespmem:v25+s15+$0x0], $0xffff  }
0x419: {  	v26 =	vmul.f32 $5.656854150e+00, v26;
	v12 =	vor.u32 v1, v14;
	v24 =	vld.idx.msk [tilespmem:v24+s15+$0x0], $0xffff;
	[tilespmem:s8+$0x30] =	vst v15  }
0x41a: {  	s7 =	simm.s32 $0xB700;
	v25 =	vor.u32 v1, v13;
	v27 =	vmul.f32 $5.656854150e+00, v27;
	[tilespmem:s8+$0xFFFFFF30] =	vst v23;
	v23 =	vld.idx.msk [tilespmem:v20+s15+$0x0], $0xffff  }
0x41b: {  	s20 =	simm.s32 $0x9;
	[tilespmem:s7+$0xFFFFFF00] =	vst v26;
	v15 =	vor.u32 v1, v11;
	v21 =	vmul.f32 $5.656854150e+00, v21;
	v28 =	vld.idx.msk [tilespmem:v28+s15+$0x0], $0xffff  }
0x41c: {  	v31 =	vmov s20;
	v20 =	vld.idx.msk [tilespmem:v29+s15+$0x0], $0xffff;
	v29 =	vmul.f32 $5.656854150e+00, v10;
	[tilespmem:s7+$0x80] =	vst v27;
	v27 =	vor.u32 v5, v19  }
0x41d: {  	v30 =	vld.idx.msk [tilespmem:v30+s15+$0x0], $0xffff;
	v10 =	vand.u32 $0x1D, v31;
	[tilespmem:s7+$0xFFFFFF80] =	vst v21;
	v21 =	vor.u32 v5, v17  }
0x41e: {  	v12 =	vld.idx.msk [tilespmem:v12+s15+$0x0], $0xffff;
	v10 =	vbroadcast v10, $0x0;
	[tilespmem:s7+$0x0] =	vst v29;
	v29 =	vor.u32 v5, v18;
	v22 =	vmul.f32 $5.656854150e+00, v22  }
0x41f: {  	v26 =	vor.u32 v5, v16;
	v25 =	vld.idx.msk [tilespmem:v25+s15+$0x0], $0xffff;
	v24 =	vmul.f32 $5.656854150e+00, v24  }
0x420: {  	v15 =	vld.idx.msk [tilespmem:v15+s15+$0x0], $0xffff;
	v31 =	vor.u32 v0, v10;
	v23 =	vmul.f32 $5.656854150e+00, v23;
	[tilespmem:s8+$0xC0] =	vst v22  }
0x421: {  	v22 =	vor.u32 v2, v14;
	v28 =	vmul.f32 $5.656854150e+00, v28;
	[tilespmem:s8+$0xFFFFFFC0] =	vst v24;
	v24 =	vld.idx.msk [tilespmem:v27+s15+$0x0], $0xffff  }
0x422: {  	v27 =	vor.u32 v2, v13;
	[tilespmem:s8+$0x40] =	vst v23;
	v21 =	vld.idx.msk [tilespmem:v21+s15+$0x0], $0xffff  }
0x423: {  	v23 =	vor.u32 v2, v11;
	v12 =	vmul.f32 $5.656854150e+00, v12;
	[tilespmem:s8+$0xFFFFFF40] =	vst v28;
	v28 =	vld.idx.msk [tilespmem:v29+s15+$0x0], $0xffff  }
0x424: {  	s10 =	simm.s32 $0xA;
	v29 =	vor.u32 v2, v8;
	v25 =	vmul.f32 $5.656854150e+00, v25;
	v26 =	vld.idx.msk [tilespmem:v26+s15+$0x0], $0xffff  }
0x425: {  	v51 =	vor.u32 v6, v19;
	v50 =	vmov s10;
	v31 =	vld.idx.msk [tilespmem:v31+s15+$0x0], $0xffff;
	v15 =	vmul.f32 $5.656854150e+00, v15;
	[tilespmem:s7+$0x90] =	vst v12  }
0x426: {  	v30 =	vmul.f32 $5.656854150e+00, v30;
	v12 =	vand.u32 $0x1E, v50;
	[tilespmem:s7+$0xFFFFFF90] =	vst v25;
	v22 =	vld.idx.msk [tilespmem:v22+s15+$0x0], $0xffff;
	v25 =	vor.u32 v6, v17  }
0x427: {  	v12 =	vbroadcast v12, $0x0;
	v27 =	vld.idx.msk [tilespmem:v27+s15+$0x0], $0xffff;
	[tilespmem:s7+$0x10] =	vst v15;
	v15 =	vor.u32 v6, v18;
	v24 =	vmul.f32 $5.656854150e+00, v24  }
0x428: {  	[tilespmem:s7+$0xFFFFFF10] =	vst v30;
	v30 =	vor.u32 v6, v16;
	v23 =	vld.idx.msk [tilespmem:v23+s15+$0x0], $0xffff;
	v21 =	vmul.f32 $5.656854150e+00, v21  }
0x429: {  	v52 =	vor.u32 v0, v12;
	v29 =	vld.idx.msk [tilespmem:v29+s15+$0x0], $0xffff;
	v28 =	vmul.f32 $5.656854150e+00, v28;
	[tilespmem:s8+$0xD0] =	vst v24  }
0x42a: {  	s11 =	simm.s32 $0xB;
	v24 =	vor.u32 v3, v14;
	v26 =	vmul.f32 $5.656854150e+00, v26;
	[tilespmem:s8+$0xFFFFFFD0] =	vst v21;
	v21 =	vld.idx.msk [tilespmem:v51+s15+$0x0], $0xffff  }
0x42b: {  	v53 =	vmov s11;
	v54 =	vor.u32 v3, v13;
	v25 =	vld.idx.msk [tilespmem:v25+s15+$0x0], $0xffff;
	[tilespmem:s8+$0x50] =	vst v28  }
0x42c: {  	v55 =	vor.u32 v3, v11;
	v28 =	vand.u32 $0x1F, v53;
	v22 =	vmul.f32 $5.656854150e+00, v22;
	[tilespmem:s8+$0xFFFFFF50] =	vst v26;
	v26 =	vld.idx.msk [tilespmem:v15+s15+$0x0], $0xffff  }
0x42d: {  	v15 =	vbroadcast v28, $0x0;
	v28 =	vor.u32 v3, v8;
	v27 =	vmul.f32 $5.656854150e+00, v27;
	v30 =	vld.idx.msk [tilespmem:v30+s15+$0x0], $0xffff  }
0x42e: {  	v19 =	vor.u32 v7, v19;
	v32 =	vld.idx.msk [tilespmem:v52+s15+$0x0], $0xffff;
	v23 =	vmul.f32 $5.656854150e+00, v23;
	[tilespmem:s7+$0xA0] =	vst v22  }
0x42f: {  	v22 =	vor.u32 v0, v15;
	v29 =	vmul.f32 $5.656854150e+00, v29;
	[tilespmem:s7+$0xFFFFFFA0] =	vst v27;
	v24 =	vld.idx.msk [tilespmem:v24+s15+$0x0], $0xffff  }
0x430: {  	v17 =	vor.u32 v7, v17;
	v27 =	vld.idx.msk [tilespmem:v54+s15+$0x0], $0xffff;
	[tilespmem:s7+$0x20] =	vst v23;
	v21 =	vmul.f32 $5.656854150e+00, v21  }
0x431: {  	v18 =	vor.u32 v7, v18;
	[tilespmem:s7+$0xFFFFFF20] =	vst v29;
	v23 =	vld.idx.msk [tilespmem:v55+s15+$0x0], $0xffff  }
0x432: {  	s12 =	simm.s32 $0xC;
	v25 =	vmul.f32 $5.656854150e+00, v25;
	v29 =	vor.u32 v7, v16;
	v28 =	vld.idx.msk [tilespmem:v28+s15+$0x0], $0xffff;
	[tilespmem:s8+$0xE0] =	vst v21  }
0x433: {  	v16 =	vmul.f32 $5.656854150e+00, v26;
	v21 =	vmov s12;
	v26 =	vor.u32 v4, v14;
	v19 =	vld.idx.msk [tilespmem:v19+s15+$0x0], $0xffff  }
0x434: {  	v30 =	vmul.f32 $5.656854150e+00, v30;
	[tilespmem:s8+$0xFFFFFFE0] =	vst v25;
	v21 =	vand.u32 $0x1C, v21;
	v25 =	vor.u32 v4, v13;
	v22 =	vld.idx.msk [tilespmem:v22+s15+$0x0], $0xffff  }
0x435: {  	[tilespmem:s8+$0x60] =	vst v16;
	v16 =	vbroadcast v21, $0x0;
	v21 =	vor.u32 v4, v11;
	v24 =	vmul.f32 $5.656854150e+00, v24;
	v56 =	vld.idx.msk [tilespmem:v17+s15+$0x0], $0xffff  }
0x436: {  	[tilespmem:s8+$0xFFFFFF60] =	vst v30;
	v17 =	vor.u32 v4, v8;
	v27 =	vmul.f32 $5.656854150e+00, v27;
	v18 =	vld.idx.msk [tilespmem:v18+s15+$0x0], $0xffff  }
0x437: {  	v30 =	vor.u32 v0, v16;
	v23 =	vmul.f32 $5.656854150e+00, v23;
	[tilespmem:s7+$0xB0] =	vst v24;
	v24 =	vld.idx.msk [tilespmem:v29+s15+$0x0], $0xffff  }
0x438: {  	v29 =	vor.u32 v1, v15;
	v28 =	vmul.f32 $5.656854150e+00, v28;
	[tilespmem:s7+$0xFFFFFFB0] =	vst v27;
	v26 =	vld.idx.msk [tilespmem:v26+s15+$0x0], $0xffff  }
0x439: {  	v27 =	vor.u32 v1, v10;
	v25 =	vld.idx.msk [tilespmem:v25+s15+$0x0], $0xffff;
	[tilespmem:s7+$0x30] =	vst v23;
	v19 =	vmul.f32 $5.656854150e+00, v19  }
0x43a: {  	v23 =	vor.u32 v1, v12;
	v22 =	vmul.f32 $5.656854150e+00, v22;
	[tilespmem:s7+$0xFFFFFF30] =	vst v28;
	v21 =	vld.idx.msk [tilespmem:v21+s15+$0x0], $0xffff  }
0x43b: {  	s2 =	simm.s32 $0xB900;
	s16 =	simm.s32 $0xD;
	v31 =	vmul.f32 $5.656854150e+00, v31;
	v28 =	vor.u32 v1, v9;
	v57 =	vld.idx.msk [tilespmem:v17+s15+$0x0], $0xffff;
	[tilespmem:s8+$0xF0] =	vst v19  }
0x43c: {  	v17 =	vmov s16;
	v19 =	vld.idx.msk [tilespmem:v30+s15+$0x0], $0xffff;
	v30 =	vmul.f32 $5.656854150e+00, v32;
	[tilespmem:s2+$0x80] =	vst v22;
	v22 =	vor.u32 v5, v14  }
0x43d: {  	v20 =	vmul.f32 $5.656854150e+00, v20;
	[tilespmem:s2+$0xFFFFFF80] =	vst v31;
	v31 =	vor.u32 v5, v13;
	v17 =	vand.u32 $0x1D, v17;
	v29 =	vld.idx.msk [tilespmem:v29+s15+$0x0], $0xffff  }
0x43e: {  	v17 =	vbroadcast v17, $0x0;
	v27 =	vld.idx.msk [tilespmem:v27+s15+$0x0], $0xffff;
	v26 =	vmul.f32 $5.656854150e+00, v26;
	[tilespmem:s2+$0x0] =	vst v30;
	v30 =	vor.u32 v5, v11  }
0x43f: {  	[tilespmem:s2+$0xFFFFFF00] =	vst v20;
	v25 =	vmul.f32 $5.656854150e+00, v25;
	v20 =	vld.idx.msk [tilespmem:v23+s15+$0x0], $0xffff;
	v23 =	vor.u32 v5, v8  }
0x440: {  	v58 =	vor.u32 v0, v17;
	v28 =	vld.idx.msk [tilespmem:v28+s15+$0x0], $0xffff;
	v21 =	vmul.f32 $5.656854150e+00, v21;
	[tilespmem:s7+$0xC0] =	vst v26  }
0x441: {  	v26 =	vor.u32 v2, v15;
	v34 =	vmul.f32 $5.656854150e+00, v57;
	[tilespmem:s7+$0xFFFFFFC0] =	vst v25;
	v25 =	vld.idx.msk [tilespmem:v22+s15+$0x0], $0xffff  }
0x442: {  	v59 =	vor.u32 v2, v10;
	v22 =	vmul.f32 $5.656854150e+00, v56;
	v31 =	vld.idx.msk [tilespmem:v31+s15+$0x0], $0xffff;
	[tilespmem:s7+$0x40] =	vst v21  }
0x443: {  	v21 =	vor.u32 v2, v12;
	v29 =	vmul.f32 $5.656854150e+00, v29;
	[tilespmem:s7+$0xFFFFFF40] =	vst v34;
	v60 =	vld.idx.msk [tilespmem:v30+s15+$0x0], $0xffff  }
0x444: {  	s20 =	simm.s32 $0xE;
	v63 =	vor.u32 v6, v14;
	v61 =	vor.u32 v2, v9;
	v27 =	vmul.f32 $5.656854150e+00, v27;
	[tilespmem:s8+$0xFFFFFFF0] =	vst v22;
	v62 =	vld.idx.msk [tilespmem:v23+s15+$0x0], $0xffff  }
0x445: {  	v30 =	vmov s20;
	v22 =	vld.idx.msk [tilespmem:v58+s15+$0x0], $0xffff;
	v20 =	vmul.f32 $5.656854150e+00, v20;
	[tilespmem:s2+$0x90] =	vst v29;
	v23 =	vmul.f32 $5.656854150e+00, v18  }
0x446: {  	v18 =	vand.u32 $0x1E, v30;
	v30 =	vmul.f32 $5.656854150e+00, v28;
	[tilespmem:s2+$0xFFFFFF90] =	vst v27;
	v28 =	vor.u32 v6, v13;
	v29 =	vld.idx.msk [tilespmem:v26+s15+$0x0], $0xffff  }
0x447: {  	v18 =	vbroadcast v18, $0x0;
	v27 =	vld.idx.msk [tilespmem:v59+s15+$0x0], $0xffff;
	[tilespmem:s2+$0x10] =	vst v20;
	v37 =	vmul.f32 $5.656854150e+00, v25;
	v25 =	vor.u32 v6, v11  }
0x448: {  	v26 =	vor.u32 v6, v8;
	[tilespmem:s2+$0xFFFFFF10] =	vst v30;
	v30 =	vld.idx.msk [tilespmem:v21+s15+$0x0], $0xffff;
	v21 =	vmul.f32 $5.656854150e+00, v31  }
0x449: {  	v33 =	vor.u32 v0, v18;
	v31 =	vld.idx.msk [tilespmem:v61+s15+$0x0], $0xffff;
	[tilespmem:s7+$0xD0] =	vst v37;
	v34 =	vmul.f32 $5.656854150e+00, v60  }
0x44a: {  	s11 =	simm.s32 $0xF;
	s10 =	simm.s32 $0x10;
	v20 =	vmul.f32 $5.656854150e+00, v24;
	v24 =	vor.u32 v3, v15;
	v35 =	vmul.f32 $5.656854150e+00, v62;
	[tilespmem:s7+$0xFFFFFFD0] =	vst v21;
	v32 =	vld.idx.msk [tilespmem:v63+s15+$0x0], $0xffff  }
.LBB2_13:
0x44b: {  	p0 =	slt.u32 s10, $0x1C;
	v21 =	vmov s11;
	v36 =	vor.u32 v3, v10;
	v28 =	vld.idx.msk [tilespmem:v28+s15+$0x0], $0xffff;
	[tilespmem:s7+$0x50] =	vst v34  }
0x44c: {  	v34 =	vor.u32 v3, v12;
	v29 =	vmul.f32 $5.656854150e+00, v29;
	v21 =	vand.u32 $0x1F, v21;
	[tilespmem:s7+$0xFFFFFF50] =	vst v35;
	v25 =	vld.idx.msk [tilespmem:v25+s15+$0x0], $0xffff  }
0x44d: {  	v35 =	vor.u32 v3, v9;
	v27 =	vmul.f32 $5.656854150e+00, v27;
	v21 =	vbroadcast v21, $0x0;
	v26 =	vld.idx.msk [tilespmem:v26+s15+$0x0], $0xffff;
	[tilespmem:s8+$0x70] =	vst v23  }
0x44e: {  	v30 =	vmul.f32 $5.656854150e+00, v30;
	v23 =	vld.idx.msk [tilespmem:v33+s15+$0x0], $0xffff;
	[tilespmem:s2+$0xA0] =	vst v29;
	v29 =	vor.u32 v7, v14;
	v14 =	vmov v15  }
0x44f: {  	v31 =	vmul.f32 $5.656854150e+00, v31;
	v33 =	vor.u32 v0, v21;
	[tilespmem:s2+$0xFFFFFFA0] =	vst v27;
	v24 =	vld.idx.msk [tilespmem:v24+s15+$0x0], $0xffff;
	v15 =	vmov v21  }
0x450: {  	v27 =	vor.u32 v7, v13;
	v13 =	vmovc v10;
	v10 =	vmov v17;
	v21 =	vld.idx.msk [tilespmem:v36+s15+$0x0], $0xffff;
	[tilespmem:s2+$0x20] =	vst v30;
	v30 =	vmul.f32 $5.656854150e+00, v32  }
0x451: {  	v28 =	vmul.f32 $5.656854150e+00, v28;
	[tilespmem:s2+$0xFFFFFF20] =	vst v31;
	v17 =	vld.idx.msk [tilespmem:v34+s15+$0x0], $0xffff;
	v31 =	vor.u32 v7, v11;
	v11 =	vmovc v12;
	v12 =	vmov v18  }
0x452: {  	v32 =	vor.u32 v7, v8;
	v8 =	vmovc v9;
	v9 =	vmov v16;
	v25 =	vmul.f32 $5.656854150e+00, v25;
	v18 =	vld.idx.msk [tilespmem:v35+s15+$0x0], $0xffff;
	[tilespmem:s7+$0xE0] =	vst v30  }
0x453: {  	v16 =	vmov s10;
	v30 =	vor.u32 v4, v14;
	v26 =	vmul.f32 $5.656854150e+00, v26;
	[tilespmem:s7+$0xFFFFFFE0] =	vst v28;
	v28 =	vld.idx.msk [tilespmem:v29+s15+$0x0], $0xffff  }
0x454: {  	v16 =	vand.u32 $0x1C, v16;
	v29 =	vld.idx.msk [tilespmem:v33+s15+$0x0], $0xffff;
	v33 =	vor.u32 v4, v13;
	[tilespmem:s7+$0x60] =	vst v25  }
0x455: {  	v16 =	vbroadcast v16, $0x0;
	v25 =	vor.u32 v4, v11;
	v24 =	vmul.f32 $5.656854150e+00, v24;
	[tilespmem:s7+$0xFFFFFF60] =	vst v26;
	v26 =	vld.idx.msk [tilespmem:v27+s15+$0x0], $0xffff  }
0x456: {  	v27 =	vor.u32 v4, v8;
	v21 =	vmul.f32 $5.656854150e+00, v21;
	v31 =	vld.idx.msk [tilespmem:v31+s15+$0x0], $0xffff;
	[tilespmem:s8+$0xFFFFFF70] =	vst v20;
	s8 =	smov.u32 s7;
	s7 =	smov.u32 s2  }
0x457: {  	v20 =	vor.u32 v0, v16;
	v17 =	vmul.f32 $5.656854150e+00, v17;
	[tilespmem:s2+$0xB0] =	vst v24;
	v24 =	vld.idx.msk [tilespmem:v32+s15+$0x0], $0xffff  }
0x458: {  	s11 =	sadd.s32 $0x1, s10;
	v32 =	vor.u32 v1, v15;
	v18 =	vmul.f32 $5.656854150e+00, v18;
	[tilespmem:s2+$0xFFFFFFB0] =	vst v21;
	v21 =	vld.idx.msk [tilespmem:v30+s15+$0x0], $0xffff  }
0x459: {  	v34 =	vor.u32 v1, v10;
	v30 =	vmov s11;
	v33 =	vld.idx.msk [tilespmem:v33+s15+$0x0], $0xffff;
	[tilespmem:s2+$0x30] =	vst v17;
	v17 =	vmul.f32 $5.656854150e+00, v28  }
0x45a: {  	v28 =	vand.u32 $0x1D, v30;
	v30 =	vor.u32 v1, v12;
	v29 =	vmul.f32 $5.656854150e+00, v29;
	[tilespmem:s2+$0xFFFFFF30] =	vst v18;
	v18 =	vld.idx.msk [tilespmem:v25+s15+$0x0], $0xffff  }
0x45b: {  	v22 =	vmul.f32 $5.656854150e+00, v22;
	v25 =	vor.u32 v1, v9;
	s2 =	sadd.s32 $0x200, s2;
	v26 =	vmul.f32 $5.656854150e+00, v26;
	v27 =	vld.idx.msk [tilespmem:v27+s15+$0x0], $0xffff;
	[tilespmem:s8+$0xF0] =	vst v17  }
0x45c: {  	v36 =	vmul.f32 $5.656854150e+00, v23;
	v23 =	vmul.f32 $5.656854150e+00, v31;
	v35 =	vld.idx.msk [tilespmem:v20+s15+$0x0], $0xffff;
	[tilespmem:s2+$0x80] =	vst v29;
	v29 =	vor.u32 v5, v14  }
0x45d: {  	v19 =	vmul.f32 $5.656854150e+00, v19;
	v31 =	vor.u32 v5, v13;
	v20 =	vmul.f32 $5.656854150e+00, v24;
	[tilespmem:s2+$0xFFFFFF80] =	vst v22;
	v22 =	vld.idx.msk [tilespmem:v32+s15+$0x0], $0xffff  }
0x45e: {  	v17 =	vbroadcast v28, $0x0;
	v28 =	vor.u32 v5, v11;
	v21 =	vmul.f32 $5.656854150e+00, v21;
	v24 =	vld.idx.msk [tilespmem:v34+s15+$0x0], $0xffff;
	[tilespmem:s2+$0x0] =	vst v36  }
0x45f: {  	v32 =	vor.u32 v5, v8;
	v37 =	vmul.f32 $5.656854150e+00, v33;
	[tilespmem:s2+$0xFFFFFF00] =	vst v19;
	v30 =	vld.idx.msk [tilespmem:v30+s15+$0x0], $0xffff  }
0x460: {  	v33 =	vor.u32 v0, v17;
	v18 =	vmul.f32 $5.656854150e+00, v18;
	v25 =	vld.idx.msk [tilespmem:v25+s15+$0x0], $0xffff;
	[tilespmem:s7+$0xC0] =	vst v21  }
0x461: {  	v21 =	vor.u32 v2, v15;
	v27 =	vmul.f32 $5.656854150e+00, v27;
	[tilespmem:s7+$0xFFFFFFC0] =	vst v37;
	v34 =	vld.idx.msk [tilespmem:v29+s15+$0x0], $0xffff  }
0x462: {  	v36 =	vor.u32 v2, v10;
	v19 =	vmov v35;
	v31 =	vld.idx.msk [tilespmem:v31+s15+$0x0], $0xffff;
	[tilespmem:s7+$0x40] =	vst v18  }
0x463: {  	v35 =	vor.u32 v2, v12;
	v18 =	vmul.f32 $5.656854150e+00, v22;
	[tilespmem:s7+$0xFFFFFF40] =	vst v27;
	v37 =	vld.idx.msk [tilespmem:v28+s15+$0x0], $0xffff  }
0x464: {  	v38 =	vor.u32 v2, v9;
	s11 =	sadd.s32 $0x2, s10;
	v24 =	vmul.f32 $5.656854150e+00, v24;
	v32 =	vld.idx.msk [tilespmem:v32+s15+$0x0], $0xffff;
	[tilespmem:s8+$0xFFFFFFF0] =	vst v26  }
0x465: {  	v39 =	vor.u32 v6, v14;
	v26 =	vmov s11;
	v30 =	vmul.f32 $5.656854150e+00, v30;
	v22 =	vld.idx.msk [tilespmem:v33+s15+$0x0], $0xffff;
	[tilespmem:s2+$0x90] =	vst v18  }
.Ltmp5:
0x466: {  	v28 =	vor.u32 v6, v13;
	v18 =	vand.u32 $0x1E, v26;
	v26 =	vmul.f32 $5.656854150e+00, v25;
	[tilespmem:s2+$0xFFFFFF90] =	vst v24;
	v29 =	vld.idx.msk [tilespmem:v21+s15+$0x0], $0xffff;
	(pc) =	sbr.rel @p0 .LBB2_13-.Ltmp5, $4  }
0x467: {  	v25 =	vor.u32 v6, v11;
	v18 =	vbroadcast v18, $0x0;
	v21 =	vmul.f32 $5.656854150e+00, v34;
	v27 =	vld.idx.msk [tilespmem:v36+s15+$0x0], $0xffff;
	[tilespmem:s2+$0x10] =	vst v30  }
0x468: {  	v36 =	vmul.f32 $5.656854150e+00, v31;
	[tilespmem:s2+$0xFFFFFF10] =	vst v26;
	v30 =	vld.idx.msk [tilespmem:v35+s15+$0x0], $0xffff;
	v26 =	vor.u32 v6, v8  }
0x469: {  	v33 =	vor.u32 v0, v18;
	v34 =	vmul.f32 $5.656854150e+00, v37;
	v31 =	vld.idx.msk [tilespmem:v38+s15+$0x0], $0xffff;
	[tilespmem:s7+$0xD0] =	vst v21  }
0x46a: {  	s11 =	sadd.s32 $0x3, s10;
	s10 =	sadd.s32 $0x4, s10;
	v24 =	vor.u32 v3, v15;
	v35 =	vmul.f32 $5.656854150e+00, v32;
	[tilespmem:s7+$0xFFFFFFD0] =	vst v36;
	v32 =	vld.idx.msk [tilespmem:v39+s15+$0x0], $0xffff  }
0x46b: {  	v21 =	vmov s11  }
0x46c: {  	v21 =	vand.u32 $0x1F, v21  }
0x46d: {  	v21 =	vbroadcast v21, $0x0;
	_ =	sdelay $0x1  }
0x46e: {  	v36 =	vor.u32 v0, v21;
	_ =	sdelay $0x2  }
0x46f: {  	[tilespmem:s7+$0x50] =	vst v34  }
0x470: {  	[tilespmem:s8+$0x70] =	vst v23  }
0x471: {  	v29 =	vmul.f32 $5.656854150e+00, v29;
	v57 =	vor.u32 v1, v16;
	[tilespmem:s8+$0xFFFFFF70] =	vst v20;
	v49 =	vld.idx.msk [tilespmem:v36+s15+$0x0], $0xffff  }
0x472: {  	v22 =	vmul.f32 $5.656854150e+00, v22;
	[tilespmem:s7+$0xFFFFFF50] =	vst v35  }
0x473: {  	v50 =	vld.idx.msk [tilespmem:v33+s15+$0x0], $0xffff;
	v54 =	vor.u32 v1, v17;
	s10 =	sadd.s32 $0x200, s2;
	v19 =	vmul.f32 $5.656854150e+00, v19;
	[tilespmem:s2+$0xA0] =	vst v29  }
0x474: {  	v28 =	vld.idx.msk [tilespmem:v28+s15+$0x0], $0xffff;
	v27 =	vmul.f32 $5.656854150e+00, v27;
	[tilespmem:s10+$0xFFFFFF80] =	vst v22;
	v52 =	vor.u32 v1, v21  }
0x475: {  	v30 =	vmul.f32 $5.656854150e+00, v30;
	[tilespmem:s10+$0xFFFFFF00] =	vst v19  }
0x476: {  	v55 =	vor.u32 v1, v18;
	[tilespmem:s2+$0xFFFFFFA0] =	vst v27;
	v63 =	vld.idx.msk [tilespmem:v57+s15+$0x0], $0xffff;
	v56 =	vmul.f32 $5.656854150e+00, v49  }
0x477: {  	v25 =	vld.idx.msk [tilespmem:v25+s15+$0x0], $0xffff;
	v51 =	vmul.f32 $5.656854150e+00, v31;
	[tilespmem:s2+$0x20] =	vst v30  }
0x478: {  	v60 =	vor.u32 v3, v12;
	v23 =	vmul.f32 $5.656854150e+00, v50;
	v31 =	vld.idx.msk [tilespmem:v54+s15+$0x0], $0xffff;
	[tilespmem:s10+$0x80] =	vst v56  }
0x479: {  	v37 =	vor.u32 v2, v16;
	[tilespmem:s2+$0xFFFFFF20] =	vst v51;
	v28 =	vmul.f32 $5.656854150e+00, v28;
	v59 =	vld.idx.msk [tilespmem:v52+s15+$0x0], $0xffff  }
0x47a: {  	v61 =	vor.u32 v3, v9;
	v26 =	vld.idx.msk [tilespmem:v26+s15+$0x0], $0xffff;
	v53 =	vmul.f32 $5.656854150e+00, v32;
	[tilespmem:s10+$0x0] =	vst v23  }
0x47b: {  	v34 =	vor.u32 v2, v17;
	[tilespmem:s7+$0xFFFFFFE0] =	vst v28;
	v62 =	vld.idx.msk [tilespmem:v55+s15+$0x0], $0xffff;
	v28 =	vmul.f32 $5.656854150e+00, v63  }
0x47c: {  	v24 =	vld.idx.msk [tilespmem:v24+s15+$0x0], $0xffff;
	v33 =	vor.u32 v2, v21;
	[tilespmem:s7+$0xE0] =	vst v53;
	v25 =	vmul.f32 $5.656854150e+00, v25  }
0x47d: {  	v58 =	vor.u32 v3, v10;
	v27 =	vld.idx.msk [tilespmem:v60+s15+$0x0], $0xffff;
	v31 =	vmul.f32 $5.656854150e+00, v31;
	[tilespmem:s10+$0xFFFFFF10] =	vst v28  }
0x47e: {  	[tilespmem:s7+$0x60] =	vst v25;
	v36 =	vor.u32 v2, v18;
	v20 =	vld.idx.msk [tilespmem:v37+s15+$0x0], $0xffff;
	v22 =	vmul.f32 $5.656854150e+00, v59  }
0x47f: {  	v14 =	vor.u32 v7, v14;
	v26 =	vmul.f32 $5.656854150e+00, v26;
	v23 =	vld.idx.msk [tilespmem:v61+s15+$0x0], $0xffff;
	[tilespmem:s10+$0xFFFFFF90] =	vst v31  }
0x480: {  	v13 =	vor.u32 v7, v13;
	v19 =	vmul.f32 $5.656854150e+00, v62;
	v25 =	vld.idx.msk [tilespmem:v34+s15+$0x0], $0xffff;
	[tilespmem:s10+$0x90] =	vst v22  }
0x481: {  	v44 =	vor.u32 v3, v16;
	v24 =	vmul.f32 $5.656854150e+00, v24;
	[tilespmem:s7+$0xFFFFFF60] =	vst v26;
	v29 =	vld.idx.msk [tilespmem:v33+s15+$0x0], $0xffff  }
0x482: {  	v40 =	vor.u32 v4, v12;
	v35 =	vld.idx.msk [tilespmem:v58+s15+$0x0], $0xffff;
	v27 =	vmul.f32 $5.656854150e+00, v27;
	[tilespmem:s10+$0x10] =	vst v19  }
0x483: {  	v42 =	vor.u32 v3, v17;
	[tilespmem:s2+$0xB0] =	vst v24;
	v26 =	vld.idx.msk [tilespmem:v36+s15+$0x0], $0xffff;
	v20 =	vmul.f32 $5.656854150e+00, v20  }
0x484: {  	v41 =	vor.u32 v3, v21;
	v14 =	vld.idx.msk [tilespmem:v14+s15+$0x0], $0xffff;
	v23 =	vmul.f32 $5.656854150e+00, v23;
	[tilespmem:s2+$0x30] =	vst v27  }
0x485: {  	v38 =	vor.u32 v4, v15;
	v13 =	vld.idx.msk [tilespmem:v13+s15+$0x0], $0xffff;
	v25 =	vmul.f32 $5.656854150e+00, v25;
	[tilespmem:s10+$0xFFFFFF20] =	vst v20  }
0x486: {  	v43 =	vor.u32 v3, v18;
	[tilespmem:s2+$0xFFFFFF30] =	vst v23;
	v23 =	vld.idx.msk [tilespmem:v44+s15+$0x0], $0xffff;
	v29 =	vmul.f32 $5.656854150e+00, v29  }
0x487: {  	v39 =	vor.u32 v4, v10;
	v30 =	vmul.f32 $5.656854150e+00, v35;
	v19 =	vld.idx.msk [tilespmem:v40+s15+$0x0], $0xffff;
	[tilespmem:s10+$0xFFFFFFA0] =	vst v25  }
0x488: {  	v11 =	vor.u32 v7, v11;
	v26 =	vmul.f32 $5.656854150e+00, v26;
	v28 =	vld.idx.msk [tilespmem:v42+s15+$0x0], $0xffff;
	[tilespmem:s10+$0xA0] =	vst v29  }
0x489: {  	v54 =	vor.u32 v4, v16;
	[tilespmem:s2+$0xFFFFFFB0] =	vst v30;
	v14 =	vmul.f32 $5.656854150e+00, v14;
	v24 =	vld.idx.msk [tilespmem:v41+s15+$0x0], $0xffff  }
0x48a: {  	v8 =	vor.u32 v7, v8;
	v13 =	vmul.f32 $5.656854150e+00, v13;
	[tilespmem:s10+$0x20] =	vst v26;
	v22 =	vld.idx.msk [tilespmem:v38+s15+$0x0], $0xffff  }
0x48b: {  	v45 =	vor.u32 v4, v9;
	[tilespmem:s7+$0xF0] =	vst v14;
	v48 =	vld.idx.msk [tilespmem:v43+s15+$0x0], $0xffff;
	v23 =	vmul.f32 $5.656854150e+00, v23  }
0x48c: {  	v50 =	vor.u32 v4, v21;
	v30 =	vld.idx.msk [tilespmem:v39+s15+$0x0], $0xffff;
	[tilespmem:s7+$0xFFFFFFF0] =	vst v13;
	v19 =	vmul.f32 $5.656854150e+00, v19  }
0x48d: {  	v11 =	vld.idx.msk [tilespmem:v11+s15+$0x0], $0xffff;
	v52 =	vor.u32 v4, v17;
	v28 =	vmul.f32 $5.656854150e+00, v28;
	[tilespmem:s10+$0xFFFFFF30] =	vst v23  }
0x48e: {  	v53 =	vor.u32 v4, v18;
	[tilespmem:s2+$0x40] =	vst v19;
	v19 =	vld.idx.msk [tilespmem:v54+s15+$0x0], $0xffff;
	v24 =	vmul.f32 $5.656854150e+00, v24  }
0x48f: {  	v47 =	vor.u32 v5, v10;
	v8 =	vld.idx.msk [tilespmem:v8+s15+$0x0], $0xffff;
	[tilespmem:s10+$0xFFFFFFB0] =	vst v28;
	v22 =	vmul.f32 $5.656854150e+00, v22  }
0x490: {  	v46 =	vor.u32 v5, v15;
	v51 =	vld.idx.msk [tilespmem:v45+s15+$0x0], $0xffff;
	v20 =	vmul.f32 $5.656854150e+00, v48;
	[tilespmem:s10+$0xB0] =	vst v24  }
0x491: {  	v49 =	vmul.f32 $5.656854150e+00, v30;
	v33 =	vor.u32 v5, v16;
	[tilespmem:s2+$0xC0] =	vst v22;
	v27 =	vld.idx.msk [tilespmem:v50+s15+$0x0], $0xffff  }
0x492: {  	v55 =	vor.u32 v5, v12;
	v11 =	vmul.f32 $5.656854150e+00, v11;
	v22 =	vld.idx.msk [tilespmem:v52+s15+$0x0], $0xffff;
	[tilespmem:s10+$0x30] =	vst v20  }
0x493: {  	v56 =	vor.u32 v5, v9;
	[tilespmem:s2+$0xFFFFFFC0] =	vst v49;
	v14 =	vld.idx.msk [tilespmem:v53+s15+$0x0], $0xffff;
	v19 =	vmul.f32 $5.656854150e+00, v19  }
0x494: {  	v60 =	vor.u32 v5, v21;
	v8 =	vmul.f32 $5.656854150e+00, v8;
	[tilespmem:s7+$0x70] =	vst v11;
	v26 =	vld.idx.msk [tilespmem:v47+s15+$0x0], $0xffff  }
0x495: {  	v63 =	vor.u32 v5, v17;
	v57 =	vmul.f32 $5.656854150e+00, v51;
	v25 =	vld.idx.msk [tilespmem:v46+s15+$0x0], $0xffff;
	[tilespmem:s10+$0xFFFFFF40] =	vst v19  }
0x496: {  	v32 =	vor.u32 v5, v18;
	[tilespmem:s7+$0xFFFFFF70] =	vst v8;
	v13 =	vld.idx.msk [tilespmem:v33+s15+$0x0], $0xffff;
	v27 =	vmul.f32 $5.656854150e+00, v27  }
0x497: {  	v34 =	vor.u32 v6, v10;
	[tilespmem:s2+$0xFFFFFF40] =	vst v57;
	v61 =	vld.idx.msk [tilespmem:v55+s15+$0x0], $0xffff;
	v22 =	vmul.f32 $5.656854150e+00, v22  }
0x498: {  	v58 =	vor.u32 v6, v15;
	v14 =	vmul.f32 $5.656854150e+00, v14;
	v24 =	vld.idx.msk [tilespmem:v56+s15+$0x0], $0xffff;
	[tilespmem:s10+$0xC0] =	vst v27  }
0x499: {  	v45 =	vor.u32 v6, v16;
	v62 =	vmul.f32 $5.656854150e+00, v26;
	[tilespmem:s10+$0xFFFFFFC0] =	vst v22;
	v36 =	vld.idx.msk [tilespmem:v60+s15+$0x0], $0xffff  }
0x49a: {  	v35 =	vor.u32 v6, v12;
	v59 =	vmul.f32 $5.656854150e+00, v25;
	v26 =	vld.idx.msk [tilespmem:v63+s15+$0x0], $0xffff;
	[tilespmem:s10+$0x40] =	vst v14  }
0x49b: {  	v37 =	vor.u32 v6, v9;
	[tilespmem:s2+$0xFFFFFFD0] =	vst v62;
	v39 =	vld.idx.msk [tilespmem:v32+s15+$0x0], $0xffff;
	v13 =	vmul.f32 $5.656854150e+00, v13  }
0x49c: {  	v40 =	vor.u32 v6, v21;
	v28 =	vmul.f32 $5.656854150e+00, v61;
	v41 =	vld.idx.msk [tilespmem:v34+s15+$0x0], $0xffff;
	[tilespmem:s2+$0xD0] =	vst v59  }
0x49d: {  	v43 =	vor.u32 v6, v17;
	v20 =	vld.idx.msk [tilespmem:v58+s15+$0x0], $0xffff;
	[tilespmem:s10+$0xFFFFFF50] =	vst v13;
	v38 =	vmul.f32 $5.656854150e+00, v24  }
0x49e: {  	v44 =	vor.u32 v6, v18;
	[tilespmem:s2+$0x50] =	vst v28;
	v14 =	vld.idx.msk [tilespmem:v45+s15+$0x0], $0xffff;
	v22 =	vmul.f32 $5.656854150e+00, v36  }
0x49f: {  	v47 =	vor.u32 v7, v10;
	v26 =	vmul.f32 $5.656854150e+00, v26;
	[tilespmem:s2+$0xFFFFFF50] =	vst v38;
	v27 =	vld.idx.msk [tilespmem:v35+s15+$0x0], $0xffff  }
0x4a0: {  	v46 =	vor.u32 v7, v15;
	v19 =	vmul.f32 $5.656854150e+00, v39;
	v25 =	vld.idx.msk [tilespmem:v37+s15+$0x0], $0xffff;
	[tilespmem:s10+$0xD0] =	vst v22  }
0x4a1: {  	v48 =	vmul.f32 $5.656854150e+00, v41;
	v56 =	vor.u32 v7, v16;
	[tilespmem:s10+$0xFFFFFFD0] =	vst v26;
	v22 =	vld.idx.msk [tilespmem:v40+s15+$0x0], $0xffff  }
0x4a2: {  	v49 =	vor.u32 v7, v12;
	v42 =	vmul.f32 $5.656854150e+00, v20;
	v20 =	vld.idx.msk [tilespmem:v43+s15+$0x0], $0xffff;
	[tilespmem:s10+$0x50] =	vst v19  }
0x4a3: {  	[tilespmem:s2+$0xFFFFFFE0] =	vst v48;
	v50 =	vor.u32 v7, v9;
	v11 =	vld.idx.msk [tilespmem:v44+s15+$0x0], $0xffff;
	v57 =	vmul.f32 $5.656854150e+00, v14  }
0x4a4: {  	v21 =	vor.u32 v7, v21;
	v10 =	vld.idx.msk [tilespmem:v47+s15+$0x0], $0xffff;
	[tilespmem:s2+$0xE0] =	vst v42;
	v51 =	vmul.f32 $5.656854150e+00, v27  }
0x4a5: {  	v53 =	vor.u32 v7, v17;
	v15 =	vld.idx.msk [tilespmem:v46+s15+$0x0], $0xffff;
	[tilespmem:s10+$0xFFFFFF60] =	vst v57;
	v52 =	vmul.f32 $5.656854150e+00, v25  }
0x4a6: {  	v55 =	vor.u32 v7, v18;
	v61 =	vld.idx.msk [tilespmem:v56+s15+$0x0], $0xffff;
	[tilespmem:s2+$0x60] =	vst v51;
	v54 =	vmul.f32 $5.656854150e+00, v22  }
0x4a7: {  	v8 =	vmul.f32 $5.656854150e+00, v20;
	[tilespmem:s2+$0xFFFFFF60] =	vst v52;
	v12 =	vld.idx.msk [tilespmem:v49+s15+$0x0], $0xffff  }
0x4a8: {  	v11 =	vmul.f32 $5.656854150e+00, v11;
	v9 =	vld.idx.msk [tilespmem:v50+s15+$0x0], $0xffff;
	[tilespmem:s10+$0xE0] =	vst v54  }
0x4a9: {  	v10 =	vmul.f32 $5.656854150e+00, v10;
	[tilespmem:s10+$0xFFFFFFE0] =	vst v8;
	v8 =	vld.idx.msk [tilespmem:v21+s15+$0x0], $0xffff  }
0x4aa: {  	v58 =	vmul.f32 $5.656854150e+00, v15;
	[tilespmem:s10+$0x60] =	vst v11;
	v59 =	vld.idx.msk [tilespmem:v53+s15+$0x0], $0xffff  }
0x4ab: {  	[tilespmem:s2+$0xFFFFFFF0] =	vst v10;
	v60 =	vld.idx.msk [tilespmem:v55+s15+$0x0], $0xffff;
	v63 =	vmul.f32 $5.656854150e+00, v61  }
0x4ac: {  	[tilespmem:s2+$0xF0] =	vst v58;
	v12 =	vmul.f32 $5.656854150e+00, v12  }
0x4ad: {  	s16 =	sadd.s32 s3, s9;
	s6 =	sadd.s32 $0x1, s6;
	[tilespmem:s10+$0xFFFFFF70] =	vst v63;
	v9 =	vmul.f32 $5.656854150e+00, v9  }
0x4ae: {  	s20 =	sshll.u32 s16, $0x5;
	p0 =	sne.s32 s6, $0x31;
	s7 =	sand.u32 $0x3E80, s16;
	[tilespmem:s2+$0x70] =	vst v12;
	v8 =	vmul.f32 $5.656854150e+00, v8  }
.Ltmp6:
0x4af: {  	v62 =	vmul.f32 $5.656854150e+00, v59;
	[tilespmem:s2+$0xFFFFFF70] =	vst v9;
	s2 =	sand.u32 $0x7FF80000, s20;
	(pc) =	sbr.rel @p0 .LBB2_6-.Ltmp6, $4  }
0x4b0: {  	s2 =	sor.u32 s7, s2;
	[tilespmem:s10+$0xF0] =	vst v8;
	v8 =	vmul.f32 $5.656854150e+00, v60  }
0x4b1: {  	[tilespmem:s10+$0xFFFFFFF0] =	vst v62;
	s2 =	sshrl.u32 s2, $0x3  }
0x4b2: {  	s2 =	sadd.s32 s5, s2;
	[tilespmem:s10+$0x70] =	vst v8  }
0x4b3: {  	[hbm4b:s2+s13] =	stream.strided.scatter [tilespmem:s24], [sflag:$0x6], $0x1000, s19, s13, $0x38;
	[tilespmem:$0xE400] =	vst v63  }
0x4b4: {  	s2 =	simm.s32 $0x3  }
0x4b5: {  	s6 =	simm.s32 $0x1;
	v8 =	vmov s2  }
0x4b6: {  	s11 =	simm.s32 $0x2;
	v9 =	vmov s6;
	v8 =	vand.u32 $0x1F, v8  }
0x4b7: {  	s12 =	simm.s32 $0x0;
	v10 =	vmov s11;
	v9 =	vand.u32 $0x1D, v9;
	v19 =	vbroadcast v8, $0x0  }
0x4b8: {  	v8 =	vmov s12;
	v18 =	vbroadcast v9, $0x0;
	v9 =	vand.u32 $0x1E, v10  }
0x4b9: {  	v8 =	vand.u32 $0x1C, v8;
	v17 =	vbroadcast v9, $0x0;
	v9 =	vor.u32 v0, v19  }
0x4ba: {  	v16 =	vbroadcast v8, $0x0;
	v8 =	vor.u32 v0, v18  }
0x4bb: {  	_ =	swait.ge [sflag:s26], $0x1000;
	v10 =	vor.u32 v0, v17  }
0x4bc: {  	[sflag:s26] =	ssyncset.done $0x0;
	v11 =	vor.u32 v0, v16  }
0x4bd: {  	[sflag:s26] =	ssyncadd.s32 $0xFFFFF000  }
0x4be: {  	v9 =	vld.idx.msk [tilespmem:v9+s17+$0x0], $0xffff  }
0x4bf: {  	v8 =	vld.idx.msk [tilespmem:v8+s17+$0x0], $0xffff  }
0x4c0: {  	v10 =	vld.idx.msk [tilespmem:v10+s17+$0x0], $0xffff  }
0x4c1: {  	v12 =	vor.u32 v1, v19;
	v11 =	vld.idx.msk [tilespmem:v11+s17+$0x0], $0xffff  }
0x4c2: {  	v13 =	vor.u32 v1, v18  }
0x4c3: {  	v14 =	vor.u32 v1, v17;
	v9 =	vmul.f32 $5.656854150e+00, v9  }
0x4c4: {  	s7 =	simm.s32 $0xC500;
	v15 =	vor.u32 v1, v16;
	v8 =	vmul.f32 $5.656854150e+00, v8  }
0x4c5: {  	v10 =	vmul.f32 $5.656854150e+00, v10;
	[tilespmem:s7+$0x80] =	vst v9  }
0x4c6: {  	v9 =	vmul.f32 $5.656854150e+00, v11;
	[tilespmem:s7+$0xFFFFFF80] =	vst v8;
	v8 =	vld.idx.msk [tilespmem:v12+s17+$0x0], $0xffff  }
0x4c7: {  	v11 =	vld.idx.msk [tilespmem:v13+s17+$0x0], $0xffff;
	[tilespmem:s7+$0x0] =	vst v10  }
0x4c8: {  	[tilespmem:s7+$0xFFFFFF00] =	vst v9;
	v9 =	vld.idx.msk [tilespmem:v14+s17+$0x0], $0xffff  }
0x4c9: {  	v12 =	vor.u32 v2, v19;
	v10 =	vld.idx.msk [tilespmem:v15+s17+$0x0], $0xffff  }
0x4ca: {  	v13 =	vor.u32 v2, v18  }
0x4cb: {  	v14 =	vor.u32 v2, v17;
	v8 =	vmul.f32 $5.656854150e+00, v8  }
0x4cc: {  	s16 =	simm.s32 $0x4;
	v15 =	vor.u32 v2, v16;
	v11 =	vmul.f32 $5.656854150e+00, v11  }
0x4cd: {  	v20 =	vmov s16;
	v21 =	vmul.f32 $5.656854150e+00, v9;
	[tilespmem:s7+$0x90] =	vst v8  }
0x4ce: {  	v8 =	vand.u32 $0x1C, v20;
	v10 =	vmul.f32 $5.656854150e+00, v10;
	[tilespmem:s7+$0xFFFFFF90] =	vst v11;
	v11 =	vld.idx.msk [tilespmem:v12+s17+$0x0], $0xffff  }
0x4cf: {  	s6 =	simm.s32 $0x6;
	v9 =	vbroadcast v8, $0x0;
	v8 =	vld.idx.msk [tilespmem:v13+s17+$0x0], $0xffff;
	[tilespmem:s7+$0x10] =	vst v21  }
0x4d0: {  	v22 =	vmov s6;
	[tilespmem:s7+$0xFFFFFF10] =	vst v10;
	v10 =	vld.idx.msk [tilespmem:v14+s17+$0x0], $0xffff  }
0x4d1: {  	s20 =	simm.s32 $0x5;
	s8 =	simm.s32 $0x7;
	v23 =	vor.u32 v3, v18;
	v24 =	vor.u32 v3, v17;
	v21 =	vor.u32 v3, v19;
	v15 =	vld.idx.msk [tilespmem:v15+s17+$0x0], $0xffff  }
0x4d2: {  	v25 =	vor.u32 v3, v16;
	v12 =	vmov s20;
	v13 =	vmov s8  }
0x4d3: {  	v12 =	vand.u32 $0x1D, v12;
	v13 =	vand.u32 $0x1F, v13;
	v11 =	vmul.f32 $5.656854150e+00, v11  }
0x4d4: {  	v20 =	vor.u32 v0, v9;
	v13 =	vbroadcast v13, $0x0;
	v8 =	vmul.f32 $5.656854150e+00, v8  }
0x4d5: {  	v14 =	vbroadcast v12, $0x0;
	v12 =	vand.u32 $0x1E, v22;
	v10 =	vmul.f32 $5.656854150e+00, v10;
	[tilespmem:s7+$0xA0] =	vst v11  }
0x4d6: {  	s9 =	simm.s32 $0x8;
	v12 =	vbroadcast v12, $0x0;
	v11 =	vor.u32 v0, v13;
	v15 =	vmul.f32 $5.656854150e+00, v15;
	[tilespmem:s7+$0xFFFFFFA0] =	vst v8;
	v21 =	vld.idx.msk [tilespmem:v21+s17+$0x0], $0xffff  }
0x4d7: {  	v22 =	vor.u32 v0, v14;
	v8 =	vmov s9;
	v23 =	vld.idx.msk [tilespmem:v23+s17+$0x0], $0xffff;
	[tilespmem:s7+$0x20] =	vst v10  }
0x4d8: {  	v10 =	vor.u32 v0, v12;
	v8 =	vand.u32 $0x1C, v8;
	[tilespmem:s7+$0xFFFFFF20] =	vst v15;
	v15 =	vld.idx.msk [tilespmem:v24+s17+$0x0], $0xffff  }
0x4d9: {  	v8 =	vbroadcast v8, $0x0;
	v24 =	vld.idx.msk [tilespmem:v25+s17+$0x0], $0xffff;
	v25 =	vor.u32 v4, v19  }
0x4da: {  	v26 =	vld.idx.msk [tilespmem:v20+s17+$0x0], $0xffff;
	v20 =	vor.u32 v4, v18  }
0x4db: {  	v29 =	vor.u32 v0, v8;
	v11 =	vld.idx.msk [tilespmem:v11+s17+$0x0], $0xffff;
	v21 =	vmul.f32 $5.656854150e+00, v21  }
0x4dc: {  	v27 =	vor.u32 v4, v17;
	v22 =	vld.idx.msk [tilespmem:v22+s17+$0x0], $0xffff;
	v23 =	vmul.f32 $5.656854150e+00, v23  }
0x4dd: {  	v28 =	vor.u32 v4, v16;
	v10 =	vld.idx.msk [tilespmem:v10+s17+$0x0], $0xffff;
	[tilespmem:s7+$0xB0] =	vst v21  }
0x4de: {  	v15 =	vmul.f32 $5.656854150e+00, v15;
	v21 =	vor.u32 v1, v13;
	[tilespmem:s7+$0xFFFFFFB0] =	vst v23;
	v23 =	vld.idx.msk [tilespmem:v25+s17+$0x0], $0xffff  }
0x4df: {  	v24 =	vmul.f32 $5.656854150e+00, v24;
	v25 =	vor.u32 v1, v14;
	v30 =	vld.idx.msk [tilespmem:v20+s17+$0x0], $0xffff  }
0x4e0: {  	[tilespmem:s7+$0x30] =	vst v15;
	v15 =	vor.u32 v1, v12;
	v20 =	vld.idx.msk [tilespmem:v29+s17+$0x0], $0xffff;
	v11 =	vmul.f32 $5.656854150e+00, v11  }
0x4e1: {  	s10 =	simm.s32 $0x9;
	s6 =	simm.s32 $0xC700;
	v22 =	vmul.f32 $5.656854150e+00, v22;
	[tilespmem:s7+$0xFFFFFF30] =	vst v24;
	v24 =	vld.idx.msk [tilespmem:v27+s17+$0x0], $0xffff;
	v27 =	vor.u32 v1, v9  }
0x4e2: {  	v31 =	vmov s10;
	v28 =	vld.idx.msk [tilespmem:v28+s17+$0x0], $0xffff;
	v29 =	vmul.f32 $5.656854150e+00, v10;
	[tilespmem:s6+$0x80] =	vst v11;
	v11 =	vor.u32 v5, v19  }
0x4e3: {  	v26 =	vmul.f32 $5.656854150e+00, v26;
	[tilespmem:s6+$0xFFFFFF80] =	vst v22;
	v22 =	vor.u32 v5, v18;
	v10 =	vand.u32 $0x1D, v31;
	v21 =	vld.idx.msk [tilespmem:v21+s17+$0x0], $0xffff  }
0x4e4: {  	v10 =	vbroadcast v10, $0x0;
	[tilespmem:s6+$0x0] =	vst v29;
	v29 =	vor.u32 v5, v17;
	v25 =	vld.idx.msk [tilespmem:v25+s17+$0x0], $0xffff;
	v23 =	vmul.f32 $5.656854150e+00, v23  }
0x4e5: {  	[tilespmem:s6+$0xFFFFFF00] =	vst v26;
	v26 =	vor.u32 v5, v16;
	v15 =	vld.idx.msk [tilespmem:v15+s17+$0x0], $0xffff;
	v30 =	vmul.f32 $5.656854150e+00, v30  }
0x4e6: {  	v31 =	vor.u32 v0, v10;
	v27 =	vld.idx.msk [tilespmem:v27+s17+$0x0], $0xffff;
	v24 =	vmul.f32 $5.656854150e+00, v24;
	[tilespmem:s7+$0xC0] =	vst v23  }
0x4e7: {  	v23 =	vor.u32 v2, v13;
	v28 =	vmul.f32 $5.656854150e+00, v28;
	[tilespmem:s7+$0xFFFFFFC0] =	vst v30;
	v30 =	vld.idx.msk [tilespmem:v11+s17+$0x0], $0xffff  }
0x4e8: {  	v32 =	vor.u32 v2, v14;
	v22 =	vld.idx.msk [tilespmem:v22+s17+$0x0], $0xffff;
	[tilespmem:s7+$0x40] =	vst v24  }
0x4e9: {  	v24 =	vor.u32 v2, v12;
	v11 =	vmul.f32 $5.656854150e+00, v21;
	[tilespmem:s7+$0xFFFFFF40] =	vst v28;
	v21 =	vld.idx.msk [tilespmem:v29+s17+$0x0], $0xffff  }
0x4ea: {  	s11 =	simm.s32 $0xA;
	v28 =	vor.u32 v2, v9;
	v25 =	vmul.f32 $5.656854150e+00, v25;
	v26 =	vld.idx.msk [tilespmem:v26+s17+$0x0], $0xffff  }
0x4eb: {  	v33 =	vor.u32 v6, v19;
	v29 =	vld.idx.msk [tilespmem:v31+s17+$0x0], $0xffff;
	v31 =	vmov s11;
	v15 =	vmul.f32 $5.656854150e+00, v15;
	[tilespmem:s6+$0x90] =	vst v11  }
0x4ec: {  	v11 =	vand.u32 $0x1E, v31;
	v27 =	vmul.f32 $5.656854150e+00, v27;
	[tilespmem:s6+$0xFFFFFF90] =	vst v25;
	v23 =	vld.idx.msk [tilespmem:v23+s17+$0x0], $0xffff;
	v25 =	vor.u32 v6, v18  }
0x4ed: {  	v11 =	vbroadcast v11, $0x0;
	[tilespmem:s6+$0x10] =	vst v15;
	v15 =	vor.u32 v6, v17;
	v31 =	vld.idx.msk [tilespmem:v32+s17+$0x0], $0xffff;
	v30 =	vmul.f32 $5.656854150e+00, v30  }
0x4ee: {  	[tilespmem:s6+$0xFFFFFF10] =	vst v27;
	v24 =	vld.idx.msk [tilespmem:v24+s17+$0x0], $0xffff;
	v27 =	vor.u32 v6, v16;
	v22 =	vmul.f32 $5.656854150e+00, v22  }
0x4ef: {  	v58 =	vor.u32 v0, v11;
	v28 =	vld.idx.msk [tilespmem:v28+s17+$0x0], $0xffff;
	v21 =	vmul.f32 $5.656854150e+00, v21;
	[tilespmem:s7+$0xD0] =	vst v30  }
0x4f0: {  	s12 =	simm.s32 $0xB;
	v30 =	vor.u32 v3, v13;
	v26 =	vmul.f32 $5.656854150e+00, v26;
	[tilespmem:s7+$0xFFFFFFD0] =	vst v22;
	v22 =	vld.idx.msk [tilespmem:v33+s17+$0x0], $0xffff  }
0x4f1: {  	v59 =	vmov s12;
	v34 =	vor.u32 v3, v14;
	[tilespmem:s7+$0x50] =	vst v21;
	v25 =	vld.idx.msk [tilespmem:v25+s17+$0x0], $0xffff  }
0x4f2: {  	v60 =	vor.u32 v3, v12;
	v21 =	vand.u32 $0x1F, v59;
	v23 =	vmul.f32 $5.656854150e+00, v23;
	[tilespmem:s7+$0xFFFFFF50] =	vst v26;
	v26 =	vld.idx.msk [tilespmem:v15+s17+$0x0], $0xffff  }
0x4f3: {  	v15 =	vbroadcast v21, $0x0;
	v21 =	vor.u32 v3, v9;
	v31 =	vmul.f32 $5.656854150e+00, v31;
	v27 =	vld.idx.msk [tilespmem:v27+s17+$0x0], $0xffff  }
0x4f4: {  	v19 =	vor.u32 v7, v19;
	v24 =	vmul.f32 $5.656854150e+00, v24;
	v32 =	vld.idx.msk [tilespmem:v58+s17+$0x0], $0xffff;
	[tilespmem:s6+$0xA0] =	vst v23  }
0x4f5: {  	v23 =	vor.u32 v0, v15;
	v28 =	vmul.f32 $5.656854150e+00, v28;
	[tilespmem:s6+$0xFFFFFFA0] =	vst v31;
	v30 =	vld.idx.msk [tilespmem:v30+s17+$0x0], $0xffff  }
0x4f6: {  	v18 =	vor.u32 v7, v18;
	[tilespmem:s6+$0x20] =	vst v24;
	v31 =	vld.idx.msk [tilespmem:v34+s17+$0x0], $0xffff;
	v22 =	vmul.f32 $5.656854150e+00, v22  }
0x4f7: {  	v17 =	vor.u32 v7, v17;
	[tilespmem:s6+$0xFFFFFF20] =	vst v28;
	v24 =	vld.idx.msk [tilespmem:v60+s17+$0x0], $0xffff  }
0x4f8: {  	s16 =	simm.s32 $0xC;
	v28 =	vor.u32 v7, v16;
	v25 =	vmul.f32 $5.656854150e+00, v25;
	v21 =	vld.idx.msk [tilespmem:v21+s17+$0x0], $0xffff;
	[tilespmem:s7+$0xE0] =	vst v22  }
0x4f9: {  	v16 =	vmul.f32 $5.656854150e+00, v26;
	v26 =	vor.u32 v4, v13;
	v22 =	vmov s16;
	v19 =	vld.idx.msk [tilespmem:v19+s17+$0x0], $0xffff  }
0x4fa: {  	v27 =	vmul.f32 $5.656854150e+00, v27;
	[tilespmem:s7+$0xFFFFFFE0] =	vst v25;
	v22 =	vand.u32 $0x1C, v22;
	v23 =	vld.idx.msk [tilespmem:v23+s17+$0x0], $0xffff;
	v25 =	vor.u32 v4, v14  }
0x4fb: {  	[tilespmem:s7+$0x60] =	vst v16;
	v16 =	vbroadcast v22, $0x0;
	v22 =	vor.u32 v4, v12;
	v30 =	vmul.f32 $5.656854150e+00, v30;
	v18 =	vld.idx.msk [tilespmem:v18+s17+$0x0], $0xffff  }
0x4fc: {  	[tilespmem:s7+$0xFFFFFF60] =	vst v27;
	v27 =	vor.u32 v4, v9;
	v61 =	vld.idx.msk [tilespmem:v17+s17+$0x0], $0xffff;
	v31 =	vmul.f32 $5.656854150e+00, v31  }
0x4fd: {  	v24 =	vmul.f32 $5.656854150e+00, v24;
	v62 =	vld.idx.msk [tilespmem:v28+s17+$0x0], $0xffff;
	v17 =	vor.u32 v0, v16;
	[tilespmem:s6+$0xB0] =	vst v30  }
0x4fe: {  	v28 =	vor.u32 v1, v15;
	v21 =	vmul.f32 $5.656854150e+00, v21;
	[tilespmem:s6+$0xFFFFFFB0] =	vst v31;
	v26 =	vld.idx.msk [tilespmem:v26+s17+$0x0], $0xffff  }
0x4ff: {  	v30 =	vor.u32 v1, v10;
	[tilespmem:s6+$0x30] =	vst v24;
	v25 =	vld.idx.msk [tilespmem:v25+s17+$0x0], $0xffff;
	v19 =	vmul.f32 $5.656854150e+00, v19  }
0x500: {  	v24 =	vor.u32 v1, v11;
	v23 =	vmul.f32 $5.656854150e+00, v23;
	[tilespmem:s6+$0xFFFFFF30] =	vst v21;
	v21 =	vld.idx.msk [tilespmem:v22+s17+$0x0], $0xffff  }
0x501: {  	s2 =	simm.s32 $0xC900;
	s8 =	simm.s32 $0xD;
	v29 =	vmul.f32 $5.656854150e+00, v29;
	v22 =	vor.u32 v1, v8;
	v27 =	vld.idx.msk [tilespmem:v27+s17+$0x0], $0xffff;
	[tilespmem:s7+$0xF0] =	vst v19  }
0x502: {  	v32 =	vmul.f32 $5.656854150e+00, v32;
	v31 =	vmov s8;
	[tilespmem:s2+$0x80] =	vst v23;
	v23 =	vor.u32 v5, v13;
	v19 =	vld.idx.msk [tilespmem:v17+s17+$0x0], $0xffff  }
0x503: {  	v20 =	vmul.f32 $5.656854150e+00, v20;
	[tilespmem:s2+$0xFFFFFF80] =	vst v29;
	v29 =	vor.u32 v5, v14;
	v17 =	vand.u32 $0x1D, v31;
	v28 =	vld.idx.msk [tilespmem:v28+s17+$0x0], $0xffff  }
0x504: {  	[tilespmem:s2+$0x0] =	vst v32;
	v30 =	vld.idx.msk [tilespmem:v30+s17+$0x0], $0xffff;
	v31 =	vor.u32 v5, v12;
	v17 =	vbroadcast v17, $0x0;
	v26 =	vmul.f32 $5.656854150e+00, v26  }
0x505: {  	[tilespmem:s2+$0xFFFFFF00] =	vst v20;
	v20 =	vld.idx.msk [tilespmem:v24+s17+$0x0], $0xffff;
	v24 =	vor.u32 v5, v9;
	v25 =	vmul.f32 $5.656854150e+00, v25  }
0x506: {  	v63 =	vor.u32 v0, v17;
	v35 =	vld.idx.msk [tilespmem:v22+s17+$0x0], $0xffff;
	v21 =	vmul.f32 $5.656854150e+00, v21;
	[tilespmem:s6+$0xC0] =	vst v26  }
0x507: {  	v26 =	vor.u32 v2, v15;
	v22 =	vmul.f32 $5.656854150e+00, v27;
	[tilespmem:s6+$0xFFFFFFC0] =	vst v25;
	v25 =	vld.idx.msk [tilespmem:v23+s17+$0x0], $0xffff  }
0x508: {  	v18 =	vmul.f32 $5.656854150e+00, v18;
	v27 =	vor.u32 v2, v10;
	v36 =	vld.idx.msk [tilespmem:v29+s17+$0x0], $0xffff;
	[tilespmem:s6+$0x40] =	vst v21  }
0x509: {  	v21 =	vor.u32 v2, v11;
	v23 =	vmul.f32 $5.656854150e+00, v28;
	[tilespmem:s6+$0xFFFFFF40] =	vst v22;
	v37 =	vld.idx.msk [tilespmem:v31+s17+$0x0], $0xffff  }
0x50a: {  	s20 =	simm.s32 $0xE;
	v38 =	vor.u32 v2, v8;
	[tilespmem:s7+$0xFFFFFFF0] =	vst v18;
	v28 =	vmul.f32 $5.656854150e+00, v30;
	v39 =	vld.idx.msk [tilespmem:v24+s17+$0x0], $0xffff  }
0x50b: {  	v40 =	vor.u32 v6, v13;
	v18 =	vmov s20;
	v20 =	vmul.f32 $5.656854150e+00, v20;
	[tilespmem:s2+$0x90] =	vst v23;
	v22 =	vld.idx.msk [tilespmem:v63+s17+$0x0], $0xffff  }
0x50c: {  	v18 =	vand.u32 $0x1E, v18;
	v29 =	vor.u32 v6, v14;
	[tilespmem:s2+$0xFFFFFF90] =	vst v28;
	v24 =	vmul.f32 $5.656854150e+00, v35;
	v30 =	vld.idx.msk [tilespmem:v26+s17+$0x0], $0xffff  }
0x50d: {  	v18 =	vbroadcast v18, $0x0;
	v28 =	vld.idx.msk [tilespmem:v27+s17+$0x0], $0xffff;
	[tilespmem:s2+$0x10] =	vst v20;
	v26 =	vor.u32 v6, v12;
	v25 =	vmul.f32 $5.656854150e+00, v25  }
0x50e: {  	v27 =	vor.u32 v6, v9;
	[tilespmem:s2+$0xFFFFFF10] =	vst v24;
	v31 =	vld.idx.msk [tilespmem:v21+s17+$0x0], $0xffff;
	v21 =	vmul.f32 $5.656854150e+00, v36  }
0x50f: {  	v33 =	vor.u32 v0, v18;
	v23 =	vmul.f32 $5.656854150e+00, v61;
	v32 =	vld.idx.msk [tilespmem:v38+s17+$0x0], $0xffff;
	[tilespmem:s6+$0xD0] =	vst v25;
	v34 =	vmul.f32 $5.656854150e+00, v37  }
0x510: {  	s9 =	simm.s32 $0xF;
	s8 =	simm.s32 $0x10;
	v20 =	vmul.f32 $5.656854150e+00, v62;
	v24 =	vor.u32 v3, v15;
	v35 =	vmul.f32 $5.656854150e+00, v39;
	[tilespmem:s6+$0xFFFFFFD0] =	vst v21;
	v25 =	vld.idx.msk [tilespmem:v40+s17+$0x0], $0xffff  }
.LBB2_16:
0x511: {  	p0 =	slt.u32 s8, $0x1C;
	v21 =	vmov s9;
	v36 =	vor.u32 v3, v10;
	v29 =	vld.idx.msk [tilespmem:v29+s17+$0x0], $0xffff;
	[tilespmem:s6+$0x50] =	vst v34  }
0x512: {  	v34 =	vor.u32 v3, v11;
	v30 =	vmul.f32 $5.656854150e+00, v30;
	v21 =	vand.u32 $0x1F, v21;
	[tilespmem:s6+$0xFFFFFF50] =	vst v35;
	v26 =	vld.idx.msk [tilespmem:v26+s17+$0x0], $0xffff  }
0x513: {  	v35 =	vor.u32 v3, v8;
	v28 =	vmul.f32 $5.656854150e+00, v28;
	v21 =	vbroadcast v21, $0x0;
	v27 =	vld.idx.msk [tilespmem:v27+s17+$0x0], $0xffff;
	[tilespmem:s7+$0x70] =	vst v23  }
0x514: {  	v31 =	vmul.f32 $5.656854150e+00, v31;
	v23 =	vld.idx.msk [tilespmem:v33+s17+$0x0], $0xffff;
	[tilespmem:s2+$0xA0] =	vst v30;
	v30 =	vor.u32 v7, v13;
	v13 =	vmov v15  }
0x515: {  	v32 =	vmul.f32 $5.656854150e+00, v32;
	v33 =	vor.u32 v0, v21;
	[tilespmem:s2+$0xFFFFFFA0] =	vst v28;
	v24 =	vld.idx.msk [tilespmem:v24+s17+$0x0], $0xffff;
	v15 =	vmov v21  }
0x516: {  	v28 =	vor.u32 v7, v14;
	v25 =	vmul.f32 $5.656854150e+00, v25;
	v14 =	vmovc v10;
	v10 =	vmov v17;
	v21 =	vld.idx.msk [tilespmem:v36+s17+$0x0], $0xffff;
	[tilespmem:s2+$0x20] =	vst v31  }
0x517: {  	v29 =	vmul.f32 $5.656854150e+00, v29;
	v31 =	vor.u32 v7, v12;
	v12 =	vmovc v11;
	v11 =	vmov v18;
	[tilespmem:s2+$0xFFFFFF20] =	vst v32;
	v17 =	vld.idx.msk [tilespmem:v34+s17+$0x0], $0xffff  }
0x518: {  	v32 =	vor.u32 v7, v9;
	v26 =	vmul.f32 $5.656854150e+00, v26;
	v9 =	vmovc v8;
	v8 =	vmov v16;
	v18 =	vld.idx.msk [tilespmem:v35+s17+$0x0], $0xffff;
	[tilespmem:s6+$0xE0] =	vst v25  }
0x519: {  	v16 =	vmov s8;
	v25 =	vor.u32 v4, v13;
	v27 =	vmul.f32 $5.656854150e+00, v27;
	[tilespmem:s6+$0xFFFFFFE0] =	vst v29;
	v29 =	vld.idx.msk [tilespmem:v30+s17+$0x0], $0xffff  }
0x51a: {  	v16 =	vand.u32 $0x1C, v16;
	v30 =	vld.idx.msk [tilespmem:v33+s17+$0x0], $0xffff;
	v33 =	vor.u32 v4, v14;
	[tilespmem:s6+$0x60] =	vst v26  }
0x51b: {  	v16 =	vbroadcast v16, $0x0;
	v26 =	vor.u32 v4, v12;
	v24 =	vmul.f32 $5.656854150e+00, v24;
	[tilespmem:s6+$0xFFFFFF60] =	vst v27;
	v27 =	vld.idx.msk [tilespmem:v28+s17+$0x0], $0xffff  }
0x51c: {  	v28 =	vor.u32 v4, v9;
	v21 =	vmul.f32 $5.656854150e+00, v21;
	v31 =	vld.idx.msk [tilespmem:v31+s17+$0x0], $0xffff;
	[tilespmem:s7+$0xFFFFFF70] =	vst v20;
	s7 =	smov.u32 s6;
	s6 =	smov.u32 s2  }
0x51d: {  	v20 =	vor.u32 v0, v16;
	v17 =	vmul.f32 $5.656854150e+00, v17;
	[tilespmem:s2+$0xB0] =	vst v24;
	v24 =	vld.idx.msk [tilespmem:v32+s17+$0x0], $0xffff  }
0x51e: {  	s9 =	sadd.s32 $0x1, s8;
	v32 =	vor.u32 v1, v15;
	v18 =	vmul.f32 $5.656854150e+00, v18;
	[tilespmem:s2+$0xFFFFFFB0] =	vst v21;
	v21 =	vld.idx.msk [tilespmem:v25+s17+$0x0], $0xffff  }
0x51f: {  	v34 =	vor.u32 v1, v10;
	v25 =	vmov s9;
	v33 =	vld.idx.msk [tilespmem:v33+s17+$0x0], $0xffff;
	[tilespmem:s2+$0x30] =	vst v17;
	v17 =	vmul.f32 $5.656854150e+00, v29  }
0x520: {  	v25 =	vand.u32 $0x1D, v25;
	v29 =	vor.u32 v1, v11;
	v30 =	vmul.f32 $5.656854150e+00, v30;
	[tilespmem:s2+$0xFFFFFF30] =	vst v18;
	v18 =	vld.idx.msk [tilespmem:v26+s17+$0x0], $0xffff  }
0x521: {  	v22 =	vmul.f32 $5.656854150e+00, v22;
	v26 =	vor.u32 v1, v8;
	s2 =	sadd.s32 $0x200, s2;
	v27 =	vmul.f32 $5.656854150e+00, v27;
	v28 =	vld.idx.msk [tilespmem:v28+s17+$0x0], $0xffff;
	[tilespmem:s7+$0xF0] =	vst v17  }
0x522: {  	v36 =	vmul.f32 $5.656854150e+00, v23;
	v23 =	vmul.f32 $5.656854150e+00, v31;
	v35 =	vld.idx.msk [tilespmem:v20+s17+$0x0], $0xffff;
	[tilespmem:s2+$0x80] =	vst v30;
	v30 =	vor.u32 v5, v13  }
0x523: {  	v19 =	vmul.f32 $5.656854150e+00, v19;
	v31 =	vor.u32 v5, v14;
	v20 =	vmul.f32 $5.656854150e+00, v24;
	[tilespmem:s2+$0xFFFFFF80] =	vst v22;
	v22 =	vld.idx.msk [tilespmem:v32+s17+$0x0], $0xffff  }
0x524: {  	v17 =	vbroadcast v25, $0x0;
	v25 =	vor.u32 v5, v12;
	v21 =	vmul.f32 $5.656854150e+00, v21;
	v24 =	vld.idx.msk [tilespmem:v34+s17+$0x0], $0xffff;
	[tilespmem:s2+$0x0] =	vst v36  }
0x525: {  	v32 =	vor.u32 v5, v9;
	v38 =	vmul.f32 $5.656854150e+00, v33;
	[tilespmem:s2+$0xFFFFFF00] =	vst v19;
	v29 =	vld.idx.msk [tilespmem:v29+s17+$0x0], $0xffff  }
0x526: {  	v33 =	vor.u32 v0, v17;
	v18 =	vmul.f32 $5.656854150e+00, v18;
	v26 =	vld.idx.msk [tilespmem:v26+s17+$0x0], $0xffff;
	[tilespmem:s6+$0xC0] =	vst v21  }
0x527: {  	v21 =	vor.u32 v2, v15;
	v28 =	vmul.f32 $5.656854150e+00, v28;
	[tilespmem:s6+$0xFFFFFFC0] =	vst v38;
	v34 =	vld.idx.msk [tilespmem:v30+s17+$0x0], $0xffff  }
0x528: {  	v36 =	vor.u32 v2, v10;
	v19 =	vmov v35;
	v37 =	vld.idx.msk [tilespmem:v31+s17+$0x0], $0xffff;
	[tilespmem:s6+$0x40] =	vst v18  }
0x529: {  	v31 =	vor.u32 v2, v11;
	v18 =	vmul.f32 $5.656854150e+00, v22;
	[tilespmem:s6+$0xFFFFFF40] =	vst v28;
	v25 =	vld.idx.msk [tilespmem:v25+s17+$0x0], $0xffff  }
0x52a: {  	s9 =	sadd.s32 $0x2, s8;
	v35 =	vor.u32 v2, v8;
	v24 =	vmul.f32 $5.656854150e+00, v24;
	v38 =	vld.idx.msk [tilespmem:v32+s17+$0x0], $0xffff;
	[tilespmem:s7+$0xFFFFFFF0] =	vst v27  }
0x52b: {  	v39 =	vor.u32 v6, v13;
	v27 =	vmov s9;
	v32 =	vmul.f32 $5.656854150e+00, v29;
	v22 =	vld.idx.msk [tilespmem:v33+s17+$0x0], $0xffff;
	[tilespmem:s2+$0x90] =	vst v18  }
.Ltmp7:
0x52c: {  	v29 =	vor.u32 v6, v14;
	v18 =	vand.u32 $0x1E, v27;
	v27 =	vmul.f32 $5.656854150e+00, v26;
	[tilespmem:s2+$0xFFFFFF90] =	vst v24;
	v30 =	vld.idx.msk [tilespmem:v21+s17+$0x0], $0xffff;
	(pc) =	sbr.rel @p0 .LBB2_16-.Ltmp7, $4  }
0x52d: {  	v26 =	vor.u32 v6, v12;
	v18 =	vbroadcast v18, $0x0;
	v21 =	vmul.f32 $5.656854150e+00, v34;
	v28 =	vld.idx.msk [tilespmem:v36+s17+$0x0], $0xffff;
	[tilespmem:s2+$0x10] =	vst v32  }
0x52e: {  	v36 =	vmul.f32 $5.656854150e+00, v37;
	[tilespmem:s2+$0xFFFFFF10] =	vst v27;
	v31 =	vld.idx.msk [tilespmem:v31+s17+$0x0], $0xffff;
	v27 =	vor.u32 v6, v9  }
0x52f: {  	v33 =	vor.u32 v0, v18;
	v34 =	vmul.f32 $5.656854150e+00, v25;
	v32 =	vld.idx.msk [tilespmem:v35+s17+$0x0], $0xffff;
	[tilespmem:s6+$0xD0] =	vst v21  }
0x530: {  	s9 =	sadd.s32 $0x3, s8;
	s8 =	sadd.s32 $0x4, s8;
	v24 =	vor.u32 v3, v15;
	v35 =	vmul.f32 $5.656854150e+00, v38;
	[tilespmem:s6+$0xFFFFFFD0] =	vst v36;
	v25 =	vld.idx.msk [tilespmem:v39+s17+$0x0], $0xffff  }
0x531: {  	v21 =	vmov s9  }
0x532: {  	v21 =	vand.u32 $0x1F, v21  }
0x533: {  	v21 =	vbroadcast v21, $0x0;
	_ =	sdelay $0x1  }
0x534: {  	v36 =	vor.u32 v0, v21;
	_ =	sdelay $0x3  }
0x535: {  	[tilespmem:s6+$0x50] =	vst v34  }
0x536: {  	[tilespmem:s7+$0x70] =	vst v23;
	v47 =	vld.idx.msk [tilespmem:v36+s17+$0x0], $0xffff  }
0x537: {  	v30 =	vmul.f32 $5.656854150e+00, v30;
	[tilespmem:s7+$0xFFFFFF70] =	vst v20  }
0x538: {  	v23 =	vld.idx.msk [tilespmem:v33+s17+$0x0], $0xffff;
	[tilespmem:s6+$0xFFFFFF50] =	vst v35;
	v28 =	vmul.f32 $5.656854150e+00, v28  }
0x539: {  	v31 =	vmul.f32 $5.656854150e+00, v31;
	[tilespmem:s2+$0xA0] =	vst v30;
	v30 =	vor.u32 v1, v21  }
0x53a: {  	v22 =	vmul.f32 $5.656854150e+00, v22;
	[tilespmem:s2+$0xFFFFFFA0] =	vst v28;
	v28 =	vor.u32 v1, v17  }
0x53b: {  	v29 =	vld.idx.msk [tilespmem:v29+s17+$0x0], $0xffff;
	s8 =	sadd.s32 $0x200, s2;
	[tilespmem:s2+$0x20] =	vst v31;
	v31 =	vor.u32 v1, v18;
	v48 =	vmul.f32 $5.656854150e+00, v47  }
0x53c: {  	v49 =	vor.u32 v1, v16;
	v19 =	vmul.f32 $5.656854150e+00, v19;
	v26 =	vld.idx.msk [tilespmem:v26+s17+$0x0], $0xffff;
	[tilespmem:s8+$0xFFFFFF80] =	vst v22  }
0x53d: {  	v27 =	vld.idx.msk [tilespmem:v27+s17+$0x0], $0xffff;
	v23 =	vmul.f32 $5.656854150e+00, v23;
	[tilespmem:s8+$0x80] =	vst v48  }
0x53e: {  	v13 =	vor.u32 v7, v13;
	[tilespmem:s8+$0xFFFFFF00] =	vst v19;
	v32 =	vmul.f32 $5.656854150e+00, v32;
	v22 =	vld.idx.msk [tilespmem:v30+s17+$0x0], $0xffff  }
0x53f: {  	v50 =	vor.u32 v3, v10;
	v25 =	vmul.f32 $5.656854150e+00, v25;
	[tilespmem:s8+$0x0] =	vst v23;
	v28 =	vld.idx.msk [tilespmem:v28+s17+$0x0], $0xffff  }
0x540: {  	[tilespmem:s2+$0xFFFFFF20] =	vst v32;
	v29 =	vmul.f32 $5.656854150e+00, v29;
	v19 =	vld.idx.msk [tilespmem:v31+s17+$0x0], $0xffff;
	v30 =	vor.u32 v3, v11  }
0x541: {  	v26 =	vmul.f32 $5.656854150e+00, v26;
	[tilespmem:s6+$0xE0] =	vst v25;
	v25 =	vld.idx.msk [tilespmem:v49+s17+$0x0], $0xffff;
	v31 =	vor.u32 v2, v21  }
0x542: {  	v24 =	vld.idx.msk [tilespmem:v24+s17+$0x0], $0xffff;
	v27 =	vmul.f32 $5.656854150e+00, v27;
	[tilespmem:s6+$0xFFFFFFE0] =	vst v29;
	v29 =	vor.u32 v2, v17  }
0x543: {  	v13 =	vld.idx.msk [tilespmem:v13+s17+$0x0], $0xffff;
	[tilespmem:s6+$0x60] =	vst v26;
	v26 =	vor.u32 v2, v18;
	v22 =	vmul.f32 $5.656854150e+00, v22  }
0x544: {  	v51 =	vld.idx.msk [tilespmem:v50+s17+$0x0], $0xffff;
	[tilespmem:s6+$0xFFFFFF60] =	vst v27;
	v27 =	vor.u32 v2, v16;
	v28 =	vmul.f32 $5.656854150e+00, v28  }
0x545: {  	v23 =	vor.u32 v3, v8;
	v19 =	vmul.f32 $5.656854150e+00, v19;
	v30 =	vld.idx.msk [tilespmem:v30+s17+$0x0], $0xffff;
	[tilespmem:s8+$0x90] =	vst v22  }
0x546: {  	v14 =	vor.u32 v7, v14;
	[tilespmem:s8+$0xFFFFFF90] =	vst v28;
	v22 =	vmul.f32 $5.656854150e+00, v25;
	v25 =	vld.idx.msk [tilespmem:v31+s17+$0x0], $0xffff  }
0x547: {  	v24 =	vmul.f32 $5.656854150e+00, v24;
	v28 =	vor.u32 v4, v15;
	v29 =	vld.idx.msk [tilespmem:v29+s17+$0x0], $0xffff;
	[tilespmem:s8+$0x10] =	vst v19  }
0x548: {  	v13 =	vmul.f32 $5.656854150e+00, v13;
	v19 =	vor.u32 v4, v10;
	[tilespmem:s8+$0xFFFFFF10] =	vst v22;
	v22 =	vld.idx.msk [tilespmem:v26+s17+$0x0], $0xffff  }
0x549: {  	[tilespmem:s2+$0xB0] =	vst v24;
	v26 =	vmul.f32 $5.656854150e+00, v51;
	v20 =	vld.idx.msk [tilespmem:v27+s17+$0x0], $0xffff;
	v27 =	vor.u32 v3, v21  }
0x54a: {  	v24 =	vor.u32 v3, v17;
	v23 =	vld.idx.msk [tilespmem:v23+s17+$0x0], $0xffff;
	[tilespmem:s6+$0xF0] =	vst v13;
	v30 =	vmul.f32 $5.656854150e+00, v30  }
0x54b: {  	v14 =	vld.idx.msk [tilespmem:v14+s17+$0x0], $0xffff;
	[tilespmem:s2+$0xFFFFFFB0] =	vst v26;
	v26 =	vor.u32 v3, v18;
	v25 =	vmul.f32 $5.656854150e+00, v25  }
0x54c: {  	v28 =	vld.idx.msk [tilespmem:v28+s17+$0x0], $0xffff;
	v29 =	vmul.f32 $5.656854150e+00, v29;
	[tilespmem:s2+$0x30] =	vst v30;
	v30 =	vor.u32 v3, v16  }
0x54d: {  	v31 =	vor.u32 v4, v11;
	v19 =	vld.idx.msk [tilespmem:v19+s17+$0x0], $0xffff;
	v22 =	vmul.f32 $5.656854150e+00, v22;
	[tilespmem:s8+$0xA0] =	vst v25  }
0x54e: {  	[tilespmem:s8+$0xFFFFFFA0] =	vst v29;
	v25 =	vor.u32 v4, v8;
	v20 =	vmul.f32 $5.656854150e+00, v20;
	v27 =	vld.idx.msk [tilespmem:v27+s17+$0x0], $0xffff  }
0x54f: {  	v12 =	vor.u32 v7, v12;
	v23 =	vmul.f32 $5.656854150e+00, v23;
	v24 =	vld.idx.msk [tilespmem:v24+s17+$0x0], $0xffff;
	[tilespmem:s8+$0x20] =	vst v22  }
0x550: {  	v14 =	vmul.f32 $5.656854150e+00, v14;
	v22 =	vor.u32 v5, v15;
	[tilespmem:s8+$0xFFFFFF20] =	vst v20;
	v20 =	vld.idx.msk [tilespmem:v26+s17+$0x0], $0xffff  }
0x551: {  	[tilespmem:s2+$0xFFFFFF30] =	vst v23;
	v23 =	vmul.f32 $5.656854150e+00, v28;
	v28 =	vor.u32 v4, v21;
	v26 =	vld.idx.msk [tilespmem:v30+s17+$0x0], $0xffff  }
0x552: {  	[tilespmem:s6+$0xFFFFFFF0] =	vst v14;
	v29 =	vld.idx.msk [tilespmem:v31+s17+$0x0], $0xffff;
	v13 =	vmul.f32 $5.656854150e+00, v19;
	v19 =	vor.u32 v4, v17  }
0x553: {  	[tilespmem:s2+$0xC0] =	vst v23;
	v23 =	vor.u32 v4, v18;
	v25 =	vld.idx.msk [tilespmem:v25+s17+$0x0], $0xffff;
	v27 =	vmul.f32 $5.656854150e+00, v27  }
0x554: {  	v12 =	vld.idx.msk [tilespmem:v12+s17+$0x0], $0xffff;
	v24 =	vmul.f32 $5.656854150e+00, v24;
	[tilespmem:s2+$0xFFFFFFC0] =	vst v13;
	v13 =	vor.u32 v4, v16  }
0x555: {  	v30 =	vor.u32 v5, v10;
	v22 =	vld.idx.msk [tilespmem:v22+s17+$0x0], $0xffff;
	v20 =	vmul.f32 $5.656854150e+00, v20;
	[tilespmem:s8+$0xB0] =	vst v27  }
0x556: {  	[tilespmem:s8+$0xFFFFFFB0] =	vst v24;
	v27 =	vor.u32 v5, v11;
	v26 =	vmul.f32 $5.656854150e+00, v26;
	v24 =	vld.idx.msk [tilespmem:v28+s17+$0x0], $0xffff  }
0x557: {  	v29 =	vmul.f32 $5.656854150e+00, v29;
	v19 =	vld.idx.msk [tilespmem:v19+s17+$0x0], $0xffff;
	v28 =	vor.u32 v5, v8;
	[tilespmem:s8+$0x30] =	vst v20  }
0x558: {  	v9 =	vor.u32 v7, v9;
	v20 =	vmul.f32 $5.656854150e+00, v25;
	[tilespmem:s8+$0xFFFFFF30] =	vst v26;
	v23 =	vld.idx.msk [tilespmem:v23+s17+$0x0], $0xffff  }
0x559: {  	v12 =	vmul.f32 $5.656854150e+00, v12;
	[tilespmem:s2+$0x40] =	vst v29;
	v25 =	vor.u32 v5, v21;
	v13 =	vld.idx.msk [tilespmem:v13+s17+$0x0], $0xffff  }
0x55a: {  	v26 =	vld.idx.msk [tilespmem:v30+s17+$0x0], $0xffff;
	[tilespmem:s2+$0xFFFFFF40] =	vst v20;
	v20 =	vmul.f32 $5.656854150e+00, v22;
	v22 =	vor.u32 v5, v17  }
0x55b: {  	v14 =	vor.u32 v5, v18;
	[tilespmem:s6+$0x70] =	vst v12;
	v27 =	vld.idx.msk [tilespmem:v27+s17+$0x0], $0xffff;
	v24 =	vmul.f32 $5.656854150e+00, v24  }
0x55c: {  	v19 =	vmul.f32 $5.656854150e+00, v19;
	v28 =	vld.idx.msk [tilespmem:v28+s17+$0x0], $0xffff;
	[tilespmem:s2+$0xD0] =	vst v20;
	v20 =	vor.u32 v5, v16  }
0x55d: {  	v9 =	vld.idx.msk [tilespmem:v9+s17+$0x0], $0xffff;
	v29 =	vor.u32 v6, v15;
	v23 =	vmul.f32 $5.656854150e+00, v23;
	[tilespmem:s8+$0xC0] =	vst v24  }
0x55e: {  	[tilespmem:s8+$0xFFFFFFC0] =	vst v19;
	v24 =	vor.u32 v6, v10;
	v13 =	vmul.f32 $5.656854150e+00, v13;
	v19 =	vld.idx.msk [tilespmem:v25+s17+$0x0], $0xffff  }
0x55f: {  	v26 =	vmul.f32 $5.656854150e+00, v26;
	v25 =	vor.u32 v6, v11;
	v22 =	vld.idx.msk [tilespmem:v22+s17+$0x0], $0xffff;
	[tilespmem:s8+$0x40] =	vst v23  }
0x560: {  	v23 =	vor.u32 v6, v8;
	v27 =	vmul.f32 $5.656854150e+00, v27;
	[tilespmem:s8+$0xFFFFFF40] =	vst v13;
	v13 =	vld.idx.msk [tilespmem:v14+s17+$0x0], $0xffff  }
0x561: {  	[tilespmem:s2+$0xFFFFFFD0] =	vst v26;
	v26 =	vor.u32 v6, v21;
	v14 =	vmul.f32 $5.656854150e+00, v28;
	v20 =	vld.idx.msk [tilespmem:v20+s17+$0x0], $0xffff  }
0x562: {  	v9 =	vmul.f32 $5.656854150e+00, v9;
	v28 =	vld.idx.msk [tilespmem:v29+s17+$0x0], $0xffff;
	[tilespmem:s2+$0x50] =	vst v27;
	v27 =	vor.u32 v6, v17  }
0x563: {  	v24 =	vld.idx.msk [tilespmem:v24+s17+$0x0], $0xffff;
	[tilespmem:s2+$0xFFFFFF50] =	vst v14;
	v14 =	vor.u32 v6, v18;
	v19 =	vmul.f32 $5.656854150e+00, v19  }
0x564: {  	v12 =	vor.u32 v6, v16;
	[tilespmem:s6+$0xFFFFFF70] =	vst v9;
	v25 =	vld.idx.msk [tilespmem:v25+s17+$0x0], $0xffff;
	v22 =	vmul.f32 $5.656854150e+00, v22  }
0x565: {  	v15 =	vor.u32 v7, v15;
	v23 =	vld.idx.msk [tilespmem:v23+s17+$0x0], $0xffff;
	v13 =	vmul.f32 $5.656854150e+00, v13;
	[tilespmem:s8+$0xD0] =	vst v19  }
0x566: {  	v10 =	vor.u32 v7, v10;
	v19 =	vmul.f32 $5.656854150e+00, v20;
	[tilespmem:s8+$0xFFFFFFD0] =	vst v22;
	v20 =	vld.idx.msk [tilespmem:v26+s17+$0x0], $0xffff  }
0x567: {  	v11 =	vor.u32 v7, v11;
	v22 =	vmul.f32 $5.656854150e+00, v28;
	v26 =	vld.idx.msk [tilespmem:v27+s17+$0x0], $0xffff;
	[tilespmem:s8+$0x50] =	vst v13  }
0x568: {  	v8 =	vor.u32 v7, v8;
	v13 =	vmul.f32 $5.656854150e+00, v24;
	[tilespmem:s8+$0xFFFFFF50] =	vst v19;
	v14 =	vld.idx.msk [tilespmem:v14+s17+$0x0], $0xffff  }
0x569: {  	v21 =	vor.u32 v7, v21;
	[tilespmem:s2+$0xE0] =	vst v22;
	v19 =	vmul.f32 $5.656854150e+00, v25;
	v12 =	vld.idx.msk [tilespmem:v12+s17+$0x0], $0xffff  }
0x56a: {  	v22 =	vmul.f32 $5.656854150e+00, v23;
	[tilespmem:s2+$0xFFFFFFE0] =	vst v13;
	v13 =	vld.idx.msk [tilespmem:v15+s17+$0x0], $0xffff;
	v15 =	vor.u32 v7, v17  }
0x56b: {  	v18 =	vor.u32 v7, v18;
	[tilespmem:s2+$0x60] =	vst v19;
	v10 =	vld.idx.msk [tilespmem:v10+s17+$0x0], $0xffff;
	v17 =	vmul.f32 $5.656854150e+00, v20  }
0x56c: {  	v16 =	vor.u32 v7, v16;
	[tilespmem:s2+$0xFFFFFF60] =	vst v22;
	v11 =	vld.idx.msk [tilespmem:v11+s17+$0x0], $0xffff;
	v19 =	vmul.f32 $5.656854150e+00, v26  }
0x56d: {  	v8 =	vld.idx.msk [tilespmem:v8+s17+$0x0], $0xffff;
	v14 =	vmul.f32 $5.656854150e+00, v14;
	[tilespmem:s8+$0xE0] =	vst v17  }
0x56e: {  	v12 =	vmul.f32 $5.656854150e+00, v12;
	[tilespmem:s8+$0xFFFFFFE0] =	vst v19;
	v17 =	vld.idx.msk [tilespmem:v21+s17+$0x0], $0xffff  }
0x56f: {  	[tilespmem:s8+$0x60] =	vst v14;
	v14 =	vld.idx.msk [tilespmem:v15+s17+$0x0], $0xffff;
	v13 =	vmul.f32 $5.656854150e+00, v13  }
0x570: {  	[tilespmem:s8+$0xFFFFFF60] =	vst v12;
	v12 =	vld.idx.msk [tilespmem:v18+s17+$0x0], $0xffff;
	v9 =	vmul.f32 $5.656854150e+00, v10  }
0x571: {  	v10 =	vld.idx.msk [tilespmem:v16+s17+$0x0], $0xffff;
	[tilespmem:s2+$0xF0] =	vst v13;
	v11 =	vmul.f32 $5.656854150e+00, v11  }
0x572: {  	v8 =	vmul.f32 $5.656854150e+00, v8;
	[tilespmem:s2+$0xFFFFFFF0] =	vst v9  }
0x573: {  	[tilespmem:s2+$0x70] =	vst v11;
	v9 =	vmul.f32 $5.656854150e+00, v17  }
0x574: {  	s16 =	simm.s32 $0x3;
	[tilespmem:s2+$0xFFFFFF70] =	vst v8;
	v8 =	vmul.f32 $5.656854150e+00, v14  }
0x575: {  	s20 =	simm.s32 $0x1;
	v11 =	vmul.f32 $5.656854150e+00, v12;
	v12 =	vmov s16;
	[tilespmem:s8+$0xF0] =	vst v9  }
0x576: {  	s7 =	simm.s32 $0x2;
	v9 =	vmul.f32 $5.656854150e+00, v10;
	v10 =	vmov s20;
	v12 =	vand.u32 $0x1F, v12;
	[tilespmem:s8+$0xFFFFFFF0] =	vst v8  }
0x577: {  	s9 =	simm.s32 $0x0;
	v8 =	vand.u32 $0x1D, v10;
	v10 =	vmov s7;
	v19 =	vbroadcast v12, $0x0;
	[tilespmem:s8+$0x70] =	vst v11  }
0x578: {  	v11 =	vmov s9;
	v17 =	vbroadcast v8, $0x0;
	v8 =	vand.u32 $0x1E, v10;
	[tilespmem:s8+$0xFFFFFF70] =	vst v9  }
0x579: {  	v9 =	vand.u32 $0x1C, v11;
	v18 =	vbroadcast v8, $0x0;
	v8 =	vor.u32 v0, v19;
	s10 =	rddreg [dreg:$0x6]  }
0x57a: {  	v16 =	vbroadcast v9, $0x0;
	[hbm4b:s10+s13] =	stream.strided.scatter [tilespmem:s28], [sflag:$0x7], $0x1000, s19, s13, $0x38;
	v9 =	vor.u32 v0, v17;
	[tilespmem:$0xE400] =	vst v63  }
0x57b: {  	_ =	swait.ge [sflag:s30], $0x1000;
	v10 =	vor.u32 v0, v18  }
0x57c: {  	v11 =	vor.u32 v0, v16;
	[sflag:s30] =	ssyncset.done $0x0  }
0x57d: {  	[sflag:s30] =	ssyncadd.s32 $0xFFFFF000  }
0x57e: {  	v8 =	vld.idx.msk [tilespmem:v8+s22+$0x0], $0xffff  }
0x57f: {  	v9 =	vld.idx.msk [tilespmem:v9+s22+$0x0], $0xffff  }
0x580: {  	v10 =	vld.idx.msk [tilespmem:v10+s22+$0x0], $0xffff  }
0x581: {  	v12 =	vor.u32 v1, v19;
	v11 =	vld.idx.msk [tilespmem:v11+s22+$0x0], $0xffff  }
0x582: {  	v13 =	vor.u32 v1, v17  }
0x583: {  	v14 =	vor.u32 v1, v18;
	v8 =	vmul.f32 $5.656854150e+00, v8  }
0x584: {  	s7 =	simm.s32 $0xD500;
	v15 =	vor.u32 v1, v16;
	v9 =	vmul.f32 $5.656854150e+00, v9  }
0x585: {  	v10 =	vmul.f32 $5.656854150e+00, v10;
	[tilespmem:s7+$0x80] =	vst v8  }
0x586: {  	v8 =	vmul.f32 $5.656854150e+00, v11;
	[tilespmem:s7+$0xFFFFFF80] =	vst v9;
	v9 =	vld.idx.msk [tilespmem:v12+s22+$0x0], $0xffff  }
0x587: {  	v11 =	vld.idx.msk [tilespmem:v13+s22+$0x0], $0xffff;
	[tilespmem:s7+$0x0] =	vst v10  }
0x588: {  	[tilespmem:s7+$0xFFFFFF00] =	vst v8;
	v8 =	vld.idx.msk [tilespmem:v14+s22+$0x0], $0xffff  }
0x589: {  	v12 =	vor.u32 v2, v19;
	v10 =	vld.idx.msk [tilespmem:v15+s22+$0x0], $0xffff  }
0x58a: {  	v13 =	vor.u32 v2, v17  }
0x58b: {  	v14 =	vor.u32 v2, v18;
	v9 =	vmul.f32 $5.656854150e+00, v9  }
0x58c: {  	v15 =	vor.u32 v2, v16;
	v11 =	vmul.f32 $5.656854150e+00, v11  }
0x58d: {  	v21 =	vmul.f32 $5.656854150e+00, v8;
	[tilespmem:s7+$0x90] =	vst v9  }
0x58e: {  	s11 =	simm.s32 $0x4;
	v9 =	vmul.f32 $5.656854150e+00, v10;
	[tilespmem:s7+$0xFFFFFF90] =	vst v11;
	v10 =	vld.idx.msk [tilespmem:v12+s22+$0x0], $0xffff  }
0x58f: {  	v20 =	vmov s11;
	s16 =	simm.s32 $0x6;
	v11 =	vld.idx.msk [tilespmem:v13+s22+$0x0], $0xffff;
	[tilespmem:s7+$0x10] =	vst v21  }
0x590: {  	v22 =	vmov s16;
	v23 =	vor.u32 v3, v17;
	v24 =	vor.u32 v3, v18;
	[tilespmem:s7+$0xFFFFFF10] =	vst v9;
	v9 =	vld.idx.msk [tilespmem:v14+s22+$0x0], $0xffff  }
0x591: {  	s12 =	simm.s32 $0x5;
	s20 =	simm.s32 $0x7;
	v25 =	vor.u32 v3, v16;
	v8 =	vand.u32 $0x1C, v20;
	v21 =	vor.u32 v3, v19;
	v15 =	vld.idx.msk [tilespmem:v15+s22+$0x0], $0xffff  }
0x592: {  	v8 =	vbroadcast v8, $0x0;
	v12 =	vmov s12;
	v13 =	vmov s20  }
0x593: {  	v12 =	vand.u32 $0x1D, v12;
	v13 =	vand.u32 $0x1F, v13;
	v10 =	vmul.f32 $5.656854150e+00, v10  }
0x594: {  	v20 =	vor.u32 v0, v8;
	v14 =	vbroadcast v13, $0x0;
	v26 =	vmul.f32 $5.656854150e+00, v11  }
0x595: {  	v13 =	vbroadcast v12, $0x0;
	v11 =	vand.u32 $0x1E, v22;
	v9 =	vmul.f32 $5.656854150e+00, v9;
	[tilespmem:s7+$0xA0] =	vst v10  }
0x596: {  	v11 =	vbroadcast v11, $0x0;
	v10 =	vor.u32 v0, v14;
	v12 =	vmul.f32 $5.656854150e+00, v15;
	[tilespmem:s7+$0xFFFFFFA0] =	vst v26;
	v15 =	vld.idx.msk [tilespmem:v21+s22+$0x0], $0xffff  }
0x597: {  	v21 =	vor.u32 v0, v13;
	v22 =	vld.idx.msk [tilespmem:v23+s22+$0x0], $0xffff;
	[tilespmem:s7+$0x20] =	vst v9  }
0x598: {  	s8 =	simm.s32 $0x8;
	v23 =	vor.u32 v0, v11;
	[tilespmem:s7+$0xFFFFFF20] =	vst v12;
	v12 =	vld.idx.msk [tilespmem:v24+s22+$0x0], $0xffff  }
0x599: {  	v9 =	vmov s8;
	v24 =	vld.idx.msk [tilespmem:v25+s22+$0x0], $0xffff;
	v25 =	vor.u32 v4, v19  }
0x59a: {  	v26 =	vld.idx.msk [tilespmem:v20+s22+$0x0], $0xffff;
	v20 =	vor.u32 v4, v17;
	v9 =	vand.u32 $0x1C, v9  }
0x59b: {  	v27 =	vor.u32 v4, v18;
	v9 =	vbroadcast v9, $0x0;
	v10 =	vld.idx.msk [tilespmem:v10+s22+$0x0], $0xffff;
	v15 =	vmul.f32 $5.656854150e+00, v15  }
0x59c: {  	v28 =	vor.u32 v4, v16;
	v21 =	vld.idx.msk [tilespmem:v21+s22+$0x0], $0xffff;
	v22 =	vmul.f32 $5.656854150e+00, v22  }
0x59d: {  	v29 =	vor.u32 v0, v9;
	v23 =	vld.idx.msk [tilespmem:v23+s22+$0x0], $0xffff;
	v12 =	vmul.f32 $5.656854150e+00, v12;
	[tilespmem:s7+$0xB0] =	vst v15  }
0x59e: {  	v15 =	vor.u32 v1, v14;
	v24 =	vmul.f32 $5.656854150e+00, v24;
	[tilespmem:s7+$0xFFFFFFB0] =	vst v22;
	v22 =	vld.idx.msk [tilespmem:v25+s22+$0x0], $0xffff  }
0x59f: {  	v25 =	vor.u32 v1, v13;
	v30 =	vld.idx.msk [tilespmem:v20+s22+$0x0], $0xffff;
	[tilespmem:s7+$0x30] =	vst v12  }
0x5a0: {  	v12 =	vor.u32 v1, v11;
	v10 =	vmul.f32 $5.656854150e+00, v10;
	[tilespmem:s7+$0xFFFFFF30] =	vst v24;
	v24 =	vld.idx.msk [tilespmem:v27+s22+$0x0], $0xffff  }
0x5a1: {  	s6 =	simm.s32 $0xD700;
	s9 =	simm.s32 $0x9;
	v27 =	vor.u32 v1, v8;
	v21 =	vmul.f32 $5.656854150e+00, v21;
	v28 =	vld.idx.msk [tilespmem:v28+s22+$0x0], $0xffff  }
0x5a2: {  	v31 =	vmov s9;
	v20 =	vld.idx.msk [tilespmem:v29+s22+$0x0], $0xffff;
	v29 =	vor.u32 v5, v19;
	v23 =	vmul.f32 $5.656854150e+00, v23;
	[tilespmem:s6+$0x80] =	vst v10  }
0x5a3: {  	v26 =	vmul.f32 $5.656854150e+00, v26;
	v10 =	vand.u32 $0x1D, v31;
	[tilespmem:s6+$0xFFFFFF80] =	vst v21;
	v15 =	vld.idx.msk [tilespmem:v15+s22+$0x0], $0xffff;
	v21 =	vor.u32 v5, v17  }
0x5a4: {  	v10 =	vbroadcast v10, $0x0;
	v25 =	vld.idx.msk [tilespmem:v25+s22+$0x0], $0xffff;
	[tilespmem:s6+$0x0] =	vst v23;
	v23 =	vor.u32 v5, v18;
	v22 =	vmul.f32 $5.656854150e+00, v22  }
0x5a5: {  	[tilespmem:s6+$0xFFFFFF00] =	vst v26;
	v26 =	vor.u32 v5, v16;
	v12 =	vld.idx.msk [tilespmem:v12+s22+$0x0], $0xffff;
	v30 =	vmul.f32 $5.656854150e+00, v30  }
0x5a6: {  	v31 =	vor.u32 v0, v10;
	v27 =	vld.idx.msk [tilespmem:v27+s22+$0x0], $0xffff;
	v24 =	vmul.f32 $5.656854150e+00, v24;
	[tilespmem:s7+$0xC0] =	vst v22  }
0x5a7: {  	v22 =	vor.u32 v2, v14;
	v28 =	vmul.f32 $5.656854150e+00, v28;
	[tilespmem:s7+$0xFFFFFFC0] =	vst v30;
	v29 =	vld.idx.msk [tilespmem:v29+s22+$0x0], $0xffff  }
0x5a8: {  	v30 =	vor.u32 v2, v13;
	v21 =	vld.idx.msk [tilespmem:v21+s22+$0x0], $0xffff;
	[tilespmem:s7+$0x40] =	vst v24  }
0x5a9: {  	v24 =	vor.u32 v2, v11;
	v15 =	vmul.f32 $5.656854150e+00, v15;
	[tilespmem:s7+$0xFFFFFF40] =	vst v28;
	v23 =	vld.idx.msk [tilespmem:v23+s22+$0x0], $0xffff  }
0x5aa: {  	s10 =	simm.s32 $0xA;
	v28 =	vor.u32 v2, v8;
	v25 =	vmul.f32 $5.656854150e+00, v25;
	v26 =	vld.idx.msk [tilespmem:v26+s22+$0x0], $0xffff  }
0x5ab: {  	v52 =	vmov s10;
	v31 =	vld.idx.msk [tilespmem:v31+s22+$0x0], $0xffff;
	v53 =	vmul.f32 $5.656854150e+00, v12;
	[tilespmem:s6+$0x90] =	vst v15;
	v15 =	vor.u32 v6, v19  }
0x5ac: {  	v12 =	vand.u32 $0x1E, v52;
	v27 =	vmul.f32 $5.656854150e+00, v27;
	[tilespmem:s6+$0xFFFFFF90] =	vst v25;
	v22 =	vld.idx.msk [tilespmem:v22+s22+$0x0], $0xffff;
	v25 =	vor.u32 v6, v17  }
0x5ad: {  	v54 =	vor.u32 v6, v18;
	v12 =	vbroadcast v12, $0x0;
	v30 =	vld.idx.msk [tilespmem:v30+s22+$0x0], $0xffff;
	[tilespmem:s6+$0x10] =	vst v53;
	v29 =	vmul.f32 $5.656854150e+00, v29  }
0x5ae: {  	[tilespmem:s6+$0xFFFFFF10] =	vst v27;
	v24 =	vld.idx.msk [tilespmem:v24+s22+$0x0], $0xffff;
	v27 =	vor.u32 v6, v16;
	v21 =	vmul.f32 $5.656854150e+00, v21  }
0x5af: {  	v55 =	vor.u32 v0, v12;
	v28 =	vld.idx.msk [tilespmem:v28+s22+$0x0], $0xffff;
	v23 =	vmul.f32 $5.656854150e+00, v23;
	[tilespmem:s7+$0xD0] =	vst v29  }
0x5b0: {  	s11 =	simm.s32 $0xB;
	v29 =	vor.u32 v3, v14;
	v26 =	vmul.f32 $5.656854150e+00, v26;
	[tilespmem:s7+$0xFFFFFFD0] =	vst v21;
	v21 =	vld.idx.msk [tilespmem:v15+s22+$0x0], $0xffff  }
0x5b1: {  	v56 =	vor.u32 v3, v13;
	v15 =	vmov s11;
	v25 =	vld.idx.msk [tilespmem:v25+s22+$0x0], $0xffff;
	[tilespmem:s7+$0x50] =	vst v23  }
0x5b2: {  	v15 =	vand.u32 $0x1F, v15;
	v23 =	vor.u32 v3, v11;
	v22 =	vmul.f32 $5.656854150e+00, v22;
	[tilespmem:s7+$0xFFFFFF50] =	vst v26;
	v26 =	vld.idx.msk [tilespmem:v54+s22+$0x0], $0xffff  }
0x5b3: {  	v57 =	vor.u32 v3, v8;
	v15 =	vbroadcast v15, $0x0;
	v30 =	vmul.f32 $5.656854150e+00, v30;
	v27 =	vld.idx.msk [tilespmem:v27+s22+$0x0], $0xffff  }
0x5b4: {  	v19 =	vor.u32 v7, v19;
	v33 =	vld.idx.msk [tilespmem:v55+s22+$0x0], $0xffff;
	v24 =	vmul.f32 $5.656854150e+00, v24;
	[tilespmem:s6+$0xA0] =	vst v22  }
0x5b5: {  	v22 =	vor.u32 v0, v15;
	v28 =	vmul.f32 $5.656854150e+00, v28;
	[tilespmem:s6+$0xFFFFFFA0] =	vst v30;
	v29 =	vld.idx.msk [tilespmem:v29+s22+$0x0], $0xffff  }
0x5b6: {  	v17 =	vor.u32 v7, v17;
	v30 =	vld.idx.msk [tilespmem:v56+s22+$0x0], $0xffff;
	[tilespmem:s6+$0x20] =	vst v24;
	v21 =	vmul.f32 $5.656854150e+00, v21  }
0x5b7: {  	v18 =	vor.u32 v7, v18;
	[tilespmem:s6+$0xFFFFFF20] =	vst v28;
	v23 =	vld.idx.msk [tilespmem:v23+s22+$0x0], $0xffff  }
0x5b8: {  	s12 =	simm.s32 $0xC;
	v24 =	vmul.f32 $5.656854150e+00, v25;
	v28 =	vor.u32 v7, v16;
	v25 =	vld.idx.msk [tilespmem:v57+s22+$0x0], $0xffff;
	[tilespmem:s7+$0xE0] =	vst v21  }
0x5b9: {  	v16 =	vmul.f32 $5.656854150e+00, v26;
	v21 =	vmov s12;
	v26 =	vor.u32 v4, v14;
	v19 =	vld.idx.msk [tilespmem:v19+s22+$0x0], $0xffff  }
0x5ba: {  	v27 =	vmul.f32 $5.656854150e+00, v27;
	[tilespmem:s7+$0xFFFFFFE0] =	vst v24;
	v21 =	vand.u32 $0x1C, v21;
	v24 =	vor.u32 v4, v13;
	v22 =	vld.idx.msk [tilespmem:v22+s22+$0x0], $0xffff  }
0x5bb: {  	[tilespmem:s7+$0x60] =	vst v16;
	v16 =	vbroadcast v21, $0x0;
	v21 =	vor.u32 v4, v11;
	v29 =	vmul.f32 $5.656854150e+00, v29;
	v58 =	vld.idx.msk [tilespmem:v17+s22+$0x0], $0xffff  }
0x5bc: {  	v17 =	vor.u32 v4, v8;
	[tilespmem:s7+$0xFFFFFF60] =	vst v27;
	v27 =	vmul.f32 $5.656854150e+00, v30;
	v18 =	vld.idx.msk [tilespmem:v18+s22+$0x0], $0xffff  }
0x5bd: {  	v30 =	vor.u32 v0, v16;
	v23 =	vmul.f32 $5.656854150e+00, v23;
	[tilespmem:s6+$0xB0] =	vst v29;
	v59 =	vld.idx.msk [tilespmem:v28+s22+$0x0], $0xffff  }
0x5be: {  	v28 =	vor.u32 v1, v15;
	v25 =	vmul.f32 $5.656854150e+00, v25;
	[tilespmem:s6+$0xFFFFFFB0] =	vst v27;
	v26 =	vld.idx.msk [tilespmem:v26+s22+$0x0], $0xffff  }
0x5bf: {  	v27 =	vor.u32 v1, v10;
	v24 =	vld.idx.msk [tilespmem:v24+s22+$0x0], $0xffff;
	[tilespmem:s6+$0x30] =	vst v23;
	v19 =	vmul.f32 $5.656854150e+00, v19  }
0x5c0: {  	v23 =	vor.u32 v1, v12;
	v22 =	vmul.f32 $5.656854150e+00, v22;
	[tilespmem:s6+$0xFFFFFF30] =	vst v25;
	v21 =	vld.idx.msk [tilespmem:v21+s22+$0x0], $0xffff  }
0x5c1: {  	s2 =	simm.s32 $0xD900;
	s16 =	simm.s32 $0xD;
	v29 =	vmul.f32 $5.656854150e+00, v31;
	v25 =	vor.u32 v1, v9;
	v31 =	vld.idx.msk [tilespmem:v17+s22+$0x0], $0xffff;
	[tilespmem:s7+$0xF0] =	vst v19  }
0x5c2: {  	v17 =	vmov s16;
	v19 =	vld.idx.msk [tilespmem:v30+s22+$0x0], $0xffff;
	v30 =	vmul.f32 $5.656854150e+00, v33;
	[tilespmem:s2+$0x80] =	vst v22;
	v22 =	vor.u32 v5, v14  }
0x5c3: {  	v20 =	vmul.f32 $5.656854150e+00, v20;
	[tilespmem:s2+$0xFFFFFF80] =	vst v29;
	v29 =	vor.u32 v5, v13;
	v17 =	vand.u32 $0x1D, v17;
	v28 =	vld.idx.msk [tilespmem:v28+s22+$0x0], $0xffff  }
0x5c4: {  	v17 =	vbroadcast v17, $0x0;
	v27 =	vld.idx.msk [tilespmem:v27+s22+$0x0], $0xffff;
	v26 =	vmul.f32 $5.656854150e+00, v26;
	[tilespmem:s2+$0x0] =	vst v30;
	v30 =	vor.u32 v5, v11  }
0x5c5: {  	[tilespmem:s2+$0xFFFFFF00] =	vst v20;
	v24 =	vmul.f32 $5.656854150e+00, v24;
	v20 =	vld.idx.msk [tilespmem:v23+s22+$0x0], $0xffff;
	v23 =	vor.u32 v5, v8  }
0x5c6: {  	v60 =	vor.u32 v0, v17;
	v25 =	vld.idx.msk [tilespmem:v25+s22+$0x0], $0xffff;
	v21 =	vmul.f32 $5.656854150e+00, v21;
	[tilespmem:s6+$0xC0] =	vst v26  }
0x5c7: {  	v26 =	vor.u32 v2, v15;
	v31 =	vmul.f32 $5.656854150e+00, v31;
	[tilespmem:s6+$0xFFFFFFC0] =	vst v24;
	v24 =	vld.idx.msk [tilespmem:v22+s22+$0x0], $0xffff  }
0x5c8: {  	v61 =	vor.u32 v2, v10;
	v22 =	vmul.f32 $5.656854150e+00, v58;
	v62 =	vld.idx.msk [tilespmem:v29+s22+$0x0], $0xffff;
	[tilespmem:s6+$0x40] =	vst v21  }
0x5c9: {  	v21 =	vor.u32 v2, v12;
	v28 =	vmul.f32 $5.656854150e+00, v28;
	[tilespmem:s6+$0xFFFFFF40] =	vst v31;
	v63 =	vld.idx.msk [tilespmem:v30+s22+$0x0], $0xffff  }
0x5ca: {  	s20 =	simm.s32 $0xE;
	v38 =	vor.u32 v6, v14;
	v31 =	vor.u32 v2, v9;
	v27 =	vmul.f32 $5.656854150e+00, v27;
	[tilespmem:s7+$0xFFFFFFF0] =	vst v22;
	v37 =	vld.idx.msk [tilespmem:v23+s22+$0x0], $0xffff  }
0x5cb: {  	v29 =	vmov s20;
	v22 =	vld.idx.msk [tilespmem:v60+s22+$0x0], $0xffff;
	v20 =	vmul.f32 $5.656854150e+00, v20;
	[tilespmem:s2+$0x90] =	vst v28;
	v23 =	vmul.f32 $5.656854150e+00, v18  }
0x5cc: {  	v18 =	vand.u32 $0x1E, v29;
	v30 =	vmul.f32 $5.656854150e+00, v25;
	[tilespmem:s2+$0xFFFFFF90] =	vst v27;
	v28 =	vor.u32 v6, v13;
	v29 =	vld.idx.msk [tilespmem:v26+s22+$0x0], $0xffff  }
0x5cd: {  	v25 =	vor.u32 v6, v11;
	v18 =	vbroadcast v18, $0x0;
	v27 =	vld.idx.msk [tilespmem:v61+s22+$0x0], $0xffff;
	[tilespmem:s2+$0x10] =	vst v20;
	v24 =	vmul.f32 $5.656854150e+00, v24  }
0x5ce: {  	v26 =	vor.u32 v6, v8;
	[tilespmem:s2+$0xFFFFFF10] =	vst v30;
	v30 =	vld.idx.msk [tilespmem:v21+s22+$0x0], $0xffff;
	v21 =	vmul.f32 $5.656854150e+00, v62  }
0x5cf: {  	v33 =	vor.u32 v0, v18;
	v31 =	vld.idx.msk [tilespmem:v31+s22+$0x0], $0xffff;
	[tilespmem:s6+$0xD0] =	vst v24;
	v34 =	vmul.f32 $5.656854150e+00, v63  }
0x5d0: {  	s9 =	simm.s32 $0xF;
	s8 =	simm.s32 $0x10;
	v20 =	vmul.f32 $5.656854150e+00, v59;
	v24 =	vor.u32 v3, v15;
	v35 =	vmul.f32 $5.656854150e+00, v37;
	[tilespmem:s6+$0xFFFFFFD0] =	vst v21;
	v32 =	vld.idx.msk [tilespmem:v38+s22+$0x0], $0xffff  }
.LBB2_18:
0x5d1: {  	p0 =	slt.u32 s8, $0x1C;
	v21 =	vmov s9;
	v36 =	vor.u32 v3, v10;
	v28 =	vld.idx.msk [tilespmem:v28+s22+$0x0], $0xffff;
	[tilespmem:s6+$0x50] =	vst v34  }
0x5d2: {  	v34 =	vor.u32 v3, v12;
	v29 =	vmul.f32 $5.656854150e+00, v29;
	v21 =	vand.u32 $0x1F, v21;
	[tilespmem:s6+$0xFFFFFF50] =	vst v35;
	v25 =	vld.idx.msk [tilespmem:v25+s22+$0x0], $0xffff  }
0x5d3: {  	v35 =	vor.u32 v3, v9;
	v27 =	vmul.f32 $5.656854150e+00, v27;
	v21 =	vbroadcast v21, $0x0;
	v26 =	vld.idx.msk [tilespmem:v26+s22+$0x0], $0xffff;
	[tilespmem:s7+$0x70] =	vst v23  }
0x5d4: {  	v30 =	vmul.f32 $5.656854150e+00, v30;
	v23 =	vld.idx.msk [tilespmem:v33+s22+$0x0], $0xffff;
	[tilespmem:s2+$0xA0] =	vst v29;
	v29 =	vor.u32 v7, v14;
	v14 =	vmov v15  }
0x5d5: {  	v31 =	vmul.f32 $5.656854150e+00, v31;
	v33 =	vor.u32 v0, v21;
	[tilespmem:s2+$0xFFFFFFA0] =	vst v27;
	v24 =	vld.idx.msk [tilespmem:v24+s22+$0x0], $0xffff;
	v15 =	vmov v21  }
0x5d6: {  	v27 =	vor.u32 v7, v13;
	v13 =	vmovc v10;
	v10 =	vmov v17;
	v21 =	vld.idx.msk [tilespmem:v36+s22+$0x0], $0xffff;
	[tilespmem:s2+$0x20] =	vst v30;
	v30 =	vmul.f32 $5.656854150e+00, v32  }
0x5d7: {  	v28 =	vmul.f32 $5.656854150e+00, v28;
	[tilespmem:s2+$0xFFFFFF20] =	vst v31;
	v17 =	vld.idx.msk [tilespmem:v34+s22+$0x0], $0xffff;
	v31 =	vor.u32 v7, v11;
	v11 =	vmovc v12;
	v12 =	vmov v18  }
0x5d8: {  	v32 =	vor.u32 v7, v8;
	v8 =	vmovc v9;
	v9 =	vmov v16;
	v25 =	vmul.f32 $5.656854150e+00, v25;
	v18 =	vld.idx.msk [tilespmem:v35+s22+$0x0], $0xffff;
	[tilespmem:s6+$0xE0] =	vst v30  }
0x5d9: {  	v16 =	vmov s8;
	v30 =	vor.u32 v4, v14;
	v26 =	vmul.f32 $5.656854150e+00, v26;
	[tilespmem:s6+$0xFFFFFFE0] =	vst v28;
	v28 =	vld.idx.msk [tilespmem:v29+s22+$0x0], $0xffff  }
0x5da: {  	v16 =	vand.u32 $0x1C, v16;
	v29 =	vld.idx.msk [tilespmem:v33+s22+$0x0], $0xffff;
	v33 =	vor.u32 v4, v13;
	[tilespmem:s6+$0x60] =	vst v25  }
0x5db: {  	v16 =	vbroadcast v16, $0x0;
	v25 =	vor.u32 v4, v11;
	v24 =	vmul.f32 $5.656854150e+00, v24;
	[tilespmem:s6+$0xFFFFFF60] =	vst v26;
	v26 =	vld.idx.msk [tilespmem:v27+s22+$0x0], $0xffff  }
0x5dc: {  	v27 =	vor.u32 v4, v8;
	v21 =	vmul.f32 $5.656854150e+00, v21;
	v31 =	vld.idx.msk [tilespmem:v31+s22+$0x0], $0xffff;
	[tilespmem:s7+$0xFFFFFF70] =	vst v20;
	s7 =	smov.u32 s6;
	s6 =	smov.u32 s2  }
0x5dd: {  	v20 =	vor.u32 v0, v16;
	v17 =	vmul.f32 $5.656854150e+00, v17;
	[tilespmem:s2+$0xB0] =	vst v24;
	v24 =	vld.idx.msk [tilespmem:v32+s22+$0x0], $0xffff  }
0x5de: {  	s9 =	sadd.s32 $0x1, s8;
	v32 =	vor.u32 v1, v15;
	v18 =	vmul.f32 $5.656854150e+00, v18;
	[tilespmem:s2+$0xFFFFFFB0] =	vst v21;
	v21 =	vld.idx.msk [tilespmem:v30+s22+$0x0], $0xffff  }
0x5df: {  	v34 =	vor.u32 v1, v10;
	v30 =	vmov s9;
	v33 =	vld.idx.msk [tilespmem:v33+s22+$0x0], $0xffff;
	[tilespmem:s2+$0x30] =	vst v17;
	v17 =	vmul.f32 $5.656854150e+00, v28  }
0x5e0: {  	v28 =	vand.u32 $0x1D, v30;
	v30 =	vor.u32 v1, v12;
	v29 =	vmul.f32 $5.656854150e+00, v29;
	[tilespmem:s2+$0xFFFFFF30] =	vst v18;
	v18 =	vld.idx.msk [tilespmem:v25+s22+$0x0], $0xffff  }
0x5e1: {  	v22 =	vmul.f32 $5.656854150e+00, v22;
	v25 =	vor.u32 v1, v9;
	s2 =	sadd.s32 $0x200, s2;
	v26 =	vmul.f32 $5.656854150e+00, v26;
	v27 =	vld.idx.msk [tilespmem:v27+s22+$0x0], $0xffff;
	[tilespmem:s7+$0xF0] =	vst v17  }
0x5e2: {  	v36 =	vmul.f32 $5.656854150e+00, v23;
	v23 =	vmul.f32 $5.656854150e+00, v31;
	v35 =	vld.idx.msk [tilespmem:v20+s22+$0x0], $0xffff;
	[tilespmem:s2+$0x80] =	vst v29;
	v29 =	vor.u32 v5, v14  }
0x5e3: {  	v19 =	vmul.f32 $5.656854150e+00, v19;
	v31 =	vor.u32 v5, v13;
	v20 =	vmul.f32 $5.656854150e+00, v24;
	[tilespmem:s2+$0xFFFFFF80] =	vst v22;
	v22 =	vld.idx.msk [tilespmem:v32+s22+$0x0], $0xffff  }
0x5e4: {  	v17 =	vbroadcast v28, $0x0;
	v28 =	vor.u32 v5, v11;
	v21 =	vmul.f32 $5.656854150e+00, v21;
	v24 =	vld.idx.msk [tilespmem:v34+s22+$0x0], $0xffff;
	[tilespmem:s2+$0x0] =	vst v36  }
0x5e5: {  	v32 =	vor.u32 v5, v8;
	v37 =	vmul.f32 $5.656854150e+00, v33;
	[tilespmem:s2+$0xFFFFFF00] =	vst v19;
	v30 =	vld.idx.msk [tilespmem:v30+s22+$0x0], $0xffff  }
0x5e6: {  	v33 =	vor.u32 v0, v17;
	v18 =	vmul.f32 $5.656854150e+00, v18;
	v25 =	vld.idx.msk [tilespmem:v25+s22+$0x0], $0xffff;
	[tilespmem:s6+$0xC0] =	vst v21  }
0x5e7: {  	v21 =	vor.u32 v2, v15;
	v27 =	vmul.f32 $5.656854150e+00, v27;
	[tilespmem:s6+$0xFFFFFFC0] =	vst v37;
	v34 =	vld.idx.msk [tilespmem:v29+s22+$0x0], $0xffff  }
0x5e8: {  	v36 =	vor.u32 v2, v10;
	v19 =	vmov v35;
	v31 =	vld.idx.msk [tilespmem:v31+s22+$0x0], $0xffff;
	[tilespmem:s6+$0x40] =	vst v18  }
0x5e9: {  	v35 =	vor.u32 v2, v12;
	v18 =	vmul.f32 $5.656854150e+00, v22;
	[tilespmem:s6+$0xFFFFFF40] =	vst v27;
	v37 =	vld.idx.msk [tilespmem:v28+s22+$0x0], $0xffff  }
0x5ea: {  	v38 =	vor.u32 v2, v9;
	s9 =	sadd.s32 $0x2, s8;
	v24 =	vmul.f32 $5.656854150e+00, v24;
	v32 =	vld.idx.msk [tilespmem:v32+s22+$0x0], $0xffff;
	[tilespmem:s7+$0xFFFFFFF0] =	vst v26  }
0x5eb: {  	v39 =	vor.u32 v6, v14;
	v26 =	vmov s9;
	v30 =	vmul.f32 $5.656854150e+00, v30;
	v22 =	vld.idx.msk [tilespmem:v33+s22+$0x0], $0xffff;
	[tilespmem:s2+$0x90] =	vst v18  }
.Ltmp8:
0x5ec: {  	v28 =	vor.u32 v6, v13;
	v18 =	vand.u32 $0x1E, v26;
	v26 =	vmul.f32 $5.656854150e+00, v25;
	[tilespmem:s2+$0xFFFFFF90] =	vst v24;
	v29 =	vld.idx.msk [tilespmem:v21+s22+$0x0], $0xffff;
	(pc) =	sbr.rel @p0 .LBB2_18-.Ltmp8, $4  }
0x5ed: {  	v25 =	vor.u32 v6, v11;
	v18 =	vbroadcast v18, $0x0;
	v21 =	vmul.f32 $5.656854150e+00, v34;
	v27 =	vld.idx.msk [tilespmem:v36+s22+$0x0], $0xffff;
	[tilespmem:s2+$0x10] =	vst v30  }
0x5ee: {  	v36 =	vmul.f32 $5.656854150e+00, v31;
	[tilespmem:s2+$0xFFFFFF10] =	vst v26;
	v30 =	vld.idx.msk [tilespmem:v35+s22+$0x0], $0xffff;
	v26 =	vor.u32 v6, v8  }
0x5ef: {  	v33 =	vor.u32 v0, v18;
	v34 =	vmul.f32 $5.656854150e+00, v37;
	v31 =	vld.idx.msk [tilespmem:v38+s22+$0x0], $0xffff;
	[tilespmem:s6+$0xD0] =	vst v21  }
0x5f0: {  	s9 =	sadd.s32 $0x3, s8;
	s8 =	sadd.s32 $0x4, s8;
	v24 =	vor.u32 v3, v15;
	v35 =	vmul.f32 $5.656854150e+00, v32;
	[tilespmem:s6+$0xFFFFFFD0] =	vst v36;
	v32 =	vld.idx.msk [tilespmem:v39+s22+$0x0], $0xffff  }
0x5f1: {  	v21 =	vmov s9  }
0x5f2: {  	v21 =	vand.u32 $0x1F, v21  }
0x5f3: {  	v21 =	vbroadcast v21, $0x0;
	_ =	sdelay $0x1  }
0x5f4: {  	v36 =	vor.u32 v0, v21;
	_ =	sdelay $0x1  }
0x5f5: {  	[tilespmem:s6+$0x50] =	vst v34  }
0x5f6: {  	[tilespmem:s7+$0x70] =	vst v23  }
0x5f7: {  	v29 =	vmul.f32 $5.656854150e+00, v29;
	[tilespmem:s7+$0xFFFFFF70] =	vst v20  }
0x5f8: {  	v57 =	vor.u32 v1, v16;
	v22 =	vmul.f32 $5.656854150e+00, v22;
	[tilespmem:s6+$0xFFFFFF50] =	vst v35;
	v49 =	vld.idx.msk [tilespmem:v36+s22+$0x0], $0xffff  }
0x5f9: {  	v54 =	vor.u32 v1, v17;
	s8 =	sadd.s32 $0x200, s2;
	v19 =	vmul.f32 $5.656854150e+00, v19;
	[tilespmem:s2+$0xA0] =	vst v29  }
0x5fa: {  	v50 =	vld.idx.msk [tilespmem:v33+s22+$0x0], $0xffff;
	v27 =	vmul.f32 $5.656854150e+00, v27;
	[tilespmem:s8+$0xFFFFFF80] =	vst v22  }
0x5fb: {  	v28 =	vld.idx.msk [tilespmem:v28+s22+$0x0], $0xffff;
	v30 =	vmul.f32 $5.656854150e+00, v30;
	[tilespmem:s8+$0xFFFFFF00] =	vst v19;
	v52 =	vor.u32 v1, v21  }
0x5fc: {  	v58 =	vor.u32 v3, v10;
	v25 =	vld.idx.msk [tilespmem:v25+s22+$0x0], $0xffff;
	v51 =	vmul.f32 $5.656854150e+00, v31;
	[tilespmem:s2+$0xFFFFFFA0] =	vst v27  }
0x5fd: {  	v55 =	vor.u32 v1, v18;
	[tilespmem:s2+$0x20] =	vst v30;
	v63 =	vld.idx.msk [tilespmem:v57+s22+$0x0], $0xffff;
	v56 =	vmul.f32 $5.656854150e+00, v49  }
0x5fe: {  	v60 =	vor.u32 v3, v12;
	v53 =	vmul.f32 $5.656854150e+00, v32;
	[tilespmem:s2+$0xFFFFFF20] =	vst v51;
	v31 =	vld.idx.msk [tilespmem:v54+s22+$0x0], $0xffff  }
0x5ff: {  	v61 =	vor.u32 v3, v9;
	v26 =	vld.idx.msk [tilespmem:v26+s22+$0x0], $0xffff;
	v23 =	vmul.f32 $5.656854150e+00, v50;
	[tilespmem:s8+$0x80] =	vst v56  }
0x600: {  	v37 =	vor.u32 v2, v16;
	v28 =	vmul.f32 $5.656854150e+00, v28;
	[tilespmem:s6+$0xE0] =	vst v53;
	v59 =	vld.idx.msk [tilespmem:v52+s22+$0x0], $0xffff  }
0x601: {  	v34 =	vor.u32 v2, v17;
	v35 =	vld.idx.msk [tilespmem:v58+s22+$0x0], $0xffff;
	v25 =	vmul.f32 $5.656854150e+00, v25;
	[tilespmem:s8+$0x0] =	vst v23  }
0x602: {  	[tilespmem:s6+$0xFFFFFFE0] =	vst v28;
	v62 =	vld.idx.msk [tilespmem:v55+s22+$0x0], $0xffff;
	v28 =	vmul.f32 $5.656854150e+00, v63  }
0x603: {  	v33 =	vor.u32 v2, v21;
	v27 =	vld.idx.msk [tilespmem:v60+s22+$0x0], $0xffff;
	[tilespmem:s6+$0x60] =	vst v25;
	v31 =	vmul.f32 $5.656854150e+00, v31  }
0x604: {  	v14 =	vor.u32 v7, v14;
	v26 =	vmul.f32 $5.656854150e+00, v26;
	v23 =	vld.idx.msk [tilespmem:v61+s22+$0x0], $0xffff;
	[tilespmem:s8+$0xFFFFFF10] =	vst v28  }
0x605: {  	v36 =	vor.u32 v2, v18;
	[tilespmem:s8+$0xFFFFFF90] =	vst v31;
	v20 =	vld.idx.msk [tilespmem:v37+s22+$0x0], $0xffff;
	v22 =	vmul.f32 $5.656854150e+00, v59  }
0x606: {  	v39 =	vor.u32 v4, v10;
	[tilespmem:s6+$0xFFFFFF60] =	vst v26;
	v30 =	vmul.f32 $5.656854150e+00, v35;
	v25 =	vld.idx.msk [tilespmem:v34+s22+$0x0], $0xffff  }
0x607: {  	v40 =	vor.u32 v4, v12;
	v24 =	vld.idx.msk [tilespmem:v24+s22+$0x0], $0xffff;
	v19 =	vmul.f32 $5.656854150e+00, v62;
	[tilespmem:s8+$0x90] =	vst v22  }
0x608: {  	v44 =	vor.u32 v3, v16;
	v27 =	vmul.f32 $5.656854150e+00, v27;
	[tilespmem:s2+$0xFFFFFFB0] =	vst v30;
	v29 =	vld.idx.msk [tilespmem:v33+s22+$0x0], $0xffff  }
0x609: {  	v42 =	vor.u32 v3, v17;
	v14 =	vld.idx.msk [tilespmem:v14+s22+$0x0], $0xffff;
	v23 =	vmul.f32 $5.656854150e+00, v23;
	[tilespmem:s8+$0x10] =	vst v19  }
0x60a: {  	v38 =	vor.u32 v4, v15;
	[tilespmem:s2+$0x30] =	vst v27;
	v26 =	vld.idx.msk [tilespmem:v36+s22+$0x0], $0xffff;
	v20 =	vmul.f32 $5.656854150e+00, v20  }
0x60b: {  	v41 =	vor.u32 v3, v21;
	v30 =	vld.idx.msk [tilespmem:v39+s22+$0x0], $0xffff;
	[tilespmem:s2+$0xFFFFFF30] =	vst v23;
	v25 =	vmul.f32 $5.656854150e+00, v25  }
0x60c: {  	v13 =	vor.u32 v7, v13;
	v24 =	vmul.f32 $5.656854150e+00, v24;
	v19 =	vld.idx.msk [tilespmem:v40+s22+$0x0], $0xffff;
	[tilespmem:s8+$0xFFFFFF20] =	vst v20  }
0x60d: {  	v43 =	vor.u32 v3, v18;
	[tilespmem:s8+$0xFFFFFFA0] =	vst v25;
	v23 =	vld.idx.msk [tilespmem:v44+s22+$0x0], $0xffff;
	v29 =	vmul.f32 $5.656854150e+00, v29  }
0x60e: {  	v11 =	vor.u32 v7, v11;
	[tilespmem:s2+$0xB0] =	vst v24;
	v28 =	vld.idx.msk [tilespmem:v42+s22+$0x0], $0xffff  }
0x60f: {  	v45 =	vor.u32 v4, v9;
	v26 =	vmul.f32 $5.656854150e+00, v26;
	v22 =	vld.idx.msk [tilespmem:v38+s22+$0x0], $0xffff;
	[tilespmem:s8+$0xA0] =	vst v29  }
0x610: {  	v54 =	vor.u32 v4, v16;
	v49 =	vmul.f32 $5.656854150e+00, v30;
	v24 =	vld.idx.msk [tilespmem:v41+s22+$0x0], $0xffff  }
0x611: {  	v13 =	vld.idx.msk [tilespmem:v13+s22+$0x0], $0xffff;
	v52 =	vor.u32 v4, v17;
	v19 =	vmul.f32 $5.656854150e+00, v19;
	[tilespmem:s8+$0x20] =	vst v26  }
0x612: {  	v47 =	vor.u32 v5, v10;
	[tilespmem:s2+$0xFFFFFFC0] =	vst v49;
	v48 =	vld.idx.msk [tilespmem:v43+s22+$0x0], $0xffff;
	v23 =	vmul.f32 $5.656854150e+00, v23  }
0x613: {  	v50 =	vor.u32 v4, v21;
	v11 =	vld.idx.msk [tilespmem:v11+s22+$0x0], $0xffff;
	[tilespmem:s2+$0x40] =	vst v19;
	v28 =	vmul.f32 $5.656854150e+00, v28  }
0x614: {  	v46 =	vor.u32 v5, v15;
	v51 =	vld.idx.msk [tilespmem:v45+s22+$0x0], $0xffff;
	[tilespmem:s8+$0xFFFFFF30] =	vst v23;
	v22 =	vmul.f32 $5.656854150e+00, v22  }
0x615: {  	v53 =	vor.u32 v4, v18;
	[tilespmem:s8+$0xFFFFFFB0] =	vst v28;
	v19 =	vld.idx.msk [tilespmem:v54+s22+$0x0], $0xffff;
	v24 =	vmul.f32 $5.656854150e+00, v24  }
0x616: {  	v8 =	vor.u32 v7, v8;
	v14 =	vmul.f32 $5.656854150e+00, v14;
	[tilespmem:s2+$0xC0] =	vst v22;
	v22 =	vld.idx.msk [tilespmem:v52+s22+$0x0], $0xffff  }
0x617: {  	v55 =	vor.u32 v5, v12;
	v26 =	vld.idx.msk [tilespmem:v47+s22+$0x0], $0xffff;
	v20 =	vmul.f32 $5.656854150e+00, v48;
	[tilespmem:s8+$0xB0] =	vst v24  }
0x618: {  	v13 =	vmul.f32 $5.656854150e+00, v13;
	[tilespmem:s6+$0xF0] =	vst v14;
	v33 =	vor.u32 v5, v16;
	v27 =	vld.idx.msk [tilespmem:v50+s22+$0x0], $0xffff  }
0x619: {  	v63 =	vor.u32 v5, v17;
	v11 =	vmul.f32 $5.656854150e+00, v11;
	[tilespmem:s8+$0x30] =	vst v20;
	v25 =	vld.idx.msk [tilespmem:v46+s22+$0x0], $0xffff  }
0x61a: {  	[tilespmem:s6+$0xFFFFFFF0] =	vst v13;
	v56 =	vor.u32 v5, v9;
	v14 =	vld.idx.msk [tilespmem:v53+s22+$0x0], $0xffff;
	v19 =	vmul.f32 $5.656854150e+00, v19  }
0x61b: {  	v60 =	vor.u32 v5, v21;
	v8 =	vld.idx.msk [tilespmem:v8+s22+$0x0], $0xffff;
	[tilespmem:s6+$0x70] =	vst v11;
	v22 =	vmul.f32 $5.656854150e+00, v22  }
0x61c: {  	v58 =	vor.u32 v6, v15;
	v57 =	vmul.f32 $5.656854150e+00, v51;
	v61 =	vld.idx.msk [tilespmem:v55+s22+$0x0], $0xffff;
	[tilespmem:s8+$0xFFFFFF40] =	vst v19  }
0x61d: {  	v32 =	vor.u32 v5, v18;
	v13 =	vld.idx.msk [tilespmem:v33+s22+$0x0], $0xffff;
	[tilespmem:s8+$0xFFFFFFC0] =	vst v22;
	v27 =	vmul.f32 $5.656854150e+00, v27  }
0x61e: {  	v34 =	vor.u32 v6, v10;
	[tilespmem:s2+$0xFFFFFF40] =	vst v57;
	v62 =	vmul.f32 $5.656854150e+00, v26;
	v59 =	vmul.f32 $5.656854150e+00, v25;
	v26 =	vld.idx.msk [tilespmem:v63+s22+$0x0], $0xffff  }
0x61f: {  	v14 =	vmul.f32 $5.656854150e+00, v14;
	v24 =	vld.idx.msk [tilespmem:v56+s22+$0x0], $0xffff;
	[tilespmem:s8+$0xC0] =	vst v27  }
0x620: {  	v45 =	vor.u32 v6, v16;
	[tilespmem:s2+$0xD0] =	vst v59;
	v36 =	vld.idx.msk [tilespmem:v60+s22+$0x0], $0xffff  }
0x621: {  	v8 =	vmul.f32 $5.656854150e+00, v8;
	v43 =	vor.u32 v6, v17;
	[tilespmem:s8+$0x40] =	vst v14;
	v20 =	vld.idx.msk [tilespmem:v58+s22+$0x0], $0xffff  }
0x622: {  	v35 =	vor.u32 v6, v12;
	[tilespmem:s2+$0xFFFFFFD0] =	vst v62;
	v39 =	vld.idx.msk [tilespmem:v32+s22+$0x0], $0xffff;
	v13 =	vmul.f32 $5.656854150e+00, v13  }
0x623: {  	v40 =	vor.u32 v6, v21;
	[tilespmem:s6+$0xFFFFFF70] =	vst v8;
	v41 =	vld.idx.msk [tilespmem:v34+s22+$0x0], $0xffff;
	v26 =	vmul.f32 $5.656854150e+00, v26  }
0x624: {  	v37 =	vor.u32 v6, v9;
	v28 =	vmul.f32 $5.656854150e+00, v61;
	[tilespmem:s8+$0xFFFFFF50] =	vst v13  }
0x625: {  	v44 =	vor.u32 v6, v18;
	v14 =	vld.idx.msk [tilespmem:v45+s22+$0x0], $0xffff;
	[tilespmem:s8+$0xFFFFFFD0] =	vst v26;
	v22 =	vmul.f32 $5.656854150e+00, v36  }
0x626: {  	v47 =	vor.u32 v7, v10;
	[tilespmem:s2+$0x50] =	vst v28;
	v38 =	vmul.f32 $5.656854150e+00, v24;
	v42 =	vmul.f32 $5.656854150e+00, v20;
	v20 =	vld.idx.msk [tilespmem:v43+s22+$0x0], $0xffff  }
0x627: {  	v46 =	vor.u32 v7, v15;
	v19 =	vmul.f32 $5.656854150e+00, v39;
	v27 =	vld.idx.msk [tilespmem:v35+s22+$0x0], $0xffff;
	[tilespmem:s8+$0xD0] =	vst v22  }
0x628: {  	v48 =	vmul.f32 $5.656854150e+00, v41;
	v56 =	vor.u32 v7, v16;
	[tilespmem:s2+$0xFFFFFF50] =	vst v38;
	v22 =	vld.idx.msk [tilespmem:v40+s22+$0x0], $0xffff  }
0x629: {  	v53 =	vor.u32 v7, v17;
	[tilespmem:s8+$0x50] =	vst v19;
	v25 =	vld.idx.msk [tilespmem:v37+s22+$0x0], $0xffff  }
0x62a: {  	v49 =	vor.u32 v7, v12;
	[tilespmem:s2+$0xFFFFFFE0] =	vst v48;
	v11 =	vld.idx.msk [tilespmem:v44+s22+$0x0], $0xffff;
	v57 =	vmul.f32 $5.656854150e+00, v14  }
0x62b: {  	v21 =	vor.u32 v7, v21;
	v10 =	vld.idx.msk [tilespmem:v47+s22+$0x0], $0xffff;
	[tilespmem:s2+$0xE0] =	vst v42;
	v8 =	vmul.f32 $5.656854150e+00, v20  }
0x62c: {  	v50 =	vor.u32 v7, v9;
	v15 =	vld.idx.msk [tilespmem:v46+s22+$0x0], $0xffff;
	[tilespmem:s8+$0xFFFFFF60] =	vst v57;
	v51 =	vmul.f32 $5.656854150e+00, v27  }
0x62d: {  	v55 =	vor.u32 v7, v18;
	v61 =	vld.idx.msk [tilespmem:v56+s22+$0x0], $0xffff;
	[tilespmem:s8+$0xFFFFFFE0] =	vst v8;
	v54 =	vmul.f32 $5.656854150e+00, v22  }
0x62e: {  	v52 =	vmul.f32 $5.656854150e+00, v25;
	[tilespmem:s2+$0x60] =	vst v51;
	v59 =	vld.idx.msk [tilespmem:v53+s22+$0x0], $0xffff  }
0x62f: {  	v11 =	vmul.f32 $5.656854150e+00, v11;
	v12 =	vld.idx.msk [tilespmem:v49+s22+$0x0], $0xffff;
	[tilespmem:s8+$0xE0] =	vst v54  }
0x630: {  	v10 =	vmul.f32 $5.656854150e+00, v10;
	[tilespmem:s2+$0xFFFFFF60] =	vst v52;
	v8 =	vld.idx.msk [tilespmem:v21+s22+$0x0], $0xffff  }
0x631: {  	v58 =	vmul.f32 $5.656854150e+00, v15;
	[tilespmem:s8+$0x60] =	vst v11;
	v9 =	vld.idx.msk [tilespmem:v50+s22+$0x0], $0xffff  }
0x632: {  	[tilespmem:s2+$0xFFFFFFF0] =	vst v10;
	v60 =	vld.idx.msk [tilespmem:v55+s22+$0x0], $0xffff;
	v63 =	vmul.f32 $5.656854150e+00, v61  }
0x633: {  	[tilespmem:s2+$0xF0] =	vst v58;
	v62 =	vmul.f32 $5.656854150e+00, v59  }
0x634: {  	[tilespmem:s8+$0xFFFFFF70] =	vst v63;
	v12 =	vmul.f32 $5.656854150e+00, v12  }
0x635: {  	[tilespmem:s8+$0xFFFFFFF0] =	vst v62;
	v8 =	vmul.f32 $5.656854150e+00, v8  }
0x636: {  	v9 =	vmul.f32 $5.656854150e+00, v9;
	[tilespmem:s2+$0x70] =	vst v12  }
0x637: {  	[tilespmem:s8+$0xF0] =	vst v8;
	v8 =	vmul.f32 $5.656854150e+00, v60  }
0x638: {  	[tilespmem:s2+$0xFFFFFF70] =	vst v9  }
0x639: {  	[tilespmem:s8+$0x70] =	vst v8  }
0x63a: {  	s2 =	rddreg [dreg:$0x7]  }
0x63b: {  	[hbm4b:s2+s13] =	stream.strided.scatter [tilespmem:s31], [sflag:$0x8], $0x1000, s19, s13, $0x38;
	[tilespmem:$0xE400] =	vst v63  }
0x63c: {  	_ =	swait.ge [sflag:s25], $0x1000  }
0x63d: {  	[sflag:s25] =	ssyncset.done $0x0  }
0x63e: {  	[sflag:s25] =	ssyncadd.s32 $0xFFFFF000  }
0x63f: {  	_ =	swait.ge [sflag:s29], $0x1000  }
0x640: {  	[sflag:s29] =	ssyncset.done $0x0  }
0x641: {  	[sflag:s29] =	ssyncadd.s32 $0xFFFFF000  }
0x642: {  	_ =	swait.ge [sflag:s1], $0x1000  }
0x643: {  	[sflag:s1] =	ssyncset.done $0x0  }
0x644: {  	[sflag:s1] =	ssyncadd.s32 $0xFFFFF000  }
0x645: {  	_ =	swait.ge [sflag:s0], $0x1000  }
0x646: {  	s16 =	rddreg [dreg:$0x9]  }
0x647: {  	s20 =	rddreg [dreg:$0x8];
	s6 =	sadd.s32 $0x1, s16  }
0x648: {  	p0 =	sne.s32 s6, s20  }
.Ltmp9:
0x649: {  	_ = 	snop;
	(pc) =	sbr.rel @p0 .LBB2_1-.Ltmp9, $3  }
0x64a: {  	_ =	sdelay $0x1  }
0x64b: {  	[sflag:s0] =	ssyncset.done $0x0  }
0x64c: {  	[sflag:s0] =	ssyncadd.s32 $0xFFFFF000  }
0x64d: {  	_ =	sfence.sel $0x180000  }
0x64e: {  	[bflag:$0x0] =	sbarrier.arrive $0xFFFF  }
0x64f: {  	_ =	strace $0x90000047  }
0x650: {  	s0 =	stileid.u32;
	[bflag:$0x2] =	sbarrier.arrive $0xFFFF  }
0x651: {  	p0 =	sne.s32 s0, $0x0;
	s0 =	rddreg [dreg:$0x2]  }
0x652: {  	s0 =	sadd.s32 @!p0 $0x100000, s0  }
0x653: {  	[sflag:s0] =	ssyncadd.tile.s32 @!p0 $0x1;
	_ =	shalt  }
.Lfunc_end2:
_tile_overlayer_lowered:
.L_overlay_start_2:
0x654: {  	(tag) =	ssettag $0x2  }
0x655: {  	s0 =	rddreg [dreg:$0x0];
	s2 =	stileid.u32  }
0x656: {  	s1 =	rddreg [dreg:$0x1];
	p0 =	sne.s32 s2, $0x0  }
0x657: {  	s3 =	rddreg [dreg:$0x2];
	[bflag:$0x3] =	sbarrier.arrive $0xFFFF;
	s2 =	simm.s32 @!p0 $0x1C09  }
0x658: {  	[timem:s3], [sflag:s2] =	dma.local @!p0 [hbm:s0], s1  }
0x659: {  	s0 =	simm.s32 @!p0 $0x9  }
0x65a: {  	_ =	swait.ge @!p0 [sflag:s0], s1  }
0x65b: {  	s1 =	ssub.s32 @!p0 $0x0, s1;
	[sflag:s0] =	ssyncset.done @!p0 $0x0  }
0x65c: {  	[sflag:s0] =	ssyncadd.s32 @!p0 s1  }
0x65d: {  	[bflag:$0x3] =	sbarrier.arrive $0xFFFF  }
0x65e: {  	_ =	shalt  }

</sc_bundles>
